<compile_context>
chip_gen: v7x
topology: tpu7x:2x2x1
jax: 0.10.2.dev20260603
libtpu: 0.0.44.dev20260713+nightly
codegen_flags: <defaults>
</compile_context>

<pallas_src>
import functools

import jax
import jax.numpy as jnp
import numpy as np
from jax import lax
from jax.experimental import pallas as pl
from jax.experimental.pallas import tpu as pltpu
from jax.experimental.pallas import tpu_sc as plsc

N = 10000
E = 320000
D_IN = 16
D_H = 128

NC = 2
NS = 16
NW = NC * NS
L = 16

CB = 128
CH = 79
EPT = CH * CB
EP = NW * EPT
CH2 = 2 * CH

NPAD = 10240
RW = NPAD // NS
DH2 = D_H // NC

PK_SHIFT = 14
PK_MASK = (1 << PK_SHIFT) - 1

_MESH = plsc.VectorSubcoreMesh(
    core_axis_name="c", subcore_axis_name="s", num_cores=NC, num_subcores=NS)


def _unpack_src(idxp_v, j, out_v):
    for k in range(CB // L):
        p = idxp_v[j, pl.ds(k * L, L)]
        out_v[pl.ds(k * L, L)] = jnp.bitwise_and(p, PK_MASK)


def _unpack_dst(idxp_v, j, out_v):
    for k in range(CB // L):
        p = idxp_v[j, pl.ds(k * L, L)]
        out_v[pl.ds(k * L, L)] = lax.shift_right_logical(p, PK_SHIFT)


@functools.partial(
    pl.kernel,
    out_type=jax.ShapeDtypeStruct((NC, NPAD), jnp.float32),
    mesh=_MESH,
    compiler_params=pltpu.CompilerParams(use_tc_tiling_on_sc=False),
    scratch_types=[
        pltpu.VMEM((CH, CB), jnp.int32),
        pltpu.VMEM((CB,), jnp.int32),
        pltpu.VMEM((CB,), jnp.float32),
        pltpu.VMEM((RW,), jnp.float32),
        pltpu.VMEM_SHARED((NPAD,), jnp.float32),
    ],
)
def _deg_kernel(pk_hbm, out_hbm, idxp_v, didx_v, ones_v, zrow_v, shared_deg):
    c = lax.axis_index("c")
    s = lax.axis_index("s")
    wid = c * NS + s
    for i in range(CB // L):
        ones_v[pl.ds(i * L, L)] = jnp.ones((L,), jnp.float32)
    for i in range(RW // L):
        zrow_v[pl.ds(i * L, L)] = jnp.zeros((L,), jnp.float32)
    pltpu.sync_copy(zrow_v, shared_deg.at[pl.ds(s * RW, RW)])
    plsc.subcore_barrier()
    pltpu.sync_copy(pk_hbm.at[wid], idxp_v)

    def body(j, carry):
        _unpack_dst(idxp_v, j, didx_v)
        pltpu.sync_copy(ones_v, shared_deg.at[didx_v], add=True)
        return carry

    lax.fori_loop(0, CH, body, 0)
    plsc.subcore_barrier()
    pltpu.sync_copy(shared_deg.at[pl.ds(s * RW, RW)],
                    out_hbm.at[c].at[pl.ds(s * RW, RW)])


def _make_conv(d_feat, feature_split):
    chunks = CH2 if feature_split else CH
    nst = N // NS

    @functools.partial(
        pl.kernel,
        out_type=jax.ShapeDtypeStruct((NC, NPAD, d_feat), jnp.float32),
        mesh=_MESH,
        compiler_params=pltpu.CompilerParams(use_tc_tiling_on_sc=False),
        scratch_types=[
            pltpu.VMEM((chunks, CB), jnp.int32),
            pltpu.VMEM((CB,), jnp.int32),
            pltpu.VMEM((CB,), jnp.int32),
            pltpu.VMEM((CB,), jnp.int32),
            pltpu.VMEM((CB, d_feat), jnp.float32),
            pltpu.VMEM((CB, d_feat), jnp.float32),
            pltpu.VMEM((L, d_feat), jnp.float32),
            pltpu.VMEM_SHARED((N, d_feat), jnp.float32),
            pltpu.VMEM_SHARED((NPAD, d_feat), jnp.float32),
            pltpu.SemaphoreType.DMA,
            pltpu.SemaphoreType.DMA,
        ],
    )
    def _conv(table_hbm, pk_hbm, out_hbm,
              idxp_v, sidx0_v, sidx1_v, didx_v, rows0_v, rows1_v, zrows_v,
              shared_table, shared_acc, sem0, sem1):
        c = lax.axis_index("c")
        s = lax.axis_index("s")
        table_src = table_hbm.at[c] if feature_split else table_hbm
        my_pk = pk_hbm.at[s] if feature_split else pk_hbm.at[c * NS + s]
        sidxs = (sidx0_v, sidx1_v)
        rows = (rows0_v, rows1_v)
        sems = (sem0, sem1)
        tsrcs = (shared_table, shared_table)

        for i in range(L):
            for k in range(d_feat // L):
                zrows_v[i, pl.ds(k * L, L)] = jnp.zeros((L,), jnp.float32)

        def zinit(i, carry):
            pltpu.sync_copy(zrows_v, shared_acc.at[pl.ds(s * RW + i * L, L)])
            return carry

        lax.fori_loop(0, RW // L, zinit, 0)
        pltpu.sync_copy(table_src.at[pl.ds(s * nst, nst)],
                        shared_table.at[pl.ds(s * nst, nst)])
        plsc.subcore_barrier()

        pltpu.sync_copy(my_pk, idxp_v)

        for b in range(2):
            _unpack_src(idxp_v, b, sidxs[b])
            pltpu.async_copy(tsrcs[b].at[sidxs[b]], rows[b], sems[b])

        def body(i, carry):
            for b in range(2):
                j = 2 * i + b
                pltpu.make_async_copy(tsrcs[b].at[sidxs[b]],
                                      rows[b], sems[b]).wait()
                _unpack_dst(idxp_v, j, didx_v)
                pltpu.sync_copy(rows[b], shared_acc.at[didx_v], add=True)
                _unpack_src(idxp_v, lax.rem(j + 2, chunks), sidxs[b])
                pltpu.async_copy(tsrcs[b].at[sidxs[b]], rows[b], sems[b])
            return carry

        lax.fori_loop(0, chunks // 2, body, 0)
        if chunks % 2:
            pltpu.make_async_copy(tsrcs[0].at[sidxs[0]],
                                  rows[0], sems[0]).wait()
            _unpack_dst(idxp_v, chunks - 1, didx_v)
            pltpu.sync_copy(rows[0], shared_acc.at[didx_v], add=True)
            pltpu.async_copy(tsrcs[0].at[sidxs[0]], rows[0], sems[0])
        for b in range(2):
            pltpu.make_async_copy(tsrcs[b].at[sidxs[b]],
                                  rows[b], sems[b]).wait()
        plsc.subcore_barrier()
        pltpu.sync_copy(shared_acc.at[pl.ds(s * RW, RW)],
                        out_hbm.at[c].at[pl.ds(s * RW, RW)])

    return _conv


_conv1 = _make_conv(D_IN, feature_split=False)
_conv2 = _make_conv(DH2, feature_split=True)


def _tc1_body(degp_ref, ea_ref, dis_ref, g1_ref):
    deg = degp_ref[0, :N] + degp_ref[1, :N] + 1.0
    dis = 1.0 / jnp.sqrt(deg)
    dis_ref[...] = dis[:, None]
    g1_ref[...] = dis[:, None] * ea_ref[...]


def _tc2_body(acc_ref, g1_ref, dis_ref, w1_ref, b1_ref, w2_ref, g2_ref):
    a = acc_ref[0, :N, :] + acc_ref[1, :N, :] + g1_ref[...]
    z1 = dis_ref[...] * a
    h1 = jnp.maximum(
        jnp.dot(z1, w1_ref[...], preferred_element_type=jnp.float32,
                precision=lax.Precision.HIGHEST)
        + b1_ref[...], 0.0)
    hw2 = jnp.dot(h1, w2_ref[...], preferred_element_type=jnp.float32,
                          precision=lax.Precision.HIGHEST)
    g2 = dis_ref[...] * hw2
    g2_ref[0, :, :] = g2[:, :DH2]
    g2_ref[1, :, :] = g2[:, DH2:]


def _tc3_body(acc_ref, g2_ref, dis_ref, b2_ref, fc1w_ref, fc1b_ref,
              fc2w_ref, fc2b_ref, out_ref):
    a = jnp.concatenate(
        [acc_ref[0, :N, :] + g2_ref[0, :, :],
         acc_ref[1, :N, :] + g2_ref[1, :, :]], axis=1)
    h = jnp.maximum(dis_ref[...] * a + b2_ref[...], 0.0)
    pooled = jnp.sum(h, axis=0, keepdims=True) * (1.0 / N)
    h2 = jnp.maximum(
        jnp.dot(pooled, fc1w_ref[...], preferred_element_type=jnp.float32,
                precision=lax.Precision.HIGHEST)
        + fc1b_ref[...], 0.0)
    out_ref[...] = (
        jnp.dot(h2, fc2w_ref[...], preferred_element_type=jnp.float32,
                precision=lax.Precision.HIGHEST)
        + fc2b_ref[...])


def kernel(x, edge_index, edge_attr, W1, b1, W2, b2, fc1_w, fc1_b, fc2_w, fc2_b):
    del x
    src = edge_index[0].astype(jnp.int32)
    dst = edge_index[1].astype(jnp.int32)
    npad_e = EP - E
    _ar = np.arange(npad_e, dtype=np.int32)
    pk_pad = jnp.asarray(np.bitwise_or(
        _ar % N, np.left_shift(N + _ar % (NPAD - N), PK_SHIFT)))
    pk_f = jnp.concatenate(
        [jnp.bitwise_or(src, jnp.left_shift(dst, PK_SHIFT)), pk_pad])
    pk_p = pk_f.reshape(NW, CH, CB)
    pk_p2 = pk_f.reshape(NS, CH2, CB)

    degp = _deg_kernel(pk_p)

    dis, g1 = pl.pallas_call(
        _tc1_body,
        out_shape=[
            jax.ShapeDtypeStruct((N, 1), jnp.float32),
            jax.ShapeDtypeStruct((N, D_IN), jnp.float32),
        ],
    )(degp, edge_attr)

    acc1 = _conv1(g1, pk_p)

    g2 = pl.pallas_call(
        _tc2_body,
        out_shape=jax.ShapeDtypeStruct((NC, N, DH2), jnp.float32),
    )(acc1, g1, dis, W1, b1.reshape(1, D_H), W2)

    acc2 = _conv2(g2, pk_p2)

    out = pl.pallas_call(
        _tc3_body,
        out_shape=jax.ShapeDtypeStruct((1, 2), jnp.float32),
    )(acc2, g2, dis, b2.reshape(1, D_H), fc1_w, fc1_b.reshape(1, D_H),
      fc2_w, fc2_b.reshape(1, 2))
    return out

# --- scband reference (transcript-rebuilt; emitter-appended) ---
"""Pipeline reference for scband-graph-nn-14594298872170 (READ-ONLY COPY).

The authoritative reference and input builder live on the scoring server;
editing this copy changes nothing except your own understanding.
"""

import jax, jax.numpy as jnp
import numpy as np

N = 10000
E = 320000
D_IN = 16
D_H = 128


def setup_inputs(seed: int = 0) -> dict:
    key = jax.random.key(seed)
    ks = jax.random.split(key, 12)
    x = jax.random.normal(ks[0], (N, D_IN), dtype=jnp.float32)
    edge_index = jax.random.randint(ks[1], (2, E), 0, N)
    edge_attr = jax.random.normal(ks[2], (N, D_IN), dtype=jnp.float32)
    W1 = jax.random.normal(ks[3], (D_IN, D_H), dtype=jnp.float32) * 0.05
    b1 = jnp.zeros((D_H,), dtype=jnp.float32)
    W2 = jax.random.normal(ks[4], (D_H, D_H), dtype=jnp.float32) * 0.05
    b2 = jnp.zeros((D_H,), dtype=jnp.float32)
    fc1_w = jax.random.normal(ks[5], (D_H, D_H), dtype=jnp.float32) * 0.05
    fc1_b = jnp.zeros((D_H,), dtype=jnp.float32)
    fc2_w = jax.random.normal(ks[6], (D_H, 2), dtype=jnp.float32) * 0.05
    fc2_b = jnp.zeros((2,), dtype=jnp.float32)
    return {"x": x, "edge_index": edge_index, "edge_attr": edge_attr,
            "W1": W1, "b1": b1, "W2": W2, "b2": b2,
            "fc1_w": fc1_w, "fc1_b": fc1_b, "fc2_w": fc2_w, "fc2_b": fc2_b}


def _gcn_conv(h, src, dst, W, b):
    # PyG-style GCNConv: add self-loops, symmetric normalization, scatter-add aggregation
    n = h.shape[0]
    hw = h @ W
    deg = jnp.zeros((n,), dtype=hw.dtype).at[dst].add(1.0)
    dis = jnp.where(deg > 0, 1.0 / jnp.sqrt(deg), 0.0)
    norm = dis[src] * dis[dst]
    out = jnp.zeros_like(hw).at[dst].add(norm[:, None] * hw[src])
    return out + b


def reference(x, edge_index, edge_attr, W1, b1, W2, b2, fc1_w, fc1_b, fc2_w, fc2_b):
    n = edge_attr.shape[0]
    loops = jnp.arange(n, dtype=edge_index.dtype)
    src = jnp.concatenate([edge_index[0], loops])
    dst = jnp.concatenate([edge_index[1], loops])
    # note: original forward ignores x and uses edge_attr as node features
    h = _gcn_conv(edge_attr, src, dst, W1, b1)
    h = jax.nn.relu(h)
    # dropout is identity in eval mode
    h = _gcn_conv(h, src, dst, W2, b2)
    h = jax.nn.relu(h)
    # global_mean_pool with batch = zeros -> mean over all nodes -> [1, D_H]
    pooled = jnp.mean(h, axis=0, keepdims=True)
    h2 = jax.nn.relu(pooled @ fc1_w + fc1_b)
    out = h2 @ fc2_w + fc2_b
    return out

if __name__ == "__main__":
    import jax
    _d = setup_inputs()
    print(jax.jit(kernel)(*tuple(_d.values())))

</pallas_src>

<mosaic_0001>
#map = affine_map<(d0, d1) -> (0, 0, 0)>
#map1 = affine_map<(d0, d1) -> (0, 0)>
module attributes {stable_mosaic.version = 14 : i64} {
  func.func @_deg_kernel(%arg0: i32, %arg1: i32, %arg2: memref<32x79x128xi32, #tpu.memory_space<hbm>>, %arg3: memref<2x10240xf32, #tpu.memory_space<hbm>>, %arg4: memref<79x128xi32, #tpu.memory_space<vmem>>, %arg5: memref<128xi32, #tpu.memory_space<vmem>>, %arg6: memref<128xf32, #tpu.memory_space<vmem>>, %arg7: memref<640xf32, #tpu.memory_space<vmem>>, %arg8: memref<10240xf32, #tpu.memory_space<vmem_shared>>) attributes {dimension_semantics = [#tpu.dimension_semantics<core_parallel>, #tpu.dimension_semantics<subcore_parallel>], iteration_bounds = array<i64: 2, 16>, scalar_prefetch = 0 : i64, scratch_operands = 5 : i64, tpu.core_type = #tpu.core_type<sc_vector_subcore>, window_params = [{transform_indices = #map}, {transform_indices = #map1}]} {
    %mul3A = arith.constant 16 : i32
    %mul3A_0 = arith.muli %arg0, %mul3A : i32
    %add3A = arith.addi %mul3A_0, %arg1 : i32
    %broadcast_in_dim3A = arith.constant 1.000000e+00 : f32
    %broadcast_in_dim3A_1 = vector.broadcast %broadcast_in_dim3A : f32 to vector<16xf32>
    %swap3A = arith.constant 0 : index
    %swap3A_2 = tpu.vector_load %arg6[%swap3A] {strides = array<i32>} : memref<128xf32, #tpu.memory_space<vmem>>, vector<16xf32>,
    %swap3A_3 = vector.shape_cast %swap3A_2 : vector<16xf32> to vector<16xf32>
    %swap3A_4 = vector.shape_cast %broadcast_in_dim3A_1 : vector<16xf32> to vector<16xf32>
    tpu.vector_store %arg6[%swap3A], %swap3A_4 {strides = array<i32>} : memref<128xf32, #tpu.memory_space<vmem>>, vector<16xf32>,
    %broadcast_in_dim3A_5 = arith.constant 1.000000e+00 : f32
    %broadcast_in_dim3A_6 = vector.broadcast %broadcast_in_dim3A_5 : f32 to vector<16xf32>
    %swap3A_7 = arith.constant 16 : index
    %swap3A_8 = tpu.vector_load %arg6[%swap3A_7] {strides = array<i32>} : memref<128xf32, #tpu.memory_space<vmem>>, vector<16xf32>,
    %swap3A_9 = vector.shape_cast %swap3A_8 : vector<16xf32> to vector<16xf32>
    %swap3A_10 = vector.shape_cast %broadcast_in_dim3A_6 : vector<16xf32> to vector<16xf32>
    tpu.vector_store %arg6[%swap3A_7], %swap3A_10 {strides = array<i32>} : memref<128xf32, #tpu.memory_space<vmem>>, vector<16xf32>,
    %broadcast_in_dim3A_11 = arith.constant 1.000000e+00 : f32
    %broadcast_in_dim3A_12 = vector.broadcast %broadcast_in_dim3A_11 : f32 to vector<16xf32>
    %swap3A_13 = arith.constant 32 : index
    %swap3A_14 = tpu.vector_load %arg6[%swap3A_13] {strides = array<i32>} : memref<128xf32, #tpu.memory_space<vmem>>, vector<16xf32>,
    %swap3A_15 = vector.shape_cast %swap3A_14 : vector<16xf32> to vector<16xf32>
    %swap3A_16 = vector.shape_cast %broadcast_in_dim3A_12 : vector<16xf32> to vector<16xf32>
    tpu.vector_store %arg6[%swap3A_13], %swap3A_16 {strides = array<i32>} : memref<128xf32, #tpu.memory_space<vmem>>, vector<16xf32>,
    %broadcast_in_dim3A_17 = arith.constant 1.000000e+00 : f32
    %broadcast_in_dim3A_18 = vector.broadcast %broadcast_in_dim3A_17 : f32 to vector<16xf32>
    %swap3A_19 = arith.constant 48 : index
    %swap3A_20 = tpu.vector_load %arg6[%swap3A_19] {strides = array<i32>} : memref<128xf32, #tpu.memory_space<vmem>>, vector<16xf32>,
    %swap3A_21 = vector.shape_cast %swap3A_20 : vector<16xf32> to vector<16xf32>
    %swap3A_22 = vector.shape_cast %broadcast_in_dim3A_18 : vector<16xf32> to vector<16xf32>
    tpu.vector_store %arg6[%swap3A_19], %swap3A_22 {strides = array<i32>} : memref<128xf32, #tpu.memory_space<vmem>>, vector<16xf32>,
    %broadcast_in_dim3A_23 = arith.constant 1.000000e+00 : f32
    %broadcast_in_dim3A_24 = vector.broadcast %broadcast_in_dim3A_23 : f32 to vector<16xf32>
    %swap3A_25 = arith.constant 64 : index
    %swap3A_26 = tpu.vector_load %arg6[%swap3A_25] {strides = array<i32>} : memref<128xf32, #tpu.memory_space<vmem>>, vector<16xf32>,
    %swap3A_27 = vector.shape_cast %swap3A_26 : vector<16xf32> to vector<16xf32>
    %swap3A_28 = vector.shape_cast %broadcast_in_dim3A_24 : vector<16xf32> to vector<16xf32>
    tpu.vector_store %arg6[%swap3A_25], %swap3A_28 {strides = array<i32>} : memref<128xf32, #tpu.memory_space<vmem>>, vector<16xf32>,
    %broadcast_in_dim3A_29 = arith.constant 1.000000e+00 : f32
    %broadcast_in_dim3A_30 = vector.broadcast %broadcast_in_dim3A_29 : f32 to vector<16xf32>
    %swap3A_31 = arith.constant 80 : index
    %swap3A_32 = tpu.vector_load %arg6[%swap3A_31] {strides = array<i32>} : memref<128xf32, #tpu.memory_space<vmem>>, vector<16xf32>,
    %swap3A_33 = vector.shape_cast %swap3A_32 : vector<16xf32> to vector<16xf32>
    %swap3A_34 = vector.shape_cast %broadcast_in_dim3A_30 : vector<16xf32> to vector<16xf32>
    tpu.vector_store %arg6[%swap3A_31], %swap3A_34 {strides = array<i32>} : memref<128xf32, #tpu.memory_space<vmem>>, vector<16xf32>,
    %broadcast_in_dim3A_35 = arith.constant 1.000000e+00 : f32
    %broadcast_in_dim3A_36 = vector.broadcast %broadcast_in_dim3A_35 : f32 to vector<16xf32>
    %swap3A_37 = arith.constant 96 : index
    %swap3A_38 = tpu.vector_load %arg6[%swap3A_37] {strides = array<i32>} : memref<128xf32, #tpu.memory_space<vmem>>, vector<16xf32>,
    %swap3A_39 = vector.shape_cast %swap3A_38 : vector<16xf32> to vector<16xf32>
    %swap3A_40 = vector.shape_cast %broadcast_in_dim3A_36 : vector<16xf32> to vector<16xf32>
    tpu.vector_store %arg6[%swap3A_37], %swap3A_40 {strides = array<i32>} : memref<128xf32, #tpu.memory_space<vmem>>, vector<16xf32>,
    %broadcast_in_dim3A_41 = arith.constant 1.000000e+00 : f32
    %broadcast_in_dim3A_42 = vector.broadcast %broadcast_in_dim3A_41 : f32 to vector<16xf32>
    %swap3A_43 = arith.constant 112 : index
    %swap3A_44 = tpu.vector_load %arg6[%swap3A_43] {strides = array<i32>} : memref<128xf32, #tpu.memory_space<vmem>>, vector<16xf32>,
    %swap3A_45 = vector.shape_cast %swap3A_44 : vector<16xf32> to vector<16xf32>
    %swap3A_46 = vector.shape_cast %broadcast_in_dim3A_42 : vector<16xf32> to vector<16xf32>
    tpu.vector_store %arg6[%swap3A_43], %swap3A_46 {strides = array<i32>} : memref<128xf32, #tpu.memory_space<vmem>>, vector<16xf32>,
    %broadcast_in_dim3A_47 = arith.constant 0.000000e+00 : f32
    %broadcast_in_dim3A_48 = vector.broadcast %broadcast_in_dim3A_47 : f32 to vector<16xf32>
    %swap3A_49 = arith.constant 0 : index
    %swap3A_50 = tpu.vector_load %arg7[%swap3A_49] {strides = array<i32>} : memref<640xf32, #tpu.memory_space<vmem>>, vector<16xf32>,
    %swap3A_51 = vector.shape_cast %swap3A_50 : vector<16xf32> to vector<16xf32>
    %swap3A_52 = vector.shape_cast %broadcast_in_dim3A_48 : vector<16xf32> to vector<16xf32>
    tpu.vector_store %arg7[%swap3A_49], %swap3A_52 {strides = array<i32>} : memref<640xf32, #tpu.memory_space<vmem>>, vector<16xf32>,
    %broadcast_in_dim3A_53 = arith.constant 0.000000e+00 : f32
    %broadcast_in_dim3A_54 = vector.broadcast %broadcast_in_dim3A_53 : f32 to vector<16xf32>
    %swap3A_55 = arith.constant 16 : index
    %swap3A_56 = tpu.vector_load %arg7[%swap3A_55] {strides = array<i32>} : memref<640xf32, #tpu.memory_space<vmem>>, vector<16xf32>,
    %swap3A_57 = vector.shape_cast %swap3A_56 : vector<16xf32> to vector<16xf32>
    %swap3A_58 = vector.shape_cast %broadcast_in_dim3A_54 : vector<16xf32> to vector<16xf32>
    tpu.vector_store %arg7[%swap3A_55], %swap3A_58 {strides = array<i32>} : memref<640xf32, #tpu.memory_space<vmem>>, vector<16xf32>,
    %broadcast_in_dim3A_59 = arith.constant 0.000000e+00 : f32
    %broadcast_in_dim3A_60 = vector.broadcast %broadcast_in_dim3A_59 : f32 to vector<16xf32>
    %swap3A_61 = arith.constant 32 : index
    %swap3A_62 = tpu.vector_load %arg7[%swap3A_61] {strides = array<i32>} : memref<640xf32, #tpu.memory_space<vmem>>, vector<16xf32>,
    %swap3A_63 = vector.shape_cast %swap3A_62 : vector<16xf32> to vector<16xf32>
    %swap3A_64 = vector.shape_cast %broadcast_in_dim3A_60 : vector<16xf32> to vector<16xf32>
    tpu.vector_store %arg7[%swap3A_61], %swap3A_64 {strides = array<i32>} : memref<640xf32, #tpu.memory_space<vmem>>, vector<16xf32>,
    %broadcast_in_dim3A_65 = arith.constant 0.000000e+00 : f32
    %broadcast_in_dim3A_66 = vector.broadcast %broadcast_in_dim3A_65 : f32 to vector<16xf32>
    %swap3A_67 = arith.constant 48 : index
    %swap3A_68 = tpu.vector_load %arg7[%swap3A_67] {strides = array<i32>} : memref<640xf32, #tpu.memory_space<vmem>>, vector<16xf32>,
    %swap3A_69 = vector.shape_cast %swap3A_68 : vector<16xf32> to vector<16xf32>
    %swap3A_70 = vector.shape_cast %broadcast_in_dim3A_66 : vector<16xf32> to vector<16xf32>
    tpu.vector_store %arg7[%swap3A_67], %swap3A_70 {strides = array<i32>} : memref<640xf32, #tpu.memory_space<vmem>>, vector<16xf32>,
    %broadcast_in_dim3A_71 = arith.constant 0.000000e+00 : f32
    %broadcast_in_dim3A_72 = vector.broadcast %broadcast_in_dim3A_71 : f32 to vector<16xf32>
    %swap3A_73 = arith.constant 64 : index
    %swap3A_74 = tpu.vector_load %arg7[%swap3A_73] {strides = array<i32>} : memref<640xf32, #tpu.memory_space<vmem>>, vector<16xf32>,
    %swap3A_75 = vector.shape_cast %swap3A_74 : vector<16xf32> to vector<16xf32>
    %swap3A_76 = vector.shape_cast %broadcast_in_dim3A_72 : vector<16xf32> to vector<16xf32>
    tpu.vector_store %arg7[%swap3A_73], %swap3A_76 {strides = array<i32>} : memref<640xf32, #tpu.memory_space<vmem>>, vector<16xf32>,
    %broadcast_in_dim3A_77 = arith.constant 0.000000e+00 : f32
    %broadcast_in_dim3A_78 = vector.broadcast %broadcast_in_dim3A_77 : f32 to vector<16xf32>
    %swap3A_79 = arith.constant 80 : index
    %swap3A_80 = tpu.vector_load %arg7[%swap3A_79] {strides = array<i32>} : memref<640xf32, #tpu.memory_space<vmem>>, vector<16xf32>,
    %swap3A_81 = vector.shape_cast %swap3A_80 : vector<16xf32> to vector<16xf32>
    %swap3A_82 = vector.shape_cast %broadcast_in_dim3A_78 : vector<16xf32> to vector<16xf32>
    tpu.vector_store %arg7[%swap3A_79], %swap3A_82 {strides = array<i32>} : memref<640xf32, #tpu.memory_space<vmem>>, vector<16xf32>,
    %broadcast_in_dim3A_83 = arith.constant 0.000000e+00 : f32
    %broadcast_in_dim3A_84 = vector.broadcast %broadcast_in_dim3A_83 : f32 to vector<16xf32>
    %swap3A_85 = arith.constant 96 : index
    %swap3A_86 = tpu.vector_load %arg7[%swap3A_85] {strides = array<i32>} : memref<640xf32, #tpu.memory_space<vmem>>, vector<16xf32>,
    %swap3A_87 = vector.shape_cast %swap3A_86 : vector<16xf32> to vector<16xf32>
    %swap3A_88 = vector.shape_cast %broadcast_in_dim3A_84 : vector<16xf32> to vector<16xf32>
    tpu.vector_store %arg7[%swap3A_85], %swap3A_88 {strides = array<i32>} : memref<640xf32, #tpu.memory_space<vmem>>, vector<16xf32>,
    %broadcast_in_dim3A_89 = arith.constant 0.000000e+00 : f32
    %broadcast_in_dim3A_90 = vector.broadcast %broadcast_in_dim3A_89 : f32 to vector<16xf32>
    %swap3A_91 = arith.constant 112 : index
    %swap3A_92 = tpu.vector_load %arg7[%swap3A_91] {strides = array<i32>} : memref<640xf32, #tpu.memory_space<vmem>>, vector<16xf32>,
    %swap3A_93 = vector.shape_cast %swap3A_92 : vector<16xf32> to vector<16xf32>
    %swap3A_94 = vector.shape_cast %broadcast_in_dim3A_90 : vector<16xf32> to vector<16xf32>
    tpu.vector_store %arg7[%swap3A_91], %swap3A_94 {strides = array<i32>} : memref<640xf32, #tpu.memory_space<vmem>>, vector<16xf32>,
    %broadcast_in_dim3A_95 = arith.constant 0.000000e+00 : f32
    %broadcast_in_dim3A_96 = vector.broadcast %broadcast_in_dim3A_95 : f32 to vector<16xf32>
    %swap3A_97 = arith.constant 128 : index
    %swap3A_98 = tpu.vector_load %arg7[%swap3A_97] {strides = array<i32>} : memref<640xf32, #tpu.memory_space<vmem>>, vector<16xf32>,
    %swap3A_99 = vector.shape_cast %swap3A_98 : vector<16xf32> to vector<16xf32>
    %swap3A_100 = vector.shape_cast %broadcast_in_dim3A_96 : vector<16xf32> to vector<16xf32>
    tpu.vector_store %arg7[%swap3A_97], %swap3A_100 {strides = array<i32>} : memref<640xf32, #tpu.memory_space<vmem>>, vector<16xf32>,
    %broadcast_in_dim3A_101 = arith.constant 0.000000e+00 : f32
    %broadcast_in_dim3A_102 = vector.broadcast %broadcast_in_dim3A_101 : f32 to vector<16xf32>
    %swap3A_103 = arith.constant 144 : index
    %swap3A_104 = tpu.vector_load %arg7[%swap3A_103] {strides = array<i32>} : memref<640xf32, #tpu.memory_space<vmem>>, vector<16xf32>,
    %swap3A_105 = vector.shape_cast %swap3A_104 : vector<16xf32> to vector<16xf32>
    %swap3A_106 = vector.shape_cast %broadcast_in_dim3A_102 : vector<16xf32> to vector<16xf32>
    tpu.vector_store %arg7[%swap3A_103], %swap3A_106 {strides = array<i32>} : memref<640xf32, #tpu.memory_space<vmem>>, vector<16xf32>,
    %broadcast_in_dim3A_107 = arith.constant 0.000000e+00 : f32
    %broadcast_in_dim3A_108 = vector.broadcast %broadcast_in_dim3A_107 : f32 to vector<16xf32>
    %swap3A_109 = arith.constant 160 : index
    %swap3A_110 = tpu.vector_load %arg7[%swap3A_109] {strides = array<i32>} : memref<640xf32, #tpu.memory_space<vmem>>, vector<16xf32>,
    %swap3A_111 = vector.shape_cast %swap3A_110 : vector<16xf32> to vector<16xf32>
    %swap3A_112 = vector.shape_cast %broadcast_in_dim3A_108 : vector<16xf32> to vector<16xf32>
    tpu.vector_store %arg7[%swap3A_109], %swap3A_112 {strides = array<i32>} : memref<640xf32, #tpu.memory_space<vmem>>, vector<16xf32>,
    %broadcast_in_dim3A_113 = arith.constant 0.000000e+00 : f32
    %broadcast_in_dim3A_114 = vector.broadcast %broadcast_in_dim3A_113 : f32 to vector<16xf32>
    %swap3A_115 = arith.constant 176 : index
    %swap3A_116 = tpu.vector_load %arg7[%swap3A_115] {strides = array<i32>} : memref<640xf32, #tpu.memory_space<vmem>>, vector<16xf32>,
    %swap3A_117 = vector.shape_cast %swap3A_116 : vector<16xf32> to vector<16xf32>
    %swap3A_118 = vector.shape_cast %broadcast_in_dim3A_114 : vector<16xf32> to vector<16xf32>
    tpu.vector_store %arg7[%swap3A_115], %swap3A_118 {strides = array<i32>} : memref<640xf32, #tpu.memory_space<vmem>>, vector<16xf32>,
    %broadcast_in_dim3A_119 = arith.constant 0.000000e+00 : f32
    %broadcast_in_dim3A_120 = vector.broadcast %broadcast_in_dim3A_119 : f32 to vector<16xf32>
    %swap3A_121 = arith.constant 192 : index
    %swap3A_122 = tpu.vector_load %arg7[%swap3A_121] {strides = array<i32>} : memref<640xf32, #tpu.memory_space<vmem>>, vector<16xf32>,
    %swap3A_123 = vector.shape_cast %swap3A_122 : vector<16xf32> to vector<16xf32>
    %swap3A_124 = vector.shape_cast %broadcast_in_dim3A_120 : vector<16xf32> to vector<16xf32>
    tpu.vector_store %arg7[%swap3A_121], %swap3A_124 {strides = array<i32>} : memref<640xf32, #tpu.memory_space<vmem>>, vector<16xf32>,
    %broadcast_in_dim3A_125 = arith.constant 0.000000e+00 : f32
    %broadcast_in_dim3A_126 = vector.broadcast %broadcast_in_dim3A_125 : f32 to vector<16xf32>
    %swap3A_127 = arith.constant 208 : index
    %swap3A_128 = tpu.vector_load %arg7[%swap3A_127] {strides = array<i32>} : memref<640xf32, #tpu.memory_space<vmem>>, vector<16xf32>,
    %swap3A_129 = vector.shape_cast %swap3A_128 : vector<16xf32> to vector<16xf32>
    %swap3A_130 = vector.shape_cast %broadcast_in_dim3A_126 : vector<16xf32> to vector<16xf32>
    tpu.vector_store %arg7[%swap3A_127], %swap3A_130 {strides = array<i32>} : memref<640xf32, #tpu.memory_space<vmem>>, vector<16xf32>,
    %broadcast_in_dim3A_131 = arith.constant 0.000000e+00 : f32
    %broadcast_in_dim3A_132 = vector.broadcast %broadcast_in_dim3A_131 : f32 to vector<16xf32>
    %swap3A_133 = arith.constant 224 : index
    %swap3A_134 = tpu.vector_load %arg7[%swap3A_133] {strides = array<i32>} : memref<640xf32, #tpu.memory_space<vmem>>, vector<16xf32>,
    %swap3A_135 = vector.shape_cast %swap3A_134 : vector<16xf32> to vector<16xf32>
    %swap3A_136 = vector.shape_cast %broadcast_in_dim3A_132 : vector<16xf32> to vector<16xf32>
    tpu.vector_store %arg7[%swap3A_133], %swap3A_136 {strides = array<i32>} : memref<640xf32, #tpu.memory_space<vmem>>, vector<16xf32>,
    %broadcast_in_dim3A_137 = arith.constant 0.000000e+00 : f32
    %broadcast_in_dim3A_138 = vector.broadcast %broadcast_in_dim3A_137 : f32 to vector<16xf32>
    %swap3A_139 = arith.constant 240 : index
    %swap3A_140 = tpu.vector_load %arg7[%swap3A_139] {strides = array<i32>} : memref<640xf32, #tpu.memory_space<vmem>>, vector<16xf32>,
    %swap3A_141 = vector.shape_cast %swap3A_140 : vector<16xf32> to vector<16xf32>
    %swap3A_142 = vector.shape_cast %broadcast_in_dim3A_138 : vector<16xf32> to vector<16xf32>
    tpu.vector_store %arg7[%swap3A_139], %swap3A_142 {strides = array<i32>} : memref<640xf32, #tpu.memory_space<vmem>>, vector<16xf32>,
    %broadcast_in_dim3A_143 = arith.constant 0.000000e+00 : f32
    %broadcast_in_dim3A_144 = vector.broadcast %broadcast_in_dim3A_143 : f32 to vector<16xf32>
    %swap3A_145 = arith.constant 256 : index
    %swap3A_146 = tpu.vector_load %arg7[%swap3A_145] {strides = array<i32>} : memref<640xf32, #tpu.memory_space<vmem>>, vector<16xf32>,
    %swap3A_147 = vector.shape_cast %swap3A_146 : vector<16xf32> to vector<16xf32>
    %swap3A_148 = vector.shape_cast %broadcast_in_dim3A_144 : vector<16xf32> to vector<16xf32>
    tpu.vector_store %arg7[%swap3A_145], %swap3A_148 {strides = array<i32>} : memref<640xf32, #tpu.memory_space<vmem>>, vector<16xf32>,
    %broadcast_in_dim3A_149 = arith.constant 0.000000e+00 : f32
    %broadcast_in_dim3A_150 = vector.broadcast %broadcast_in_dim3A_149 : f32 to vector<16xf32>
    %swap3A_151 = arith.constant 272 : index
    %swap3A_152 = tpu.vector_load %arg7[%swap3A_151] {strides = array<i32>} : memref<640xf32, #tpu.memory_space<vmem>>, vector<16xf32>,
    %swap3A_153 = vector.shape_cast %swap3A_152 : vector<16xf32> to vector<16xf32>
    %swap3A_154 = vector.shape_cast %broadcast_in_dim3A_150 : vector<16xf32> to vector<16xf32>
    tpu.vector_store %arg7[%swap3A_151], %swap3A_154 {strides = array<i32>} : memref<640xf32, #tpu.memory_space<vmem>>, vector<16xf32>,
    %broadcast_in_dim3A_155 = arith.constant 0.000000e+00 : f32
    %broadcast_in_dim3A_156 = vector.broadcast %broadcast_in_dim3A_155 : f32 to vector<16xf32>
    %swap3A_157 = arith.constant 288 : index
    %swap3A_158 = tpu.vector_load %arg7[%swap3A_157] {strides = array<i32>} : memref<640xf32, #tpu.memory_space<vmem>>, vector<16xf32>,
    %swap3A_159 = vector.shape_cast %swap3A_158 : vector<16xf32> to vector<16xf32>
    %swap3A_160 = vector.shape_cast %broadcast_in_dim3A_156 : vector<16xf32> to vector<16xf32>
    tpu.vector_store %arg7[%swap3A_157], %swap3A_160 {strides = array<i32>} : memref<640xf32, #tpu.memory_space<vmem>>, vector<16xf32>,
    %broadcast_in_dim3A_161 = arith.constant 0.000000e+00 : f32
    %broadcast_in_dim3A_162 = vector.broadcast %broadcast_in_dim3A_161 : f32 to vector<16xf32>
    %swap3A_163 = arith.constant 304 : index
    %swap3A_164 = tpu.vector_load %arg7[%swap3A_163] {strides = array<i32>} : memref<640xf32, #tpu.memory_space<vmem>>, vector<16xf32>,
    %swap3A_165 = vector.shape_cast %swap3A_164 : vector<16xf32> to vector<16xf32>
    %swap3A_166 = vector.shape_cast %broadcast_in_dim3A_162 : vector<16xf32> to vector<16xf32>
    tpu.vector_store %arg7[%swap3A_163], %swap3A_166 {strides = array<i32>} : memref<640xf32, #tpu.memory_space<vmem>>, vector<16xf32>,
    %broadcast_in_dim3A_167 = arith.constant 0.000000e+00 : f32
    %broadcast_in_dim3A_168 = vector.broadcast %broadcast_in_dim3A_167 : f32 to vector<16xf32>
    %swap3A_169 = arith.constant 320 : index
    %swap3A_170 = tpu.vector_load %arg7[%swap3A_169] {strides = array<i32>} : memref<640xf32, #tpu.memory_space<vmem>>, vector<16xf32>,
    %swap3A_171 = vector.shape_cast %swap3A_170 : vector<16xf32> to vector<16xf32>
    %swap3A_172 = vector.shape_cast %broadcast_in_dim3A_168 : vector<16xf32> to vector<16xf32>
    tpu.vector_store %arg7[%swap3A_169], %swap3A_172 {strides = array<i32>} : memref<640xf32, #tpu.memory_space<vmem>>, vector<16xf32>,
    %broadcast_in_dim3A_173 = arith.constant 0.000000e+00 : f32
    %broadcast_in_dim3A_174 = vector.broadcast %broadcast_in_dim3A_173 : f32 to vector<16xf32>
    %swap3A_175 = arith.constant 336 : index
    %swap3A_176 = tpu.vector_load %arg7[%swap3A_175] {strides = array<i32>} : memref<640xf32, #tpu.memory_space<vmem>>, vector<16xf32>,
    %swap3A_177 = vector.shape_cast %swap3A_176 : vector<16xf32> to vector<16xf32>
    %swap3A_178 = vector.shape_cast %broadcast_in_dim3A_174 : vector<16xf32> to vector<16xf32>
    tpu.vector_store %arg7[%swap3A_175], %swap3A_178 {strides = array<i32>} : memref<640xf32, #tpu.memory_space<vmem>>, vector<16xf32>,
    %broadcast_in_dim3A_179 = arith.constant 0.000000e+00 : f32
    %broadcast_in_dim3A_180 = vector.broadcast %broadcast_in_dim3A_179 : f32 to vector<16xf32>
    %swap3A_181 = arith.constant 352 : index
    %swap3A_182 = tpu.vector_load %arg7[%swap3A_181] {strides = array<i32>} : memref<640xf32, #tpu.memory_space<vmem>>, vector<16xf32>,
    %swap3A_183 = vector.shape_cast %swap3A_182 : vector<16xf32> to vector<16xf32>
    %swap3A_184 = vector.shape_cast %broadcast_in_dim3A_180 : vector<16xf32> to vector<16xf32>
    tpu.vector_store %arg7[%swap3A_181], %swap3A_184 {strides = array<i32>} : memref<640xf32, #tpu.memory_space<vmem>>, vector<16xf32>,
    %broadcast_in_dim3A_185 = arith.constant 0.000000e+00 : f32
    %broadcast_in_dim3A_186 = vector.broadcast %broadcast_in_dim3A_185 : f32 to vector<16xf32>
    %swap3A_187 = arith.constant 368 : index
    %swap3A_188 = tpu.vector_load %arg7[%swap3A_187] {strides = array<i32>} : memref<640xf32, #tpu.memory_space<vmem>>, vector<16xf32>,
    %swap3A_189 = vector.shape_cast %swap3A_188 : vector<16xf32> to vector<16xf32>
    %swap3A_190 = vector.shape_cast %broadcast_in_dim3A_186 : vector<16xf32> to vector<16xf32>
    tpu.vector_store %arg7[%swap3A_187], %swap3A_190 {strides = array<i32>} : memref<640xf32, #tpu.memory_space<vmem>>, vector<16xf32>,
    %broadcast_in_dim3A_191 = arith.constant 0.000000e+00 : f32
    %broadcast_in_dim3A_192 = vector.broadcast %broadcast_in_dim3A_191 : f32 to vector<16xf32>
    %swap3A_193 = arith.constant 384 : index
    %swap3A_194 = tpu.vector_load %arg7[%swap3A_193] {strides = array<i32>} : memref<640xf32, #tpu.memory_space<vmem>>, vector<16xf32>,
    %swap3A_195 = vector.shape_cast %swap3A_194 : vector<16xf32> to vector<16xf32>
    %swap3A_196 = vector.shape_cast %broadcast_in_dim3A_192 : vector<16xf32> to vector<16xf32>
    tpu.vector_store %arg7[%swap3A_193], %swap3A_196 {strides = array<i32>} : memref<640xf32, #tpu.memory_space<vmem>>, vector<16xf32>,
    %broadcast_in_dim3A_197 = arith.constant 0.000000e+00 : f32
    %broadcast_in_dim3A_198 = vector.broadcast %broadcast_in_dim3A_197 : f32 to vector<16xf32>
    %swap3A_199 = arith.constant 400 : index
    %swap3A_200 = tpu.vector_load %arg7[%swap3A_199] {strides = array<i32>} : memref<640xf32, #tpu.memory_space<vmem>>, vector<16xf32>,
    %swap3A_201 = vector.shape_cast %swap3A_200 : vector<16xf32> to vector<16xf32>
    %swap3A_202 = vector.shape_cast %broadcast_in_dim3A_198 : vector<16xf32> to vector<16xf32>
    tpu.vector_store %arg7[%swap3A_199], %swap3A_202 {strides = array<i32>} : memref<640xf32, #tpu.memory_space<vmem>>, vector<16xf32>,
    %broadcast_in_dim3A_203 = arith.constant 0.000000e+00 : f32
    %broadcast_in_dim3A_204 = vector.broadcast %broadcast_in_dim3A_203 : f32 to vector<16xf32>
    %swap3A_205 = arith.constant 416 : index
    %swap3A_206 = tpu.vector_load %arg7[%swap3A_205] {strides = array<i32>} : memref<640xf32, #tpu.memory_space<vmem>>, vector<16xf32>,
    %swap3A_207 = vector.shape_cast %swap3A_206 : vector<16xf32> to vector<16xf32>
    %swap3A_208 = vector.shape_cast %broadcast_in_dim3A_204 : vector<16xf32> to vector<16xf32>
    tpu.vector_store %arg7[%swap3A_205], %swap3A_208 {strides = array<i32>} : memref<640xf32, #tpu.memory_space<vmem>>, vector<16xf32>,
    %broadcast_in_dim3A_209 = arith.constant 0.000000e+00 : f32
    %broadcast_in_dim3A_210 = vector.broadcast %broadcast_in_dim3A_209 : f32 to vector<16xf32>
    %swap3A_211 = arith.constant 432 : index
    %swap3A_212 = tpu.vector_load %arg7[%swap3A_211] {strides = array<i32>} : memref<640xf32, #tpu.memory_space<vmem>>, vector<16xf32>,
    %swap3A_213 = vector.shape_cast %swap3A_212 : vector<16xf32> to vector<16xf32>
    %swap3A_214 = vector.shape_cast %broadcast_in_dim3A_210 : vector<16xf32> to vector<16xf32>
    tpu.vector_store %arg7[%swap3A_211], %swap3A_214 {strides = array<i32>} : memref<640xf32, #tpu.memory_space<vmem>>, vector<16xf32>,
    %broadcast_in_dim3A_215 = arith.constant 0.000000e+00 : f32
    %broadcast_in_dim3A_216 = vector.broadcast %broadcast_in_dim3A_215 : f32 to vector<16xf32>
    %swap3A_217 = arith.constant 448 : index
    %swap3A_218 = tpu.vector_load %arg7[%swap3A_217] {strides = array<i32>} : memref<640xf32, #tpu.memory_space<vmem>>, vector<16xf32>,
    %swap3A_219 = vector.shape_cast %swap3A_218 : vector<16xf32> to vector<16xf32>
    %swap3A_220 = vector.shape_cast %broadcast_in_dim3A_216 : vector<16xf32> to vector<16xf32>
    tpu.vector_store %arg7[%swap3A_217], %swap3A_220 {strides = array<i32>} : memref<640xf32, #tpu.memory_space<vmem>>, vector<16xf32>,
    %broadcast_in_dim3A_221 = arith.constant 0.000000e+00 : f32
    %broadcast_in_dim3A_222 = vector.broadcast %broadcast_in_dim3A_221 : f32 to vector<16xf32>
    %swap3A_223 = arith.constant 464 : index
    %swap3A_224 = tpu.vector_load %arg7[%swap3A_223] {strides = array<i32>} : memref<640xf32, #tpu.memory_space<vmem>>, vector<16xf32>,
    %swap3A_225 = vector.shape_cast %swap3A_224 : vector<16xf32> to vector<16xf32>
    %swap3A_226 = vector.shape_cast %broadcast_in_dim3A_222 : vector<16xf32> to vector<16xf32>
    tpu.vector_store %arg7[%swap3A_223], %swap3A_226 {strides = array<i32>} : memref<640xf32, #tpu.memory_space<vmem>>, vector<16xf32>,
    %broadcast_in_dim3A_227 = arith.constant 0.000000e+00 : f32
    %broadcast_in_dim3A_228 = vector.broadcast %broadcast_in_dim3A_227 : f32 to vector<16xf32>
    %swap3A_229 = arith.constant 480 : index
    %swap3A_230 = tpu.vector_load %arg7[%swap3A_229] {strides = array<i32>} : memref<640xf32, #tpu.memory_space<vmem>>, vector<16xf32>,
    %swap3A_231 = vector.shape_cast %swap3A_230 : vector<16xf32> to vector<16xf32>
    %swap3A_232 = vector.shape_cast %broadcast_in_dim3A_228 : vector<16xf32> to vector<16xf32>
    tpu.vector_store %arg7[%swap3A_229], %swap3A_232 {strides = array<i32>} : memref<640xf32, #tpu.memory_space<vmem>>, vector<16xf32>,
    %broadcast_in_dim3A_233 = arith.constant 0.000000e+00 : f32
    %broadcast_in_dim3A_234 = vector.broadcast %broadcast_in_dim3A_233 : f32 to vector<16xf32>
    %swap3A_235 = arith.constant 496 : index
    %swap3A_236 = tpu.vector_load %arg7[%swap3A_235] {strides = array<i32>} : memref<640xf32, #tpu.memory_space<vmem>>, vector<16xf32>,
    %swap3A_237 = vector.shape_cast %swap3A_236 : vector<16xf32> to vector<16xf32>
    %swap3A_238 = vector.shape_cast %broadcast_in_dim3A_234 : vector<16xf32> to vector<16xf32>
    tpu.vector_store %arg7[%swap3A_235], %swap3A_238 {strides = array<i32>} : memref<640xf32, #tpu.memory_space<vmem>>, vector<16xf32>,
    %broadcast_in_dim3A_239 = arith.constant 0.000000e+00 : f32
    %broadcast_in_dim3A_240 = vector.broadcast %broadcast_in_dim3A_239 : f32 to vector<16xf32>
    %swap3A_241 = arith.constant 512 : index
    %swap3A_242 = tpu.vector_load %arg7[%swap3A_241] {strides = array<i32>} : memref<640xf32, #tpu.memory_space<vmem>>, vector<16xf32>,
    %swap3A_243 = vector.shape_cast %swap3A_242 : vector<16xf32> to vector<16xf32>
    %swap3A_244 = vector.shape_cast %broadcast_in_dim3A_240 : vector<16xf32> to vector<16xf32>
    tpu.vector_store %arg7[%swap3A_241], %swap3A_244 {strides = array<i32>} : memref<640xf32, #tpu.memory_space<vmem>>, vector<16xf32>,
    %broadcast_in_dim3A_245 = arith.constant 0.000000e+00 : f32
    %broadcast_in_dim3A_246 = vector.broadcast %broadcast_in_dim3A_245 : f32 to vector<16xf32>
    %swap3A_247 = arith.constant 528 : index
    %swap3A_248 = tpu.vector_load %arg7[%swap3A_247] {strides = array<i32>} : memref<640xf32, #tpu.memory_space<vmem>>, vector<16xf32>,
    %swap3A_249 = vector.shape_cast %swap3A_248 : vector<16xf32> to vector<16xf32>
    %swap3A_250 = vector.shape_cast %broadcast_in_dim3A_246 : vector<16xf32> to vector<16xf32>
    tpu.vector_store %arg7[%swap3A_247], %swap3A_250 {strides = array<i32>} : memref<640xf32, #tpu.memory_space<vmem>>, vector<16xf32>,
    %broadcast_in_dim3A_251 = arith.constant 0.000000e+00 : f32
    %broadcast_in_dim3A_252 = vector.broadcast %broadcast_in_dim3A_251 : f32 to vector<16xf32>
    %swap3A_253 = arith.constant 544 : index
    %swap3A_254 = tpu.vector_load %arg7[%swap3A_253] {strides = array<i32>} : memref<640xf32, #tpu.memory_space<vmem>>, vector<16xf32>,
    %swap3A_255 = vector.shape_cast %swap3A_254 : vector<16xf32> to vector<16xf32>
    %swap3A_256 = vector.shape_cast %broadcast_in_dim3A_252 : vector<16xf32> to vector<16xf32>
    tpu.vector_store %arg7[%swap3A_253], %swap3A_256 {strides = array<i32>} : memref<640xf32, #tpu.memory_space<vmem>>, vector<16xf32>,
    %broadcast_in_dim3A_257 = arith.constant 0.000000e+00 : f32
    %broadcast_in_dim3A_258 = vector.broadcast %broadcast_in_dim3A_257 : f32 to vector<16xf32>
    %swap3A_259 = arith.constant 560 : index
    %swap3A_260 = tpu.vector_load %arg7[%swap3A_259] {strides = array<i32>} : memref<640xf32, #tpu.memory_space<vmem>>, vector<16xf32>,
    %swap3A_261 = vector.shape_cast %swap3A_260 : vector<16xf32> to vector<16xf32>
    %swap3A_262 = vector.shape_cast %broadcast_in_dim3A_258 : vector<16xf32> to vector<16xf32>
    tpu.vector_store %arg7[%swap3A_259], %swap3A_262 {strides = array<i32>} : memref<640xf32, #tpu.memory_space<vmem>>, vector<16xf32>,
    %broadcast_in_dim3A_263 = arith.constant 0.000000e+00 : f32
    %broadcast_in_dim3A_264 = vector.broadcast %broadcast_in_dim3A_263 : f32 to vector<16xf32>
    %swap3A_265 = arith.constant 576 : index
    %swap3A_266 = tpu.vector_load %arg7[%swap3A_265] {strides = array<i32>} : memref<640xf32, #tpu.memory_space<vmem>>, vector<16xf32>,
    %swap3A_267 = vector.shape_cast %swap3A_266 : vector<16xf32> to vector<16xf32>
    %swap3A_268 = vector.shape_cast %broadcast_in_dim3A_264 : vector<16xf32> to vector<16xf32>
    tpu.vector_store %arg7[%swap3A_265], %swap3A_268 {strides = array<i32>} : memref<640xf32, #tpu.memory_space<vmem>>, vector<16xf32>,
    %broadcast_in_dim3A_269 = arith.constant 0.000000e+00 : f32
    %broadcast_in_dim3A_270 = vector.broadcast %broadcast_in_dim3A_269 : f32 to vector<16xf32>
    %swap3A_271 = arith.constant 592 : index
    %swap3A_272 = tpu.vector_load %arg7[%swap3A_271] {strides = array<i32>} : memref<640xf32, #tpu.memory_space<vmem>>, vector<16xf32>,
    %swap3A_273 = vector.shape_cast %swap3A_272 : vector<16xf32> to vector<16xf32>
    %swap3A_274 = vector.shape_cast %broadcast_in_dim3A_270 : vector<16xf32> to vector<16xf32>
    tpu.vector_store %arg7[%swap3A_271], %swap3A_274 {strides = array<i32>} : memref<640xf32, #tpu.memory_space<vmem>>, vector<16xf32>,
    %broadcast_in_dim3A_275 = arith.constant 0.000000e+00 : f32
    %broadcast_in_dim3A_276 = vector.broadcast %broadcast_in_dim3A_275 : f32 to vector<16xf32>
    %swap3A_277 = arith.constant 608 : index
    %swap3A_278 = tpu.vector_load %arg7[%swap3A_277] {strides = array<i32>} : memref<640xf32, #tpu.memory_space<vmem>>, vector<16xf32>,
    %swap3A_279 = vector.shape_cast %swap3A_278 : vector<16xf32> to vector<16xf32>
    %swap3A_280 = vector.shape_cast %broadcast_in_dim3A_276 : vector<16xf32> to vector<16xf32>
    tpu.vector_store %arg7[%swap3A_277], %swap3A_280 {strides = array<i32>} : memref<640xf32, #tpu.memory_space<vmem>>, vector<16xf32>,
    %broadcast_in_dim3A_281 = arith.constant 0.000000e+00 : f32
    %broadcast_in_dim3A_282 = vector.broadcast %broadcast_in_dim3A_281 : f32 to vector<16xf32>
    %swap3A_283 = arith.constant 624 : index
    %swap3A_284 = tpu.vector_load %arg7[%swap3A_283] {strides = array<i32>} : memref<640xf32, #tpu.memory_space<vmem>>, vector<16xf32>,
    %swap3A_285 = vector.shape_cast %swap3A_284 : vector<16xf32> to vector<16xf32>
    %swap3A_286 = vector.shape_cast %broadcast_in_dim3A_282 : vector<16xf32> to vector<16xf32>
    tpu.vector_store %arg7[%swap3A_283], %swap3A_286 {strides = array<i32>} : memref<640xf32, #tpu.memory_space<vmem>>, vector<16xf32>,
    %mul3A_287 = arith.constant 640 : i32
    %mul3A_288 = arith.muli %arg1, %mul3A_287 : i32
    "tpu.region"() ({
      %run_scoped3A = tpu.sem_alloc : memref<!tpu.dma_semaphore, #tpu.memory_space<semaphore_mem>>
      %dma_start3A = tpu.memref_slice %arg8[%mul3A_288] : memref<10240xf32, #tpu.memory_space<vmem_shared>> -> memref<640xf32, #tpu.memory_space<vmem_shared>>
      %dma_start3A_299 = tpu.memref_slice %arg8[%mul3A_288] : memref<10240xf32, #tpu.memory_space<vmem_shared>> -> memref<640xf32, #tpu.memory_space<vmem_shared>>
      tpu.enqueue_dma source(%arg7 : memref<640xf32, #tpu.memory_space<vmem>>) target(%dma_start3A_299 : memref<640xf32, #tpu.memory_space<vmem_shared>>) target_semaphore(%run_scoped3A : memref<!tpu.dma_semaphore, #tpu.memory_space<semaphore_mem>>)
      %dma_wait3A = tpu.memref_slice %arg8[%mul3A_288] : memref<10240xf32, #tpu.memory_space<vmem_shared>> -> memref<640xf32, #tpu.memory_space<vmem_shared>>
      %dma_wait3A_300 = tpu.memref_slice %arg8[%mul3A_288] : memref<10240xf32, #tpu.memory_space<vmem_shared>> -> memref<640xf32, #tpu.memory_space<vmem_shared>>
      tpu.wait_dma2 semaphore(%run_scoped3A : memref<!tpu.dma_semaphore, #tpu.memory_space<semaphore_mem>>) src(%arg7 : memref<640xf32, #tpu.memory_space<vmem>>) dst(%dma_wait3A_300 : memref<640xf32, #tpu.memory_space<vmem_shared>>)
      tpu.yield
    }) : () -> ()
    %barrier3A = arith.constant 0 : index
    tpu.barrier barrier_id(%barrier3A)
    "tpu.region"() ({
      %run_scoped3A = tpu.sem_alloc : memref<!tpu.dma_semaphore, #tpu.memory_space<semaphore_mem>>
      %dma_start3A = arith.constant 0 : i32
      %dma_start3A_299 = arith.constant 0 : i32
      %dma_start3A_300 = tpu.memref_slice %arg2[%add3A, %dma_start3A, %dma_start3A_299] : memref<32x79x128xi32, #tpu.memory_space<hbm>> -> memref<1x79x128xi32, #tpu.memory_space<hbm>>
      %dma_start3A_301 = tpu.memref_squeeze %dma_start3A_300 : memref<1x79x128xi32, #tpu.memory_space<hbm>> -> memref<79x128xi32, #tpu.memory_space<hbm>>
      %dma_start3A_302 = arith.constant 0 : i32
      %dma_start3A_303 = arith.constant 0 : i32
      %dma_start3A_304 = tpu.memref_slice %arg2[%add3A, %dma_start3A_302, %dma_start3A_303] : memref<32x79x128xi32, #tpu.memory_space<hbm>> -> memref<1x79x128xi32, #tpu.memory_space<hbm>>
      %dma_start3A_305 = tpu.memref_squeeze %dma_start3A_304 : memref<1x79x128xi32, #tpu.memory_space<hbm>> -> memref<79x128xi32, #tpu.memory_space<hbm>>
      tpu.enqueue_dma source(%dma_start3A_305 : memref<79x128xi32, #tpu.memory_space<hbm>>) target(%arg4 : memref<79x128xi32, #tpu.memory_space<vmem>>) target_semaphore(%run_scoped3A : memref<!tpu.dma_semaphore, #tpu.memory_space<semaphore_mem>>)
      %dma_wait3A = arith.constant 0 : i32
      %dma_wait3A_306 = arith.constant 0 : i32
      %dma_wait3A_307 = tpu.memref_slice %arg2[%add3A, %dma_wait3A, %dma_wait3A_306] : memref<32x79x128xi32, #tpu.memory_space<hbm>> -> memref<1x79x128xi32, #tpu.memory_space<hbm>>
      %dma_wait3A_308 = tpu.memref_squeeze %dma_wait3A_307 : memref<1x79x128xi32, #tpu.memory_space<hbm>> -> memref<79x128xi32, #tpu.memory_space<hbm>>
      %dma_wait3A_309 = arith.constant 0 : i32
      %dma_wait3A_310 = arith.constant 0 : i32
      %dma_wait3A_311 = tpu.memref_slice %arg2[%add3A, %dma_wait3A_309, %dma_wait3A_310] : memref<32x79x128xi32, #tpu.memory_space<hbm>> -> memref<1x79x128xi32, #tpu.memory_space<hbm>>
      %dma_wait3A_312 = tpu.memref_squeeze %dma_wait3A_311 : memref<1x79x128xi32, #tpu.memory_space<hbm>> -> memref<79x128xi32, #tpu.memory_space<hbm>>
      tpu.wait_dma2 semaphore(%run_scoped3A : memref<!tpu.dma_semaphore, #tpu.memory_space<semaphore_mem>>) src(%dma_wait3A_312 : memref<79x128xi32, #tpu.memory_space<hbm>>) dst(%arg4 : memref<79x128xi32, #tpu.memory_space<vmem>>)
      tpu.yield
    }) : () -> ()
    %scan3A = arith.constant 0 : i32
    %scan3A_289 = arith.constant 0 : i32
    %scan3A_290 = arith.constant 79 : i32
    %scan3A_291 = arith.addi %scan3A_289, %scan3A_290 : i32
    %scan3A_292 = arith.constant 1 : i32
    scf.for %scan3A_299 = %scan3A_289 to %scan3A_291 step %scan3A_292  : i32 {
      %get3A = arith.index_cast %scan3A_299 : i32 to index
      %get3A_300 = arith.constant 0 : index
      %get3A_301 = tpu.vector_load %arg4[%get3A, %get3A_300] {strides = array<i32>} : memref<79x128xi32, #tpu.memory_space<vmem>>, vector<1x16xi32>,
      %get3A_302 = vector.shape_cast %get3A_301 : vector<1x16xi32> to vector<16xi32>
      %shift_right_logical3A = arith.constant 14 : i32
      %shift_right_logical3A_303 = vector.broadcast %shift_right_logical3A : i32 to vector<16xi32>
      %shift_right_logical3A_304 = arith.shrui %get3A_302, %shift_right_logical3A_303 : vector<16xi32>
      %swap3A_305 = arith.constant 0 : index
      %swap3A_306 = tpu.vector_load %arg5[%swap3A_305] {strides = array<i32>} : memref<128xi32, #tpu.memory_space<vmem>>, vector<16xi32>,
      %swap3A_307 = vector.shape_cast %swap3A_306 : vector<16xi32> to vector<16xi32>
      %swap3A_308 = vector.shape_cast %shift_right_logical3A_304 : vector<16xi32> to vector<16xi32>
      tpu.vector_store %arg5[%swap3A_305], %swap3A_308 {strides = array<i32>} : memref<128xi32, #tpu.memory_space<vmem>>, vector<16xi32>,
      %get3A_309 = arith.index_cast %scan3A_299 : i32 to index
      %get3A_310 = arith.constant 16 : index
      %get3A_311 = tpu.vector_load %arg4[%get3A_309, %get3A_310] {strides = array<i32>} : memref<79x128xi32, #tpu.memory_space<vmem>>, vector<1x16xi32>,
      %get3A_312 = vector.shape_cast %get3A_311 : vector<1x16xi32> to vector<16xi32>
      %shift_right_logical3A_313 = arith.constant 14 : i32
      %shift_right_logical3A_314 = vector.broadcast %shift_right_logical3A_313 : i32 to vector<16xi32>
      %shift_right_logical3A_315 = arith.shrui %get3A_312, %shift_right_logical3A_314 : vector<16xi32>
      %swap3A_316 = arith.constant 16 : index
      %swap3A_317 = tpu.vector_load %arg5[%swap3A_316] {strides = array<i32>} : memref<128xi32, #tpu.memory_space<vmem>>, vector<16xi32>,
      %swap3A_318 = vector.shape_cast %swap3A_317 : vector<16xi32> to vector<16xi32>
      %swap3A_319 = vector.shape_cast %shift_right_logical3A_315 : vector<16xi32> to vector<16xi32>
      tpu.vector_store %arg5[%swap3A_316], %swap3A_319 {strides = array<i32>} : memref<128xi32, #tpu.memory_space<vmem>>, vector<16xi32>,
      %get3A_320 = arith.index_cast %scan3A_299 : i32 to index
      %get3A_321 = arith.constant 32 : index
      %get3A_322 = tpu.vector_load %arg4[%get3A_320, %get3A_321] {strides = array<i32>} : memref<79x128xi32, #tpu.memory_space<vmem>>, vector<1x16xi32>,
      %get3A_323 = vector.shape_cast %get3A_322 : vector<1x16xi32> to vector<16xi32>
      %shift_right_logical3A_324 = arith.constant 14 : i32
      %shift_right_logical3A_325 = vector.broadcast %shift_right_logical3A_324 : i32 to vector<16xi32>
      %shift_right_logical3A_326 = arith.shrui %get3A_323, %shift_right_logical3A_325 : vector<16xi32>
      %swap3A_327 = arith.constant 32 : index
      %swap3A_328 = tpu.vector_load %arg5[%swap3A_327] {strides = array<i32>} : memref<128xi32, #tpu.memory_space<vmem>>, vector<16xi32>,
      %swap3A_329 = vector.shape_cast %swap3A_328 : vector<16xi32> to vector<16xi32>
      %swap3A_330 = vector.shape_cast %shift_right_logical3A_326 : vector<16xi32> to vector<16xi32>
      tpu.vector_store %arg5[%swap3A_327], %swap3A_330 {strides = array<i32>} : memref<128xi32, #tpu.memory_space<vmem>>, vector<16xi32>,
      %get3A_331 = arith.index_cast %scan3A_299 : i32 to index
      %get3A_332 = arith.constant 48 : index
      %get3A_333 = tpu.vector_load %arg4[%get3A_331, %get3A_332] {strides = array<i32>} : memref<79x128xi32, #tpu.memory_space<vmem>>, vector<1x16xi32>,
      %get3A_334 = vector.shape_cast %get3A_333 : vector<1x16xi32> to vector<16xi32>
      %shift_right_logical3A_335 = arith.constant 14 : i32
      %shift_right_logical3A_336 = vector.broadcast %shift_right_logical3A_335 : i32 to vector<16xi32>
      %shift_right_logical3A_337 = arith.shrui %get3A_334, %shift_right_logical3A_336 : vector<16xi32>
      %swap3A_338 = arith.constant 48 : index
      %swap3A_339 = tpu.vector_load %arg5[%swap3A_338] {strides = array<i32>} : memref<128xi32, #tpu.memory_space<vmem>>, vector<16xi32>,
      %swap3A_340 = vector.shape_cast %swap3A_339 : vector<16xi32> to vector<16xi32>
      %swap3A_341 = vector.shape_cast %shift_right_logical3A_337 : vector<16xi32> to vector<16xi32>
      tpu.vector_store %arg5[%swap3A_338], %swap3A_341 {strides = array<i32>} : memref<128xi32, #tpu.memory_space<vmem>>, vector<16xi32>,
      %get3A_342 = arith.index_cast %scan3A_299 : i32 to index
      %get3A_343 = arith.constant 64 : index
      %get3A_344 = tpu.vector_load %arg4[%get3A_342, %get3A_343] {strides = array<i32>} : memref<79x128xi32, #tpu.memory_space<vmem>>, vector<1x16xi32>,
      %get3A_345 = vector.shape_cast %get3A_344 : vector<1x16xi32> to vector<16xi32>
      %shift_right_logical3A_346 = arith.constant 14 : i32
      %shift_right_logical3A_347 = vector.broadcast %shift_right_logical3A_346 : i32 to vector<16xi32>
      %shift_right_logical3A_348 = arith.shrui %get3A_345, %shift_right_logical3A_347 : vector<16xi32>
      %swap3A_349 = arith.constant 64 : index
      %swap3A_350 = tpu.vector_load %arg5[%swap3A_349] {strides = array<i32>} : memref<128xi32, #tpu.memory_space<vmem>>, vector<16xi32>,
      %swap3A_351 = vector.shape_cast %swap3A_350 : vector<16xi32> to vector<16xi32>
      %swap3A_352 = vector.shape_cast %shift_right_logical3A_348 : vector<16xi32> to vector<16xi32>
      tpu.vector_store %arg5[%swap3A_349], %swap3A_352 {strides = array<i32>} : memref<128xi32, #tpu.memory_space<vmem>>, vector<16xi32>,
      %get3A_353 = arith.index_cast %scan3A_299 : i32 to index
      %get3A_354 = arith.constant 80 : index
      %get3A_355 = tpu.vector_load %arg4[%get3A_353, %get3A_354] {strides = array<i32>} : memref<79x128xi32, #tpu.memory_space<vmem>>, vector<1x16xi32>,
      %get3A_356 = vector.shape_cast %get3A_355 : vector<1x16xi32> to vector<16xi32>
      %shift_right_logical3A_357 = arith.constant 14 : i32
      %shift_right_logical3A_358 = vector.broadcast %shift_right_logical3A_357 : i32 to vector<16xi32>
      %shift_right_logical3A_359 = arith.shrui %get3A_356, %shift_right_logical3A_358 : vector<16xi32>
      %swap3A_360 = arith.constant 80 : index
      %swap3A_361 = tpu.vector_load %arg5[%swap3A_360] {strides = array<i32>} : memref<128xi32, #tpu.memory_space<vmem>>, vector<16xi32>,
      %swap3A_362 = vector.shape_cast %swap3A_361 : vector<16xi32> to vector<16xi32>
      %swap3A_363 = vector.shape_cast %shift_right_logical3A_359 : vector<16xi32> to vector<16xi32>
      tpu.vector_store %arg5[%swap3A_360], %swap3A_363 {strides = array<i32>} : memref<128xi32, #tpu.memory_space<vmem>>, vector<16xi32>,
      %get3A_364 = arith.index_cast %scan3A_299 : i32 to index
      %get3A_365 = arith.constant 96 : index
      %get3A_366 = tpu.vector_load %arg4[%get3A_364, %get3A_365] {strides = array<i32>} : memref<79x128xi32, #tpu.memory_space<vmem>>, vector<1x16xi32>,
      %get3A_367 = vector.shape_cast %get3A_366 : vector<1x16xi32> to vector<16xi32>
      %shift_right_logical3A_368 = arith.constant 14 : i32
      %shift_right_logical3A_369 = vector.broadcast %shift_right_logical3A_368 : i32 to vector<16xi32>
      %shift_right_logical3A_370 = arith.shrui %get3A_367, %shift_right_logical3A_369 : vector<16xi32>
      %swap3A_371 = arith.constant 96 : index
      %swap3A_372 = tpu.vector_load %arg5[%swap3A_371] {strides = array<i32>} : memref<128xi32, #tpu.memory_space<vmem>>, vector<16xi32>,
      %swap3A_373 = vector.shape_cast %swap3A_372 : vector<16xi32> to vector<16xi32>
      %swap3A_374 = vector.shape_cast %shift_right_logical3A_370 : vector<16xi32> to vector<16xi32>
      tpu.vector_store %arg5[%swap3A_371], %swap3A_374 {strides = array<i32>} : memref<128xi32, #tpu.memory_space<vmem>>, vector<16xi32>,
      %get3A_375 = arith.index_cast %scan3A_299 : i32 to index
      %get3A_376 = arith.constant 112 : index
      %get3A_377 = tpu.vector_load %arg4[%get3A_375, %get3A_376] {strides = array<i32>} : memref<79x128xi32, #tpu.memory_space<vmem>>, vector<1x16xi32>,
      %get3A_378 = vector.shape_cast %get3A_377 : vector<1x16xi32> to vector<16xi32>
      %shift_right_logical3A_379 = arith.constant 14 : i32
      %shift_right_logical3A_380 = vector.broadcast %shift_right_logical3A_379 : i32 to vector<16xi32>
      %shift_right_logical3A_381 = arith.shrui %get3A_378, %shift_right_logical3A_380 : vector<16xi32>
      %swap3A_382 = arith.constant 112 : index
      %swap3A_383 = tpu.vector_load %arg5[%swap3A_382] {strides = array<i32>} : memref<128xi32, #tpu.memory_space<vmem>>, vector<16xi32>,
      %swap3A_384 = vector.shape_cast %swap3A_383 : vector<16xi32> to vector<16xi32>
      %swap3A_385 = vector.shape_cast %shift_right_logical3A_381 : vector<16xi32> to vector<16xi32>
      tpu.vector_store %arg5[%swap3A_382], %swap3A_385 {strides = array<i32>} : memref<128xi32, #tpu.memory_space<vmem>>, vector<16xi32>,
      "tpu.region"() ({
        %run_scoped3A = tpu.sem_alloc : memref<!tpu.dma_semaphore, #tpu.memory_space<semaphore_mem>>
        %dma_start3A = arith.constant 0 : i32
        %dma_start3A_386 = tpu.memref_slice %arg8[%dma_start3A] : memref<10240xf32, #tpu.memory_space<vmem_shared>> -> memref<10240xf32, #tpu.memory_space<vmem_shared>>
        tpu.enqueue_indirect_dma source(%arg6 : memref<128xf32, #tpu.memory_space<vmem>>) target(%dma_start3A_386 : memref<10240xf32, #tpu.memory_space<vmem_shared>>) offsets(%arg5 : memref<128xi32, #tpu.memory_space<vmem>>) semaphore(%run_scoped3A : memref<!tpu.dma_semaphore, #tpu.memory_space<semaphore_mem>>) {add = true}
        %dma_wait3A = arith.constant 0 : i32
        %dma_wait3A_387 = tpu.memref_slice %arg8[%dma_wait3A] : memref<10240xf32, #tpu.memory_space<vmem_shared>> -> memref<10240xf32, #tpu.memory_space<vmem_shared>>
        tpu.wait_indirect_dma semaphore(%run_scoped3A : memref<!tpu.dma_semaphore, #tpu.memory_space<semaphore_mem>>) src(%arg6 : memref<128xf32, #tpu.memory_space<vmem>>) dst(%dma_wait3A_387 : memref<10240xf32, #tpu.memory_space<vmem_shared>>)
        tpu.yield
      }) : () -> ()
    }
    %scan3A_293 = arith.constant 79 : i32
    %barrier3A_294 = arith.constant 0 : index
    tpu.barrier barrier_id(%barrier3A_294)
    %mul3A_295 = arith.constant 640 : i32
    %mul3A_296 = arith.muli %arg1, %mul3A_295 : i32
    %mul3A_297 = arith.constant 640 : i32
    %mul3A_298 = arith.muli %arg1, %mul3A_297 : i32
    "tpu.region"() ({
      %run_scoped3A = tpu.sem_alloc : memref<!tpu.dma_semaphore, #tpu.memory_space<semaphore_mem>>
      %dma_start3A = arith.constant 0 : i32
      %dma_start3A_299 = tpu.memref_slice %arg3[%arg0, %dma_start3A] : memref<2x10240xf32, #tpu.memory_space<hbm>> -> memref<1x10240xf32, #tpu.memory_space<hbm>>
      %dma_start3A_300 = tpu.memref_squeeze %dma_start3A_299 : memref<1x10240xf32, #tpu.memory_space<hbm>> -> memref<10240xf32, #tpu.memory_space<hbm>>
      %dma_start3A_301 = tpu.memref_slice %dma_start3A_300[%mul3A_298] : memref<10240xf32, #tpu.memory_space<hbm>> -> memref<640xf32, #tpu.memory_space<hbm>>
      %dma_start3A_302 = tpu.memref_slice %arg8[%mul3A_296] : memref<10240xf32, #tpu.memory_space<vmem_shared>> -> memref<640xf32, #tpu.memory_space<vmem_shared>>
      tpu.enqueue_dma source(%dma_start3A_302 : memref<640xf32, #tpu.memory_space<vmem_shared>>) target(%dma_start3A_301 : memref<640xf32, #tpu.memory_space<hbm>>) target_semaphore(%run_scoped3A : memref<!tpu.dma_semaphore, #tpu.memory_space<semaphore_mem>>)
      %dma_wait3A = arith.constant 0 : i32
      %dma_wait3A_303 = tpu.memref_slice %arg3[%arg0, %dma_wait3A] : memref<2x10240xf32, #tpu.memory_space<hbm>> -> memref<1x10240xf32, #tpu.memory_space<hbm>>
      %dma_wait3A_304 = tpu.memref_squeeze %dma_wait3A_303 : memref<1x10240xf32, #tpu.memory_space<hbm>> -> memref<10240xf32, #tpu.memory_space<hbm>>
      %dma_wait3A_305 = tpu.memref_slice %dma_wait3A_304[%mul3A_298] : memref<10240xf32, #tpu.memory_space<hbm>> -> memref<640xf32, #tpu.memory_space<hbm>>
      %dma_wait3A_306 = tpu.memref_slice %arg8[%mul3A_296] : memref<10240xf32, #tpu.memory_space<vmem_shared>> -> memref<640xf32, #tpu.memory_space<vmem_shared>>
      tpu.wait_dma2 semaphore(%run_scoped3A : memref<!tpu.dma_semaphore, #tpu.memory_space<semaphore_mem>>) src(%dma_wait3A_306 : memref<640xf32, #tpu.memory_space<vmem_shared>>) dst(%dma_wait3A_305 : memref<640xf32, #tpu.memory_space<hbm>>)
      tpu.yield
    }) : () -> ()
    return
  }
}

#map = affine_map<(d0, d1) -> (0, 0, 0)>
module attributes {stable_mosaic.version = 14 : i64} {
  func.func @_conv(%arg0: i32, %arg1: i32, %arg2: memref<2x10000x64xf32, #tpu.memory_space<hbm>>, %arg3: memref<16x158x128xi32, #tpu.memory_space<hbm>>, %arg4: memref<2x10240x64xf32, #tpu.memory_space<hbm>>, %arg5: memref<158x128xi32, #tpu.memory_space<vmem>>, %arg6: memref<128xi32, #tpu.memory_space<vmem>>, %arg7: memref<128xi32, #tpu.memory_space<vmem>>, %arg8: memref<128xi32, #tpu.memory_space<vmem>>, %arg9: memref<128x64xf32, #tpu.memory_space<vmem>>, %arg10: memref<128x64xf32, #tpu.memory_space<vmem>>, %arg11: memref<16x64xf32, #tpu.memory_space<vmem>>, %arg12: memref<10000x64xf32, #tpu.memory_space<vmem_shared>>, %arg13: memref<10240x64xf32, #tpu.memory_space<vmem_shared>>, %arg14: memref<!tpu.dma_semaphore, #tpu.memory_space<semaphore_mem>>, %arg15: memref<!tpu.dma_semaphore, #tpu.memory_space<semaphore_mem>>) attributes {dimension_semantics = [#tpu.dimension_semantics<core_parallel>, #tpu.dimension_semantics<subcore_parallel>], iteration_bounds = array<i64: 2, 16>, scalar_prefetch = 0 : i64, scratch_operands = 11 : i64, tpu.core_type = #tpu.core_type<sc_vector_subcore>, window_params = [{transform_indices = #map}, {transform_indices = #map}, {transform_indices = #map}]} {
    %broadcast_in_dim3A = arith.constant 0.000000e+00 : f32
    %broadcast_in_dim3A_0 = vector.broadcast %broadcast_in_dim3A : f32 to vector<16xf32>
    %swap3A = arith.constant 0 : i32
    %swap3A_1 = arith.index_cast %swap3A : i32 to index
    %swap3A_2 = arith.constant 0 : index
    %swap3A_3 = tpu.vector_load %arg11[%swap3A_1, %swap3A_2] {strides = array<i32>} : memref<16x64xf32, #tpu.memory_space<vmem>>, vector<1x16xf32>,
    %swap3A_4 = vector.shape_cast %swap3A_3 : vector<1x16xf32> to vector<16xf32>
    %swap3A_5 = vector.shape_cast %broadcast_in_dim3A_0 : vector<16xf32> to vector<1x16xf32>
    tpu.vector_store %arg11[%swap3A_1, %swap3A_2], %swap3A_5 {strides = array<i32>} : memref<16x64xf32, #tpu.memory_space<vmem>>, vector<1x16xf32>,
    %broadcast_in_dim3A_6 = arith.constant 0.000000e+00 : f32
    %broadcast_in_dim3A_7 = vector.broadcast %broadcast_in_dim3A_6 : f32 to vector<16xf32>
    %swap3A_8 = arith.constant 0 : i32
    %swap3A_9 = arith.index_cast %swap3A_8 : i32 to index
    %swap3A_10 = arith.constant 16 : index
    %swap3A_11 = tpu.vector_load %arg11[%swap3A_9, %swap3A_10] {strides = array<i32>} : memref<16x64xf32, #tpu.memory_space<vmem>>, vector<1x16xf32>,
    %swap3A_12 = vector.shape_cast %swap3A_11 : vector<1x16xf32> to vector<16xf32>
    %swap3A_13 = vector.shape_cast %broadcast_in_dim3A_7 : vector<16xf32> to vector<1x16xf32>
    tpu.vector_store %arg11[%swap3A_9, %swap3A_10], %swap3A_13 {strides = array<i32>} : memref<16x64xf32, #tpu.memory_space<vmem>>, vector<1x16xf32>,
    %broadcast_in_dim3A_14 = arith.constant 0.000000e+00 : f32
    %broadcast_in_dim3A_15 = vector.broadcast %broadcast_in_dim3A_14 : f32 to vector<16xf32>
    %swap3A_16 = arith.constant 0 : i32
    %swap3A_17 = arith.index_cast %swap3A_16 : i32 to index
    %swap3A_18 = arith.constant 32 : index
    %swap3A_19 = tpu.vector_load %arg11[%swap3A_17, %swap3A_18] {strides = array<i32>} : memref<16x64xf32, #tpu.memory_space<vmem>>, vector<1x16xf32>,
    %swap3A_20 = vector.shape_cast %swap3A_19 : vector<1x16xf32> to vector<16xf32>
    %swap3A_21 = vector.shape_cast %broadcast_in_dim3A_15 : vector<16xf32> to vector<1x16xf32>
    tpu.vector_store %arg11[%swap3A_17, %swap3A_18], %swap3A_21 {strides = array<i32>} : memref<16x64xf32, #tpu.memory_space<vmem>>, vector<1x16xf32>,
    %broadcast_in_dim3A_22 = arith.constant 0.000000e+00 : f32
    %broadcast_in_dim3A_23 = vector.broadcast %broadcast_in_dim3A_22 : f32 to vector<16xf32>
    %swap3A_24 = arith.constant 0 : i32
    %swap3A_25 = arith.index_cast %swap3A_24 : i32 to index
    %swap3A_26 = arith.constant 48 : index
    %swap3A_27 = tpu.vector_load %arg11[%swap3A_25, %swap3A_26] {strides = array<i32>} : memref<16x64xf32, #tpu.memory_space<vmem>>, vector<1x16xf32>,
    %swap3A_28 = vector.shape_cast %swap3A_27 : vector<1x16xf32> to vector<16xf32>
    %swap3A_29 = vector.shape_cast %broadcast_in_dim3A_23 : vector<16xf32> to vector<1x16xf32>
    tpu.vector_store %arg11[%swap3A_25, %swap3A_26], %swap3A_29 {strides = array<i32>} : memref<16x64xf32, #tpu.memory_space<vmem>>, vector<1x16xf32>,
    %broadcast_in_dim3A_30 = arith.constant 0.000000e+00 : f32
    %broadcast_in_dim3A_31 = vector.broadcast %broadcast_in_dim3A_30 : f32 to vector<16xf32>
    %swap3A_32 = arith.constant 1 : i32
    %swap3A_33 = arith.index_cast %swap3A_32 : i32 to index
    %swap3A_34 = arith.constant 0 : index
    %swap3A_35 = tpu.vector_load %arg11[%swap3A_33, %swap3A_34] {strides = array<i32>} : memref<16x64xf32, #tpu.memory_space<vmem>>, vector<1x16xf32>,
    %swap3A_36 = vector.shape_cast %swap3A_35 : vector<1x16xf32> to vector<16xf32>
    %swap3A_37 = vector.shape_cast %broadcast_in_dim3A_31 : vector<16xf32> to vector<1x16xf32>
    tpu.vector_store %arg11[%swap3A_33, %swap3A_34], %swap3A_37 {strides = array<i32>} : memref<16x64xf32, #tpu.memory_space<vmem>>, vector<1x16xf32>,
    %broadcast_in_dim3A_38 = arith.constant 0.000000e+00 : f32
    %broadcast_in_dim3A_39 = vector.broadcast %broadcast_in_dim3A_38 : f32 to vector<16xf32>
    %swap3A_40 = arith.constant 1 : i32
    %swap3A_41 = arith.index_cast %swap3A_40 : i32 to index
    %swap3A_42 = arith.constant 16 : index
    %swap3A_43 = tpu.vector_load %arg11[%swap3A_41, %swap3A_42] {strides = array<i32>} : memref<16x64xf32, #tpu.memory_space<vmem>>, vector<1x16xf32>,
    %swap3A_44 = vector.shape_cast %swap3A_43 : vector<1x16xf32> to vector<16xf32>
    %swap3A_45 = vector.shape_cast %broadcast_in_dim3A_39 : vector<16xf32> to vector<1x16xf32>
    tpu.vector_store %arg11[%swap3A_41, %swap3A_42], %swap3A_45 {strides = array<i32>} : memref<16x64xf32, #tpu.memory_space<vmem>>, vector<1x16xf32>,
    %broadcast_in_dim3A_46 = arith.constant 0.000000e+00 : f32
    %broadcast_in_dim3A_47 = vector.broadcast %broadcast_in_dim3A_46 : f32 to vector<16xf32>
    %swap3A_48 = arith.constant 1 : i32
    %swap3A_49 = arith.index_cast %swap3A_48 : i32 to index
    %swap3A_50 = arith.constant 32 : index
    %swap3A_51 = tpu.vector_load %arg11[%swap3A_49, %swap3A_50] {strides = array<i32>} : memref<16x64xf32, #tpu.memory_space<vmem>>, vector<1x16xf32>,
    %swap3A_52 = vector.shape_cast %swap3A_51 : vector<1x16xf32> to vector<16xf32>
    %swap3A_53 = vector.shape_cast %broadcast_in_dim3A_47 : vector<16xf32> to vector<1x16xf32>
    tpu.vector_store %arg11[%swap3A_49, %swap3A_50], %swap3A_53 {strides = array<i32>} : memref<16x64xf32, #tpu.memory_space<vmem>>, vector<1x16xf32>,
    %broadcast_in_dim3A_54 = arith.constant 0.000000e+00 : f32
    %broadcast_in_dim3A_55 = vector.broadcast %broadcast_in_dim3A_54 : f32 to vector<16xf32>
    %swap3A_56 = arith.constant 1 : i32
    %swap3A_57 = arith.index_cast %swap3A_56 : i32 to index
    %swap3A_58 = arith.constant 48 : index
    %swap3A_59 = tpu.vector_load %arg11[%swap3A_57, %swap3A_58] {strides = array<i32>} : memref<16x64xf32, #tpu.memory_space<vmem>>, vector<1x16xf32>,
    %swap3A_60 = vector.shape_cast %swap3A_59 : vector<1x16xf32> to vector<16xf32>
    %swap3A_61 = vector.shape_cast %broadcast_in_dim3A_55 : vector<16xf32> to vector<1x16xf32>
    tpu.vector_store %arg11[%swap3A_57, %swap3A_58], %swap3A_61 {strides = array<i32>} : memref<16x64xf32, #tpu.memory_space<vmem>>, vector<1x16xf32>,
    %broadcast_in_dim3A_62 = arith.constant 0.000000e+00 : f32
    %broadcast_in_dim3A_63 = vector.broadcast %broadcast_in_dim3A_62 : f32 to vector<16xf32>
    %swap3A_64 = arith.constant 2 : i32
    %swap3A_65 = arith.index_cast %swap3A_64 : i32 to index
    %swap3A_66 = arith.constant 0 : index
    %swap3A_67 = tpu.vector_load %arg11[%swap3A_65, %swap3A_66] {strides = array<i32>} : memref<16x64xf32, #tpu.memory_space<vmem>>, vector<1x16xf32>,
    %swap3A_68 = vector.shape_cast %swap3A_67 : vector<1x16xf32> to vector<16xf32>
    %swap3A_69 = vector.shape_cast %broadcast_in_dim3A_63 : vector<16xf32> to vector<1x16xf32>
    tpu.vector_store %arg11[%swap3A_65, %swap3A_66], %swap3A_69 {strides = array<i32>} : memref<16x64xf32, #tpu.memory_space<vmem>>, vector<1x16xf32>,
    %broadcast_in_dim3A_70 = arith.constant 0.000000e+00 : f32
    %broadcast_in_dim3A_71 = vector.broadcast %broadcast_in_dim3A_70 : f32 to vector<16xf32>
    %swap3A_72 = arith.constant 2 : i32
    %swap3A_73 = arith.index_cast %swap3A_72 : i32 to index
    %swap3A_74 = arith.constant 16 : index
    %swap3A_75 = tpu.vector_load %arg11[%swap3A_73, %swap3A_74] {strides = array<i32>} : memref<16x64xf32, #tpu.memory_space<vmem>>, vector<1x16xf32>,
    %swap3A_76 = vector.shape_cast %swap3A_75 : vector<1x16xf32> to vector<16xf32>
    %swap3A_77 = vector.shape_cast %broadcast_in_dim3A_71 : vector<16xf32> to vector<1x16xf32>
    tpu.vector_store %arg11[%swap3A_73, %swap3A_74], %swap3A_77 {strides = array<i32>} : memref<16x64xf32, #tpu.memory_space<vmem>>, vector<1x16xf32>,
    %broadcast_in_dim3A_78 = arith.constant 0.000000e+00 : f32
    %broadcast_in_dim3A_79 = vector.broadcast %broadcast_in_dim3A_78 : f32 to vector<16xf32>
    %swap3A_80 = arith.constant 2 : i32
    %swap3A_81 = arith.index_cast %swap3A_80 : i32 to index
    %swap3A_82 = arith.constant 32 : index
    %swap3A_83 = tpu.vector_load %arg11[%swap3A_81, %swap3A_82] {strides = array<i32>} : memref<16x64xf32, #tpu.memory_space<vmem>>, vector<1x16xf32>,
    %swap3A_84 = vector.shape_cast %swap3A_83 : vector<1x16xf32> to vector<16xf32>
    %swap3A_85 = vector.shape_cast %broadcast_in_dim3A_79 : vector<16xf32> to vector<1x16xf32>
    tpu.vector_store %arg11[%swap3A_81, %swap3A_82], %swap3A_85 {strides = array<i32>} : memref<16x64xf32, #tpu.memory_space<vmem>>, vector<1x16xf32>,
    %broadcast_in_dim3A_86 = arith.constant 0.000000e+00 : f32
    %broadcast_in_dim3A_87 = vector.broadcast %broadcast_in_dim3A_86 : f32 to vector<16xf32>
    %swap3A_88 = arith.constant 2 : i32
    %swap3A_89 = arith.index_cast %swap3A_88 : i32 to index
    %swap3A_90 = arith.constant 48 : index
    %swap3A_91 = tpu.vector_load %arg11[%swap3A_89, %swap3A_90] {strides = array<i32>} : memref<16x64xf32, #tpu.memory_space<vmem>>, vector<1x16xf32>,
    %swap3A_92 = vector.shape_cast %swap3A_91 : vector<1x16xf32> to vector<16xf32>
    %swap3A_93 = vector.shape_cast %broadcast_in_dim3A_87 : vector<16xf32> to vector<1x16xf32>
    tpu.vector_store %arg11[%swap3A_89, %swap3A_90], %swap3A_93 {strides = array<i32>} : memref<16x64xf32, #tpu.memory_space<vmem>>, vector<1x16xf32>,
    %broadcast_in_dim3A_94 = arith.constant 0.000000e+00 : f32
    %broadcast_in_dim3A_95 = vector.broadcast %broadcast_in_dim3A_94 : f32 to vector<16xf32>
    %swap3A_96 = arith.constant 3 : i32
    %swap3A_97 = arith.index_cast %swap3A_96 : i32 to index
    %swap3A_98 = arith.constant 0 : index
    %swap3A_99 = tpu.vector_load %arg11[%swap3A_97, %swap3A_98] {strides = array<i32>} : memref<16x64xf32, #tpu.memory_space<vmem>>, vector<1x16xf32>,
    %swap3A_100 = vector.shape_cast %swap3A_99 : vector<1x16xf32> to vector<16xf32>
    %swap3A_101 = vector.shape_cast %broadcast_in_dim3A_95 : vector<16xf32> to vector<1x16xf32>
    tpu.vector_store %arg11[%swap3A_97, %swap3A_98], %swap3A_101 {strides = array<i32>} : memref<16x64xf32, #tpu.memory_space<vmem>>, vector<1x16xf32>,
    %broadcast_in_dim3A_102 = arith.constant 0.000000e+00 : f32
    %broadcast_in_dim3A_103 = vector.broadcast %broadcast_in_dim3A_102 : f32 to vector<16xf32>
    %swap3A_104 = arith.constant 3 : i32
    %swap3A_105 = arith.index_cast %swap3A_104 : i32 to index
    %swap3A_106 = arith.constant 16 : index
    %swap3A_107 = tpu.vector_load %arg11[%swap3A_105, %swap3A_106] {strides = array<i32>} : memref<16x64xf32, #tpu.memory_space<vmem>>, vector<1x16xf32>,
    %swap3A_108 = vector.shape_cast %swap3A_107 : vector<1x16xf32> to vector<16xf32>
    %swap3A_109 = vector.shape_cast %broadcast_in_dim3A_103 : vector<16xf32> to vector<1x16xf32>
    tpu.vector_store %arg11[%swap3A_105, %swap3A_106], %swap3A_109 {strides = array<i32>} : memref<16x64xf32, #tpu.memory_space<vmem>>, vector<1x16xf32>,
    %broadcast_in_dim3A_110 = arith.constant 0.000000e+00 : f32
    %broadcast_in_dim3A_111 = vector.broadcast %broadcast_in_dim3A_110 : f32 to vector<16xf32>
    %swap3A_112 = arith.constant 3 : i32
    %swap3A_113 = arith.index_cast %swap3A_112 : i32 to index
    %swap3A_114 = arith.constant 32 : index
    %swap3A_115 = tpu.vector_load %arg11[%swap3A_113, %swap3A_114] {strides = array<i32>} : memref<16x64xf32, #tpu.memory_space<vmem>>, vector<1x16xf32>,
    %swap3A_116 = vector.shape_cast %swap3A_115 : vector<1x16xf32> to vector<16xf32>
    %swap3A_117 = vector.shape_cast %broadcast_in_dim3A_111 : vector<16xf32> to vector<1x16xf32>
    tpu.vector_store %arg11[%swap3A_113, %swap3A_114], %swap3A_117 {strides = array<i32>} : memref<16x64xf32, #tpu.memory_space<vmem>>, vector<1x16xf32>,
    %broadcast_in_dim3A_118 = arith.constant 0.000000e+00 : f32
    %broadcast_in_dim3A_119 = vector.broadcast %broadcast_in_dim3A_118 : f32 to vector<16xf32>
    %swap3A_120 = arith.constant 3 : i32
    %swap3A_121 = arith.index_cast %swap3A_120 : i32 to index
    %swap3A_122 = arith.constant 48 : index
    %swap3A_123 = tpu.vector_load %arg11[%swap3A_121, %swap3A_122] {strides = array<i32>} : memref<16x64xf32, #tpu.memory_space<vmem>>, vector<1x16xf32>,
    %swap3A_124 = vector.shape_cast %swap3A_123 : vector<1x16xf32> to vector<16xf32>
    %swap3A_125 = vector.shape_cast %broadcast_in_dim3A_119 : vector<16xf32> to vector<1x16xf32>
    tpu.vector_store %arg11[%swap3A_121, %swap3A_122], %swap3A_125 {strides = array<i32>} : memref<16x64xf32, #tpu.memory_space<vmem>>, vector<1x16xf32>,
    %broadcast_in_dim3A_126 = arith.constant 0.000000e+00 : f32
    %broadcast_in_dim3A_127 = vector.broadcast %broadcast_in_dim3A_126 : f32 to vector<16xf32>
    %swap3A_128 = arith.constant 4 : i32
    %swap3A_129 = arith.index_cast %swap3A_128 : i32 to index
    %swap3A_130 = arith.constant 0 : index
    %swap3A_131 = tpu.vector_load %arg11[%swap3A_129, %swap3A_130] {strides = array<i32>} : memref<16x64xf32, #tpu.memory_space<vmem>>, vector<1x16xf32>,
    %swap3A_132 = vector.shape_cast %swap3A_131 : vector<1x16xf32> to vector<16xf32>
    %swap3A_133 = vector.shape_cast %broadcast_in_dim3A_127 : vector<16xf32> to vector<1x16xf32>
    tpu.vector_store %arg11[%swap3A_129, %swap3A_130], %swap3A_133 {strides = array<i32>} : memref<16x64xf32, #tpu.memory_space<vmem>>, vector<1x16xf32>,
    %broadcast_in_dim3A_134 = arith.constant 0.000000e+00 : f32
    %broadcast_in_dim3A_135 = vector.broadcast %broadcast_in_dim3A_134 : f32 to vector<16xf32>
    %swap3A_136 = arith.constant 4 : i32
    %swap3A_137 = arith.index_cast %swap3A_136 : i32 to index
    %swap3A_138 = arith.constant 16 : index
    %swap3A_139 = tpu.vector_load %arg11[%swap3A_137, %swap3A_138] {strides = array<i32>} : memref<16x64xf32, #tpu.memory_space<vmem>>, vector<1x16xf32>,
    %swap3A_140 = vector.shape_cast %swap3A_139 : vector<1x16xf32> to vector<16xf32>
    %swap3A_141 = vector.shape_cast %broadcast_in_dim3A_135 : vector<16xf32> to vector<1x16xf32>
    tpu.vector_store %arg11[%swap3A_137, %swap3A_138], %swap3A_141 {strides = array<i32>} : memref<16x64xf32, #tpu.memory_space<vmem>>, vector<1x16xf32>,
    %broadcast_in_dim3A_142 = arith.constant 0.000000e+00 : f32
    %broadcast_in_dim3A_143 = vector.broadcast %broadcast_in_dim3A_142 : f32 to vector<16xf32>
    %swap3A_144 = arith.constant 4 : i32
    %swap3A_145 = arith.index_cast %swap3A_144 : i32 to index
    %swap3A_146 = arith.constant 32 : index
    %swap3A_147 = tpu.vector_load %arg11[%swap3A_145, %swap3A_146] {strides = array<i32>} : memref<16x64xf32, #tpu.memory_space<vmem>>, vector<1x16xf32>,
    %swap3A_148 = vector.shape_cast %swap3A_147 : vector<1x16xf32> to vector<16xf32>
    %swap3A_149 = vector.shape_cast %broadcast_in_dim3A_143 : vector<16xf32> to vector<1x16xf32>
    tpu.vector_store %arg11[%swap3A_145, %swap3A_146], %swap3A_149 {strides = array<i32>} : memref<16x64xf32, #tpu.memory_space<vmem>>, vector<1x16xf32>,
    %broadcast_in_dim3A_150 = arith.constant 0.000000e+00 : f32
    %broadcast_in_dim3A_151 = vector.broadcast %broadcast_in_dim3A_150 : f32 to vector<16xf32>
    %swap3A_152 = arith.constant 4 : i32
    %swap3A_153 = arith.index_cast %swap3A_152 : i32 to index
    %swap3A_154 = arith.constant 48 : index
    %swap3A_155 = tpu.vector_load %arg11[%swap3A_153, %swap3A_154] {strides = array<i32>} : memref<16x64xf32, #tpu.memory_space<vmem>>, vector<1x16xf32>,
    %swap3A_156 = vector.shape_cast %swap3A_155 : vector<1x16xf32> to vector<16xf32>
    %swap3A_157 = vector.shape_cast %broadcast_in_dim3A_151 : vector<16xf32> to vector<1x16xf32>
    tpu.vector_store %arg11[%swap3A_153, %swap3A_154], %swap3A_157 {strides = array<i32>} : memref<16x64xf32, #tpu.memory_space<vmem>>, vector<1x16xf32>,
    %broadcast_in_dim3A_158 = arith.constant 0.000000e+00 : f32
    %broadcast_in_dim3A_159 = vector.broadcast %broadcast_in_dim3A_158 : f32 to vector<16xf32>
    %swap3A_160 = arith.constant 5 : i32
    %swap3A_161 = arith.index_cast %swap3A_160 : i32 to index
    %swap3A_162 = arith.constant 0 : index
    %swap3A_163 = tpu.vector_load %arg11[%swap3A_161, %swap3A_162] {strides = array<i32>} : memref<16x64xf32, #tpu.memory_space<vmem>>, vector<1x16xf32>,
    %swap3A_164 = vector.shape_cast %swap3A_163 : vector<1x16xf32> to vector<16xf32>
    %swap3A_165 = vector.shape_cast %broadcast_in_dim3A_159 : vector<16xf32> to vector<1x16xf32>
    tpu.vector_store %arg11[%swap3A_161, %swap3A_162], %swap3A_165 {strides = array<i32>} : memref<16x64xf32, #tpu.memory_space<vmem>>, vector<1x16xf32>,
    %broadcast_in_dim3A_166 = arith.constant 0.000000e+00 : f32
    %broadcast_in_dim3A_167 = vector.broadcast %broadcast_in_dim3A_166 : f32 to vector<16xf32>
    %swap3A_168 = arith.constant 5 : i32
    %swap3A_169 = arith.index_cast %swap3A_168 : i32 to index
    %swap3A_170 = arith.constant 16 : index
    %swap3A_171 = tpu.vector_load %arg11[%swap3A_169, %swap3A_170] {strides = array<i32>} : memref<16x64xf32, #tpu.memory_space<vmem>>, vector<1x16xf32>,
    %swap3A_172 = vector.shape_cast %swap3A_171 : vector<1x16xf32> to vector<16xf32>
    %swap3A_173 = vector.shape_cast %broadcast_in_dim3A_167 : vector<16xf32> to vector<1x16xf32>
    tpu.vector_store %arg11[%swap3A_169, %swap3A_170], %swap3A_173 {strides = array<i32>} : memref<16x64xf32, #tpu.memory_space<vmem>>, vector<1x16xf32>,
    %broadcast_in_dim3A_174 = arith.constant 0.000000e+00 : f32
    %broadcast_in_dim3A_175 = vector.broadcast %broadcast_in_dim3A_174 : f32 to vector<16xf32>
    %swap3A_176 = arith.constant 5 : i32
    %swap3A_177 = arith.index_cast %swap3A_176 : i32 to index
    %swap3A_178 = arith.constant 32 : index
    %swap3A_179 = tpu.vector_load %arg11[%swap3A_177, %swap3A_178] {strides = array<i32>} : memref<16x64xf32, #tpu.memory_space<vmem>>, vector<1x16xf32>,
    %swap3A_180 = vector.shape_cast %swap3A_179 : vector<1x16xf32> to vector<16xf32>
    %swap3A_181 = vector.shape_cast %broadcast_in_dim3A_175 : vector<16xf32> to vector<1x16xf32>
    tpu.vector_store %arg11[%swap3A_177, %swap3A_178], %swap3A_181 {strides = array<i32>} : memref<16x64xf32, #tpu.memory_space<vmem>>, vector<1x16xf32>,
    %broadcast_in_dim3A_182 = arith.constant 0.000000e+00 : f32
    %broadcast_in_dim3A_183 = vector.broadcast %broadcast_in_dim3A_182 : f32 to vector<16xf32>
    %swap3A_184 = arith.constant 5 : i32
    %swap3A_185 = arith.index_cast %swap3A_184 : i32 to index
    %swap3A_186 = arith.constant 48 : index
    %swap3A_187 = tpu.vector_load %arg11[%swap3A_185, %swap3A_186] {strides = array<i32>} : memref<16x64xf32, #tpu.memory_space<vmem>>, vector<1x16xf32>,
    %swap3A_188 = vector.shape_cast %swap3A_187 : vector<1x16xf32> to vector<16xf32>
    %swap3A_189 = vector.shape_cast %broadcast_in_dim3A_183 : vector<16xf32> to vector<1x16xf32>
    tpu.vector_store %arg11[%swap3A_185, %swap3A_186], %swap3A_189 {strides = array<i32>} : memref<16x64xf32, #tpu.memory_space<vmem>>, vector<1x16xf32>,
    %broadcast_in_dim3A_190 = arith.constant 0.000000e+00 : f32
    %broadcast_in_dim3A_191 = vector.broadcast %broadcast_in_dim3A_190 : f32 to vector<16xf32>
    %swap3A_192 = arith.constant 6 : i32
    %swap3A_193 = arith.index_cast %swap3A_192 : i32 to index
    %swap3A_194 = arith.constant 0 : index
    %swap3A_195 = tpu.vector_load %arg11[%swap3A_193, %swap3A_194] {strides = array<i32>} : memref<16x64xf32, #tpu.memory_space<vmem>>, vector<1x16xf32>,
    %swap3A_196 = vector.shape_cast %swap3A_195 : vector<1x16xf32> to vector<16xf32>
    %swap3A_197 = vector.shape_cast %broadcast_in_dim3A_191 : vector<16xf32> to vector<1x16xf32>
    tpu.vector_store %arg11[%swap3A_193, %swap3A_194], %swap3A_197 {strides = array<i32>} : memref<16x64xf32, #tpu.memory_space<vmem>>, vector<1x16xf32>,
    %broadcast_in_dim3A_198 = arith.constant 0.000000e+00 : f32
    %broadcast_in_dim3A_199 = vector.broadcast %broadcast_in_dim3A_198 : f32 to vector<16xf32>
    %swap3A_200 = arith.constant 6 : i32
    %swap3A_201 = arith.index_cast %swap3A_200 : i32 to index
    %swap3A_202 = arith.constant 16 : index
    %swap3A_203 = tpu.vector_load %arg11[%swap3A_201, %swap3A_202] {strides = array<i32>} : memref<16x64xf32, #tpu.memory_space<vmem>>, vector<1x16xf32>,
    %swap3A_204 = vector.shape_cast %swap3A_203 : vector<1x16xf32> to vector<16xf32>
    %swap3A_205 = vector.shape_cast %broadcast_in_dim3A_199 : vector<16xf32> to vector<1x16xf32>
    tpu.vector_store %arg11[%swap3A_201, %swap3A_202], %swap3A_205 {strides = array<i32>} : memref<16x64xf32, #tpu.memory_space<vmem>>, vector<1x16xf32>,
    %broadcast_in_dim3A_206 = arith.constant 0.000000e+00 : f32
    %broadcast_in_dim3A_207 = vector.broadcast %broadcast_in_dim3A_206 : f32 to vector<16xf32>
    %swap3A_208 = arith.constant 6 : i32
    %swap3A_209 = arith.index_cast %swap3A_208 : i32 to index
    %swap3A_210 = arith.constant 32 : index
    %swap3A_211 = tpu.vector_load %arg11[%swap3A_209, %swap3A_210] {strides = array<i32>} : memref<16x64xf32, #tpu.memory_space<vmem>>, vector<1x16xf32>,
    %swap3A_212 = vector.shape_cast %swap3A_211 : vector<1x16xf32> to vector<16xf32>
    %swap3A_213 = vector.shape_cast %broadcast_in_dim3A_207 : vector<16xf32> to vector<1x16xf32>
    tpu.vector_store %arg11[%swap3A_209, %swap3A_210], %swap3A_213 {strides = array<i32>} : memref<16x64xf32, #tpu.memory_space<vmem>>, vector<1x16xf32>,
    %broadcast_in_dim3A_214 = arith.constant 0.000000e+00 : f32
    %broadcast_in_dim3A_215 = vector.broadcast %broadcast_in_dim3A_214 : f32 to vector<16xf32>
    %swap3A_216 = arith.constant 6 : i32
    %swap3A_217 = arith.index_cast %swap3A_216 : i32 to index
    %swap3A_218 = arith.constant 48 : index
    %swap3A_219 = tpu.vector_load %arg11[%swap3A_217, %swap3A_218] {strides = array<i32>} : memref<16x64xf32, #tpu.memory_space<vmem>>, vector<1x16xf32>,
    %swap3A_220 = vector.shape_cast %swap3A_219 : vector<1x16xf32> to vector<16xf32>
    %swap3A_221 = vector.shape_cast %broadcast_in_dim3A_215 : vector<16xf32> to vector<1x16xf32>
    tpu.vector_store %arg11[%swap3A_217, %swap3A_218], %swap3A_221 {strides = array<i32>} : memref<16x64xf32, #tpu.memory_space<vmem>>, vector<1x16xf32>,
    %broadcast_in_dim3A_222 = arith.constant 0.000000e+00 : f32
    %broadcast_in_dim3A_223 = vector.broadcast %broadcast_in_dim3A_222 : f32 to vector<16xf32>
    %swap3A_224 = arith.constant 7 : i32
    %swap3A_225 = arith.index_cast %swap3A_224 : i32 to index
    %swap3A_226 = arith.constant 0 : index
    %swap3A_227 = tpu.vector_load %arg11[%swap3A_225, %swap3A_226] {strides = array<i32>} : memref<16x64xf32, #tpu.memory_space<vmem>>, vector<1x16xf32>,
    %swap3A_228 = vector.shape_cast %swap3A_227 : vector<1x16xf32> to vector<16xf32>
    %swap3A_229 = vector.shape_cast %broadcast_in_dim3A_223 : vector<16xf32> to vector<1x16xf32>
    tpu.vector_store %arg11[%swap3A_225, %swap3A_226], %swap3A_229 {strides = array<i32>} : memref<16x64xf32, #tpu.memory_space<vmem>>, vector<1x16xf32>,
    %broadcast_in_dim3A_230 = arith.constant 0.000000e+00 : f32
    %broadcast_in_dim3A_231 = vector.broadcast %broadcast_in_dim3A_230 : f32 to vector<16xf32>
    %swap3A_232 = arith.constant 7 : i32
    %swap3A_233 = arith.index_cast %swap3A_232 : i32 to index
    %swap3A_234 = arith.constant 16 : index
    %swap3A_235 = tpu.vector_load %arg11[%swap3A_233, %swap3A_234] {strides = array<i32>} : memref<16x64xf32, #tpu.memory_space<vmem>>, vector<1x16xf32>,
    %swap3A_236 = vector.shape_cast %swap3A_235 : vector<1x16xf32> to vector<16xf32>
    %swap3A_237 = vector.shape_cast %broadcast_in_dim3A_231 : vector<16xf32> to vector<1x16xf32>
    tpu.vector_store %arg11[%swap3A_233, %swap3A_234], %swap3A_237 {strides = array<i32>} : memref<16x64xf32, #tpu.memory_space<vmem>>, vector<1x16xf32>,
    %broadcast_in_dim3A_238 = arith.constant 0.000000e+00 : f32
    %broadcast_in_dim3A_239 = vector.broadcast %broadcast_in_dim3A_238 : f32 to vector<16xf32>
    %swap3A_240 = arith.constant 7 : i32
    %swap3A_241 = arith.index_cast %swap3A_240 : i32 to index
    %swap3A_242 = arith.constant 32 : index
    %swap3A_243 = tpu.vector_load %arg11[%swap3A_241, %swap3A_242] {strides = array<i32>} : memref<16x64xf32, #tpu.memory_space<vmem>>, vector<1x16xf32>,
    %swap3A_244 = vector.shape_cast %swap3A_243 : vector<1x16xf32> to vector<16xf32>
    %swap3A_245 = vector.shape_cast %broadcast_in_dim3A_239 : vector<16xf32> to vector<1x16xf32>
    tpu.vector_store %arg11[%swap3A_241, %swap3A_242], %swap3A_245 {strides = array<i32>} : memref<16x64xf32, #tpu.memory_space<vmem>>, vector<1x16xf32>,
    %broadcast_in_dim3A_246 = arith.constant 0.000000e+00 : f32
    %broadcast_in_dim3A_247 = vector.broadcast %broadcast_in_dim3A_246 : f32 to vector<16xf32>
    %swap3A_248 = arith.constant 7 : i32
    %swap3A_249 = arith.index_cast %swap3A_248 : i32 to index
    %swap3A_250 = arith.constant 48 : index
    %swap3A_251 = tpu.vector_load %arg11[%swap3A_249, %swap3A_250] {strides = array<i32>} : memref<16x64xf32, #tpu.memory_space<vmem>>, vector<1x16xf32>,
    %swap3A_252 = vector.shape_cast %swap3A_251 : vector<1x16xf32> to vector<16xf32>
    %swap3A_253 = vector.shape_cast %broadcast_in_dim3A_247 : vector<16xf32> to vector<1x16xf32>
    tpu.vector_store %arg11[%swap3A_249, %swap3A_250], %swap3A_253 {strides = array<i32>} : memref<16x64xf32, #tpu.memory_space<vmem>>, vector<1x16xf32>,
    %broadcast_in_dim3A_254 = arith.constant 0.000000e+00 : f32
    %broadcast_in_dim3A_255 = vector.broadcast %broadcast_in_dim3A_254 : f32 to vector<16xf32>
    %swap3A_256 = arith.constant 8 : i32
    %swap3A_257 = arith.index_cast %swap3A_256 : i32 to index
    %swap3A_258 = arith.constant 0 : index
    %swap3A_259 = tpu.vector_load %arg11[%swap3A_257, %swap3A_258] {strides = array<i32>} : memref<16x64xf32, #tpu.memory_space<vmem>>, vector<1x16xf32>,
    %swap3A_260 = vector.shape_cast %swap3A_259 : vector<1x16xf32> to vector<16xf32>
    %swap3A_261 = vector.shape_cast %broadcast_in_dim3A_255 : vector<16xf32> to vector<1x16xf32>
    tpu.vector_store %arg11[%swap3A_257, %swap3A_258], %swap3A_261 {strides = array<i32>} : memref<16x64xf32, #tpu.memory_space<vmem>>, vector<1x16xf32>,
    %broadcast_in_dim3A_262 = arith.constant 0.000000e+00 : f32
    %broadcast_in_dim3A_263 = vector.broadcast %broadcast_in_dim3A_262 : f32 to vector<16xf32>
    %swap3A_264 = arith.constant 8 : i32
    %swap3A_265 = arith.index_cast %swap3A_264 : i32 to index
    %swap3A_266 = arith.constant 16 : index
    %swap3A_267 = tpu.vector_load %arg11[%swap3A_265, %swap3A_266] {strides = array<i32>} : memref<16x64xf32, #tpu.memory_space<vmem>>, vector<1x16xf32>,
    %swap3A_268 = vector.shape_cast %swap3A_267 : vector<1x16xf32> to vector<16xf32>
    %swap3A_269 = vector.shape_cast %broadcast_in_dim3A_263 : vector<16xf32> to vector<1x16xf32>
    tpu.vector_store %arg11[%swap3A_265, %swap3A_266], %swap3A_269 {strides = array<i32>} : memref<16x64xf32, #tpu.memory_space<vmem>>, vector<1x16xf32>,
    %broadcast_in_dim3A_270 = arith.constant 0.000000e+00 : f32
    %broadcast_in_dim3A_271 = vector.broadcast %broadcast_in_dim3A_270 : f32 to vector<16xf32>
    %swap3A_272 = arith.constant 8 : i32
    %swap3A_273 = arith.index_cast %swap3A_272 : i32 to index
    %swap3A_274 = arith.constant 32 : index
    %swap3A_275 = tpu.vector_load %arg11[%swap3A_273, %swap3A_274] {strides = array<i32>} : memref<16x64xf32, #tpu.memory_space<vmem>>, vector<1x16xf32>,
    %swap3A_276 = vector.shape_cast %swap3A_275 : vector<1x16xf32> to vector<16xf32>
    %swap3A_277 = vector.shape_cast %broadcast_in_dim3A_271 : vector<16xf32> to vector<1x16xf32>
    tpu.vector_store %arg11[%swap3A_273, %swap3A_274], %swap3A_277 {strides = array<i32>} : memref<16x64xf32, #tpu.memory_space<vmem>>, vector<1x16xf32>,
    %broadcast_in_dim3A_278 = arith.constant 0.000000e+00 : f32
    %broadcast_in_dim3A_279 = vector.broadcast %broadcast_in_dim3A_278 : f32 to vector<16xf32>
    %swap3A_280 = arith.constant 8 : i32
    %swap3A_281 = arith.index_cast %swap3A_280 : i32 to index
    %swap3A_282 = arith.constant 48 : index
    %swap3A_283 = tpu.vector_load %arg11[%swap3A_281, %swap3A_282] {strides = array<i32>} : memref<16x64xf32, #tpu.memory_space<vmem>>, vector<1x16xf32>,
    %swap3A_284 = vector.shape_cast %swap3A_283 : vector<1x16xf32> to vector<16xf32>
    %swap3A_285 = vector.shape_cast %broadcast_in_dim3A_279 : vector<16xf32> to vector<1x16xf32>
    tpu.vector_store %arg11[%swap3A_281, %swap3A_282], %swap3A_285 {strides = array<i32>} : memref<16x64xf32, #tpu.memory_space<vmem>>, vector<1x16xf32>,
    %broadcast_in_dim3A_286 = arith.constant 0.000000e+00 : f32
    %broadcast_in_dim3A_287 = vector.broadcast %broadcast_in_dim3A_286 : f32 to vector<16xf32>
    %swap3A_288 = arith.constant 9 : i32
    %swap3A_289 = arith.index_cast %swap3A_288 : i32 to index
    %swap3A_290 = arith.constant 0 : index
    %swap3A_291 = tpu.vector_load %arg11[%swap3A_289, %swap3A_290] {strides = array<i32>} : memref<16x64xf32, #tpu.memory_space<vmem>>, vector<1x16xf32>,
    %swap3A_292 = vector.shape_cast %swap3A_291 : vector<1x16xf32> to vector<16xf32>
    %swap3A_293 = vector.shape_cast %broadcast_in_dim3A_287 : vector<16xf32> to vector<1x16xf32>
    tpu.vector_store %arg11[%swap3A_289, %swap3A_290], %swap3A_293 {strides = array<i32>} : memref<16x64xf32, #tpu.memory_space<vmem>>, vector<1x16xf32>,
    %broadcast_in_dim3A_294 = arith.constant 0.000000e+00 : f32
    %broadcast_in_dim3A_295 = vector.broadcast %broadcast_in_dim3A_294 : f32 to vector<16xf32>
    %swap3A_296 = arith.constant 9 : i32
    %swap3A_297 = arith.index_cast %swap3A_296 : i32 to index
    %swap3A_298 = arith.constant 16 : index
    %swap3A_299 = tpu.vector_load %arg11[%swap3A_297, %swap3A_298] {strides = array<i32>} : memref<16x64xf32, #tpu.memory_space<vmem>>, vector<1x16xf32>,
    %swap3A_300 = vector.shape_cast %swap3A_299 : vector<1x16xf32> to vector<16xf32>
    %swap3A_301 = vector.shape_cast %broadcast_in_dim3A_295 : vector<16xf32> to vector<1x16xf32>
    tpu.vector_store %arg11[%swap3A_297, %swap3A_298], %swap3A_301 {strides = array<i32>} : memref<16x64xf32, #tpu.memory_space<vmem>>, vector<1x16xf32>,
    %broadcast_in_dim3A_302 = arith.constant 0.000000e+00 : f32
    %broadcast_in_dim3A_303 = vector.broadcast %broadcast_in_dim3A_302 : f32 to vector<16xf32>
    %swap3A_304 = arith.constant 9 : i32
    %swap3A_305 = arith.index_cast %swap3A_304 : i32 to index
    %swap3A_306 = arith.constant 32 : index
    %swap3A_307 = tpu.vector_load %arg11[%swap3A_305, %swap3A_306] {strides = array<i32>} : memref<16x64xf32, #tpu.memory_space<vmem>>, vector<1x16xf32>,
    %swap3A_308 = vector.shape_cast %swap3A_307 : vector<1x16xf32> to vector<16xf32>
    %swap3A_309 = vector.shape_cast %broadcast_in_dim3A_303 : vector<16xf32> to vector<1x16xf32>
    tpu.vector_store %arg11[%swap3A_305, %swap3A_306], %swap3A_309 {strides = array<i32>} : memref<16x64xf32, #tpu.memory_space<vmem>>, vector<1x16xf32>,
    %broadcast_in_dim3A_310 = arith.constant 0.000000e+00 : f32
    %broadcast_in_dim3A_311 = vector.broadcast %broadcast_in_dim3A_310 : f32 to vector<16xf32>
    %swap3A_312 = arith.constant 9 : i32
    %swap3A_313 = arith.index_cast %swap3A_312 : i32 to index
    %swap3A_314 = arith.constant 48 : index
    %swap3A_315 = tpu.vector_load %arg11[%swap3A_313, %swap3A_314] {strides = array<i32>} : memref<16x64xf32, #tpu.memory_space<vmem>>, vector<1x16xf32>,
    %swap3A_316 = vector.shape_cast %swap3A_315 : vector<1x16xf32> to vector<16xf32>
    %swap3A_317 = vector.shape_cast %broadcast_in_dim3A_311 : vector<16xf32> to vector<1x16xf32>
    tpu.vector_store %arg11[%swap3A_313, %swap3A_314], %swap3A_317 {strides = array<i32>} : memref<16x64xf32, #tpu.memory_space<vmem>>, vector<1x16xf32>,
    %broadcast_in_dim3A_318 = arith.constant 0.000000e+00 : f32
    %broadcast_in_dim3A_319 = vector.broadcast %broadcast_in_dim3A_318 : f32 to vector<16xf32>
    %swap3A_320 = arith.constant 10 : i32
    %swap3A_321 = arith.index_cast %swap3A_320 : i32 to index
    %swap3A_322 = arith.constant 0 : index
    %swap3A_323 = tpu.vector_load %arg11[%swap3A_321, %swap3A_322] {strides = array<i32>} : memref<16x64xf32, #tpu.memory_space<vmem>>, vector<1x16xf32>,
    %swap3A_324 = vector.shape_cast %swap3A_323 : vector<1x16xf32> to vector<16xf32>
    %swap3A_325 = vector.shape_cast %broadcast_in_dim3A_319 : vector<16xf32> to vector<1x16xf32>
    tpu.vector_store %arg11[%swap3A_321, %swap3A_322], %swap3A_325 {strides = array<i32>} : memref<16x64xf32, #tpu.memory_space<vmem>>, vector<1x16xf32>,
    %broadcast_in_dim3A_326 = arith.constant 0.000000e+00 : f32
    %broadcast_in_dim3A_327 = vector.broadcast %broadcast_in_dim3A_326 : f32 to vector<16xf32>
    %swap3A_328 = arith.constant 10 : i32
    %swap3A_329 = arith.index_cast %swap3A_328 : i32 to index
    %swap3A_330 = arith.constant 16 : index
    %swap3A_331 = tpu.vector_load %arg11[%swap3A_329, %swap3A_330] {strides = array<i32>} : memref<16x64xf32, #tpu.memory_space<vmem>>, vector<1x16xf32>,
    %swap3A_332 = vector.shape_cast %swap3A_331 : vector<1x16xf32> to vector<16xf32>
    %swap3A_333 = vector.shape_cast %broadcast_in_dim3A_327 : vector<16xf32> to vector<1x16xf32>
    tpu.vector_store %arg11[%swap3A_329, %swap3A_330], %swap3A_333 {strides = array<i32>} : memref<16x64xf32, #tpu.memory_space<vmem>>, vector<1x16xf32>,
    %broadcast_in_dim3A_334 = arith.constant 0.000000e+00 : f32
    %broadcast_in_dim3A_335 = vector.broadcast %broadcast_in_dim3A_334 : f32 to vector<16xf32>
    %swap3A_336 = arith.constant 10 : i32
    %swap3A_337 = arith.index_cast %swap3A_336 : i32 to index
    %swap3A_338 = arith.constant 32 : index
    %swap3A_339 = tpu.vector_load %arg11[%swap3A_337, %swap3A_338] {strides = array<i32>} : memref<16x64xf32, #tpu.memory_space<vmem>>, vector<1x16xf32>,
    %swap3A_340 = vector.shape_cast %swap3A_339 : vector<1x16xf32> to vector<16xf32>
    %swap3A_341 = vector.shape_cast %broadcast_in_dim3A_335 : vector<16xf32> to vector<1x16xf32>
    tpu.vector_store %arg11[%swap3A_337, %swap3A_338], %swap3A_341 {strides = array<i32>} : memref<16x64xf32, #tpu.memory_space<vmem>>, vector<1x16xf32>,
    %broadcast_in_dim3A_342 = arith.constant 0.000000e+00 : f32
    %broadcast_in_dim3A_343 = vector.broadcast %broadcast_in_dim3A_342 : f32 to vector<16xf32>
    %swap3A_344 = arith.constant 10 : i32
    %swap3A_345 = arith.index_cast %swap3A_344 : i32 to index
    %swap3A_346 = arith.constant 48 : index
    %swap3A_347 = tpu.vector_load %arg11[%swap3A_345, %swap3A_346] {strides = array<i32>} : memref<16x64xf32, #tpu.memory_space<vmem>>, vector<1x16xf32>,
    %swap3A_348 = vector.shape_cast %swap3A_347 : vector<1x16xf32> to vector<16xf32>
    %swap3A_349 = vector.shape_cast %broadcast_in_dim3A_343 : vector<16xf32> to vector<1x16xf32>
    tpu.vector_store %arg11[%swap3A_345, %swap3A_346], %swap3A_349 {strides = array<i32>} : memref<16x64xf32, #tpu.memory_space<vmem>>, vector<1x16xf32>,
    %broadcast_in_dim3A_350 = arith.constant 0.000000e+00 : f32
    %broadcast_in_dim3A_351 = vector.broadcast %broadcast_in_dim3A_350 : f32 to vector<16xf32>
    %swap3A_352 = arith.constant 11 : i32
    %swap3A_353 = arith.index_cast %swap3A_352 : i32 to index
    %swap3A_354 = arith.constant 0 : index
    %swap3A_355 = tpu.vector_load %arg11[%swap3A_353, %swap3A_354] {strides = array<i32>} : memref<16x64xf32, #tpu.memory_space<vmem>>, vector<1x16xf32>,
    %swap3A_356 = vector.shape_cast %swap3A_355 : vector<1x16xf32> to vector<16xf32>
    %swap3A_357 = vector.shape_cast %broadcast_in_dim3A_351 : vector<16xf32> to vector<1x16xf32>
    tpu.vector_store %arg11[%swap3A_353, %swap3A_354], %swap3A_357 {strides = array<i32>} : memref<16x64xf32, #tpu.memory_space<vmem>>, vector<1x16xf32>,
    %broadcast_in_dim3A_358 = arith.constant 0.000000e+00 : f32
    %broadcast_in_dim3A_359 = vector.broadcast %broadcast_in_dim3A_358 : f32 to vector<16xf32>
    %swap3A_360 = arith.constant 11 : i32
    %swap3A_361 = arith.index_cast %swap3A_360 : i32 to index
    %swap3A_362 = arith.constant 16 : index
    %swap3A_363 = tpu.vector_load %arg11[%swap3A_361, %swap3A_362] {strides = array<i32>} : memref<16x64xf32, #tpu.memory_space<vmem>>, vector<1x16xf32>,
    %swap3A_364 = vector.shape_cast %swap3A_363 : vector<1x16xf32> to vector<16xf32>
    %swap3A_365 = vector.shape_cast %broadcast_in_dim3A_359 : vector<16xf32> to vector<1x16xf32>
    tpu.vector_store %arg11[%swap3A_361, %swap3A_362], %swap3A_365 {strides = array<i32>} : memref<16x64xf32, #tpu.memory_space<vmem>>, vector<1x16xf32>,
    %broadcast_in_dim3A_366 = arith.constant 0.000000e+00 : f32
    %broadcast_in_dim3A_367 = vector.broadcast %broadcast_in_dim3A_366 : f32 to vector<16xf32>
    %swap3A_368 = arith.constant 11 : i32
    %swap3A_369 = arith.index_cast %swap3A_368 : i32 to index
    %swap3A_370 = arith.constant 32 : index
    %swap3A_371 = tpu.vector_load %arg11[%swap3A_369, %swap3A_370] {strides = array<i32>} : memref<16x64xf32, #tpu.memory_space<vmem>>, vector<1x16xf32>,
    %swap3A_372 = vector.shape_cast %swap3A_371 : vector<1x16xf32> to vector<16xf32>
    %swap3A_373 = vector.shape_cast %broadcast_in_dim3A_367 : vector<16xf32> to vector<1x16xf32>
    tpu.vector_store %arg11[%swap3A_369, %swap3A_370], %swap3A_373 {strides = array<i32>} : memref<16x64xf32, #tpu.memory_space<vmem>>, vector<1x16xf32>,
    %broadcast_in_dim3A_374 = arith.constant 0.000000e+00 : f32
    %broadcast_in_dim3A_375 = vector.broadcast %broadcast_in_dim3A_374 : f32 to vector<16xf32>
    %swap3A_376 = arith.constant 11 : i32
    %swap3A_377 = arith.index_cast %swap3A_376 : i32 to index
    %swap3A_378 = arith.constant 48 : index
    %swap3A_379 = tpu.vector_load %arg11[%swap3A_377, %swap3A_378] {strides = array<i32>} : memref<16x64xf32, #tpu.memory_space<vmem>>, vector<1x16xf32>,
    %swap3A_380 = vector.shape_cast %swap3A_379 : vector<1x16xf32> to vector<16xf32>
    %swap3A_381 = vector.shape_cast %broadcast_in_dim3A_375 : vector<16xf32> to vector<1x16xf32>
    tpu.vector_store %arg11[%swap3A_377, %swap3A_378], %swap3A_381 {strides = array<i32>} : memref<16x64xf32, #tpu.memory_space<vmem>>, vector<1x16xf32>,
    %broadcast_in_dim3A_382 = arith.constant 0.000000e+00 : f32
    %broadcast_in_dim3A_383 = vector.broadcast %broadcast_in_dim3A_382 : f32 to vector<16xf32>
    %swap3A_384 = arith.constant 12 : i32
    %swap3A_385 = arith.index_cast %swap3A_384 : i32 to index
    %swap3A_386 = arith.constant 0 : index
    %swap3A_387 = tpu.vector_load %arg11[%swap3A_385, %swap3A_386] {strides = array<i32>} : memref<16x64xf32, #tpu.memory_space<vmem>>, vector<1x16xf32>,
    %swap3A_388 = vector.shape_cast %swap3A_387 : vector<1x16xf32> to vector<16xf32>
    %swap3A_389 = vector.shape_cast %broadcast_in_dim3A_383 : vector<16xf32> to vector<1x16xf32>
    tpu.vector_store %arg11[%swap3A_385, %swap3A_386], %swap3A_389 {strides = array<i32>} : memref<16x64xf32, #tpu.memory_space<vmem>>, vector<1x16xf32>,
    %broadcast_in_dim3A_390 = arith.constant 0.000000e+00 : f32
    %broadcast_in_dim3A_391 = vector.broadcast %broadcast_in_dim3A_390 : f32 to vector<16xf32>
    %swap3A_392 = arith.constant 12 : i32
    %swap3A_393 = arith.index_cast %swap3A_392 : i32 to index
    %swap3A_394 = arith.constant 16 : index
    %swap3A_395 = tpu.vector_load %arg11[%swap3A_393, %swap3A_394] {strides = array<i32>} : memref<16x64xf32, #tpu.memory_space<vmem>>, vector<1x16xf32>,
    %swap3A_396 = vector.shape_cast %swap3A_395 : vector<1x16xf32> to vector<16xf32>
    %swap3A_397 = vector.shape_cast %broadcast_in_dim3A_391 : vector<16xf32> to vector<1x16xf32>
    tpu.vector_store %arg11[%swap3A_393, %swap3A_394], %swap3A_397 {strides = array<i32>} : memref<16x64xf32, #tpu.memory_space<vmem>>, vector<1x16xf32>,
    %broadcast_in_dim3A_398 = arith.constant 0.000000e+00 : f32
    %broadcast_in_dim3A_399 = vector.broadcast %broadcast_in_dim3A_398 : f32 to vector<16xf32>
    %swap3A_400 = arith.constant 12 : i32
    %swap3A_401 = arith.index_cast %swap3A_400 : i32 to index
    %swap3A_402 = arith.constant 32 : index
    %swap3A_403 = tpu.vector_load %arg11[%swap3A_401, %swap3A_402] {strides = array<i32>} : memref<16x64xf32, #tpu.memory_space<vmem>>, vector<1x16xf32>,
    %swap3A_404 = vector.shape_cast %swap3A_403 : vector<1x16xf32> to vector<16xf32>
    %swap3A_405 = vector.shape_cast %broadcast_in_dim3A_399 : vector<16xf32> to vector<1x16xf32>
    tpu.vector_store %arg11[%swap3A_401, %swap3A_402], %swap3A_405 {strides = array<i32>} : memref<16x64xf32, #tpu.memory_space<vmem>>, vector<1x16xf32>,
    %broadcast_in_dim3A_406 = arith.constant 0.000000e+00 : f32
    %broadcast_in_dim3A_407 = vector.broadcast %broadcast_in_dim3A_406 : f32 to vector<16xf32>
    %swap3A_408 = arith.constant 12 : i32
    %swap3A_409 = arith.index_cast %swap3A_408 : i32 to index
    %swap3A_410 = arith.constant 48 : index
    %swap3A_411 = tpu.vector_load %arg11[%swap3A_409, %swap3A_410] {strides = array<i32>} : memref<16x64xf32, #tpu.memory_space<vmem>>, vector<1x16xf32>,
    %swap3A_412 = vector.shape_cast %swap3A_411 : vector<1x16xf32> to vector<16xf32>
    %swap3A_413 = vector.shape_cast %broadcast_in_dim3A_407 : vector<16xf32> to vector<1x16xf32>
    tpu.vector_store %arg11[%swap3A_409, %swap3A_410], %swap3A_413 {strides = array<i32>} : memref<16x64xf32, #tpu.memory_space<vmem>>, vector<1x16xf32>,
    %broadcast_in_dim3A_414 = arith.constant 0.000000e+00 : f32
    %broadcast_in_dim3A_415 = vector.broadcast %broadcast_in_dim3A_414 : f32 to vector<16xf32>
    %swap3A_416 = arith.constant 13 : i32
    %swap3A_417 = arith.index_cast %swap3A_416 : i32 to index
    %swap3A_418 = arith.constant 0 : index
    %swap3A_419 = tpu.vector_load %arg11[%swap3A_417, %swap3A_418] {strides = array<i32>} : memref<16x64xf32, #tpu.memory_space<vmem>>, vector<1x16xf32>,
    %swap3A_420 = vector.shape_cast %swap3A_419 : vector<1x16xf32> to vector<16xf32>
    %swap3A_421 = vector.shape_cast %broadcast_in_dim3A_415 : vector<16xf32> to vector<1x16xf32>
    tpu.vector_store %arg11[%swap3A_417, %swap3A_418], %swap3A_421 {strides = array<i32>} : memref<16x64xf32, #tpu.memory_space<vmem>>, vector<1x16xf32>,
    %broadcast_in_dim3A_422 = arith.constant 0.000000e+00 : f32
    %broadcast_in_dim3A_423 = vector.broadcast %broadcast_in_dim3A_422 : f32 to vector<16xf32>
    %swap3A_424 = arith.constant 13 : i32
    %swap3A_425 = arith.index_cast %swap3A_424 : i32 to index
    %swap3A_426 = arith.constant 16 : index
    %swap3A_427 = tpu.vector_load %arg11[%swap3A_425, %swap3A_426] {strides = array<i32>} : memref<16x64xf32, #tpu.memory_space<vmem>>, vector<1x16xf32>,
    %swap3A_428 = vector.shape_cast %swap3A_427 : vector<1x16xf32> to vector<16xf32>
    %swap3A_429 = vector.shape_cast %broadcast_in_dim3A_423 : vector<16xf32> to vector<1x16xf32>
    tpu.vector_store %arg11[%swap3A_425, %swap3A_426], %swap3A_429 {strides = array<i32>} : memref<16x64xf32, #tpu.memory_space<vmem>>, vector<1x16xf32>,
    %broadcast_in_dim3A_430 = arith.constant 0.000000e+00 : f32
    %broadcast_in_dim3A_431 = vector.broadcast %broadcast_in_dim3A_430 : f32 to vector<16xf32>
    %swap3A_432 = arith.constant 13 : i32
    %swap3A_433 = arith.index_cast %swap3A_432 : i32 to index
    %swap3A_434 = arith.constant 32 : index
    %swap3A_435 = tpu.vector_load %arg11[%swap3A_433, %swap3A_434] {strides = array<i32>} : memref<16x64xf32, #tpu.memory_space<vmem>>, vector<1x16xf32>,
    %swap3A_436 = vector.shape_cast %swap3A_435 : vector<1x16xf32> to vector<16xf32>
    %swap3A_437 = vector.shape_cast %broadcast_in_dim3A_431 : vector<16xf32> to vector<1x16xf32>
    tpu.vector_store %arg11[%swap3A_433, %swap3A_434], %swap3A_437 {strides = array<i32>} : memref<16x64xf32, #tpu.memory_space<vmem>>, vector<1x16xf32>,
    %broadcast_in_dim3A_438 = arith.constant 0.000000e+00 : f32
    %broadcast_in_dim3A_439 = vector.broadcast %broadcast_in_dim3A_438 : f32 to vector<16xf32>
    %swap3A_440 = arith.constant 13 : i32
    %swap3A_441 = arith.index_cast %swap3A_440 : i32 to index
    %swap3A_442 = arith.constant 48 : index
    %swap3A_443 = tpu.vector_load %arg11[%swap3A_441, %swap3A_442] {strides = array<i32>} : memref<16x64xf32, #tpu.memory_space<vmem>>, vector<1x16xf32>,
    %swap3A_444 = vector.shape_cast %swap3A_443 : vector<1x16xf32> to vector<16xf32>
    %swap3A_445 = vector.shape_cast %broadcast_in_dim3A_439 : vector<16xf32> to vector<1x16xf32>
    tpu.vector_store %arg11[%swap3A_441, %swap3A_442], %swap3A_445 {strides = array<i32>} : memref<16x64xf32, #tpu.memory_space<vmem>>, vector<1x16xf32>,
    %broadcast_in_dim3A_446 = arith.constant 0.000000e+00 : f32
    %broadcast_in_dim3A_447 = vector.broadcast %broadcast_in_dim3A_446 : f32 to vector<16xf32>
    %swap3A_448 = arith.constant 14 : i32
    %swap3A_449 = arith.index_cast %swap3A_448 : i32 to index
    %swap3A_450 = arith.constant 0 : index
    %swap3A_451 = tpu.vector_load %arg11[%swap3A_449, %swap3A_450] {strides = array<i32>} : memref<16x64xf32, #tpu.memory_space<vmem>>, vector<1x16xf32>,
    %swap3A_452 = vector.shape_cast %swap3A_451 : vector<1x16xf32> to vector<16xf32>
    %swap3A_453 = vector.shape_cast %broadcast_in_dim3A_447 : vector<16xf32> to vector<1x16xf32>
    tpu.vector_store %arg11[%swap3A_449, %swap3A_450], %swap3A_453 {strides = array<i32>} : memref<16x64xf32, #tpu.memory_space<vmem>>, vector<1x16xf32>,
    %broadcast_in_dim3A_454 = arith.constant 0.000000e+00 : f32
    %broadcast_in_dim3A_455 = vector.broadcast %broadcast_in_dim3A_454 : f32 to vector<16xf32>
    %swap3A_456 = arith.constant 14 : i32
    %swap3A_457 = arith.index_cast %swap3A_456 : i32 to index
    %swap3A_458 = arith.constant 16 : index
    %swap3A_459 = tpu.vector_load %arg11[%swap3A_457, %swap3A_458] {strides = array<i32>} : memref<16x64xf32, #tpu.memory_space<vmem>>, vector<1x16xf32>,
    %swap3A_460 = vector.shape_cast %swap3A_459 : vector<1x16xf32> to vector<16xf32>
    %swap3A_461 = vector.shape_cast %broadcast_in_dim3A_455 : vector<16xf32> to vector<1x16xf32>
    tpu.vector_store %arg11[%swap3A_457, %swap3A_458], %swap3A_461 {strides = array<i32>} : memref<16x64xf32, #tpu.memory_space<vmem>>, vector<1x16xf32>,
    %broadcast_in_dim3A_462 = arith.constant 0.000000e+00 : f32
    %broadcast_in_dim3A_463 = vector.broadcast %broadcast_in_dim3A_462 : f32 to vector<16xf32>
    %swap3A_464 = arith.constant 14 : i32
    %swap3A_465 = arith.index_cast %swap3A_464 : i32 to index
    %swap3A_466 = arith.constant 32 : index
    %swap3A_467 = tpu.vector_load %arg11[%swap3A_465, %swap3A_466] {strides = array<i32>} : memref<16x64xf32, #tpu.memory_space<vmem>>, vector<1x16xf32>,
    %swap3A_468 = vector.shape_cast %swap3A_467 : vector<1x16xf32> to vector<16xf32>
    %swap3A_469 = vector.shape_cast %broadcast_in_dim3A_463 : vector<16xf32> to vector<1x16xf32>
    tpu.vector_store %arg11[%swap3A_465, %swap3A_466], %swap3A_469 {strides = array<i32>} : memref<16x64xf32, #tpu.memory_space<vmem>>, vector<1x16xf32>,
    %broadcast_in_dim3A_470 = arith.constant 0.000000e+00 : f32
    %broadcast_in_dim3A_471 = vector.broadcast %broadcast_in_dim3A_470 : f32 to vector<16xf32>
    %swap3A_472 = arith.constant 14 : i32
    %swap3A_473 = arith.index_cast %swap3A_472 : i32 to index
    %swap3A_474 = arith.constant 48 : index
    %swap3A_475 = tpu.vector_load %arg11[%swap3A_473, %swap3A_474] {strides = array<i32>} : memref<16x64xf32, #tpu.memory_space<vmem>>, vector<1x16xf32>,
    %swap3A_476 = vector.shape_cast %swap3A_475 : vector<1x16xf32> to vector<16xf32>
    %swap3A_477 = vector.shape_cast %broadcast_in_dim3A_471 : vector<16xf32> to vector<1x16xf32>
    tpu.vector_store %arg11[%swap3A_473, %swap3A_474], %swap3A_477 {strides = array<i32>} : memref<16x64xf32, #tpu.memory_space<vmem>>, vector<1x16xf32>,
    %broadcast_in_dim3A_478 = arith.constant 0.000000e+00 : f32
    %broadcast_in_dim3A_479 = vector.broadcast %broadcast_in_dim3A_478 : f32 to vector<16xf32>
    %swap3A_480 = arith.constant 15 : i32
    %swap3A_481 = arith.index_cast %swap3A_480 : i32 to index
    %swap3A_482 = arith.constant 0 : index
    %swap3A_483 = tpu.vector_load %arg11[%swap3A_481, %swap3A_482] {strides = array<i32>} : memref<16x64xf32, #tpu.memory_space<vmem>>, vector<1x16xf32>,
    %swap3A_484 = vector.shape_cast %swap3A_483 : vector<1x16xf32> to vector<16xf32>
    %swap3A_485 = vector.shape_cast %broadcast_in_dim3A_479 : vector<16xf32> to vector<1x16xf32>
    tpu.vector_store %arg11[%swap3A_481, %swap3A_482], %swap3A_485 {strides = array<i32>} : memref<16x64xf32, #tpu.memory_space<vmem>>, vector<1x16xf32>,
    %broadcast_in_dim3A_486 = arith.constant 0.000000e+00 : f32
    %broadcast_in_dim3A_487 = vector.broadcast %broadcast_in_dim3A_486 : f32 to vector<16xf32>
    %swap3A_488 = arith.constant 15 : i32
    %swap3A_489 = arith.index_cast %swap3A_488 : i32 to index
    %swap3A_490 = arith.constant 16 : index
    %swap3A_491 = tpu.vector_load %arg11[%swap3A_489, %swap3A_490] {strides = array<i32>} : memref<16x64xf32, #tpu.memory_space<vmem>>, vector<1x16xf32>,
    %swap3A_492 = vector.shape_cast %swap3A_491 : vector<1x16xf32> to vector<16xf32>
    %swap3A_493 = vector.shape_cast %broadcast_in_dim3A_487 : vector<16xf32> to vector<1x16xf32>
    tpu.vector_store %arg11[%swap3A_489, %swap3A_490], %swap3A_493 {strides = array<i32>} : memref<16x64xf32, #tpu.memory_space<vmem>>, vector<1x16xf32>,
    %broadcast_in_dim3A_494 = arith.constant 0.000000e+00 : f32
    %broadcast_in_dim3A_495 = vector.broadcast %broadcast_in_dim3A_494 : f32 to vector<16xf32>
    %swap3A_496 = arith.constant 15 : i32
    %swap3A_497 = arith.index_cast %swap3A_496 : i32 to index
    %swap3A_498 = arith.constant 32 : index
    %swap3A_499 = tpu.vector_load %arg11[%swap3A_497, %swap3A_498] {strides = array<i32>} : memref<16x64xf32, #tpu.memory_space<vmem>>, vector<1x16xf32>,
    %swap3A_500 = vector.shape_cast %swap3A_499 : vector<1x16xf32> to vector<16xf32>
    %swap3A_501 = vector.shape_cast %broadcast_in_dim3A_495 : vector<16xf32> to vector<1x16xf32>
    tpu.vector_store %arg11[%swap3A_497, %swap3A_498], %swap3A_501 {strides = array<i32>} : memref<16x64xf32, #tpu.memory_space<vmem>>, vector<1x16xf32>,
    %broadcast_in_dim3A_502 = arith.constant 0.000000e+00 : f32
    %broadcast_in_dim3A_503 = vector.broadcast %broadcast_in_dim3A_502 : f32 to vector<16xf32>
    %swap3A_504 = arith.constant 15 : i32
    %swap3A_505 = arith.index_cast %swap3A_504 : i32 to index
    %swap3A_506 = arith.constant 48 : index
    %swap3A_507 = tpu.vector_load %arg11[%swap3A_505, %swap3A_506] {strides = array<i32>} : memref<16x64xf32, #tpu.memory_space<vmem>>, vector<1x16xf32>,
    %swap3A_508 = vector.shape_cast %swap3A_507 : vector<1x16xf32> to vector<16xf32>
    %swap3A_509 = vector.shape_cast %broadcast_in_dim3A_503 : vector<16xf32> to vector<1x16xf32>
    tpu.vector_store %arg11[%swap3A_505, %swap3A_506], %swap3A_509 {strides = array<i32>} : memref<16x64xf32, #tpu.memory_space<vmem>>, vector<1x16xf32>,
    %scan3A = arith.constant 0 : i32
    %scan3A_510 = arith.constant 0 : i32
    %scan3A_511 = arith.constant 40 : i32
    %scan3A_512 = arith.addi %scan3A_510, %scan3A_511 : i32
    %scan3A_513 = arith.constant 1 : i32
    scf.for %scan3A_729 = %scan3A_510 to %scan3A_512 step %scan3A_513  : i32 {
      %mul3A_730 = arith.constant 640 : i32
      %mul3A_731 = arith.muli %arg1, %mul3A_730 : i32
      %mul3A_732 = arith.constant 16 : i32
      %mul3A_733 = arith.muli %scan3A_729, %mul3A_732 : i32
      %add3A = arith.addi %mul3A_731, %mul3A_733 : i32
      "tpu.region"() ({
        %run_scoped3A = tpu.sem_alloc : memref<!tpu.dma_semaphore, #tpu.memory_space<semaphore_mem>>
        %dma_start3A_734 = arith.constant 0 : i32
        %dma_start3A_735 = tpu.memref_slice %arg13[%add3A, %dma_start3A_734] : memref<10240x64xf32, #tpu.memory_space<vmem_shared>> -> memref<16x64xf32, #tpu.memory_space<vmem_shared>>
        %dma_start3A_736 = arith.constant 0 : i32
        %dma_start3A_737 = tpu.memref_slice %arg13[%add3A, %dma_start3A_736] : memref<10240x64xf32, #tpu.memory_space<vmem_shared>> -> memref<16x64xf32, #tpu.memory_space<vmem_shared>>
        tpu.enqueue_dma source(%arg11 : memref<16x64xf32, #tpu.memory_space<vmem>>) target(%dma_start3A_737 : memref<16x64xf32, #tpu.memory_space<vmem_shared>>) target_semaphore(%run_scoped3A : memref<!tpu.dma_semaphore, #tpu.memory_space<semaphore_mem>>)
        %dma_wait3A_738 = arith.constant 0 : i32
        %dma_wait3A_739 = tpu.memref_slice %arg13[%add3A, %dma_wait3A_738] : memref<10240x64xf32, #tpu.memory_space<vmem_shared>> -> memref<16x64xf32, #tpu.memory_space<vmem_shared>>
        %dma_wait3A_740 = arith.constant 0 : i32
        %dma_wait3A_741 = tpu.memref_slice %arg13[%add3A, %dma_wait3A_740] : memref<10240x64xf32, #tpu.memory_space<vmem_shared>> -> memref<16x64xf32, #tpu.memory_space<vmem_shared>>
        tpu.wait_dma2 semaphore(%run_scoped3A : memref<!tpu.dma_semaphore, #tpu.memory_space<semaphore_mem>>) src(%arg11 : memref<16x64xf32, #tpu.memory_space<vmem>>) dst(%dma_wait3A_741 : memref<16x64xf32, #tpu.memory_space<vmem_shared>>)
        tpu.yield
      }) : () -> ()
    }
    %scan3A_514 = arith.constant 40 : i32
    %mul3A = arith.constant 625 : i32
    %mul3A_515 = arith.muli %arg1, %mul3A : i32
    %mul3A_516 = arith.constant 625 : i32
    %mul3A_517 = arith.muli %arg1, %mul3A_516 : i32
    "tpu.region"() ({
      %run_scoped3A = tpu.sem_alloc : memref<!tpu.dma_semaphore, #tpu.memory_space<semaphore_mem>>
      %dma_start3A_729 = arith.constant 0 : i32
      %dma_start3A_730 = tpu.memref_slice %arg12[%mul3A_517, %dma_start3A_729] : memref<10000x64xf32, #tpu.memory_space<vmem_shared>> -> memref<625x64xf32, #tpu.memory_space<vmem_shared>>
      %dma_start3A_731 = arith.constant 0 : i32
      %dma_start3A_732 = arith.constant 0 : i32
      %dma_start3A_733 = tpu.memref_slice %arg2[%arg0, %dma_start3A_731, %dma_start3A_732] : memref<2x10000x64xf32, #tpu.memory_space<hbm>> -> memref<1x10000x64xf32, #tpu.memory_space<hbm>>
      %dma_start3A_734 = tpu.memref_squeeze %dma_start3A_733 : memref<1x10000x64xf32, #tpu.memory_space<hbm>> -> memref<10000x64xf32, #tpu.memory_space<hbm>>
      %dma_start3A_735 = arith.constant 0 : i32
      %dma_start3A_736 = tpu.memref_slice %dma_start3A_734[%mul3A_515, %dma_start3A_735] : memref<10000x64xf32, #tpu.memory_space<hbm>> -> memref<625x64xf32, #tpu.memory_space<hbm>>
      tpu.enqueue_dma source(%dma_start3A_736 : memref<625x64xf32, #tpu.memory_space<hbm>>) target(%dma_start3A_730 : memref<625x64xf32, #tpu.memory_space<vmem_shared>>) target_semaphore(%run_scoped3A : memref<!tpu.dma_semaphore, #tpu.memory_space<semaphore_mem>>)
      %dma_wait3A_737 = arith.constant 0 : i32
      %dma_wait3A_738 = tpu.memref_slice %arg12[%mul3A_517, %dma_wait3A_737] : memref<10000x64xf32, #tpu.memory_space<vmem_shared>> -> memref<625x64xf32, #tpu.memory_space<vmem_shared>>
      %dma_wait3A_739 = arith.constant 0 : i32
      %dma_wait3A_740 = arith.constant 0 : i32
      %dma_wait3A_741 = tpu.memref_slice %arg2[%arg0, %dma_wait3A_739, %dma_wait3A_740] : memref<2x10000x64xf32, #tpu.memory_space<hbm>> -> memref<1x10000x64xf32, #tpu.memory_space<hbm>>
      %dma_wait3A_742 = tpu.memref_squeeze %dma_wait3A_741 : memref<1x10000x64xf32, #tpu.memory_space<hbm>> -> memref<10000x64xf32, #tpu.memory_space<hbm>>
      %dma_wait3A_743 = arith.constant 0 : i32
      %dma_wait3A_744 = tpu.memref_slice %dma_wait3A_742[%mul3A_515, %dma_wait3A_743] : memref<10000x64xf32, #tpu.memory_space<hbm>> -> memref<625x64xf32, #tpu.memory_space<hbm>>
      tpu.wait_dma2 semaphore(%run_scoped3A : memref<!tpu.dma_semaphore, #tpu.memory_space<semaphore_mem>>) src(%dma_wait3A_744 : memref<625x64xf32, #tpu.memory_space<hbm>>) dst(%dma_wait3A_738 : memref<625x64xf32, #tpu.memory_space<vmem_shared>>)
      tpu.yield
    }) : () -> ()
    %barrier3A = arith.constant 0 : index
    tpu.barrier barrier_id(%barrier3A)
    "tpu.region"() ({
      %run_scoped3A = tpu.sem_alloc : memref<!tpu.dma_semaphore, #tpu.memory_space<semaphore_mem>>
      %dma_start3A_729 = arith.constant 0 : i32
      %dma_start3A_730 = arith.constant 0 : i32
      %dma_start3A_731 = tpu.memref_slice %arg3[%arg1, %dma_start3A_729, %dma_start3A_730] : memref<16x158x128xi32, #tpu.memory_space<hbm>> -> memref<1x158x128xi32, #tpu.memory_space<hbm>>
      %dma_start3A_732 = tpu.memref_squeeze %dma_start3A_731 : memref<1x158x128xi32, #tpu.memory_space<hbm>> -> memref<158x128xi32, #tpu.memory_space<hbm>>
      %dma_start3A_733 = arith.constant 0 : i32
      %dma_start3A_734 = arith.constant 0 : i32
      %dma_start3A_735 = tpu.memref_slice %arg3[%arg1, %dma_start3A_733, %dma_start3A_734] : memref<16x158x128xi32, #tpu.memory_space<hbm>> -> memref<1x158x128xi32, #tpu.memory_space<hbm>>
      %dma_start3A_736 = tpu.memref_squeeze %dma_start3A_735 : memref<1x158x128xi32, #tpu.memory_space<hbm>> -> memref<158x128xi32, #tpu.memory_space<hbm>>
      tpu.enqueue_dma source(%dma_start3A_736 : memref<158x128xi32, #tpu.memory_space<hbm>>) target(%arg5 : memref<158x128xi32, #tpu.memory_space<vmem>>) target_semaphore(%run_scoped3A : memref<!tpu.dma_semaphore, #tpu.memory_space<semaphore_mem>>)
      %dma_wait3A_737 = arith.constant 0 : i32
      %dma_wait3A_738 = arith.constant 0 : i32
      %dma_wait3A_739 = tpu.memref_slice %arg3[%arg1, %dma_wait3A_737, %dma_wait3A_738] : memref<16x158x128xi32, #tpu.memory_space<hbm>> -> memref<1x158x128xi32, #tpu.memory_space<hbm>>
      %dma_wait3A_740 = tpu.memref_squeeze %dma_wait3A_739 : memref<1x158x128xi32, #tpu.memory_space<hbm>> -> memref<158x128xi32, #tpu.memory_space<hbm>>
      %dma_wait3A_741 = arith.constant 0 : i32
      %dma_wait3A_742 = arith.constant 0 : i32
      %dma_wait3A_743 = tpu.memref_slice %arg3[%arg1, %dma_wait3A_741, %dma_wait3A_742] : memref<16x158x128xi32, #tpu.memory_space<hbm>> -> memref<1x158x128xi32, #tpu.memory_space<hbm>>
      %dma_wait3A_744 = tpu.memref_squeeze %dma_wait3A_743 : memref<1x158x128xi32, #tpu.memory_space<hbm>> -> memref<158x128xi32, #tpu.memory_space<hbm>>
      tpu.wait_dma2 semaphore(%run_scoped3A : memref<!tpu.dma_semaphore, #tpu.memory_space<semaphore_mem>>) src(%dma_wait3A_744 : memref<158x128xi32, #tpu.memory_space<hbm>>) dst(%arg5 : memref<158x128xi32, #tpu.memory_space<vmem>>)
      tpu.yield
    }) : () -> ()
    %get3A = arith.constant 0 : i32
    %get3A_518 = arith.index_cast %get3A : i32 to index
    %get3A_519 = arith.constant 0 : index
    %get3A_520 = tpu.vector_load %arg5[%get3A_518, %get3A_519] {strides = array<i32>} : memref<158x128xi32, #tpu.memory_space<vmem>>, vector<1x16xi32>,
    %get3A_521 = vector.shape_cast %get3A_520 : vector<1x16xi32> to vector<16xi32>
    %and3A = arith.constant 16383 : i32
    %and3A_522 = vector.broadcast %and3A : i32 to vector<16xi32>
    %and3A_523 = arith.andi %get3A_521, %and3A_522 : vector<16xi32>
    %swap3A_524 = arith.constant 0 : index
    %swap3A_525 = tpu.vector_load %arg6[%swap3A_524] {strides = array<i32>} : memref<128xi32, #tpu.memory_space<vmem>>, vector<16xi32>,
    %swap3A_526 = vector.shape_cast %swap3A_525 : vector<16xi32> to vector<16xi32>
    %swap3A_527 = vector.shape_cast %and3A_523 : vector<16xi32> to vector<16xi32>
    tpu.vector_store %arg6[%swap3A_524], %swap3A_527 {strides = array<i32>} : memref<128xi32, #tpu.memory_space<vmem>>, vector<16xi32>,
    %get3A_528 = arith.constant 0 : i32
    %get3A_529 = arith.index_cast %get3A_528 : i32 to index
    %get3A_530 = arith.constant 16 : index
    %get3A_531 = tpu.vector_load %arg5[%get3A_529, %get3A_530] {strides = array<i32>} : memref<158x128xi32, #tpu.memory_space<vmem>>, vector<1x16xi32>,
    %get3A_532 = vector.shape_cast %get3A_531 : vector<1x16xi32> to vector<16xi32>
    %and3A_533 = arith.constant 16383 : i32
    %and3A_534 = vector.broadcast %and3A_533 : i32 to vector<16xi32>
    %and3A_535 = arith.andi %get3A_532, %and3A_534 : vector<16xi32>
    %swap3A_536 = arith.constant 16 : index
    %swap3A_537 = tpu.vector_load %arg6[%swap3A_536] {strides = array<i32>} : memref<128xi32, #tpu.memory_space<vmem>>, vector<16xi32>,
    %swap3A_538 = vector.shape_cast %swap3A_537 : vector<16xi32> to vector<16xi32>
    %swap3A_539 = vector.shape_cast %and3A_535 : vector<16xi32> to vector<16xi32>
    tpu.vector_store %arg6[%swap3A_536], %swap3A_539 {strides = array<i32>} : memref<128xi32, #tpu.memory_space<vmem>>, vector<16xi32>,
    %get3A_540 = arith.constant 0 : i32
    %get3A_541 = arith.index_cast %get3A_540 : i32 to index
    %get3A_542 = arith.constant 32 : index
    %get3A_543 = tpu.vector_load %arg5[%get3A_541, %get3A_542] {strides = array<i32>} : memref<158x128xi32, #tpu.memory_space<vmem>>, vector<1x16xi32>,
    %get3A_544 = vector.shape_cast %get3A_543 : vector<1x16xi32> to vector<16xi32>
    %and3A_545 = arith.constant 16383 : i32
    %and3A_546 = vector.broadcast %and3A_545 : i32 to vector<16xi32>
    %and3A_547 = arith.andi %get3A_544, %and3A_546 : vector<16xi32>
    %swap3A_548 = arith.constant 32 : index
    %swap3A_549 = tpu.vector_load %arg6[%swap3A_548] {strides = array<i32>} : memref<128xi32, #tpu.memory_space<vmem>>, vector<16xi32>,
    %swap3A_550 = vector.shape_cast %swap3A_549 : vector<16xi32> to vector<16xi32>
    %swap3A_551 = vector.shape_cast %and3A_547 : vector<16xi32> to vector<16xi32>
    tpu.vector_store %arg6[%swap3A_548], %swap3A_551 {strides = array<i32>} : memref<128xi32, #tpu.memory_space<vmem>>, vector<16xi32>,
    %get3A_552 = arith.constant 0 : i32
    %get3A_553 = arith.index_cast %get3A_552 : i32 to index
    %get3A_554 = arith.constant 48 : index
    %get3A_555 = tpu.vector_load %arg5[%get3A_553, %get3A_554] {strides = array<i32>} : memref<158x128xi32, #tpu.memory_space<vmem>>, vector<1x16xi32>,
    %get3A_556 = vector.shape_cast %get3A_555 : vector<1x16xi32> to vector<16xi32>
    %and3A_557 = arith.constant 16383 : i32
    %and3A_558 = vector.broadcast %and3A_557 : i32 to vector<16xi32>
    %and3A_559 = arith.andi %get3A_556, %and3A_558 : vector<16xi32>
    %swap3A_560 = arith.constant 48 : index
    %swap3A_561 = tpu.vector_load %arg6[%swap3A_560] {strides = array<i32>} : memref<128xi32, #tpu.memory_space<vmem>>, vector<16xi32>,
    %swap3A_562 = vector.shape_cast %swap3A_561 : vector<16xi32> to vector<16xi32>
    %swap3A_563 = vector.shape_cast %and3A_559 : vector<16xi32> to vector<16xi32>
    tpu.vector_store %arg6[%swap3A_560], %swap3A_563 {strides = array<i32>} : memref<128xi32, #tpu.memory_space<vmem>>, vector<16xi32>,
    %get3A_564 = arith.constant 0 : i32
    %get3A_565 = arith.index_cast %get3A_564 : i32 to index
    %get3A_566 = arith.constant 64 : index
    %get3A_567 = tpu.vector_load %arg5[%get3A_565, %get3A_566] {strides = array<i32>} : memref<158x128xi32, #tpu.memory_space<vmem>>, vector<1x16xi32>,
    %get3A_568 = vector.shape_cast %get3A_567 : vector<1x16xi32> to vector<16xi32>
    %and3A_569 = arith.constant 16383 : i32
    %and3A_570 = vector.broadcast %and3A_569 : i32 to vector<16xi32>
    %and3A_571 = arith.andi %get3A_568, %and3A_570 : vector<16xi32>
    %swap3A_572 = arith.constant 64 : index
    %swap3A_573 = tpu.vector_load %arg6[%swap3A_572] {strides = array<i32>} : memref<128xi32, #tpu.memory_space<vmem>>, vector<16xi32>,
    %swap3A_574 = vector.shape_cast %swap3A_573 : vector<16xi32> to vector<16xi32>
    %swap3A_575 = vector.shape_cast %and3A_571 : vector<16xi32> to vector<16xi32>
    tpu.vector_store %arg6[%swap3A_572], %swap3A_575 {strides = array<i32>} : memref<128xi32, #tpu.memory_space<vmem>>, vector<16xi32>,
    %get3A_576 = arith.constant 0 : i32
    %get3A_577 = arith.index_cast %get3A_576 : i32 to index
    %get3A_578 = arith.constant 80 : index
    %get3A_579 = tpu.vector_load %arg5[%get3A_577, %get3A_578] {strides = array<i32>} : memref<158x128xi32, #tpu.memory_space<vmem>>, vector<1x16xi32>,
    %get3A_580 = vector.shape_cast %get3A_579 : vector<1x16xi32> to vector<16xi32>
    %and3A_581 = arith.constant 16383 : i32
    %and3A_582 = vector.broadcast %and3A_581 : i32 to vector<16xi32>
    %and3A_583 = arith.andi %get3A_580, %and3A_582 : vector<16xi32>
    %swap3A_584 = arith.constant 80 : index
    %swap3A_585 = tpu.vector_load %arg6[%swap3A_584] {strides = array<i32>} : memref<128xi32, #tpu.memory_space<vmem>>, vector<16xi32>,
    %swap3A_586 = vector.shape_cast %swap3A_585 : vector<16xi32> to vector<16xi32>
    %swap3A_587 = vector.shape_cast %and3A_583 : vector<16xi32> to vector<16xi32>
    tpu.vector_store %arg6[%swap3A_584], %swap3A_587 {strides = array<i32>} : memref<128xi32, #tpu.memory_space<vmem>>, vector<16xi32>,
    %get3A_588 = arith.constant 0 : i32
    %get3A_589 = arith.index_cast %get3A_588 : i32 to index
    %get3A_590 = arith.constant 96 : index
    %get3A_591 = tpu.vector_load %arg5[%get3A_589, %get3A_590] {strides = array<i32>} : memref<158x128xi32, #tpu.memory_space<vmem>>, vector<1x16xi32>,
    %get3A_592 = vector.shape_cast %get3A_591 : vector<1x16xi32> to vector<16xi32>
    %and3A_593 = arith.constant 16383 : i32
    %and3A_594 = vector.broadcast %and3A_593 : i32 to vector<16xi32>
    %and3A_595 = arith.andi %get3A_592, %and3A_594 : vector<16xi32>
    %swap3A_596 = arith.constant 96 : index
    %swap3A_597 = tpu.vector_load %arg6[%swap3A_596] {strides = array<i32>} : memref<128xi32, #tpu.memory_space<vmem>>, vector<16xi32>,
    %swap3A_598 = vector.shape_cast %swap3A_597 : vector<16xi32> to vector<16xi32>
    %swap3A_599 = vector.shape_cast %and3A_595 : vector<16xi32> to vector<16xi32>
    tpu.vector_store %arg6[%swap3A_596], %swap3A_599 {strides = array<i32>} : memref<128xi32, #tpu.memory_space<vmem>>, vector<16xi32>,
    %get3A_600 = arith.constant 0 : i32
    %get3A_601 = arith.index_cast %get3A_600 : i32 to index
    %get3A_602 = arith.constant 112 : index
    %get3A_603 = tpu.vector_load %arg5[%get3A_601, %get3A_602] {strides = array<i32>} : memref<158x128xi32, #tpu.memory_space<vmem>>, vector<1x16xi32>,
    %get3A_604 = vector.shape_cast %get3A_603 : vector<1x16xi32> to vector<16xi32>
    %and3A_605 = arith.constant 16383 : i32
    %and3A_606 = vector.broadcast %and3A_605 : i32 to vector<16xi32>
    %and3A_607 = arith.andi %get3A_604, %and3A_606 : vector<16xi32>
    %swap3A_608 = arith.constant 112 : index
    %swap3A_609 = tpu.vector_load %arg6[%swap3A_608] {strides = array<i32>} : memref<128xi32, #tpu.memory_space<vmem>>, vector<16xi32>,
    %swap3A_610 = vector.shape_cast %swap3A_609 : vector<16xi32> to vector<16xi32>
    %swap3A_611 = vector.shape_cast %and3A_607 : vector<16xi32> to vector<16xi32>
    tpu.vector_store %arg6[%swap3A_608], %swap3A_611 {strides = array<i32>} : memref<128xi32, #tpu.memory_space<vmem>>, vector<16xi32>,
    %dma_start3A = arith.constant 0 : i32
    %dma_start3A_612 = arith.constant 0 : i32
    %dma_start3A_613 = tpu.memref_slice %arg12[%dma_start3A, %dma_start3A_612] : memref<10000x64xf32, #tpu.memory_space<vmem_shared>> -> memref<10000x64xf32, #tpu.memory_space<vmem_shared>>
    tpu.enqueue_indirect_dma source(%dma_start3A_613 : memref<10000x64xf32, #tpu.memory_space<vmem_shared>>) target(%arg9 : memref<128x64xf32, #tpu.memory_space<vmem>>) offsets(%arg6 : memref<128xi32, #tpu.memory_space<vmem>>) semaphore(%arg14 : memref<!tpu.dma_semaphore, #tpu.memory_space<semaphore_mem>>)
    %get3A_614 = arith.constant 1 : i32
    %get3A_615 = arith.index_cast %get3A_614 : i32 to index
    %get3A_616 = arith.constant 0 : index
    %get3A_617 = tpu.vector_load %arg5[%get3A_615, %get3A_616] {strides = array<i32>} : memref<158x128xi32, #tpu.memory_space<vmem>>, vector<1x16xi32>,
    %get3A_618 = vector.shape_cast %get3A_617 : vector<1x16xi32> to vector<16xi32>
    %and3A_619 = arith.constant 16383 : i32
    %and3A_620 = vector.broadcast %and3A_619 : i32 to vector<16xi32>
    %and3A_621 = arith.andi %get3A_618, %and3A_620 : vector<16xi32>
    %swap3A_622 = arith.constant 0 : index
    %swap3A_623 = tpu.vector_load %arg7[%swap3A_622] {strides = array<i32>} : memref<128xi32, #tpu.memory_space<vmem>>, vector<16xi32>,
    %swap3A_624 = vector.shape_cast %swap3A_623 : vector<16xi32> to vector<16xi32>
    %swap3A_625 = vector.shape_cast %and3A_621 : vector<16xi32> to vector<16xi32>
    tpu.vector_store %arg7[%swap3A_622], %swap3A_625 {strides = array<i32>} : memref<128xi32, #tpu.memory_space<vmem>>, vector<16xi32>,
    %get3A_626 = arith.constant 1 : i32
    %get3A_627 = arith.index_cast %get3A_626 : i32 to index
    %get3A_628 = arith.constant 16 : index
    %get3A_629 = tpu.vector_load %arg5[%get3A_627, %get3A_628] {strides = array<i32>} : memref<158x128xi32, #tpu.memory_space<vmem>>, vector<1x16xi32>,
    %get3A_630 = vector.shape_cast %get3A_629 : vector<1x16xi32> to vector<16xi32>
    %and3A_631 = arith.constant 16383 : i32
    %and3A_632 = vector.broadcast %and3A_631 : i32 to vector<16xi32>
    %and3A_633 = arith.andi %get3A_630, %and3A_632 : vector<16xi32>
    %swap3A_634 = arith.constant 16 : index
    %swap3A_635 = tpu.vector_load %arg7[%swap3A_634] {strides = array<i32>} : memref<128xi32, #tpu.memory_space<vmem>>, vector<16xi32>,
    %swap3A_636 = vector.shape_cast %swap3A_635 : vector<16xi32> to vector<16xi32>
    %swap3A_637 = vector.shape_cast %and3A_633 : vector<16xi32> to vector<16xi32>
    tpu.vector_store %arg7[%swap3A_634], %swap3A_637 {strides = array<i32>} : memref<128xi32, #tpu.memory_space<vmem>>, vector<16xi32>,
    %get3A_638 = arith.constant 1 : i32
    %get3A_639 = arith.index_cast %get3A_638 : i32 to index
    %get3A_640 = arith.constant 32 : index
    %get3A_641 = tpu.vector_load %arg5[%get3A_639, %get3A_640] {strides = array<i32>} : memref<158x128xi32, #tpu.memory_space<vmem>>, vector<1x16xi32>,
    %get3A_642 = vector.shape_cast %get3A_641 : vector<1x16xi32> to vector<16xi32>
    %and3A_643 = arith.constant 16383 : i32
    %and3A_644 = vector.broadcast %and3A_643 : i32 to vector<16xi32>
    %and3A_645 = arith.andi %get3A_642, %and3A_644 : vector<16xi32>
    %swap3A_646 = arith.constant 32 : index
    %swap3A_647 = tpu.vector_load %arg7[%swap3A_646] {strides = array<i32>} : memref<128xi32, #tpu.memory_space<vmem>>, vector<16xi32>,
    %swap3A_648 = vector.shape_cast %swap3A_647 : vector<16xi32> to vector<16xi32>
    %swap3A_649 = vector.shape_cast %and3A_645 : vector<16xi32> to vector<16xi32>
    tpu.vector_store %arg7[%swap3A_646], %swap3A_649 {strides = array<i32>} : memref<128xi32, #tpu.memory_space<vmem>>, vector<16xi32>,
    %get3A_650 = arith.constant 1 : i32
    %get3A_651 = arith.index_cast %get3A_650 : i32 to index
    %get3A_652 = arith.constant 48 : index
    %get3A_653 = tpu.vector_load %arg5[%get3A_651, %get3A_652] {strides = array<i32>} : memref<158x128xi32, #tpu.memory_space<vmem>>, vector<1x16xi32>,
    %get3A_654 = vector.shape_cast %get3A_653 : vector<1x16xi32> to vector<16xi32>
    %and3A_655 = arith.constant 16383 : i32
    %and3A_656 = vector.broadcast %and3A_655 : i32 to vector<16xi32>
    %and3A_657 = arith.andi %get3A_654, %and3A_656 : vector<16xi32>
    %swap3A_658 = arith.constant 48 : index
    %swap3A_659 = tpu.vector_load %arg7[%swap3A_658] {strides = array<i32>} : memref<128xi32, #tpu.memory_space<vmem>>, vector<16xi32>,
    %swap3A_660 = vector.shape_cast %swap3A_659 : vector<16xi32> to vector<16xi32>
    %swap3A_661 = vector.shape_cast %and3A_657 : vector<16xi32> to vector<16xi32>
    tpu.vector_store %arg7[%swap3A_658], %swap3A_661 {strides = array<i32>} : memref<128xi32, #tpu.memory_space<vmem>>, vector<16xi32>,
    %get3A_662 = arith.constant 1 : i32
    %get3A_663 = arith.index_cast %get3A_662 : i32 to index
    %get3A_664 = arith.constant 64 : index
    %get3A_665 = tpu.vector_load %arg5[%get3A_663, %get3A_664] {strides = array<i32>} : memref<158x128xi32, #tpu.memory_space<vmem>>, vector<1x16xi32>,
    %get3A_666 = vector.shape_cast %get3A_665 : vector<1x16xi32> to vector<16xi32>
    %and3A_667 = arith.constant 16383 : i32
    %and3A_668 = vector.broadcast %and3A_667 : i32 to vector<16xi32>
    %and3A_669 = arith.andi %get3A_666, %and3A_668 : vector<16xi32>
    %swap3A_670 = arith.constant 64 : index
    %swap3A_671 = tpu.vector_load %arg7[%swap3A_670] {strides = array<i32>} : memref<128xi32, #tpu.memory_space<vmem>>, vector<16xi32>,
    %swap3A_672 = vector.shape_cast %swap3A_671 : vector<16xi32> to vector<16xi32>
    %swap3A_673 = vector.shape_cast %and3A_669 : vector<16xi32> to vector<16xi32>
    tpu.vector_store %arg7[%swap3A_670], %swap3A_673 {strides = array<i32>} : memref<128xi32, #tpu.memory_space<vmem>>, vector<16xi32>,
    %get3A_674 = arith.constant 1 : i32
    %get3A_675 = arith.index_cast %get3A_674 : i32 to index
    %get3A_676 = arith.constant 80 : index
    %get3A_677 = tpu.vector_load %arg5[%get3A_675, %get3A_676] {strides = array<i32>} : memref<158x128xi32, #tpu.memory_space<vmem>>, vector<1x16xi32>,
    %get3A_678 = vector.shape_cast %get3A_677 : vector<1x16xi32> to vector<16xi32>
    %and3A_679 = arith.constant 16383 : i32
    %and3A_680 = vector.broadcast %and3A_679 : i32 to vector<16xi32>
    %and3A_681 = arith.andi %get3A_678, %and3A_680 : vector<16xi32>
    %swap3A_682 = arith.constant 80 : index
    %swap3A_683 = tpu.vector_load %arg7[%swap3A_682] {strides = array<i32>} : memref<128xi32, #tpu.memory_space<vmem>>, vector<16xi32>,
    %swap3A_684 = vector.shape_cast %swap3A_683 : vector<16xi32> to vector<16xi32>
    %swap3A_685 = vector.shape_cast %and3A_681 : vector<16xi32> to vector<16xi32>
    tpu.vector_store %arg7[%swap3A_682], %swap3A_685 {strides = array<i32>} : memref<128xi32, #tpu.memory_space<vmem>>, vector<16xi32>,
    %get3A_686 = arith.constant 1 : i32
    %get3A_687 = arith.index_cast %get3A_686 : i32 to index
    %get3A_688 = arith.constant 96 : index
    %get3A_689 = tpu.vector_load %arg5[%get3A_687, %get3A_688] {strides = array<i32>} : memref<158x128xi32, #tpu.memory_space<vmem>>, vector<1x16xi32>,
    %get3A_690 = vector.shape_cast %get3A_689 : vector<1x16xi32> to vector<16xi32>
    %and3A_691 = arith.constant 16383 : i32
    %and3A_692 = vector.broadcast %and3A_691 : i32 to vector<16xi32>
    %and3A_693 = arith.andi %get3A_690, %and3A_692 : vector<16xi32>
    %swap3A_694 = arith.constant 96 : index
    %swap3A_695 = tpu.vector_load %arg7[%swap3A_694] {strides = array<i32>} : memref<128xi32, #tpu.memory_space<vmem>>, vector<16xi32>,
    %swap3A_696 = vector.shape_cast %swap3A_695 : vector<16xi32> to vector<16xi32>
    %swap3A_697 = vector.shape_cast %and3A_693 : vector<16xi32> to vector<16xi32>
    tpu.vector_store %arg7[%swap3A_694], %swap3A_697 {strides = array<i32>} : memref<128xi32, #tpu.memory_space<vmem>>, vector<16xi32>,
    %get3A_698 = arith.constant 1 : i32
    %get3A_699 = arith.index_cast %get3A_698 : i32 to index
    %get3A_700 = arith.constant 112 : index
    %get3A_701 = tpu.vector_load %arg5[%get3A_699, %get3A_700] {strides = array<i32>} : memref<158x128xi32, #tpu.memory_space<vmem>>, vector<1x16xi32>,
    %get3A_702 = vector.shape_cast %get3A_701 : vector<1x16xi32> to vector<16xi32>
    %and3A_703 = arith.constant 16383 : i32
    %and3A_704 = vector.broadcast %and3A_703 : i32 to vector<16xi32>
    %and3A_705 = arith.andi %get3A_702, %and3A_704 : vector<16xi32>
    %swap3A_706 = arith.constant 112 : index
    %swap3A_707 = tpu.vector_load %arg7[%swap3A_706] {strides = array<i32>} : memref<128xi32, #tpu.memory_space<vmem>>, vector<16xi32>,
    %swap3A_708 = vector.shape_cast %swap3A_707 : vector<16xi32> to vector<16xi32>
    %swap3A_709 = vector.shape_cast %and3A_705 : vector<16xi32> to vector<16xi32>
    tpu.vector_store %arg7[%swap3A_706], %swap3A_709 {strides = array<i32>} : memref<128xi32, #tpu.memory_space<vmem>>, vector<16xi32>,
    %dma_start3A_710 = arith.constant 0 : i32
    %dma_start3A_711 = arith.constant 0 : i32
    %dma_start3A_712 = tpu.memref_slice %arg12[%dma_start3A_710, %dma_start3A_711] : memref<10000x64xf32, #tpu.memory_space<vmem_shared>> -> memref<10000x64xf32, #tpu.memory_space<vmem_shared>>
    tpu.enqueue_indirect_dma source(%dma_start3A_712 : memref<10000x64xf32, #tpu.memory_space<vmem_shared>>) target(%arg10 : memref<128x64xf32, #tpu.memory_space<vmem>>) offsets(%arg7 : memref<128xi32, #tpu.memory_space<vmem>>) semaphore(%arg15 : memref<!tpu.dma_semaphore, #tpu.memory_space<semaphore_mem>>)
    %scan3A_713 = arith.constant 0 : i32
    %scan3A_714 = arith.constant 0 : i32
    %scan3A_715 = arith.constant 79 : i32
    %scan3A_716 = arith.addi %scan3A_714, %scan3A_715 : i32
    %scan3A_717 = arith.constant 1 : i32
    scf.for %scan3A_729 = %scan3A_714 to %scan3A_716 step %scan3A_717  : i32 {
      %mul3A_730 = arith.constant 2 : i32
      %mul3A_731 = arith.muli %mul3A_730, %scan3A_729 : i32
      %add3A = arith.constant 0 : i32
      %add3A_732 = arith.addi %mul3A_731, %add3A : i32
      %dma_wait3A_733 = arith.constant 0 : i32
      %dma_wait3A_734 = arith.constant 0 : i32
      %dma_wait3A_735 = tpu.memref_slice %arg12[%dma_wait3A_733, %dma_wait3A_734] : memref<10000x64xf32, #tpu.memory_space<vmem_shared>> -> memref<10000x64xf32, #tpu.memory_space<vmem_shared>>
      tpu.wait_indirect_dma semaphore(%arg14 : memref<!tpu.dma_semaphore, #tpu.memory_space<semaphore_mem>>) src(%dma_wait3A_735 : memref<10000x64xf32, #tpu.memory_space<vmem_shared>>) dst(%arg9 : memref<128x64xf32, #tpu.memory_space<vmem>>)
      %get3A_736 = arith.index_cast %add3A_732 : i32 to index
      %get3A_737 = arith.constant 0 : index
      %get3A_738 = tpu.vector_load %arg5[%get3A_736, %get3A_737] {strides = array<i32>} : memref<158x128xi32, #tpu.memory_space<vmem>>, vector<1x16xi32>,
      %get3A_739 = vector.shape_cast %get3A_738 : vector<1x16xi32> to vector<16xi32>
      %shift_right_logical3A = arith.constant 14 : i32
      %shift_right_logical3A_740 = vector.broadcast %shift_right_logical3A : i32 to vector<16xi32>
      %shift_right_logical3A_741 = arith.shrui %get3A_739, %shift_right_logical3A_740 : vector<16xi32>
      %swap3A_742 = arith.constant 0 : index
      %swap3A_743 = tpu.vector_load %arg8[%swap3A_742] {strides = array<i32>} : memref<128xi32, #tpu.memory_space<vmem>>, vector<16xi32>,
      %swap3A_744 = vector.shape_cast %swap3A_743 : vector<16xi32> to vector<16xi32>
      %swap3A_745 = vector.shape_cast %shift_right_logical3A_741 : vector<16xi32> to vector<16xi32>
      tpu.vector_store %arg8[%swap3A_742], %swap3A_745 {strides = array<i32>} : memref<128xi32, #tpu.memory_space<vmem>>, vector<16xi32>,
      %get3A_746 = arith.index_cast %add3A_732 : i32 to index
      %get3A_747 = arith.constant 16 : index
      %get3A_748 = tpu.vector_load %arg5[%get3A_746, %get3A_747] {strides = array<i32>} : memref<158x128xi32, #tpu.memory_space<vmem>>, vector<1x16xi32>,
      %get3A_749 = vector.shape_cast %get3A_748 : vector<1x16xi32> to vector<16xi32>
      %shift_right_logical3A_750 = arith.constant 14 : i32
      %shift_right_logical3A_751 = vector.broadcast %shift_right_logical3A_750 : i32 to vector<16xi32>
      %shift_right_logical3A_752 = arith.shrui %get3A_749, %shift_right_logical3A_751 : vector<16xi32>
      %swap3A_753 = arith.constant 16 : index
      %swap3A_754 = tpu.vector_load %arg8[%swap3A_753] {strides = array<i32>} : memref<128xi32, #tpu.memory_space<vmem>>, vector<16xi32>,
      %swap3A_755 = vector.shape_cast %swap3A_754 : vector<16xi32> to vector<16xi32>
      %swap3A_756 = vector.shape_cast %shift_right_logical3A_752 : vector<16xi32> to vector<16xi32>
      tpu.vector_store %arg8[%swap3A_753], %swap3A_756 {strides = array<i32>} : memref<128xi32, #tpu.memory_space<vmem>>, vector<16xi32>,
      %get3A_757 = arith.index_cast %add3A_732 : i32 to index
      %get3A_758 = arith.constant 32 : index
      %get3A_759 = tpu.vector_load %arg5[%get3A_757, %get3A_758] {strides = array<i32>} : memref<158x128xi32, #tpu.memory_space<vmem>>, vector<1x16xi32>,
      %get3A_760 = vector.shape_cast %get3A_759 : vector<1x16xi32> to vector<16xi32>
      %shift_right_logical3A_761 = arith.constant 14 : i32
      %shift_right_logical3A_762 = vector.broadcast %shift_right_logical3A_761 : i32 to vector<16xi32>
      %shift_right_logical3A_763 = arith.shrui %get3A_760, %shift_right_logical3A_762 : vector<16xi32>
      %swap3A_764 = arith.constant 32 : index
      %swap3A_765 = tpu.vector_load %arg8[%swap3A_764] {strides = array<i32>} : memref<128xi32, #tpu.memory_space<vmem>>, vector<16xi32>,
      %swap3A_766 = vector.shape_cast %swap3A_765 : vector<16xi32> to vector<16xi32>
      %swap3A_767 = vector.shape_cast %shift_right_logical3A_763 : vector<16xi32> to vector<16xi32>
      tpu.vector_store %arg8[%swap3A_764], %swap3A_767 {strides = array<i32>} : memref<128xi32, #tpu.memory_space<vmem>>, vector<16xi32>,
      %get3A_768 = arith.index_cast %add3A_732 : i32 to index
      %get3A_769 = arith.constant 48 : index
      %get3A_770 = tpu.vector_load %arg5[%get3A_768, %get3A_769] {strides = array<i32>} : memref<158x128xi32, #tpu.memory_space<vmem>>, vector<1x16xi32>,
      %get3A_771 = vector.shape_cast %get3A_770 : vector<1x16xi32> to vector<16xi32>
      %shift_right_logical3A_772 = arith.constant 14 : i32
      %shift_right_logical3A_773 = vector.broadcast %shift_right_logical3A_772 : i32 to vector<16xi32>
      %shift_right_logical3A_774 = arith.shrui %get3A_771, %shift_right_logical3A_773 : vector<16xi32>
      %swap3A_775 = arith.constant 48 : index
      %swap3A_776 = tpu.vector_load %arg8[%swap3A_775] {strides = array<i32>} : memref<128xi32, #tpu.memory_space<vmem>>, vector<16xi32>,
      %swap3A_777 = vector.shape_cast %swap3A_776 : vector<16xi32> to vector<16xi32>
      %swap3A_778 = vector.shape_cast %shift_right_logical3A_774 : vector<16xi32> to vector<16xi32>
      tpu.vector_store %arg8[%swap3A_775], %swap3A_778 {strides = array<i32>} : memref<128xi32, #tpu.memory_space<vmem>>, vector<16xi32>,
      %get3A_779 = arith.index_cast %add3A_732 : i32 to index
      %get3A_780 = arith.constant 64 : index
      %get3A_781 = tpu.vector_load %arg5[%get3A_779, %get3A_780] {strides = array<i32>} : memref<158x128xi32, #tpu.memory_space<vmem>>, vector<1x16xi32>,
      %get3A_782 = vector.shape_cast %get3A_781 : vector<1x16xi32> to vector<16xi32>
      %shift_right_logical3A_783 = arith.constant 14 : i32
      %shift_right_logical3A_784 = vector.broadcast %shift_right_logical3A_783 : i32 to vector<16xi32>
      %shift_right_logical3A_785 = arith.shrui %get3A_782, %shift_right_logical3A_784 : vector<16xi32>
      %swap3A_786 = arith.constant 64 : index
      %swap3A_787 = tpu.vector_load %arg8[%swap3A_786] {strides = array<i32>} : memref<128xi32, #tpu.memory_space<vmem>>, vector<16xi32>,
      %swap3A_788 = vector.shape_cast %swap3A_787 : vector<16xi32> to vector<16xi32>
      %swap3A_789 = vector.shape_cast %shift_right_logical3A_785 : vector<16xi32> to vector<16xi32>
      tpu.vector_store %arg8[%swap3A_786], %swap3A_789 {strides = array<i32>} : memref<128xi32, #tpu.memory_space<vmem>>, vector<16xi32>,
      %get3A_790 = arith.index_cast %add3A_732 : i32 to index
      %get3A_791 = arith.constant 80 : index
      %get3A_792 = tpu.vector_load %arg5[%get3A_790, %get3A_791] {strides = array<i32>} : memref<158x128xi32, #tpu.memory_space<vmem>>, vector<1x16xi32>,
      %get3A_793 = vector.shape_cast %get3A_792 : vector<1x16xi32> to vector<16xi32>
      %shift_right_logical3A_794 = arith.constant 14 : i32
      %shift_right_logical3A_795 = vector.broadcast %shift_right_logical3A_794 : i32 to vector<16xi32>
      %shift_right_logical3A_796 = arith.shrui %get3A_793, %shift_right_logical3A_795 : vector<16xi32>
      %swap3A_797 = arith.constant 80 : index
      %swap3A_798 = tpu.vector_load %arg8[%swap3A_797] {strides = array<i32>} : memref<128xi32, #tpu.memory_space<vmem>>, vector<16xi32>,
      %swap3A_799 = vector.shape_cast %swap3A_798 : vector<16xi32> to vector<16xi32>
      %swap3A_800 = vector.shape_cast %shift_right_logical3A_796 : vector<16xi32> to vector<16xi32>
      tpu.vector_store %arg8[%swap3A_797], %swap3A_800 {strides = array<i32>} : memref<128xi32, #tpu.memory_space<vmem>>, vector<16xi32>,
      %get3A_801 = arith.index_cast %add3A_732 : i32 to index
      %get3A_802 = arith.constant 96 : index
      %get3A_803 = tpu.vector_load %arg5[%get3A_801, %get3A_802] {strides = array<i32>} : memref<158x128xi32, #tpu.memory_space<vmem>>, vector<1x16xi32>,
      %get3A_804 = vector.shape_cast %get3A_803 : vector<1x16xi32> to vector<16xi32>
      %shift_right_logical3A_805 = arith.constant 14 : i32
      %shift_right_logical3A_806 = vector.broadcast %shift_right_logical3A_805 : i32 to vector<16xi32>
      %shift_right_logical3A_807 = arith.shrui %get3A_804, %shift_right_logical3A_806 : vector<16xi32>
      %swap3A_808 = arith.constant 96 : index
      %swap3A_809 = tpu.vector_load %arg8[%swap3A_808] {strides = array<i32>} : memref<128xi32, #tpu.memory_space<vmem>>, vector<16xi32>,
      %swap3A_810 = vector.shape_cast %swap3A_809 : vector<16xi32> to vector<16xi32>
      %swap3A_811 = vector.shape_cast %shift_right_logical3A_807 : vector<16xi32> to vector<16xi32>
      tpu.vector_store %arg8[%swap3A_808], %swap3A_811 {strides = array<i32>} : memref<128xi32, #tpu.memory_space<vmem>>, vector<16xi32>,
      %get3A_812 = arith.index_cast %add3A_732 : i32 to index
      %get3A_813 = arith.constant 112 : index
      %get3A_814 = tpu.vector_load %arg5[%get3A_812, %get3A_813] {strides = array<i32>} : memref<158x128xi32, #tpu.memory_space<vmem>>, vector<1x16xi32>,
      %get3A_815 = vector.shape_cast %get3A_814 : vector<1x16xi32> to vector<16xi32>
      %shift_right_logical3A_816 = arith.constant 14 : i32
      %shift_right_logical3A_817 = vector.broadcast %shift_right_logical3A_816 : i32 to vector<16xi32>
      %shift_right_logical3A_818 = arith.shrui %get3A_815, %shift_right_logical3A_817 : vector<16xi32>
      %swap3A_819 = arith.constant 112 : index
      %swap3A_820 = tpu.vector_load %arg8[%swap3A_819] {strides = array<i32>} : memref<128xi32, #tpu.memory_space<vmem>>, vector<16xi32>,
      %swap3A_821 = vector.shape_cast %swap3A_820 : vector<16xi32> to vector<16xi32>
      %swap3A_822 = vector.shape_cast %shift_right_logical3A_818 : vector<16xi32> to vector<16xi32>
      tpu.vector_store %arg8[%swap3A_819], %swap3A_822 {strides = array<i32>} : memref<128xi32, #tpu.memory_space<vmem>>, vector<16xi32>,
      "tpu.region"() ({
        %run_scoped3A = tpu.sem_alloc : memref<!tpu.dma_semaphore, #tpu.memory_space<semaphore_mem>>
        %dma_start3A_1107 = arith.constant 0 : i32
        %dma_start3A_1108 = arith.constant 0 : i32
        %dma_start3A_1109 = tpu.memref_slice %arg13[%dma_start3A_1107, %dma_start3A_1108] : memref<10240x64xf32, #tpu.memory_space<vmem_shared>> -> memref<10240x64xf32, #tpu.memory_space<vmem_shared>>
        tpu.enqueue_indirect_dma source(%arg9 : memref<128x64xf32, #tpu.memory_space<vmem>>) target(%dma_start3A_1109 : memref<10240x64xf32, #tpu.memory_space<vmem_shared>>) offsets(%arg8 : memref<128xi32, #tpu.memory_space<vmem>>) semaphore(%run_scoped3A : memref<!tpu.dma_semaphore, #tpu.memory_space<semaphore_mem>>) {add = true}
        %dma_wait3A_1110 = arith.constant 0 : i32
        %dma_wait3A_1111 = arith.constant 0 : i32
        %dma_wait3A_1112 = tpu.memref_slice %arg13[%dma_wait3A_1110, %dma_wait3A_1111] : memref<10240x64xf32, #tpu.memory_space<vmem_shared>> -> memref<10240x64xf32, #tpu.memory_space<vmem_shared>>
        tpu.wait_indirect_dma semaphore(%run_scoped3A : memref<!tpu.dma_semaphore, #tpu.memory_space<semaphore_mem>>) src(%arg9 : memref<128x64xf32, #tpu.memory_space<vmem>>) dst(%dma_wait3A_1112 : memref<10240x64xf32, #tpu.memory_space<vmem_shared>>)
        tpu.yield
      }) : () -> ()
      %add3A_823 = arith.constant 2 : i32
      %add3A_824 = arith.addi %add3A_732, %add3A_823 : i32
      %rem3A = arith.constant 158 : i32
      %rem3A_825 = arith.remsi %add3A_824, %rem3A : i32
      %get3A_826 = arith.index_cast %rem3A_825 : i32 to index
      %get3A_827 = arith.constant 0 : index
      %get3A_828 = tpu.vector_load %arg5[%get3A_826, %get3A_827] {strides = array<i32>} : memref<158x128xi32, #tpu.memory_space<vmem>>, vector<1x16xi32>,
      %get3A_829 = vector.shape_cast %get3A_828 : vector<1x16xi32> to vector<16xi32>
      %and3A_830 = arith.constant 16383 : i32
      %and3A_831 = vector.broadcast %and3A_830 : i32 to vector<16xi32>
      %and3A_832 = arith.andi %get3A_829, %and3A_831 : vector<16xi32>
      %swap3A_833 = arith.constant 0 : index
      %swap3A_834 = tpu.vector_load %arg6[%swap3A_833] {strides = array<i32>} : memref<128xi32, #tpu.memory_space<vmem>>, vector<16xi32>,
      %swap3A_835 = vector.shape_cast %swap3A_834 : vector<16xi32> to vector<16xi32>
      %swap3A_836 = vector.shape_cast %and3A_832 : vector<16xi32> to vector<16xi32>
      tpu.vector_store %arg6[%swap3A_833], %swap3A_836 {strides = array<i32>} : memref<128xi32, #tpu.memory_space<vmem>>, vector<16xi32>,
      %get3A_837 = arith.index_cast %rem3A_825 : i32 to index
      %get3A_838 = arith.constant 16 : index
      %get3A_839 = tpu.vector_load %arg5[%get3A_837, %get3A_838] {strides = array<i32>} : memref<158x128xi32, #tpu.memory_space<vmem>>, vector<1x16xi32>,
      %get3A_840 = vector.shape_cast %get3A_839 : vector<1x16xi32> to vector<16xi32>
      %and3A_841 = arith.constant 16383 : i32
      %and3A_842 = vector.broadcast %and3A_841 : i32 to vector<16xi32>
      %and3A_843 = arith.andi %get3A_840, %and3A_842 : vector<16xi32>
      %swap3A_844 = arith.constant 16 : index
      %swap3A_845 = tpu.vector_load %arg6[%swap3A_844] {strides = array<i32>} : memref<128xi32, #tpu.memory_space<vmem>>, vector<16xi32>,
      %swap3A_846 = vector.shape_cast %swap3A_845 : vector<16xi32> to vector<16xi32>
      %swap3A_847 = vector.shape_cast %and3A_843 : vector<16xi32> to vector<16xi32>
      tpu.vector_store %arg6[%swap3A_844], %swap3A_847 {strides = array<i32>} : memref<128xi32, #tpu.memory_space<vmem>>, vector<16xi32>,
      %get3A_848 = arith.index_cast %rem3A_825 : i32 to index
      %get3A_849 = arith.constant 32 : index
      %get3A_850 = tpu.vector_load %arg5[%get3A_848, %get3A_849] {strides = array<i32>} : memref<158x128xi32, #tpu.memory_space<vmem>>, vector<1x16xi32>,
      %get3A_851 = vector.shape_cast %get3A_850 : vector<1x16xi32> to vector<16xi32>
      %and3A_852 = arith.constant 16383 : i32
      %and3A_853 = vector.broadcast %and3A_852 : i32 to vector<16xi32>
      %and3A_854 = arith.andi %get3A_851, %and3A_853 : vector<16xi32>
      %swap3A_855 = arith.constant 32 : index
      %swap3A_856 = tpu.vector_load %arg6[%swap3A_855] {strides = array<i32>} : memref<128xi32, #tpu.memory_space<vmem>>, vector<16xi32>,
      %swap3A_857 = vector.shape_cast %swap3A_856 : vector<16xi32> to vector<16xi32>
      %swap3A_858 = vector.shape_cast %and3A_854 : vector<16xi32> to vector<16xi32>
      tpu.vector_store %arg6[%swap3A_855], %swap3A_858 {strides = array<i32>} : memref<128xi32, #tpu.memory_space<vmem>>, vector<16xi32>,
      %get3A_859 = arith.index_cast %rem3A_825 : i32 to index
      %get3A_860 = arith.constant 48 : index
      %get3A_861 = tpu.vector_load %arg5[%get3A_859, %get3A_860] {strides = array<i32>} : memref<158x128xi32, #tpu.memory_space<vmem>>, vector<1x16xi32>,
      %get3A_862 = vector.shape_cast %get3A_861 : vector<1x16xi32> to vector<16xi32>
      %and3A_863 = arith.constant 16383 : i32
      %and3A_864 = vector.broadcast %and3A_863 : i32 to vector<16xi32>
      %and3A_865 = arith.andi %get3A_862, %and3A_864 : vector<16xi32>
      %swap3A_866 = arith.constant 48 : index
      %swap3A_867 = tpu.vector_load %arg6[%swap3A_866] {strides = array<i32>} : memref<128xi32, #tpu.memory_space<vmem>>, vector<16xi32>,
      %swap3A_868 = vector.shape_cast %swap3A_867 : vector<16xi32> to vector<16xi32>
      %swap3A_869 = vector.shape_cast %and3A_865 : vector<16xi32> to vector<16xi32>
      tpu.vector_store %arg6[%swap3A_866], %swap3A_869 {strides = array<i32>} : memref<128xi32, #tpu.memory_space<vmem>>, vector<16xi32>,
      %get3A_870 = arith.index_cast %rem3A_825 : i32 to index
      %get3A_871 = arith.constant 64 : index
      %get3A_872 = tpu.vector_load %arg5[%get3A_870, %get3A_871] {strides = array<i32>} : memref<158x128xi32, #tpu.memory_space<vmem>>, vector<1x16xi32>,
      %get3A_873 = vector.shape_cast %get3A_872 : vector<1x16xi32> to vector<16xi32>
      %and3A_874 = arith.constant 16383 : i32
      %and3A_875 = vector.broadcast %and3A_874 : i32 to vector<16xi32>
      %and3A_876 = arith.andi %get3A_873, %and3A_875 : vector<16xi32>
      %swap3A_877 = arith.constant 64 : index
      %swap3A_878 = tpu.vector_load %arg6[%swap3A_877] {strides = array<i32>} : memref<128xi32, #tpu.memory_space<vmem>>, vector<16xi32>,
      %swap3A_879 = vector.shape_cast %swap3A_878 : vector<16xi32> to vector<16xi32>
      %swap3A_880 = vector.shape_cast %and3A_876 : vector<16xi32> to vector<16xi32>
      tpu.vector_store %arg6[%swap3A_877], %swap3A_880 {strides = array<i32>} : memref<128xi32, #tpu.memory_space<vmem>>, vector<16xi32>,
      %get3A_881 = arith.index_cast %rem3A_825 : i32 to index
      %get3A_882 = arith.constant 80 : index
      %get3A_883 = tpu.vector_load %arg5[%get3A_881, %get3A_882] {strides = array<i32>} : memref<158x128xi32, #tpu.memory_space<vmem>>, vector<1x16xi32>,
      %get3A_884 = vector.shape_cast %get3A_883 : vector<1x16xi32> to vector<16xi32>
      %and3A_885 = arith.constant 16383 : i32
      %and3A_886 = vector.broadcast %and3A_885 : i32 to vector<16xi32>
      %and3A_887 = arith.andi %get3A_884, %and3A_886 : vector<16xi32>
      %swap3A_888 = arith.constant 80 : index
      %swap3A_889 = tpu.vector_load %arg6[%swap3A_888] {strides = array<i32>} : memref<128xi32, #tpu.memory_space<vmem>>, vector<16xi32>,
      %swap3A_890 = vector.shape_cast %swap3A_889 : vector<16xi32> to vector<16xi32>
      %swap3A_891 = vector.shape_cast %and3A_887 : vector<16xi32> to vector<16xi32>
      tpu.vector_store %arg6[%swap3A_888], %swap3A_891 {strides = array<i32>} : memref<128xi32, #tpu.memory_space<vmem>>, vector<16xi32>,
      %get3A_892 = arith.index_cast %rem3A_825 : i32 to index
      %get3A_893 = arith.constant 96 : index
      %get3A_894 = tpu.vector_load %arg5[%get3A_892, %get3A_893] {strides = array<i32>} : memref<158x128xi32, #tpu.memory_space<vmem>>, vector<1x16xi32>,
      %get3A_895 = vector.shape_cast %get3A_894 : vector<1x16xi32> to vector<16xi32>
      %and3A_896 = arith.constant 16383 : i32
      %and3A_897 = vector.broadcast %and3A_896 : i32 to vector<16xi32>
      %and3A_898 = arith.andi %get3A_895, %and3A_897 : vector<16xi32>
      %swap3A_899 = arith.constant 96 : index
      %swap3A_900 = tpu.vector_load %arg6[%swap3A_899] {strides = array<i32>} : memref<128xi32, #tpu.memory_space<vmem>>, vector<16xi32>,
      %swap3A_901 = vector.shape_cast %swap3A_900 : vector<16xi32> to vector<16xi32>
      %swap3A_902 = vector.shape_cast %and3A_898 : vector<16xi32> to vector<16xi32>
      tpu.vector_store %arg6[%swap3A_899], %swap3A_902 {strides = array<i32>} : memref<128xi32, #tpu.memory_space<vmem>>, vector<16xi32>,
      %get3A_903 = arith.index_cast %rem3A_825 : i32 to index
      %get3A_904 = arith.constant 112 : index
      %get3A_905 = tpu.vector_load %arg5[%get3A_903, %get3A_904] {strides = array<i32>} : memref<158x128xi32, #tpu.memory_space<vmem>>, vector<1x16xi32>,
      %get3A_906 = vector.shape_cast %get3A_905 : vector<1x16xi32> to vector<16xi32>
      %and3A_907 = arith.constant 16383 : i32
      %and3A_908 = vector.broadcast %and3A_907 : i32 to vector<16xi32>
      %and3A_909 = arith.andi %get3A_906, %and3A_908 : vector<16xi32>
      %swap3A_910 = arith.constant 112 : index
      %swap3A_911 = tpu.vector_load %arg6[%swap3A_910] {strides = array<i32>} : memref<128xi32, #tpu.memory_space<vmem>>, vector<16xi32>,
      %swap3A_912 = vector.shape_cast %swap3A_911 : vector<16xi32> to vector<16xi32>
      %swap3A_913 = vector.shape_cast %and3A_909 : vector<16xi32> to vector<16xi32>
      tpu.vector_store %arg6[%swap3A_910], %swap3A_913 {strides = array<i32>} : memref<128xi32, #tpu.memory_space<vmem>>, vector<16xi32>,
      %dma_start3A_914 = arith.constant 0 : i32
      %dma_start3A_915 = arith.constant 0 : i32
      %dma_start3A_916 = tpu.memref_slice %arg12[%dma_start3A_914, %dma_start3A_915] : memref<10000x64xf32, #tpu.memory_space<vmem_shared>> -> memref<10000x64xf32, #tpu.memory_space<vmem_shared>>
      tpu.enqueue_indirect_dma source(%dma_start3A_916 : memref<10000x64xf32, #tpu.memory_space<vmem_shared>>) target(%arg9 : memref<128x64xf32, #tpu.memory_space<vmem>>) offsets(%arg6 : memref<128xi32, #tpu.memory_space<vmem>>) semaphore(%arg14 : memref<!tpu.dma_semaphore, #tpu.memory_space<semaphore_mem>>)
      %mul3A_917 = arith.constant 2 : i32
      %mul3A_918 = arith.muli %mul3A_917, %scan3A_729 : i32
      %add3A_919 = arith.constant 1 : i32
      %add3A_920 = arith.addi %mul3A_918, %add3A_919 : i32
      %dma_wait3A_921 = arith.constant 0 : i32
      %dma_wait3A_922 = arith.constant 0 : i32
      %dma_wait3A_923 = tpu.memref_slice %arg12[%dma_wait3A_921, %dma_wait3A_922] : memref<10000x64xf32, #tpu.memory_space<vmem_shared>> -> memref<10000x64xf32, #tpu.memory_space<vmem_shared>>
      tpu.wait_indirect_dma semaphore(%arg15 : memref<!tpu.dma_semaphore, #tpu.memory_space<semaphore_mem>>) src(%dma_wait3A_923 : memref<10000x64xf32, #tpu.memory_space<vmem_shared>>) dst(%arg10 : memref<128x64xf32, #tpu.memory_space<vmem>>)
      %get3A_924 = arith.index_cast %add3A_920 : i32 to index
      %get3A_925 = arith.constant 0 : index
      %get3A_926 = tpu.vector_load %arg5[%get3A_924, %get3A_925] {strides = array<i32>} : memref<158x128xi32, #tpu.memory_space<vmem>>, vector<1x16xi32>,
      %get3A_927 = vector.shape_cast %get3A_926 : vector<1x16xi32> to vector<16xi32>
      %shift_right_logical3A_928 = arith.constant 14 : i32
      %shift_right_logical3A_929 = vector.broadcast %shift_right_logical3A_928 : i32 to vector<16xi32>
      %shift_right_logical3A_930 = arith.shrui %get3A_927, %shift_right_logical3A_929 : vector<16xi32>
      %swap3A_931 = arith.constant 0 : index
      %swap3A_932 = tpu.vector_load %arg8[%swap3A_931] {strides = array<i32>} : memref<128xi32, #tpu.memory_space<vmem>>, vector<16xi32>,
      %swap3A_933 = vector.shape_cast %swap3A_932 : vector<16xi32> to vector<16xi32>
      %swap3A_934 = vector.shape_cast %shift_right_logical3A_930 : vector<16xi32> to vector<16xi32>
      tpu.vector_store %arg8[%swap3A_931], %swap3A_934 {strides = array<i32>} : memref<128xi32, #tpu.memory_space<vmem>>, vector<16xi32>,
      %get3A_935 = arith.index_cast %add3A_920 : i32 to index
      %get3A_936 = arith.constant 16 : index
      %get3A_937 = tpu.vector_load %arg5[%get3A_935, %get3A_936] {strides = array<i32>} : memref<158x128xi32, #tpu.memory_space<vmem>>, vector<1x16xi32>,
      %get3A_938 = vector.shape_cast %get3A_937 : vector<1x16xi32> to vector<16xi32>
      %shift_right_logical3A_939 = arith.constant 14 : i32
      %shift_right_logical3A_940 = vector.broadcast %shift_right_logical3A_939 : i32 to vector<16xi32>
      %shift_right_logical3A_941 = arith.shrui %get3A_938, %shift_right_logical3A_940 : vector<16xi32>
      %swap3A_942 = arith.constant 16 : index
      %swap3A_943 = tpu.vector_load %arg8[%swap3A_942] {strides = array<i32>} : memref<128xi32, #tpu.memory_space<vmem>>, vector<16xi32>,
      %swap3A_944 = vector.shape_cast %swap3A_943 : vector<16xi32> to vector<16xi32>
      %swap3A_945 = vector.shape_cast %shift_right_logical3A_941 : vector<16xi32> to vector<16xi32>
      tpu.vector_store %arg8[%swap3A_942], %swap3A_945 {strides = array<i32>} : memref<128xi32, #tpu.memory_space<vmem>>, vector<16xi32>,
      %get3A_946 = arith.index_cast %add3A_920 : i32 to index
      %get3A_947 = arith.constant 32 : index
      %get3A_948 = tpu.vector_load %arg5[%get3A_946, %get3A_947] {strides = array<i32>} : memref<158x128xi32, #tpu.memory_space<vmem>>, vector<1x16xi32>,
      %get3A_949 = vector.shape_cast %get3A_948 : vector<1x16xi32> to vector<16xi32>
      %shift_right_logical3A_950 = arith.constant 14 : i32
      %shift_right_logical3A_951 = vector.broadcast %shift_right_logical3A_950 : i32 to vector<16xi32>
      %shift_right_logical3A_952 = arith.shrui %get3A_949, %shift_right_logical3A_951 : vector<16xi32>
      %swap3A_953 = arith.constant 32 : index
      %swap3A_954 = tpu.vector_load %arg8[%swap3A_953] {strides = array<i32>} : memref<128xi32, #tpu.memory_space<vmem>>, vector<16xi32>,
      %swap3A_955 = vector.shape_cast %swap3A_954 : vector<16xi32> to vector<16xi32>
      %swap3A_956 = vector.shape_cast %shift_right_logical3A_952 : vector<16xi32> to vector<16xi32>
      tpu.vector_store %arg8[%swap3A_953], %swap3A_956 {strides = array<i32>} : memref<128xi32, #tpu.memory_space<vmem>>, vector<16xi32>,
      %get3A_957 = arith.index_cast %add3A_920 : i32 to index
      %get3A_958 = arith.constant 48 : index
      %get3A_959 = tpu.vector_load %arg5[%get3A_957, %get3A_958] {strides = array<i32>} : memref<158x128xi32, #tpu.memory_space<vmem>>, vector<1x16xi32>,
      %get3A_960 = vector.shape_cast %get3A_959 : vector<1x16xi32> to vector<16xi32>
      %shift_right_logical3A_961 = arith.constant 14 : i32
      %shift_right_logical3A_962 = vector.broadcast %shift_right_logical3A_961 : i32 to vector<16xi32>
      %shift_right_logical3A_963 = arith.shrui %get3A_960, %shift_right_logical3A_962 : vector<16xi32>
      %swap3A_964 = arith.constant 48 : index
      %swap3A_965 = tpu.vector_load %arg8[%swap3A_964] {strides = array<i32>} : memref<128xi32, #tpu.memory_space<vmem>>, vector<16xi32>,
      %swap3A_966 = vector.shape_cast %swap3A_965 : vector<16xi32> to vector<16xi32>
      %swap3A_967 = vector.shape_cast %shift_right_logical3A_963 : vector<16xi32> to vector<16xi32>
      tpu.vector_store %arg8[%swap3A_964], %swap3A_967 {strides = array<i32>} : memref<128xi32, #tpu.memory_space<vmem>>, vector<16xi32>,
      %get3A_968 = arith.index_cast %add3A_920 : i32 to index
      %get3A_969 = arith.constant 64 : index
      %get3A_970 = tpu.vector_load %arg5[%get3A_968, %get3A_969] {strides = array<i32>} : memref<158x128xi32, #tpu.memory_space<vmem>>, vector<1x16xi32>,
      %get3A_971 = vector.shape_cast %get3A_970 : vector<1x16xi32> to vector<16xi32>
      %shift_right_logical3A_972 = arith.constant 14 : i32
      %shift_right_logical3A_973 = vector.broadcast %shift_right_logical3A_972 : i32 to vector<16xi32>
      %shift_right_logical3A_974 = arith.shrui %get3A_971, %shift_right_logical3A_973 : vector<16xi32>
      %swap3A_975 = arith.constant 64 : index
      %swap3A_976 = tpu.vector_load %arg8[%swap3A_975] {strides = array<i32>} : memref<128xi32, #tpu.memory_space<vmem>>, vector<16xi32>,
      %swap3A_977 = vector.shape_cast %swap3A_976 : vector<16xi32> to vector<16xi32>
      %swap3A_978 = vector.shape_cast %shift_right_logical3A_974 : vector<16xi32> to vector<16xi32>
      tpu.vector_store %arg8[%swap3A_975], %swap3A_978 {strides = array<i32>} : memref<128xi32, #tpu.memory_space<vmem>>, vector<16xi32>,
      %get3A_979 = arith.index_cast %add3A_920 : i32 to index
      %get3A_980 = arith.constant 80 : index
      %get3A_981 = tpu.vector_load %arg5[%get3A_979, %get3A_980] {strides = array<i32>} : memref<158x128xi32, #tpu.memory_space<vmem>>, vector<1x16xi32>,
      %get3A_982 = vector.shape_cast %get3A_981 : vector<1x16xi32> to vector<16xi32>
      %shift_right_logical3A_983 = arith.constant 14 : i32
      %shift_right_logical3A_984 = vector.broadcast %shift_right_logical3A_983 : i32 to vector<16xi32>
      %shift_right_logical3A_985 = arith.shrui %get3A_982, %shift_right_logical3A_984 : vector<16xi32>
      %swap3A_986 = arith.constant 80 : index
      %swap3A_987 = tpu.vector_load %arg8[%swap3A_986] {strides = array<i32>} : memref<128xi32, #tpu.memory_space<vmem>>, vector<16xi32>,
      %swap3A_988 = vector.shape_cast %swap3A_987 : vector<16xi32> to vector<16xi32>
      %swap3A_989 = vector.shape_cast %shift_right_logical3A_985 : vector<16xi32> to vector<16xi32>
      tpu.vector_store %arg8[%swap3A_986], %swap3A_989 {strides = array<i32>} : memref<128xi32, #tpu.memory_space<vmem>>, vector<16xi32>,
      %get3A_990 = arith.index_cast %add3A_920 : i32 to index
      %get3A_991 = arith.constant 96 : index
      %get3A_992 = tpu.vector_load %arg5[%get3A_990, %get3A_991] {strides = array<i32>} : memref<158x128xi32, #tpu.memory_space<vmem>>, vector<1x16xi32>,
      %get3A_993 = vector.shape_cast %get3A_992 : vector<1x16xi32> to vector<16xi32>
      %shift_right_logical3A_994 = arith.constant 14 : i32
      %shift_right_logical3A_995 = vector.broadcast %shift_right_logical3A_994 : i32 to vector<16xi32>
      %shift_right_logical3A_996 = arith.shrui %get3A_993, %shift_right_logical3A_995 : vector<16xi32>
      %swap3A_997 = arith.constant 96 : index
      %swap3A_998 = tpu.vector_load %arg8[%swap3A_997] {strides = array<i32>} : memref<128xi32, #tpu.memory_space<vmem>>, vector<16xi32>,
      %swap3A_999 = vector.shape_cast %swap3A_998 : vector<16xi32> to vector<16xi32>
      %swap3A_1000 = vector.shape_cast %shift_right_logical3A_996 : vector<16xi32> to vector<16xi32>
      tpu.vector_store %arg8[%swap3A_997], %swap3A_1000 {strides = array<i32>} : memref<128xi32, #tpu.memory_space<vmem>>, vector<16xi32>,
      %get3A_1001 = arith.index_cast %add3A_920 : i32 to index
      %get3A_1002 = arith.constant 112 : index
      %get3A_1003 = tpu.vector_load %arg5[%get3A_1001, %get3A_1002] {strides = array<i32>} : memref<158x128xi32, #tpu.memory_space<vmem>>, vector<1x16xi32>,
      %get3A_1004 = vector.shape_cast %get3A_1003 : vector<1x16xi32> to vector<16xi32>
      %shift_right_logical3A_1005 = arith.constant 14 : i32
      %shift_right_logical3A_1006 = vector.broadcast %shift_right_logical3A_1005 : i32 to vector<16xi32>
      %shift_right_logical3A_1007 = arith.shrui %get3A_1004, %shift_right_logical3A_1006 : vector<16xi32>
      %swap3A_1008 = arith.constant 112 : index
      %swap3A_1009 = tpu.vector_load %arg8[%swap3A_1008] {strides = array<i32>} : memref<128xi32, #tpu.memory_space<vmem>>, vector<16xi32>,
      %swap3A_1010 = vector.shape_cast %swap3A_1009 : vector<16xi32> to vector<16xi32>
      %swap3A_1011 = vector.shape_cast %shift_right_logical3A_1007 : vector<16xi32> to vector<16xi32>
      tpu.vector_store %arg8[%swap3A_1008], %swap3A_1011 {strides = array<i32>} : memref<128xi32, #tpu.memory_space<vmem>>, vector<16xi32>,
      "tpu.region"() ({
        %run_scoped3A = tpu.sem_alloc : memref<!tpu.dma_semaphore, #tpu.memory_space<semaphore_mem>>
        %dma_start3A_1107 = arith.constant 0 : i32
        %dma_start3A_1108 = arith.constant 0 : i32
        %dma_start3A_1109 = tpu.memref_slice %arg13[%dma_start3A_1107, %dma_start3A_1108] : memref<10240x64xf32, #tpu.memory_space<vmem_shared>> -> memref<10240x64xf32, #tpu.memory_space<vmem_shared>>
        tpu.enqueue_indirect_dma source(%arg10 : memref<128x64xf32, #tpu.memory_space<vmem>>) target(%dma_start3A_1109 : memref<10240x64xf32, #tpu.memory_space<vmem_shared>>) offsets(%arg8 : memref<128xi32, #tpu.memory_space<vmem>>) semaphore(%run_scoped3A : memref<!tpu.dma_semaphore, #tpu.memory_space<semaphore_mem>>) {add = true}
        %dma_wait3A_1110 = arith.constant 0 : i32
        %dma_wait3A_1111 = arith.constant 0 : i32
        %dma_wait3A_1112 = tpu.memref_slice %arg13[%dma_wait3A_1110, %dma_wait3A_1111] : memref<10240x64xf32, #tpu.memory_space<vmem_shared>> -> memref<10240x64xf32, #tpu.memory_space<vmem_shared>>
        tpu.wait_indirect_dma semaphore(%run_scoped3A : memref<!tpu.dma_semaphore, #tpu.memory_space<semaphore_mem>>) src(%arg10 : memref<128x64xf32, #tpu.memory_space<vmem>>) dst(%dma_wait3A_1112 : memref<10240x64xf32, #tpu.memory_space<vmem_shared>>)
        tpu.yield
      }) : () -> ()
      %add3A_1012 = arith.constant 2 : i32
      %add3A_1013 = arith.addi %add3A_920, %add3A_1012 : i32
      %rem3A_1014 = arith.constant 158 : i32
      %rem3A_1015 = arith.remsi %add3A_1013, %rem3A_1014 : i32
      %get3A_1016 = arith.index_cast %rem3A_1015 : i32 to index
      %get3A_1017 = arith.constant 0 : index
      %get3A_1018 = tpu.vector_load %arg5[%get3A_1016, %get3A_1017] {strides = array<i32>} : memref<158x128xi32, #tpu.memory_space<vmem>>, vector<1x16xi32>,
      %get3A_1019 = vector.shape_cast %get3A_1018 : vector<1x16xi32> to vector<16xi32>
      %and3A_1020 = arith.constant 16383 : i32
      %and3A_1021 = vector.broadcast %and3A_1020 : i32 to vector<16xi32>
      %and3A_1022 = arith.andi %get3A_1019, %and3A_1021 : vector<16xi32>
      %swap3A_1023 = arith.constant 0 : index
      %swap3A_1024 = tpu.vector_load %arg7[%swap3A_1023] {strides = array<i32>} : memref<128xi32, #tpu.memory_space<vmem>>, vector<16xi32>,
      %swap3A_1025 = vector.shape_cast %swap3A_1024 : vector<16xi32> to vector<16xi32>
      %swap3A_1026 = vector.shape_cast %and3A_1022 : vector<16xi32> to vector<16xi32>
      tpu.vector_store %arg7[%swap3A_1023], %swap3A_1026 {strides = array<i32>} : memref<128xi32, #tpu.memory_space<vmem>>, vector<16xi32>,
      %get3A_1027 = arith.index_cast %rem3A_1015 : i32 to index
      %get3A_1028 = arith.constant 16 : index
      %get3A_1029 = tpu.vector_load %arg5[%get3A_1027, %get3A_1028] {strides = array<i32>} : memref<158x128xi32, #tpu.memory_space<vmem>>, vector<1x16xi32>,
      %get3A_1030 = vector.shape_cast %get3A_1029 : vector<1x16xi32> to vector<16xi32>
      %and3A_1031 = arith.constant 16383 : i32
      %and3A_1032 = vector.broadcast %and3A_1031 : i32 to vector<16xi32>
      %and3A_1033 = arith.andi %get3A_1030, %and3A_1032 : vector<16xi32>
      %swap3A_1034 = arith.constant 16 : index
      %swap3A_1035 = tpu.vector_load %arg7[%swap3A_1034] {strides = array<i32>} : memref<128xi32, #tpu.memory_space<vmem>>, vector<16xi32>,
      %swap3A_1036 = vector.shape_cast %swap3A_1035 : vector<16xi32> to vector<16xi32>
      %swap3A_1037 = vector.shape_cast %and3A_1033 : vector<16xi32> to vector<16xi32>
      tpu.vector_store %arg7[%swap3A_1034], %swap3A_1037 {strides = array<i32>} : memref<128xi32, #tpu.memory_space<vmem>>, vector<16xi32>,
      %get3A_1038 = arith.index_cast %rem3A_1015 : i32 to index
      %get3A_1039 = arith.constant 32 : index
      %get3A_1040 = tpu.vector_load %arg5[%get3A_1038, %get3A_1039] {strides = array<i32>} : memref<158x128xi32, #tpu.memory_space<vmem>>, vector<1x16xi32>,
      %get3A_1041 = vector.shape_cast %get3A_1040 : vector<1x16xi32> to vector<16xi32>
      %and3A_1042 = arith.constant 16383 : i32
      %and3A_1043 = vector.broadcast %and3A_1042 : i32 to vector<16xi32>
      %and3A_1044 = arith.andi %get3A_1041, %and3A_1043 : vector<16xi32>
      %swap3A_1045 = arith.constant 32 : index
      %swap3A_1046 = tpu.vector_load %arg7[%swap3A_1045] {strides = array<i32>} : memref<128xi32, #tpu.memory_space<vmem>>, vector<16xi32>,
      %swap3A_1047 = vector.shape_cast %swap3A_1046 : vector<16xi32> to vector<16xi32>
      %swap3A_1048 = vector.shape_cast %and3A_1044 : vector<16xi32> to vector<16xi32>
      tpu.vector_store %arg7[%swap3A_1045], %swap3A_1048 {strides = array<i32>} : memref<128xi32, #tpu.memory_space<vmem>>, vector<16xi32>,
      %get3A_1049 = arith.index_cast %rem3A_1015 : i32 to index
      %get3A_1050 = arith.constant 48 : index
      %get3A_1051 = tpu.vector_load %arg5[%get3A_1049, %get3A_1050] {strides = array<i32>} : memref<158x128xi32, #tpu.memory_space<vmem>>, vector<1x16xi32>,
      %get3A_1052 = vector.shape_cast %get3A_1051 : vector<1x16xi32> to vector<16xi32>
      %and3A_1053 = arith.constant 16383 : i32
      %and3A_1054 = vector.broadcast %and3A_1053 : i32 to vector<16xi32>
      %and3A_1055 = arith.andi %get3A_1052, %and3A_1054 : vector<16xi32>
      %swap3A_1056 = arith.constant 48 : index
      %swap3A_1057 = tpu.vector_load %arg7[%swap3A_1056] {strides = array<i32>} : memref<128xi32, #tpu.memory_space<vmem>>, vector<16xi32>,
      %swap3A_1058 = vector.shape_cast %swap3A_1057 : vector<16xi32> to vector<16xi32>
      %swap3A_1059 = vector.shape_cast %and3A_1055 : vector<16xi32> to vector<16xi32>
      tpu.vector_store %arg7[%swap3A_1056], %swap3A_1059 {strides = array<i32>} : memref<128xi32, #tpu.memory_space<vmem>>, vector<16xi32>,
      %get3A_1060 = arith.index_cast %rem3A_1015 : i32 to index
      %get3A_1061 = arith.constant 64 : index
      %get3A_1062 = tpu.vector_load %arg5[%get3A_1060, %get3A_1061] {strides = array<i32>} : memref<158x128xi32, #tpu.memory_space<vmem>>, vector<1x16xi32>,
      %get3A_1063 = vector.shape_cast %get3A_1062 : vector<1x16xi32> to vector<16xi32>
      %and3A_1064 = arith.constant 16383 : i32
      %and3A_1065 = vector.broadcast %and3A_1064 : i32 to vector<16xi32>
      %and3A_1066 = arith.andi %get3A_1063, %and3A_1065 : vector<16xi32>
      %swap3A_1067 = arith.constant 64 : index
      %swap3A_1068 = tpu.vector_load %arg7[%swap3A_1067] {strides = array<i32>} : memref<128xi32, #tpu.memory_space<vmem>>, vector<16xi32>,
      %swap3A_1069 = vector.shape_cast %swap3A_1068 : vector<16xi32> to vector<16xi32>
      %swap3A_1070 = vector.shape_cast %and3A_1066 : vector<16xi32> to vector<16xi32>
      tpu.vector_store %arg7[%swap3A_1067], %swap3A_1070 {strides = array<i32>} : memref<128xi32, #tpu.memory_space<vmem>>, vector<16xi32>,
      %get3A_1071 = arith.index_cast %rem3A_1015 : i32 to index
      %get3A_1072 = arith.constant 80 : index
      %get3A_1073 = tpu.vector_load %arg5[%get3A_1071, %get3A_1072] {strides = array<i32>} : memref<158x128xi32, #tpu.memory_space<vmem>>, vector<1x16xi32>,
      %get3A_1074 = vector.shape_cast %get3A_1073 : vector<1x16xi32> to vector<16xi32>
      %and3A_1075 = arith.constant 16383 : i32
      %and3A_1076 = vector.broadcast %and3A_1075 : i32 to vector<16xi32>
      %and3A_1077 = arith.andi %get3A_1074, %and3A_1076 : vector<16xi32>
      %swap3A_1078 = arith.constant 80 : index
      %swap3A_1079 = tpu.vector_load %arg7[%swap3A_1078] {strides = array<i32>} : memref<128xi32, #tpu.memory_space<vmem>>, vector<16xi32>,
      %swap3A_1080 = vector.shape_cast %swap3A_1079 : vector<16xi32> to vector<16xi32>
      %swap3A_1081 = vector.shape_cast %and3A_1077 : vector<16xi32> to vector<16xi32>
      tpu.vector_store %arg7[%swap3A_1078], %swap3A_1081 {strides = array<i32>} : memref<128xi32, #tpu.memory_space<vmem>>, vector<16xi32>,
      %get3A_1082 = arith.index_cast %rem3A_1015 : i32 to index
      %get3A_1083 = arith.constant 96 : index
      %get3A_1084 = tpu.vector_load %arg5[%get3A_1082, %get3A_1083] {strides = array<i32>} : memref<158x128xi32, #tpu.memory_space<vmem>>, vector<1x16xi32>,
      %get3A_1085 = vector.shape_cast %get3A_1084 : vector<1x16xi32> to vector<16xi32>
      %and3A_1086 = arith.constant 16383 : i32
      %and3A_1087 = vector.broadcast %and3A_1086 : i32 to vector<16xi32>
      %and3A_1088 = arith.andi %get3A_1085, %and3A_1087 : vector<16xi32>
      %swap3A_1089 = arith.constant 96 : index
      %swap3A_1090 = tpu.vector_load %arg7[%swap3A_1089] {strides = array<i32>} : memref<128xi32, #tpu.memory_space<vmem>>, vector<16xi32>,
      %swap3A_1091 = vector.shape_cast %swap3A_1090 : vector<16xi32> to vector<16xi32>
      %swap3A_1092 = vector.shape_cast %and3A_1088 : vector<16xi32> to vector<16xi32>
      tpu.vector_store %arg7[%swap3A_1089], %swap3A_1092 {strides = array<i32>} : memref<128xi32, #tpu.memory_space<vmem>>, vector<16xi32>,
      %get3A_1093 = arith.index_cast %rem3A_1015 : i32 to index
      %get3A_1094 = arith.constant 112 : index
      %get3A_1095 = tpu.vector_load %arg5[%get3A_1093, %get3A_1094] {strides = array<i32>} : memref<158x128xi32, #tpu.memory_space<vmem>>, vector<1x16xi32>,
      %get3A_1096 = vector.shape_cast %get3A_1095 : vector<1x16xi32> to vector<16xi32>
      %and3A_1097 = arith.constant 16383 : i32
      %and3A_1098 = vector.broadcast %and3A_1097 : i32 to vector<16xi32>
      %and3A_1099 = arith.andi %get3A_1096, %and3A_1098 : vector<16xi32>
      %swap3A_1100 = arith.constant 112 : index
      %swap3A_1101 = tpu.vector_load %arg7[%swap3A_1100] {strides = array<i32>} : memref<128xi32, #tpu.memory_space<vmem>>, vector<16xi32>,
      %swap3A_1102 = vector.shape_cast %swap3A_1101 : vector<16xi32> to vector<16xi32>
      %swap3A_1103 = vector.shape_cast %and3A_1099 : vector<16xi32> to vector<16xi32>
      tpu.vector_store %arg7[%swap3A_1100], %swap3A_1103 {strides = array<i32>} : memref<128xi32, #tpu.memory_space<vmem>>, vector<16xi32>,
      %dma_start3A_1104 = arith.constant 0 : i32
      %dma_start3A_1105 = arith.constant 0 : i32
      %dma_start3A_1106 = tpu.memref_slice %arg12[%dma_start3A_1104, %dma_start3A_1105] : memref<10000x64xf32, #tpu.memory_space<vmem_shared>> -> memref<10000x64xf32, #tpu.memory_space<vmem_shared>>
      tpu.enqueue_indirect_dma source(%dma_start3A_1106 : memref<10000x64xf32, #tpu.memory_space<vmem_shared>>) target(%arg10 : memref<128x64xf32, #tpu.memory_space<vmem>>) offsets(%arg7 : memref<128xi32, #tpu.memory_space<vmem>>) semaphore(%arg15 : memref<!tpu.dma_semaphore, #tpu.memory_space<semaphore_mem>>)
    }
    %scan3A_718 = arith.constant 79 : i32
    %dma_wait3A = arith.constant 0 : i32
    %dma_wait3A_719 = arith.constant 0 : i32
    %dma_wait3A_720 = tpu.memref_slice %arg12[%dma_wait3A, %dma_wait3A_719] : memref<10000x64xf32, #tpu.memory_space<vmem_shared>> -> memref<10000x64xf32, #tpu.memory_space<vmem_shared>>
    tpu.wait_indirect_dma semaphore(%arg14 : memref<!tpu.dma_semaphore, #tpu.memory_space<semaphore_mem>>) src(%dma_wait3A_720 : memref<10000x64xf32, #tpu.memory_space<vmem_shared>>) dst(%arg9 : memref<128x64xf32, #tpu.memory_space<vmem>>)
    %dma_wait3A_721 = arith.constant 0 : i32
    %dma_wait3A_722 = arith.constant 0 : i32
    %dma_wait3A_723 = tpu.memref_slice %arg12[%dma_wait3A_721, %dma_wait3A_722] : memref<10000x64xf32, #tpu.memory_space<vmem_shared>> -> memref<10000x64xf32, #tpu.memory_space<vmem_shared>>
    tpu.wait_indirect_dma semaphore(%arg15 : memref<!tpu.dma_semaphore, #tpu.memory_space<semaphore_mem>>) src(%dma_wait3A_723 : memref<10000x64xf32, #tpu.memory_space<vmem_shared>>) dst(%arg10 : memref<128x64xf32, #tpu.memory_space<vmem>>)
    %barrier3A_724 = arith.constant 0 : index
    tpu.barrier barrier_id(%barrier3A_724)
    %mul3A_725 = arith.constant 640 : i32
    %mul3A_726 = arith.muli %arg1, %mul3A_725 : i32
    %mul3A_727 = arith.constant 640 : i32
    %mul3A_728 = arith.muli %arg1, %mul3A_727 : i32
    "tpu.region"() ({
      %run_scoped3A = tpu.sem_alloc : memref<!tpu.dma_semaphore, #tpu.memory_space<semaphore_mem>>
      %dma_start3A_729 = arith.constant 0 : i32
      %dma_start3A_730 = arith.constant 0 : i32
      %dma_start3A_731 = tpu.memref_slice %arg4[%arg0, %dma_start3A_729, %dma_start3A_730] : memref<2x10240x64xf32, #tpu.memory_space<hbm>> -> memref<1x10240x64xf32, #tpu.memory_space<hbm>>
      %dma_start3A_732 = tpu.memref_squeeze %dma_start3A_731 : memref<1x10240x64xf32, #tpu.memory_space<hbm>> -> memref<10240x64xf32, #tpu.memory_space<hbm>>
      %dma_start3A_733 = arith.constant 0 : i32
      %dma_start3A_734 = tpu.memref_slice %dma_start3A_732[%mul3A_728, %dma_start3A_733] : memref<10240x64xf32, #tpu.memory_space<hbm>> -> memref<640x64xf32, #tpu.memory_space<hbm>>
      %dma_start3A_735 = arith.constant 0 : i32
      %dma_start3A_736 = tpu.memref_slice %arg13[%mul3A_726, %dma_start3A_735] : memref<10240x64xf32, #tpu.memory_space<vmem_shared>> -> memref<640x64xf32, #tpu.memory_space<vmem_shared>>
      tpu.enqueue_dma source(%dma_start3A_736 : memref<640x64xf32, #tpu.memory_space<vmem_shared>>) target(%dma_start3A_734 : memref<640x64xf32, #tpu.memory_space<hbm>>) target_semaphore(%run_scoped3A : memref<!tpu.dma_semaphore, #tpu.memory_space<semaphore_mem>>)
      %dma_wait3A_737 = arith.constant 0 : i32
      %dma_wait3A_738 = arith.constant 0 : i32
      %dma_wait3A_739 = tpu.memref_slice %arg4[%arg0, %dma_wait3A_737, %dma_wait3A_738] : memref<2x10240x64xf32, #tpu.memory_space<hbm>> -> memref<1x10240x64xf32, #tpu.memory_space<hbm>>
      %dma_wait3A_740 = tpu.memref_squeeze %dma_wait3A_739 : memref<1x10240x64xf32, #tpu.memory_space<hbm>> -> memref<10240x64xf32, #tpu.memory_space<hbm>>
      %dma_wait3A_741 = arith.constant 0 : i32
      %dma_wait3A_742 = tpu.memref_slice %dma_wait3A_740[%mul3A_728, %dma_wait3A_741] : memref<10240x64xf32, #tpu.memory_space<hbm>> -> memref<640x64xf32, #tpu.memory_space<hbm>>
      %dma_wait3A_743 = arith.constant 0 : i32
      %dma_wait3A_744 = tpu.memref_slice %arg13[%mul3A_726, %dma_wait3A_743] : memref<10240x64xf32, #tpu.memory_space<vmem_shared>> -> memref<640x64xf32, #tpu.memory_space<vmem_shared>>
      tpu.wait_dma2 semaphore(%run_scoped3A : memref<!tpu.dma_semaphore, #tpu.memory_space<semaphore_mem>>) src(%dma_wait3A_744 : memref<640x64xf32, #tpu.memory_space<vmem_shared>>) dst(%dma_wait3A_742 : memref<640x64xf32, #tpu.memory_space<hbm>>)
      tpu.yield
    }) : () -> ()
    return
  }
}

#map = affine_map<(d0, d1) -> (0, 0)>
#map1 = affine_map<(d0, d1) -> (0, 0, 0)>
module attributes {stable_mosaic.version = 14 : i64} {
  func.func @_conv(%arg0: i32, %arg1: i32, %arg2: memref<10000x16xf32, #tpu.memory_space<hbm>>, %arg3: memref<32x79x128xi32, #tpu.memory_space<hbm>>, %arg4: memref<2x10240x16xf32, #tpu.memory_space<hbm>>, %arg5: memref<79x128xi32, #tpu.memory_space<vmem>>, %arg6: memref<128xi32, #tpu.memory_space<vmem>>, %arg7: memref<128xi32, #tpu.memory_space<vmem>>, %arg8: memref<128xi32, #tpu.memory_space<vmem>>, %arg9: memref<128x16xf32, #tpu.memory_space<vmem>>, %arg10: memref<128x16xf32, #tpu.memory_space<vmem>>, %arg11: memref<16x16xf32, #tpu.memory_space<vmem>>, %arg12: memref<10000x16xf32, #tpu.memory_space<vmem_shared>>, %arg13: memref<10240x16xf32, #tpu.memory_space<vmem_shared>>, %arg14: memref<!tpu.dma_semaphore, #tpu.memory_space<semaphore_mem>>, %arg15: memref<!tpu.dma_semaphore, #tpu.memory_space<semaphore_mem>>) attributes {dimension_semantics = [#tpu.dimension_semantics<core_parallel>, #tpu.dimension_semantics<subcore_parallel>], iteration_bounds = array<i64: 2, 16>, scalar_prefetch = 0 : i64, scratch_operands = 11 : i64, tpu.core_type = #tpu.core_type<sc_vector_subcore>, window_params = [{transform_indices = #map}, {transform_indices = #map1}, {transform_indices = #map1}]} {
    %mul3A = arith.constant 16 : i32
    %mul3A_0 = arith.muli %arg0, %mul3A : i32
    %add3A = arith.addi %mul3A_0, %arg1 : i32
    %broadcast_in_dim3A = arith.constant 0.000000e+00 : f32
    %broadcast_in_dim3A_1 = vector.broadcast %broadcast_in_dim3A : f32 to vector<16xf32>
    %swap3A = arith.constant 0 : i32
    %swap3A_2 = arith.index_cast %swap3A : i32 to index
    %swap3A_3 = arith.constant 0 : index
    %swap3A_4 = tpu.vector_load %arg11[%swap3A_2, %swap3A_3] {strides = array<i32>} : memref<16x16xf32, #tpu.memory_space<vmem>>, vector<1x16xf32>,
    %swap3A_5 = vector.shape_cast %swap3A_4 : vector<1x16xf32> to vector<16xf32>
    %swap3A_6 = vector.shape_cast %broadcast_in_dim3A_1 : vector<16xf32> to vector<1x16xf32>
    tpu.vector_store %arg11[%swap3A_2, %swap3A_3], %swap3A_6 {strides = array<i32>} : memref<16x16xf32, #tpu.memory_space<vmem>>, vector<1x16xf32>,
    %broadcast_in_dim3A_7 = arith.constant 0.000000e+00 : f32
    %broadcast_in_dim3A_8 = vector.broadcast %broadcast_in_dim3A_7 : f32 to vector<16xf32>
    %swap3A_9 = arith.constant 1 : i32
    %swap3A_10 = arith.index_cast %swap3A_9 : i32 to index
    %swap3A_11 = arith.constant 0 : index
    %swap3A_12 = tpu.vector_load %arg11[%swap3A_10, %swap3A_11] {strides = array<i32>} : memref<16x16xf32, #tpu.memory_space<vmem>>, vector<1x16xf32>,
    %swap3A_13 = vector.shape_cast %swap3A_12 : vector<1x16xf32> to vector<16xf32>
    %swap3A_14 = vector.shape_cast %broadcast_in_dim3A_8 : vector<16xf32> to vector<1x16xf32>
    tpu.vector_store %arg11[%swap3A_10, %swap3A_11], %swap3A_14 {strides = array<i32>} : memref<16x16xf32, #tpu.memory_space<vmem>>, vector<1x16xf32>,
    %broadcast_in_dim3A_15 = arith.constant 0.000000e+00 : f32
    %broadcast_in_dim3A_16 = vector.broadcast %broadcast_in_dim3A_15 : f32 to vector<16xf32>
    %swap3A_17 = arith.constant 2 : i32
    %swap3A_18 = arith.index_cast %swap3A_17 : i32 to index
    %swap3A_19 = arith.constant 0 : index
    %swap3A_20 = tpu.vector_load %arg11[%swap3A_18, %swap3A_19] {strides = array<i32>} : memref<16x16xf32, #tpu.memory_space<vmem>>, vector<1x16xf32>,
    %swap3A_21 = vector.shape_cast %swap3A_20 : vector<1x16xf32> to vector<16xf32>
    %swap3A_22 = vector.shape_cast %broadcast_in_dim3A_16 : vector<16xf32> to vector<1x16xf32>
    tpu.vector_store %arg11[%swap3A_18, %swap3A_19], %swap3A_22 {strides = array<i32>} : memref<16x16xf32, #tpu.memory_space<vmem>>, vector<1x16xf32>,
    %broadcast_in_dim3A_23 = arith.constant 0.000000e+00 : f32
    %broadcast_in_dim3A_24 = vector.broadcast %broadcast_in_dim3A_23 : f32 to vector<16xf32>
    %swap3A_25 = arith.constant 3 : i32
    %swap3A_26 = arith.index_cast %swap3A_25 : i32 to index
    %swap3A_27 = arith.constant 0 : index
    %swap3A_28 = tpu.vector_load %arg11[%swap3A_26, %swap3A_27] {strides = array<i32>} : memref<16x16xf32, #tpu.memory_space<vmem>>, vector<1x16xf32>,
    %swap3A_29 = vector.shape_cast %swap3A_28 : vector<1x16xf32> to vector<16xf32>
    %swap3A_30 = vector.shape_cast %broadcast_in_dim3A_24 : vector<16xf32> to vector<1x16xf32>
    tpu.vector_store %arg11[%swap3A_26, %swap3A_27], %swap3A_30 {strides = array<i32>} : memref<16x16xf32, #tpu.memory_space<vmem>>, vector<1x16xf32>,
    %broadcast_in_dim3A_31 = arith.constant 0.000000e+00 : f32
    %broadcast_in_dim3A_32 = vector.broadcast %broadcast_in_dim3A_31 : f32 to vector<16xf32>
    %swap3A_33 = arith.constant 4 : i32
    %swap3A_34 = arith.index_cast %swap3A_33 : i32 to index
    %swap3A_35 = arith.constant 0 : index
    %swap3A_36 = tpu.vector_load %arg11[%swap3A_34, %swap3A_35] {strides = array<i32>} : memref<16x16xf32, #tpu.memory_space<vmem>>, vector<1x16xf32>,
    %swap3A_37 = vector.shape_cast %swap3A_36 : vector<1x16xf32> to vector<16xf32>
    %swap3A_38 = vector.shape_cast %broadcast_in_dim3A_32 : vector<16xf32> to vector<1x16xf32>
    tpu.vector_store %arg11[%swap3A_34, %swap3A_35], %swap3A_38 {strides = array<i32>} : memref<16x16xf32, #tpu.memory_space<vmem>>, vector<1x16xf32>,
    %broadcast_in_dim3A_39 = arith.constant 0.000000e+00 : f32
    %broadcast_in_dim3A_40 = vector.broadcast %broadcast_in_dim3A_39 : f32 to vector<16xf32>
    %swap3A_41 = arith.constant 5 : i32
    %swap3A_42 = arith.index_cast %swap3A_41 : i32 to index
    %swap3A_43 = arith.constant 0 : index
    %swap3A_44 = tpu.vector_load %arg11[%swap3A_42, %swap3A_43] {strides = array<i32>} : memref<16x16xf32, #tpu.memory_space<vmem>>, vector<1x16xf32>,
    %swap3A_45 = vector.shape_cast %swap3A_44 : vector<1x16xf32> to vector<16xf32>
    %swap3A_46 = vector.shape_cast %broadcast_in_dim3A_40 : vector<16xf32> to vector<1x16xf32>
    tpu.vector_store %arg11[%swap3A_42, %swap3A_43], %swap3A_46 {strides = array<i32>} : memref<16x16xf32, #tpu.memory_space<vmem>>, vector<1x16xf32>,
    %broadcast_in_dim3A_47 = arith.constant 0.000000e+00 : f32
    %broadcast_in_dim3A_48 = vector.broadcast %broadcast_in_dim3A_47 : f32 to vector<16xf32>
    %swap3A_49 = arith.constant 6 : i32
    %swap3A_50 = arith.index_cast %swap3A_49 : i32 to index
    %swap3A_51 = arith.constant 0 : index
    %swap3A_52 = tpu.vector_load %arg11[%swap3A_50, %swap3A_51] {strides = array<i32>} : memref<16x16xf32, #tpu.memory_space<vmem>>, vector<1x16xf32>,
    %swap3A_53 = vector.shape_cast %swap3A_52 : vector<1x16xf32> to vector<16xf32>
    %swap3A_54 = vector.shape_cast %broadcast_in_dim3A_48 : vector<16xf32> to vector<1x16xf32>
    tpu.vector_store %arg11[%swap3A_50, %swap3A_51], %swap3A_54 {strides = array<i32>} : memref<16x16xf32, #tpu.memory_space<vmem>>, vector<1x16xf32>,
    %broadcast_in_dim3A_55 = arith.constant 0.000000e+00 : f32
    %broadcast_in_dim3A_56 = vector.broadcast %broadcast_in_dim3A_55 : f32 to vector<16xf32>
    %swap3A_57 = arith.constant 7 : i32
    %swap3A_58 = arith.index_cast %swap3A_57 : i32 to index
    %swap3A_59 = arith.constant 0 : index
    %swap3A_60 = tpu.vector_load %arg11[%swap3A_58, %swap3A_59] {strides = array<i32>} : memref<16x16xf32, #tpu.memory_space<vmem>>, vector<1x16xf32>,
    %swap3A_61 = vector.shape_cast %swap3A_60 : vector<1x16xf32> to vector<16xf32>
    %swap3A_62 = vector.shape_cast %broadcast_in_dim3A_56 : vector<16xf32> to vector<1x16xf32>
    tpu.vector_store %arg11[%swap3A_58, %swap3A_59], %swap3A_62 {strides = array<i32>} : memref<16x16xf32, #tpu.memory_space<vmem>>, vector<1x16xf32>,
    %broadcast_in_dim3A_63 = arith.constant 0.000000e+00 : f32
    %broadcast_in_dim3A_64 = vector.broadcast %broadcast_in_dim3A_63 : f32 to vector<16xf32>
    %swap3A_65 = arith.constant 8 : i32
    %swap3A_66 = arith.index_cast %swap3A_65 : i32 to index
    %swap3A_67 = arith.constant 0 : index
    %swap3A_68 = tpu.vector_load %arg11[%swap3A_66, %swap3A_67] {strides = array<i32>} : memref<16x16xf32, #tpu.memory_space<vmem>>, vector<1x16xf32>,
    %swap3A_69 = vector.shape_cast %swap3A_68 : vector<1x16xf32> to vector<16xf32>
    %swap3A_70 = vector.shape_cast %broadcast_in_dim3A_64 : vector<16xf32> to vector<1x16xf32>
    tpu.vector_store %arg11[%swap3A_66, %swap3A_67], %swap3A_70 {strides = array<i32>} : memref<16x16xf32, #tpu.memory_space<vmem>>, vector<1x16xf32>,
    %broadcast_in_dim3A_71 = arith.constant 0.000000e+00 : f32
    %broadcast_in_dim3A_72 = vector.broadcast %broadcast_in_dim3A_71 : f32 to vector<16xf32>
    %swap3A_73 = arith.constant 9 : i32
    %swap3A_74 = arith.index_cast %swap3A_73 : i32 to index
    %swap3A_75 = arith.constant 0 : index
    %swap3A_76 = tpu.vector_load %arg11[%swap3A_74, %swap3A_75] {strides = array<i32>} : memref<16x16xf32, #tpu.memory_space<vmem>>, vector<1x16xf32>,
    %swap3A_77 = vector.shape_cast %swap3A_76 : vector<1x16xf32> to vector<16xf32>
    %swap3A_78 = vector.shape_cast %broadcast_in_dim3A_72 : vector<16xf32> to vector<1x16xf32>
    tpu.vector_store %arg11[%swap3A_74, %swap3A_75], %swap3A_78 {strides = array<i32>} : memref<16x16xf32, #tpu.memory_space<vmem>>, vector<1x16xf32>,
    %broadcast_in_dim3A_79 = arith.constant 0.000000e+00 : f32
    %broadcast_in_dim3A_80 = vector.broadcast %broadcast_in_dim3A_79 : f32 to vector<16xf32>
    %swap3A_81 = arith.constant 10 : i32
    %swap3A_82 = arith.index_cast %swap3A_81 : i32 to index
    %swap3A_83 = arith.constant 0 : index
    %swap3A_84 = tpu.vector_load %arg11[%swap3A_82, %swap3A_83] {strides = array<i32>} : memref<16x16xf32, #tpu.memory_space<vmem>>, vector<1x16xf32>,
    %swap3A_85 = vector.shape_cast %swap3A_84 : vector<1x16xf32> to vector<16xf32>
    %swap3A_86 = vector.shape_cast %broadcast_in_dim3A_80 : vector<16xf32> to vector<1x16xf32>
    tpu.vector_store %arg11[%swap3A_82, %swap3A_83], %swap3A_86 {strides = array<i32>} : memref<16x16xf32, #tpu.memory_space<vmem>>, vector<1x16xf32>,
    %broadcast_in_dim3A_87 = arith.constant 0.000000e+00 : f32
    %broadcast_in_dim3A_88 = vector.broadcast %broadcast_in_dim3A_87 : f32 to vector<16xf32>
    %swap3A_89 = arith.constant 11 : i32
    %swap3A_90 = arith.index_cast %swap3A_89 : i32 to index
    %swap3A_91 = arith.constant 0 : index
    %swap3A_92 = tpu.vector_load %arg11[%swap3A_90, %swap3A_91] {strides = array<i32>} : memref<16x16xf32, #tpu.memory_space<vmem>>, vector<1x16xf32>,
    %swap3A_93 = vector.shape_cast %swap3A_92 : vector<1x16xf32> to vector<16xf32>
    %swap3A_94 = vector.shape_cast %broadcast_in_dim3A_88 : vector<16xf32> to vector<1x16xf32>
    tpu.vector_store %arg11[%swap3A_90, %swap3A_91], %swap3A_94 {strides = array<i32>} : memref<16x16xf32, #tpu.memory_space<vmem>>, vector<1x16xf32>,
    %broadcast_in_dim3A_95 = arith.constant 0.000000e+00 : f32
    %broadcast_in_dim3A_96 = vector.broadcast %broadcast_in_dim3A_95 : f32 to vector<16xf32>
    %swap3A_97 = arith.constant 12 : i32
    %swap3A_98 = arith.index_cast %swap3A_97 : i32 to index
    %swap3A_99 = arith.constant 0 : index
    %swap3A_100 = tpu.vector_load %arg11[%swap3A_98, %swap3A_99] {strides = array<i32>} : memref<16x16xf32, #tpu.memory_space<vmem>>, vector<1x16xf32>,
    %swap3A_101 = vector.shape_cast %swap3A_100 : vector<1x16xf32> to vector<16xf32>
    %swap3A_102 = vector.shape_cast %broadcast_in_dim3A_96 : vector<16xf32> to vector<1x16xf32>
    tpu.vector_store %arg11[%swap3A_98, %swap3A_99], %swap3A_102 {strides = array<i32>} : memref<16x16xf32, #tpu.memory_space<vmem>>, vector<1x16xf32>,
    %broadcast_in_dim3A_103 = arith.constant 0.000000e+00 : f32
    %broadcast_in_dim3A_104 = vector.broadcast %broadcast_in_dim3A_103 : f32 to vector<16xf32>
    %swap3A_105 = arith.constant 13 : i32
    %swap3A_106 = arith.index_cast %swap3A_105 : i32 to index
    %swap3A_107 = arith.constant 0 : index
    %swap3A_108 = tpu.vector_load %arg11[%swap3A_106, %swap3A_107] {strides = array<i32>} : memref<16x16xf32, #tpu.memory_space<vmem>>, vector<1x16xf32>,
    %swap3A_109 = vector.shape_cast %swap3A_108 : vector<1x16xf32> to vector<16xf32>
    %swap3A_110 = vector.shape_cast %broadcast_in_dim3A_104 : vector<16xf32> to vector<1x16xf32>
    tpu.vector_store %arg11[%swap3A_106, %swap3A_107], %swap3A_110 {strides = array<i32>} : memref<16x16xf32, #tpu.memory_space<vmem>>, vector<1x16xf32>,
    %broadcast_in_dim3A_111 = arith.constant 0.000000e+00 : f32
    %broadcast_in_dim3A_112 = vector.broadcast %broadcast_in_dim3A_111 : f32 to vector<16xf32>
    %swap3A_113 = arith.constant 14 : i32
    %swap3A_114 = arith.index_cast %swap3A_113 : i32 to index
    %swap3A_115 = arith.constant 0 : index
    %swap3A_116 = tpu.vector_load %arg11[%swap3A_114, %swap3A_115] {strides = array<i32>} : memref<16x16xf32, #tpu.memory_space<vmem>>, vector<1x16xf32>,
    %swap3A_117 = vector.shape_cast %swap3A_116 : vector<1x16xf32> to vector<16xf32>
    %swap3A_118 = vector.shape_cast %broadcast_in_dim3A_112 : vector<16xf32> to vector<1x16xf32>
    tpu.vector_store %arg11[%swap3A_114, %swap3A_115], %swap3A_118 {strides = array<i32>} : memref<16x16xf32, #tpu.memory_space<vmem>>, vector<1x16xf32>,
    %broadcast_in_dim3A_119 = arith.constant 0.000000e+00 : f32
    %broadcast_in_dim3A_120 = vector.broadcast %broadcast_in_dim3A_119 : f32 to vector<16xf32>
    %swap3A_121 = arith.constant 15 : i32
    %swap3A_122 = arith.index_cast %swap3A_121 : i32 to index
    %swap3A_123 = arith.constant 0 : index
    %swap3A_124 = tpu.vector_load %arg11[%swap3A_122, %swap3A_123] {strides = array<i32>} : memref<16x16xf32, #tpu.memory_space<vmem>>, vector<1x16xf32>,
    %swap3A_125 = vector.shape_cast %swap3A_124 : vector<1x16xf32> to vector<16xf32>
    %swap3A_126 = vector.shape_cast %broadcast_in_dim3A_120 : vector<16xf32> to vector<1x16xf32>
    tpu.vector_store %arg11[%swap3A_122, %swap3A_123], %swap3A_126 {strides = array<i32>} : memref<16x16xf32, #tpu.memory_space<vmem>>, vector<1x16xf32>,
    %scan3A = arith.constant 0 : i32
    %scan3A_127 = arith.constant 0 : i32
    %scan3A_128 = arith.constant 40 : i32
    %scan3A_129 = arith.addi %scan3A_127, %scan3A_128 : i32
    %scan3A_130 = arith.constant 1 : i32
    scf.for %scan3A_448 = %scan3A_127 to %scan3A_129 step %scan3A_130  : i32 {
      %mul3A_449 = arith.constant 640 : i32
      %mul3A_450 = arith.muli %arg1, %mul3A_449 : i32
      %mul3A_451 = arith.constant 16 : i32
      %mul3A_452 = arith.muli %scan3A_448, %mul3A_451 : i32
      %add3A_453 = arith.addi %mul3A_450, %mul3A_452 : i32
      "tpu.region"() ({
        %run_scoped3A = tpu.sem_alloc : memref<!tpu.dma_semaphore, #tpu.memory_space<semaphore_mem>>
        %dma_start3A_454 = arith.constant 0 : i32
        %dma_start3A_455 = tpu.memref_slice %arg13[%add3A_453, %dma_start3A_454] : memref<10240x16xf32, #tpu.memory_space<vmem_shared>> -> memref<16x16xf32, #tpu.memory_space<vmem_shared>>
        %dma_start3A_456 = arith.constant 0 : i32
        %dma_start3A_457 = tpu.memref_slice %arg13[%add3A_453, %dma_start3A_456] : memref<10240x16xf32, #tpu.memory_space<vmem_shared>> -> memref<16x16xf32, #tpu.memory_space<vmem_shared>>
        tpu.enqueue_dma source(%arg11 : memref<16x16xf32, #tpu.memory_space<vmem>>) target(%dma_start3A_457 : memref<16x16xf32, #tpu.memory_space<vmem_shared>>) target_semaphore(%run_scoped3A : memref<!tpu.dma_semaphore, #tpu.memory_space<semaphore_mem>>)
        %dma_wait3A_458 = arith.constant 0 : i32
        %dma_wait3A_459 = tpu.memref_slice %arg13[%add3A_453, %dma_wait3A_458] : memref<10240x16xf32, #tpu.memory_space<vmem_shared>> -> memref<16x16xf32, #tpu.memory_space<vmem_shared>>
        %dma_wait3A_460 = arith.constant 0 : i32
        %dma_wait3A_461 = tpu.memref_slice %arg13[%add3A_453, %dma_wait3A_460] : memref<10240x16xf32, #tpu.memory_space<vmem_shared>> -> memref<16x16xf32, #tpu.memory_space<vmem_shared>>
        tpu.wait_dma2 semaphore(%run_scoped3A : memref<!tpu.dma_semaphore, #tpu.memory_space<semaphore_mem>>) src(%arg11 : memref<16x16xf32, #tpu.memory_space<vmem>>) dst(%dma_wait3A_461 : memref<16x16xf32, #tpu.memory_space<vmem_shared>>)
        tpu.yield
      }) : () -> ()
    }
    %scan3A_131 = arith.constant 40 : i32
    %mul3A_132 = arith.constant 625 : i32
    %mul3A_133 = arith.muli %arg1, %mul3A_132 : i32
    %mul3A_134 = arith.constant 625 : i32
    %mul3A_135 = arith.muli %arg1, %mul3A_134 : i32
    "tpu.region"() ({
      %run_scoped3A = tpu.sem_alloc : memref<!tpu.dma_semaphore, #tpu.memory_space<semaphore_mem>>
      %dma_start3A_448 = arith.constant 0 : i32
      %dma_start3A_449 = tpu.memref_slice %arg12[%mul3A_135, %dma_start3A_448] : memref<10000x16xf32, #tpu.memory_space<vmem_shared>> -> memref<625x16xf32, #tpu.memory_space<vmem_shared>>
      %dma_start3A_450 = arith.constant 0 : i32
      %dma_start3A_451 = tpu.memref_slice %arg2[%mul3A_133, %dma_start3A_450] : memref<10000x16xf32, #tpu.memory_space<hbm>> -> memref<625x16xf32, #tpu.memory_space<hbm>>
      tpu.enqueue_dma source(%dma_start3A_451 : memref<625x16xf32, #tpu.memory_space<hbm>>) target(%dma_start3A_449 : memref<625x16xf32, #tpu.memory_space<vmem_shared>>) target_semaphore(%run_scoped3A : memref<!tpu.dma_semaphore, #tpu.memory_space<semaphore_mem>>)
      %dma_wait3A_452 = arith.constant 0 : i32
      %dma_wait3A_453 = tpu.memref_slice %arg12[%mul3A_135, %dma_wait3A_452] : memref<10000x16xf32, #tpu.memory_space<vmem_shared>> -> memref<625x16xf32, #tpu.memory_space<vmem_shared>>
      %dma_wait3A_454 = arith.constant 0 : i32
      %dma_wait3A_455 = tpu.memref_slice %arg2[%mul3A_133, %dma_wait3A_454] : memref<10000x16xf32, #tpu.memory_space<hbm>> -> memref<625x16xf32, #tpu.memory_space<hbm>>
      tpu.wait_dma2 semaphore(%run_scoped3A : memref<!tpu.dma_semaphore, #tpu.memory_space<semaphore_mem>>) src(%dma_wait3A_455 : memref<625x16xf32, #tpu.memory_space<hbm>>) dst(%dma_wait3A_453 : memref<625x16xf32, #tpu.memory_space<vmem_shared>>)
      tpu.yield
    }) : () -> ()
    %barrier3A = arith.constant 0 : index
    tpu.barrier barrier_id(%barrier3A)
    "tpu.region"() ({
      %run_scoped3A = tpu.sem_alloc : memref<!tpu.dma_semaphore, #tpu.memory_space<semaphore_mem>>
      %dma_start3A_448 = arith.constant 0 : i32
      %dma_start3A_449 = arith.constant 0 : i32
      %dma_start3A_450 = tpu.memref_slice %arg3[%add3A, %dma_start3A_448, %dma_start3A_449] : memref<32x79x128xi32, #tpu.memory_space<hbm>> -> memref<1x79x128xi32, #tpu.memory_space<hbm>>
      %dma_start3A_451 = tpu.memref_squeeze %dma_start3A_450 : memref<1x79x128xi32, #tpu.memory_space<hbm>> -> memref<79x128xi32, #tpu.memory_space<hbm>>
      %dma_start3A_452 = arith.constant 0 : i32
      %dma_start3A_453 = arith.constant 0 : i32
      %dma_start3A_454 = tpu.memref_slice %arg3[%add3A, %dma_start3A_452, %dma_start3A_453] : memref<32x79x128xi32, #tpu.memory_space<hbm>> -> memref<1x79x128xi32, #tpu.memory_space<hbm>>
      %dma_start3A_455 = tpu.memref_squeeze %dma_start3A_454 : memref<1x79x128xi32, #tpu.memory_space<hbm>> -> memref<79x128xi32, #tpu.memory_space<hbm>>
      tpu.enqueue_dma source(%dma_start3A_455 : memref<79x128xi32, #tpu.memory_space<hbm>>) target(%arg5 : memref<79x128xi32, #tpu.memory_space<vmem>>) target_semaphore(%run_scoped3A : memref<!tpu.dma_semaphore, #tpu.memory_space<semaphore_mem>>)
      %dma_wait3A_456 = arith.constant 0 : i32
      %dma_wait3A_457 = arith.constant 0 : i32
      %dma_wait3A_458 = tpu.memref_slice %arg3[%add3A, %dma_wait3A_456, %dma_wait3A_457] : memref<32x79x128xi32, #tpu.memory_space<hbm>> -> memref<1x79x128xi32, #tpu.memory_space<hbm>>
      %dma_wait3A_459 = tpu.memref_squeeze %dma_wait3A_458 : memref<1x79x128xi32, #tpu.memory_space<hbm>> -> memref<79x128xi32, #tpu.memory_space<hbm>>
      %dma_wait3A_460 = arith.constant 0 : i32
      %dma_wait3A_461 = arith.constant 0 : i32
      %dma_wait3A_462 = tpu.memref_slice %arg3[%add3A, %dma_wait3A_460, %dma_wait3A_461] : memref<32x79x128xi32, #tpu.memory_space<hbm>> -> memref<1x79x128xi32, #tpu.memory_space<hbm>>
      %dma_wait3A_463 = tpu.memref_squeeze %dma_wait3A_462 : memref<1x79x128xi32, #tpu.memory_space<hbm>> -> memref<79x128xi32, #tpu.memory_space<hbm>>
      tpu.wait_dma2 semaphore(%run_scoped3A : memref<!tpu.dma_semaphore, #tpu.memory_space<semaphore_mem>>) src(%dma_wait3A_463 : memref<79x128xi32, #tpu.memory_space<hbm>>) dst(%arg5 : memref<79x128xi32, #tpu.memory_space<vmem>>)
      tpu.yield
    }) : () -> ()
    %get3A = arith.constant 0 : i32
    %get3A_136 = arith.index_cast %get3A : i32 to index
    %get3A_137 = arith.constant 0 : index
    %get3A_138 = tpu.vector_load %arg5[%get3A_136, %get3A_137] {strides = array<i32>} : memref<79x128xi32, #tpu.memory_space<vmem>>, vector<1x16xi32>,
    %get3A_139 = vector.shape_cast %get3A_138 : vector<1x16xi32> to vector<16xi32>
    %and3A = arith.constant 16383 : i32
    %and3A_140 = vector.broadcast %and3A : i32 to vector<16xi32>
    %and3A_141 = arith.andi %get3A_139, %and3A_140 : vector<16xi32>
    %swap3A_142 = arith.constant 0 : index
    %swap3A_143 = tpu.vector_load %arg6[%swap3A_142] {strides = array<i32>} : memref<128xi32, #tpu.memory_space<vmem>>, vector<16xi32>,
    %swap3A_144 = vector.shape_cast %swap3A_143 : vector<16xi32> to vector<16xi32>
    %swap3A_145 = vector.shape_cast %and3A_141 : vector<16xi32> to vector<16xi32>
    tpu.vector_store %arg6[%swap3A_142], %swap3A_145 {strides = array<i32>} : memref<128xi32, #tpu.memory_space<vmem>>, vector<16xi32>,
    %get3A_146 = arith.constant 0 : i32
    %get3A_147 = arith.index_cast %get3A_146 : i32 to index
    %get3A_148 = arith.constant 16 : index
    %get3A_149 = tpu.vector_load %arg5[%get3A_147, %get3A_148] {strides = array<i32>} : memref<79x128xi32, #tpu.memory_space<vmem>>, vector<1x16xi32>,
    %get3A_150 = vector.shape_cast %get3A_149 : vector<1x16xi32> to vector<16xi32>
    %and3A_151 = arith.constant 16383 : i32
    %and3A_152 = vector.broadcast %and3A_151 : i32 to vector<16xi32>
    %and3A_153 = arith.andi %get3A_150, %and3A_152 : vector<16xi32>
    %swap3A_154 = arith.constant 16 : index
    %swap3A_155 = tpu.vector_load %arg6[%swap3A_154] {strides = array<i32>} : memref<128xi32, #tpu.memory_space<vmem>>, vector<16xi32>,
    %swap3A_156 = vector.shape_cast %swap3A_155 : vector<16xi32> to vector<16xi32>
    %swap3A_157 = vector.shape_cast %and3A_153 : vector<16xi32> to vector<16xi32>
    tpu.vector_store %arg6[%swap3A_154], %swap3A_157 {strides = array<i32>} : memref<128xi32, #tpu.memory_space<vmem>>, vector<16xi32>,
    %get3A_158 = arith.constant 0 : i32
    %get3A_159 = arith.index_cast %get3A_158 : i32 to index
    %get3A_160 = arith.constant 32 : index
    %get3A_161 = tpu.vector_load %arg5[%get3A_159, %get3A_160] {strides = array<i32>} : memref<79x128xi32, #tpu.memory_space<vmem>>, vector<1x16xi32>,
    %get3A_162 = vector.shape_cast %get3A_161 : vector<1x16xi32> to vector<16xi32>
    %and3A_163 = arith.constant 16383 : i32
    %and3A_164 = vector.broadcast %and3A_163 : i32 to vector<16xi32>
    %and3A_165 = arith.andi %get3A_162, %and3A_164 : vector<16xi32>
    %swap3A_166 = arith.constant 32 : index
    %swap3A_167 = tpu.vector_load %arg6[%swap3A_166] {strides = array<i32>} : memref<128xi32, #tpu.memory_space<vmem>>, vector<16xi32>,
    %swap3A_168 = vector.shape_cast %swap3A_167 : vector<16xi32> to vector<16xi32>
    %swap3A_169 = vector.shape_cast %and3A_165 : vector<16xi32> to vector<16xi32>
    tpu.vector_store %arg6[%swap3A_166], %swap3A_169 {strides = array<i32>} : memref<128xi32, #tpu.memory_space<vmem>>, vector<16xi32>,
    %get3A_170 = arith.constant 0 : i32
    %get3A_171 = arith.index_cast %get3A_170 : i32 to index
    %get3A_172 = arith.constant 48 : index
    %get3A_173 = tpu.vector_load %arg5[%get3A_171, %get3A_172] {strides = array<i32>} : memref<79x128xi32, #tpu.memory_space<vmem>>, vector<1x16xi32>,
    %get3A_174 = vector.shape_cast %get3A_173 : vector<1x16xi32> to vector<16xi32>
    %and3A_175 = arith.constant 16383 : i32
    %and3A_176 = vector.broadcast %and3A_175 : i32 to vector<16xi32>
    %and3A_177 = arith.andi %get3A_174, %and3A_176 : vector<16xi32>
    %swap3A_178 = arith.constant 48 : index
    %swap3A_179 = tpu.vector_load %arg6[%swap3A_178] {strides = array<i32>} : memref<128xi32, #tpu.memory_space<vmem>>, vector<16xi32>,
    %swap3A_180 = vector.shape_cast %swap3A_179 : vector<16xi32> to vector<16xi32>
    %swap3A_181 = vector.shape_cast %and3A_177 : vector<16xi32> to vector<16xi32>
    tpu.vector_store %arg6[%swap3A_178], %swap3A_181 {strides = array<i32>} : memref<128xi32, #tpu.memory_space<vmem>>, vector<16xi32>,
    %get3A_182 = arith.constant 0 : i32
    %get3A_183 = arith.index_cast %get3A_182 : i32 to index
    %get3A_184 = arith.constant 64 : index
    %get3A_185 = tpu.vector_load %arg5[%get3A_183, %get3A_184] {strides = array<i32>} : memref<79x128xi32, #tpu.memory_space<vmem>>, vector<1x16xi32>,
    %get3A_186 = vector.shape_cast %get3A_185 : vector<1x16xi32> to vector<16xi32>
    %and3A_187 = arith.constant 16383 : i32
    %and3A_188 = vector.broadcast %and3A_187 : i32 to vector<16xi32>
    %and3A_189 = arith.andi %get3A_186, %and3A_188 : vector<16xi32>
    %swap3A_190 = arith.constant 64 : index
    %swap3A_191 = tpu.vector_load %arg6[%swap3A_190] {strides = array<i32>} : memref<128xi32, #tpu.memory_space<vmem>>, vector<16xi32>,
    %swap3A_192 = vector.shape_cast %swap3A_191 : vector<16xi32> to vector<16xi32>
    %swap3A_193 = vector.shape_cast %and3A_189 : vector<16xi32> to vector<16xi32>
    tpu.vector_store %arg6[%swap3A_190], %swap3A_193 {strides = array<i32>} : memref<128xi32, #tpu.memory_space<vmem>>, vector<16xi32>,
    %get3A_194 = arith.constant 0 : i32
    %get3A_195 = arith.index_cast %get3A_194 : i32 to index
    %get3A_196 = arith.constant 80 : index
    %get3A_197 = tpu.vector_load %arg5[%get3A_195, %get3A_196] {strides = array<i32>} : memref<79x128xi32, #tpu.memory_space<vmem>>, vector<1x16xi32>,
    %get3A_198 = vector.shape_cast %get3A_197 : vector<1x16xi32> to vector<16xi32>
    %and3A_199 = arith.constant 16383 : i32
    %and3A_200 = vector.broadcast %and3A_199 : i32 to vector<16xi32>
    %and3A_201 = arith.andi %get3A_198, %and3A_200 : vector<16xi32>
    %swap3A_202 = arith.constant 80 : index
    %swap3A_203 = tpu.vector_load %arg6[%swap3A_202] {strides = array<i32>} : memref<128xi32, #tpu.memory_space<vmem>>, vector<16xi32>,
    %swap3A_204 = vector.shape_cast %swap3A_203 : vector<16xi32> to vector<16xi32>
    %swap3A_205 = vector.shape_cast %and3A_201 : vector<16xi32> to vector<16xi32>
    tpu.vector_store %arg6[%swap3A_202], %swap3A_205 {strides = array<i32>} : memref<128xi32, #tpu.memory_space<vmem>>, vector<16xi32>,
    %get3A_206 = arith.constant 0 : i32
    %get3A_207 = arith.index_cast %get3A_206 : i32 to index
    %get3A_208 = arith.constant 96 : index
    %get3A_209 = tpu.vector_load %arg5[%get3A_207, %get3A_208] {strides = array<i32>} : memref<79x128xi32, #tpu.memory_space<vmem>>, vector<1x16xi32>,
    %get3A_210 = vector.shape_cast %get3A_209 : vector<1x16xi32> to vector<16xi32>
    %and3A_211 = arith.constant 16383 : i32
    %and3A_212 = vector.broadcast %and3A_211 : i32 to vector<16xi32>
    %and3A_213 = arith.andi %get3A_210, %and3A_212 : vector<16xi32>
    %swap3A_214 = arith.constant 96 : index
    %swap3A_215 = tpu.vector_load %arg6[%swap3A_214] {strides = array<i32>} : memref<128xi32, #tpu.memory_space<vmem>>, vector<16xi32>,
    %swap3A_216 = vector.shape_cast %swap3A_215 : vector<16xi32> to vector<16xi32>
    %swap3A_217 = vector.shape_cast %and3A_213 : vector<16xi32> to vector<16xi32>
    tpu.vector_store %arg6[%swap3A_214], %swap3A_217 {strides = array<i32>} : memref<128xi32, #tpu.memory_space<vmem>>, vector<16xi32>,
    %get3A_218 = arith.constant 0 : i32
    %get3A_219 = arith.index_cast %get3A_218 : i32 to index
    %get3A_220 = arith.constant 112 : index
    %get3A_221 = tpu.vector_load %arg5[%get3A_219, %get3A_220] {strides = array<i32>} : memref<79x128xi32, #tpu.memory_space<vmem>>, vector<1x16xi32>,
    %get3A_222 = vector.shape_cast %get3A_221 : vector<1x16xi32> to vector<16xi32>
    %and3A_223 = arith.constant 16383 : i32
    %and3A_224 = vector.broadcast %and3A_223 : i32 to vector<16xi32>
    %and3A_225 = arith.andi %get3A_222, %and3A_224 : vector<16xi32>
    %swap3A_226 = arith.constant 112 : index
    %swap3A_227 = tpu.vector_load %arg6[%swap3A_226] {strides = array<i32>} : memref<128xi32, #tpu.memory_space<vmem>>, vector<16xi32>,
    %swap3A_228 = vector.shape_cast %swap3A_227 : vector<16xi32> to vector<16xi32>
    %swap3A_229 = vector.shape_cast %and3A_225 : vector<16xi32> to vector<16xi32>
    tpu.vector_store %arg6[%swap3A_226], %swap3A_229 {strides = array<i32>} : memref<128xi32, #tpu.memory_space<vmem>>, vector<16xi32>,
    %dma_start3A = arith.constant 0 : i32
    %dma_start3A_230 = arith.constant 0 : i32
    %dma_start3A_231 = tpu.memref_slice %arg12[%dma_start3A, %dma_start3A_230] : memref<10000x16xf32, #tpu.memory_space<vmem_shared>> -> memref<10000x16xf32, #tpu.memory_space<vmem_shared>>
    tpu.enqueue_indirect_dma source(%dma_start3A_231 : memref<10000x16xf32, #tpu.memory_space<vmem_shared>>) target(%arg9 : memref<128x16xf32, #tpu.memory_space<vmem>>) offsets(%arg6 : memref<128xi32, #tpu.memory_space<vmem>>) semaphore(%arg14 : memref<!tpu.dma_semaphore, #tpu.memory_space<semaphore_mem>>)
    %get3A_232 = arith.constant 1 : i32
    %get3A_233 = arith.index_cast %get3A_232 : i32 to index
    %get3A_234 = arith.constant 0 : index
    %get3A_235 = tpu.vector_load %arg5[%get3A_233, %get3A_234] {strides = array<i32>} : memref<79x128xi32, #tpu.memory_space<vmem>>, vector<1x16xi32>,
    %get3A_236 = vector.shape_cast %get3A_235 : vector<1x16xi32> to vector<16xi32>
    %and3A_237 = arith.constant 16383 : i32
    %and3A_238 = vector.broadcast %and3A_237 : i32 to vector<16xi32>
    %and3A_239 = arith.andi %get3A_236, %and3A_238 : vector<16xi32>
    %swap3A_240 = arith.constant 0 : index
    %swap3A_241 = tpu.vector_load %arg7[%swap3A_240] {strides = array<i32>} : memref<128xi32, #tpu.memory_space<vmem>>, vector<16xi32>,
    %swap3A_242 = vector.shape_cast %swap3A_241 : vector<16xi32> to vector<16xi32>
    %swap3A_243 = vector.shape_cast %and3A_239 : vector<16xi32> to vector<16xi32>
    tpu.vector_store %arg7[%swap3A_240], %swap3A_243 {strides = array<i32>} : memref<128xi32, #tpu.memory_space<vmem>>, vector<16xi32>,
    %get3A_244 = arith.constant 1 : i32
    %get3A_245 = arith.index_cast %get3A_244 : i32 to index
    %get3A_246 = arith.constant 16 : index
    %get3A_247 = tpu.vector_load %arg5[%get3A_245, %get3A_246] {strides = array<i32>} : memref<79x128xi32, #tpu.memory_space<vmem>>, vector<1x16xi32>,
    %get3A_248 = vector.shape_cast %get3A_247 : vector<1x16xi32> to vector<16xi32>
    %and3A_249 = arith.constant 16383 : i32
    %and3A_250 = vector.broadcast %and3A_249 : i32 to vector<16xi32>
    %and3A_251 = arith.andi %get3A_248, %and3A_250 : vector<16xi32>
    %swap3A_252 = arith.constant 16 : index
    %swap3A_253 = tpu.vector_load %arg7[%swap3A_252] {strides = array<i32>} : memref<128xi32, #tpu.memory_space<vmem>>, vector<16xi32>,
    %swap3A_254 = vector.shape_cast %swap3A_253 : vector<16xi32> to vector<16xi32>
    %swap3A_255 = vector.shape_cast %and3A_251 : vector<16xi32> to vector<16xi32>
    tpu.vector_store %arg7[%swap3A_252], %swap3A_255 {strides = array<i32>} : memref<128xi32, #tpu.memory_space<vmem>>, vector<16xi32>,
    %get3A_256 = arith.constant 1 : i32
    %get3A_257 = arith.index_cast %get3A_256 : i32 to index
    %get3A_258 = arith.constant 32 : index
    %get3A_259 = tpu.vector_load %arg5[%get3A_257, %get3A_258] {strides = array<i32>} : memref<79x128xi32, #tpu.memory_space<vmem>>, vector<1x16xi32>,
    %get3A_260 = vector.shape_cast %get3A_259 : vector<1x16xi32> to vector<16xi32>
    %and3A_261 = arith.constant 16383 : i32
    %and3A_262 = vector.broadcast %and3A_261 : i32 to vector<16xi32>
    %and3A_263 = arith.andi %get3A_260, %and3A_262 : vector<16xi32>
    %swap3A_264 = arith.constant 32 : index
    %swap3A_265 = tpu.vector_load %arg7[%swap3A_264] {strides = array<i32>} : memref<128xi32, #tpu.memory_space<vmem>>, vector<16xi32>,
    %swap3A_266 = vector.shape_cast %swap3A_265 : vector<16xi32> to vector<16xi32>
    %swap3A_267 = vector.shape_cast %and3A_263 : vector<16xi32> to vector<16xi32>
    tpu.vector_store %arg7[%swap3A_264], %swap3A_267 {strides = array<i32>} : memref<128xi32, #tpu.memory_space<vmem>>, vector<16xi32>,
    %get3A_268 = arith.constant 1 : i32
    %get3A_269 = arith.index_cast %get3A_268 : i32 to index
    %get3A_270 = arith.constant 48 : index
    %get3A_271 = tpu.vector_load %arg5[%get3A_269, %get3A_270] {strides = array<i32>} : memref<79x128xi32, #tpu.memory_space<vmem>>, vector<1x16xi32>,
    %get3A_272 = vector.shape_cast %get3A_271 : vector<1x16xi32> to vector<16xi32>
    %and3A_273 = arith.constant 16383 : i32
    %and3A_274 = vector.broadcast %and3A_273 : i32 to vector<16xi32>
    %and3A_275 = arith.andi %get3A_272, %and3A_274 : vector<16xi32>
    %swap3A_276 = arith.constant 48 : index
    %swap3A_277 = tpu.vector_load %arg7[%swap3A_276] {strides = array<i32>} : memref<128xi32, #tpu.memory_space<vmem>>, vector<16xi32>,
    %swap3A_278 = vector.shape_cast %swap3A_277 : vector<16xi32> to vector<16xi32>
    %swap3A_279 = vector.shape_cast %and3A_275 : vector<16xi32> to vector<16xi32>
    tpu.vector_store %arg7[%swap3A_276], %swap3A_279 {strides = array<i32>} : memref<128xi32, #tpu.memory_space<vmem>>, vector<16xi32>,
    %get3A_280 = arith.constant 1 : i32
    %get3A_281 = arith.index_cast %get3A_280 : i32 to index
    %get3A_282 = arith.constant 64 : index
    %get3A_283 = tpu.vector_load %arg5[%get3A_281, %get3A_282] {strides = array<i32>} : memref<79x128xi32, #tpu.memory_space<vmem>>, vector<1x16xi32>,
    %get3A_284 = vector.shape_cast %get3A_283 : vector<1x16xi32> to vector<16xi32>
    %and3A_285 = arith.constant 16383 : i32
    %and3A_286 = vector.broadcast %and3A_285 : i32 to vector<16xi32>
    %and3A_287 = arith.andi %get3A_284, %and3A_286 : vector<16xi32>
    %swap3A_288 = arith.constant 64 : index
    %swap3A_289 = tpu.vector_load %arg7[%swap3A_288] {strides = array<i32>} : memref<128xi32, #tpu.memory_space<vmem>>, vector<16xi32>,
    %swap3A_290 = vector.shape_cast %swap3A_289 : vector<16xi32> to vector<16xi32>
    %swap3A_291 = vector.shape_cast %and3A_287 : vector<16xi32> to vector<16xi32>
    tpu.vector_store %arg7[%swap3A_288], %swap3A_291 {strides = array<i32>} : memref<128xi32, #tpu.memory_space<vmem>>, vector<16xi32>,
    %get3A_292 = arith.constant 1 : i32
    %get3A_293 = arith.index_cast %get3A_292 : i32 to index
    %get3A_294 = arith.constant 80 : index
    %get3A_295 = tpu.vector_load %arg5[%get3A_293, %get3A_294] {strides = array<i32>} : memref<79x128xi32, #tpu.memory_space<vmem>>, vector<1x16xi32>,
    %get3A_296 = vector.shape_cast %get3A_295 : vector<1x16xi32> to vector<16xi32>
    %and3A_297 = arith.constant 16383 : i32
    %and3A_298 = vector.broadcast %and3A_297 : i32 to vector<16xi32>
    %and3A_299 = arith.andi %get3A_296, %and3A_298 : vector<16xi32>
    %swap3A_300 = arith.constant 80 : index
    %swap3A_301 = tpu.vector_load %arg7[%swap3A_300] {strides = array<i32>} : memref<128xi32, #tpu.memory_space<vmem>>, vector<16xi32>,
    %swap3A_302 = vector.shape_cast %swap3A_301 : vector<16xi32> to vector<16xi32>
    %swap3A_303 = vector.shape_cast %and3A_299 : vector<16xi32> to vector<16xi32>
    tpu.vector_store %arg7[%swap3A_300], %swap3A_303 {strides = array<i32>} : memref<128xi32, #tpu.memory_space<vmem>>, vector<16xi32>,
    %get3A_304 = arith.constant 1 : i32
    %get3A_305 = arith.index_cast %get3A_304 : i32 to index
    %get3A_306 = arith.constant 96 : index
    %get3A_307 = tpu.vector_load %arg5[%get3A_305, %get3A_306] {strides = array<i32>} : memref<79x128xi32, #tpu.memory_space<vmem>>, vector<1x16xi32>,
    %get3A_308 = vector.shape_cast %get3A_307 : vector<1x16xi32> to vector<16xi32>
    %and3A_309 = arith.constant 16383 : i32
    %and3A_310 = vector.broadcast %and3A_309 : i32 to vector<16xi32>
    %and3A_311 = arith.andi %get3A_308, %and3A_310 : vector<16xi32>
    %swap3A_312 = arith.constant 96 : index
    %swap3A_313 = tpu.vector_load %arg7[%swap3A_312] {strides = array<i32>} : memref<128xi32, #tpu.memory_space<vmem>>, vector<16xi32>,
    %swap3A_314 = vector.shape_cast %swap3A_313 : vector<16xi32> to vector<16xi32>
    %swap3A_315 = vector.shape_cast %and3A_311 : vector<16xi32> to vector<16xi32>
    tpu.vector_store %arg7[%swap3A_312], %swap3A_315 {strides = array<i32>} : memref<128xi32, #tpu.memory_space<vmem>>, vector<16xi32>,
    %get3A_316 = arith.constant 1 : i32
    %get3A_317 = arith.index_cast %get3A_316 : i32 to index
    %get3A_318 = arith.constant 112 : index
    %get3A_319 = tpu.vector_load %arg5[%get3A_317, %get3A_318] {strides = array<i32>} : memref<79x128xi32, #tpu.memory_space<vmem>>, vector<1x16xi32>,
    %get3A_320 = vector.shape_cast %get3A_319 : vector<1x16xi32> to vector<16xi32>
    %and3A_321 = arith.constant 16383 : i32
    %and3A_322 = vector.broadcast %and3A_321 : i32 to vector<16xi32>
    %and3A_323 = arith.andi %get3A_320, %and3A_322 : vector<16xi32>
    %swap3A_324 = arith.constant 112 : index
    %swap3A_325 = tpu.vector_load %arg7[%swap3A_324] {strides = array<i32>} : memref<128xi32, #tpu.memory_space<vmem>>, vector<16xi32>,
    %swap3A_326 = vector.shape_cast %swap3A_325 : vector<16xi32> to vector<16xi32>
    %swap3A_327 = vector.shape_cast %and3A_323 : vector<16xi32> to vector<16xi32>
    tpu.vector_store %arg7[%swap3A_324], %swap3A_327 {strides = array<i32>} : memref<128xi32, #tpu.memory_space<vmem>>, vector<16xi32>,
    %dma_start3A_328 = arith.constant 0 : i32
    %dma_start3A_329 = arith.constant 0 : i32
    %dma_start3A_330 = tpu.memref_slice %arg12[%dma_start3A_328, %dma_start3A_329] : memref<10000x16xf32, #tpu.memory_space<vmem_shared>> -> memref<10000x16xf32, #tpu.memory_space<vmem_shared>>
    tpu.enqueue_indirect_dma source(%dma_start3A_330 : memref<10000x16xf32, #tpu.memory_space<vmem_shared>>) target(%arg10 : memref<128x16xf32, #tpu.memory_space<vmem>>) offsets(%arg7 : memref<128xi32, #tpu.memory_space<vmem>>) semaphore(%arg15 : memref<!tpu.dma_semaphore, #tpu.memory_space<semaphore_mem>>)
    %scan3A_331 = arith.constant 0 : i32
    %scan3A_332 = arith.constant 0 : i32
    %scan3A_333 = arith.constant 39 : i32
    %scan3A_334 = arith.addi %scan3A_332, %scan3A_333 : i32
    %scan3A_335 = arith.constant 1 : i32
    scf.for %scan3A_448 = %scan3A_332 to %scan3A_334 step %scan3A_335  : i32 {
      %mul3A_449 = arith.constant 2 : i32
      %mul3A_450 = arith.muli %mul3A_449, %scan3A_448 : i32
      %add3A_451 = arith.constant 0 : i32
      %add3A_452 = arith.addi %mul3A_450, %add3A_451 : i32
      %dma_wait3A_453 = arith.constant 0 : i32
      %dma_wait3A_454 = arith.constant 0 : i32
      %dma_wait3A_455 = tpu.memref_slice %arg12[%dma_wait3A_453, %dma_wait3A_454] : memref<10000x16xf32, #tpu.memory_space<vmem_shared>> -> memref<10000x16xf32, #tpu.memory_space<vmem_shared>>
      tpu.wait_indirect_dma semaphore(%arg14 : memref<!tpu.dma_semaphore, #tpu.memory_space<semaphore_mem>>) src(%dma_wait3A_455 : memref<10000x16xf32, #tpu.memory_space<vmem_shared>>) dst(%arg9 : memref<128x16xf32, #tpu.memory_space<vmem>>)
      %get3A_456 = arith.index_cast %add3A_452 : i32 to index
      %get3A_457 = arith.constant 0 : index
      %get3A_458 = tpu.vector_load %arg5[%get3A_456, %get3A_457] {strides = array<i32>} : memref<79x128xi32, #tpu.memory_space<vmem>>, vector<1x16xi32>,
      %get3A_459 = vector.shape_cast %get3A_458 : vector<1x16xi32> to vector<16xi32>
      %shift_right_logical3A_460 = arith.constant 14 : i32
      %shift_right_logical3A_461 = vector.broadcast %shift_right_logical3A_460 : i32 to vector<16xi32>
      %shift_right_logical3A_462 = arith.shrui %get3A_459, %shift_right_logical3A_461 : vector<16xi32>
      %swap3A_463 = arith.constant 0 : index
      %swap3A_464 = tpu.vector_load %arg8[%swap3A_463] {strides = array<i32>} : memref<128xi32, #tpu.memory_space<vmem>>, vector<16xi32>,
      %swap3A_465 = vector.shape_cast %swap3A_464 : vector<16xi32> to vector<16xi32>
      %swap3A_466 = vector.shape_cast %shift_right_logical3A_462 : vector<16xi32> to vector<16xi32>
      tpu.vector_store %arg8[%swap3A_463], %swap3A_466 {strides = array<i32>} : memref<128xi32, #tpu.memory_space<vmem>>, vector<16xi32>,
      %get3A_467 = arith.index_cast %add3A_452 : i32 to index
      %get3A_468 = arith.constant 16 : index
      %get3A_469 = tpu.vector_load %arg5[%get3A_467, %get3A_468] {strides = array<i32>} : memref<79x128xi32, #tpu.memory_space<vmem>>, vector<1x16xi32>,
      %get3A_470 = vector.shape_cast %get3A_469 : vector<1x16xi32> to vector<16xi32>
      %shift_right_logical3A_471 = arith.constant 14 : i32
      %shift_right_logical3A_472 = vector.broadcast %shift_right_logical3A_471 : i32 to vector<16xi32>
      %shift_right_logical3A_473 = arith.shrui %get3A_470, %shift_right_logical3A_472 : vector<16xi32>
      %swap3A_474 = arith.constant 16 : index
      %swap3A_475 = tpu.vector_load %arg8[%swap3A_474] {strides = array<i32>} : memref<128xi32, #tpu.memory_space<vmem>>, vector<16xi32>,
      %swap3A_476 = vector.shape_cast %swap3A_475 : vector<16xi32> to vector<16xi32>
      %swap3A_477 = vector.shape_cast %shift_right_logical3A_473 : vector<16xi32> to vector<16xi32>
      tpu.vector_store %arg8[%swap3A_474], %swap3A_477 {strides = array<i32>} : memref<128xi32, #tpu.memory_space<vmem>>, vector<16xi32>,
      %get3A_478 = arith.index_cast %add3A_452 : i32 to index
      %get3A_479 = arith.constant 32 : index
      %get3A_480 = tpu.vector_load %arg5[%get3A_478, %get3A_479] {strides = array<i32>} : memref<79x128xi32, #tpu.memory_space<vmem>>, vector<1x16xi32>,
      %get3A_481 = vector.shape_cast %get3A_480 : vector<1x16xi32> to vector<16xi32>
      %shift_right_logical3A_482 = arith.constant 14 : i32
      %shift_right_logical3A_483 = vector.broadcast %shift_right_logical3A_482 : i32 to vector<16xi32>
      %shift_right_logical3A_484 = arith.shrui %get3A_481, %shift_right_logical3A_483 : vector<16xi32>
      %swap3A_485 = arith.constant 32 : index
      %swap3A_486 = tpu.vector_load %arg8[%swap3A_485] {strides = array<i32>} : memref<128xi32, #tpu.memory_space<vmem>>, vector<16xi32>,
      %swap3A_487 = vector.shape_cast %swap3A_486 : vector<16xi32> to vector<16xi32>
      %swap3A_488 = vector.shape_cast %shift_right_logical3A_484 : vector<16xi32> to vector<16xi32>
      tpu.vector_store %arg8[%swap3A_485], %swap3A_488 {strides = array<i32>} : memref<128xi32, #tpu.memory_space<vmem>>, vector<16xi32>,
      %get3A_489 = arith.index_cast %add3A_452 : i32 to index
      %get3A_490 = arith.constant 48 : index
      %get3A_491 = tpu.vector_load %arg5[%get3A_489, %get3A_490] {strides = array<i32>} : memref<79x128xi32, #tpu.memory_space<vmem>>, vector<1x16xi32>,
      %get3A_492 = vector.shape_cast %get3A_491 : vector<1x16xi32> to vector<16xi32>
      %shift_right_logical3A_493 = arith.constant 14 : i32
      %shift_right_logical3A_494 = vector.broadcast %shift_right_logical3A_493 : i32 to vector<16xi32>
      %shift_right_logical3A_495 = arith.shrui %get3A_492, %shift_right_logical3A_494 : vector<16xi32>
      %swap3A_496 = arith.constant 48 : index
      %swap3A_497 = tpu.vector_load %arg8[%swap3A_496] {strides = array<i32>} : memref<128xi32, #tpu.memory_space<vmem>>, vector<16xi32>,
      %swap3A_498 = vector.shape_cast %swap3A_497 : vector<16xi32> to vector<16xi32>
      %swap3A_499 = vector.shape_cast %shift_right_logical3A_495 : vector<16xi32> to vector<16xi32>
      tpu.vector_store %arg8[%swap3A_496], %swap3A_499 {strides = array<i32>} : memref<128xi32, #tpu.memory_space<vmem>>, vector<16xi32>,
      %get3A_500 = arith.index_cast %add3A_452 : i32 to index
      %get3A_501 = arith.constant 64 : index
      %get3A_502 = tpu.vector_load %arg5[%get3A_500, %get3A_501] {strides = array<i32>} : memref<79x128xi32, #tpu.memory_space<vmem>>, vector<1x16xi32>,
      %get3A_503 = vector.shape_cast %get3A_502 : vector<1x16xi32> to vector<16xi32>
      %shift_right_logical3A_504 = arith.constant 14 : i32
      %shift_right_logical3A_505 = vector.broadcast %shift_right_logical3A_504 : i32 to vector<16xi32>
      %shift_right_logical3A_506 = arith.shrui %get3A_503, %shift_right_logical3A_505 : vector<16xi32>
      %swap3A_507 = arith.constant 64 : index
      %swap3A_508 = tpu.vector_load %arg8[%swap3A_507] {strides = array<i32>} : memref<128xi32, #tpu.memory_space<vmem>>, vector<16xi32>,
      %swap3A_509 = vector.shape_cast %swap3A_508 : vector<16xi32> to vector<16xi32>
      %swap3A_510 = vector.shape_cast %shift_right_logical3A_506 : vector<16xi32> to vector<16xi32>
      tpu.vector_store %arg8[%swap3A_507], %swap3A_510 {strides = array<i32>} : memref<128xi32, #tpu.memory_space<vmem>>, vector<16xi32>,
      %get3A_511 = arith.index_cast %add3A_452 : i32 to index
      %get3A_512 = arith.constant 80 : index
      %get3A_513 = tpu.vector_load %arg5[%get3A_511, %get3A_512] {strides = array<i32>} : memref<79x128xi32, #tpu.memory_space<vmem>>, vector<1x16xi32>,
      %get3A_514 = vector.shape_cast %get3A_513 : vector<1x16xi32> to vector<16xi32>
      %shift_right_logical3A_515 = arith.constant 14 : i32
      %shift_right_logical3A_516 = vector.broadcast %shift_right_logical3A_515 : i32 to vector<16xi32>
      %shift_right_logical3A_517 = arith.shrui %get3A_514, %shift_right_logical3A_516 : vector<16xi32>
      %swap3A_518 = arith.constant 80 : index
      %swap3A_519 = tpu.vector_load %arg8[%swap3A_518] {strides = array<i32>} : memref<128xi32, #tpu.memory_space<vmem>>, vector<16xi32>,
      %swap3A_520 = vector.shape_cast %swap3A_519 : vector<16xi32> to vector<16xi32>
      %swap3A_521 = vector.shape_cast %shift_right_logical3A_517 : vector<16xi32> to vector<16xi32>
      tpu.vector_store %arg8[%swap3A_518], %swap3A_521 {strides = array<i32>} : memref<128xi32, #tpu.memory_space<vmem>>, vector<16xi32>,
      %get3A_522 = arith.index_cast %add3A_452 : i32 to index
      %get3A_523 = arith.constant 96 : index
      %get3A_524 = tpu.vector_load %arg5[%get3A_522, %get3A_523] {strides = array<i32>} : memref<79x128xi32, #tpu.memory_space<vmem>>, vector<1x16xi32>,
      %get3A_525 = vector.shape_cast %get3A_524 : vector<1x16xi32> to vector<16xi32>
      %shift_right_logical3A_526 = arith.constant 14 : i32
      %shift_right_logical3A_527 = vector.broadcast %shift_right_logical3A_526 : i32 to vector<16xi32>
      %shift_right_logical3A_528 = arith.shrui %get3A_525, %shift_right_logical3A_527 : vector<16xi32>
      %swap3A_529 = arith.constant 96 : index
      %swap3A_530 = tpu.vector_load %arg8[%swap3A_529] {strides = array<i32>} : memref<128xi32, #tpu.memory_space<vmem>>, vector<16xi32>,
      %swap3A_531 = vector.shape_cast %swap3A_530 : vector<16xi32> to vector<16xi32>
      %swap3A_532 = vector.shape_cast %shift_right_logical3A_528 : vector<16xi32> to vector<16xi32>
      tpu.vector_store %arg8[%swap3A_529], %swap3A_532 {strides = array<i32>} : memref<128xi32, #tpu.memory_space<vmem>>, vector<16xi32>,
      %get3A_533 = arith.index_cast %add3A_452 : i32 to index
      %get3A_534 = arith.constant 112 : index
      %get3A_535 = tpu.vector_load %arg5[%get3A_533, %get3A_534] {strides = array<i32>} : memref<79x128xi32, #tpu.memory_space<vmem>>, vector<1x16xi32>,
      %get3A_536 = vector.shape_cast %get3A_535 : vector<1x16xi32> to vector<16xi32>
      %shift_right_logical3A_537 = arith.constant 14 : i32
      %shift_right_logical3A_538 = vector.broadcast %shift_right_logical3A_537 : i32 to vector<16xi32>
      %shift_right_logical3A_539 = arith.shrui %get3A_536, %shift_right_logical3A_538 : vector<16xi32>
      %swap3A_540 = arith.constant 112 : index
      %swap3A_541 = tpu.vector_load %arg8[%swap3A_540] {strides = array<i32>} : memref<128xi32, #tpu.memory_space<vmem>>, vector<16xi32>,
      %swap3A_542 = vector.shape_cast %swap3A_541 : vector<16xi32> to vector<16xi32>
      %swap3A_543 = vector.shape_cast %shift_right_logical3A_539 : vector<16xi32> to vector<16xi32>
      tpu.vector_store %arg8[%swap3A_540], %swap3A_543 {strides = array<i32>} : memref<128xi32, #tpu.memory_space<vmem>>, vector<16xi32>,
      "tpu.region"() ({
        %run_scoped3A = tpu.sem_alloc : memref<!tpu.dma_semaphore, #tpu.memory_space<semaphore_mem>>
        %dma_start3A_828 = arith.constant 0 : i32
        %dma_start3A_829 = arith.constant 0 : i32
        %dma_start3A_830 = tpu.memref_slice %arg13[%dma_start3A_828, %dma_start3A_829] : memref<10240x16xf32, #tpu.memory_space<vmem_shared>> -> memref<10240x16xf32, #tpu.memory_space<vmem_shared>>
        tpu.enqueue_indirect_dma source(%arg9 : memref<128x16xf32, #tpu.memory_space<vmem>>) target(%dma_start3A_830 : memref<10240x16xf32, #tpu.memory_space<vmem_shared>>) offsets(%arg8 : memref<128xi32, #tpu.memory_space<vmem>>) semaphore(%run_scoped3A : memref<!tpu.dma_semaphore, #tpu.memory_space<semaphore_mem>>) {add = true}
        %dma_wait3A_831 = arith.constant 0 : i32
        %dma_wait3A_832 = arith.constant 0 : i32
        %dma_wait3A_833 = tpu.memref_slice %arg13[%dma_wait3A_831, %dma_wait3A_832] : memref<10240x16xf32, #tpu.memory_space<vmem_shared>> -> memref<10240x16xf32, #tpu.memory_space<vmem_shared>>
        tpu.wait_indirect_dma semaphore(%run_scoped3A : memref<!tpu.dma_semaphore, #tpu.memory_space<semaphore_mem>>) src(%arg9 : memref<128x16xf32, #tpu.memory_space<vmem>>) dst(%dma_wait3A_833 : memref<10240x16xf32, #tpu.memory_space<vmem_shared>>)
        tpu.yield
      }) : () -> ()
      %add3A_544 = arith.constant 2 : i32
      %add3A_545 = arith.addi %add3A_452, %add3A_544 : i32
      %rem3A = arith.constant 79 : i32
      %rem3A_546 = arith.remsi %add3A_545, %rem3A : i32
      %get3A_547 = arith.index_cast %rem3A_546 : i32 to index
      %get3A_548 = arith.constant 0 : index
      %get3A_549 = tpu.vector_load %arg5[%get3A_547, %get3A_548] {strides = array<i32>} : memref<79x128xi32, #tpu.memory_space<vmem>>, vector<1x16xi32>,
      %get3A_550 = vector.shape_cast %get3A_549 : vector<1x16xi32> to vector<16xi32>
      %and3A_551 = arith.constant 16383 : i32
      %and3A_552 = vector.broadcast %and3A_551 : i32 to vector<16xi32>
      %and3A_553 = arith.andi %get3A_550, %and3A_552 : vector<16xi32>
      %swap3A_554 = arith.constant 0 : index
      %swap3A_555 = tpu.vector_load %arg6[%swap3A_554] {strides = array<i32>} : memref<128xi32, #tpu.memory_space<vmem>>, vector<16xi32>,
      %swap3A_556 = vector.shape_cast %swap3A_555 : vector<16xi32> to vector<16xi32>
      %swap3A_557 = vector.shape_cast %and3A_553 : vector<16xi32> to vector<16xi32>
      tpu.vector_store %arg6[%swap3A_554], %swap3A_557 {strides = array<i32>} : memref<128xi32, #tpu.memory_space<vmem>>, vector<16xi32>,
      %get3A_558 = arith.index_cast %rem3A_546 : i32 to index
      %get3A_559 = arith.constant 16 : index
      %get3A_560 = tpu.vector_load %arg5[%get3A_558, %get3A_559] {strides = array<i32>} : memref<79x128xi32, #tpu.memory_space<vmem>>, vector<1x16xi32>,
      %get3A_561 = vector.shape_cast %get3A_560 : vector<1x16xi32> to vector<16xi32>
      %and3A_562 = arith.constant 16383 : i32
      %and3A_563 = vector.broadcast %and3A_562 : i32 to vector<16xi32>
      %and3A_564 = arith.andi %get3A_561, %and3A_563 : vector<16xi32>
      %swap3A_565 = arith.constant 16 : index
      %swap3A_566 = tpu.vector_load %arg6[%swap3A_565] {strides = array<i32>} : memref<128xi32, #tpu.memory_space<vmem>>, vector<16xi32>,
      %swap3A_567 = vector.shape_cast %swap3A_566 : vector<16xi32> to vector<16xi32>
      %swap3A_568 = vector.shape_cast %and3A_564 : vector<16xi32> to vector<16xi32>
      tpu.vector_store %arg6[%swap3A_565], %swap3A_568 {strides = array<i32>} : memref<128xi32, #tpu.memory_space<vmem>>, vector<16xi32>,
      %get3A_569 = arith.index_cast %rem3A_546 : i32 to index
      %get3A_570 = arith.constant 32 : index
      %get3A_571 = tpu.vector_load %arg5[%get3A_569, %get3A_570] {strides = array<i32>} : memref<79x128xi32, #tpu.memory_space<vmem>>, vector<1x16xi32>,
      %get3A_572 = vector.shape_cast %get3A_571 : vector<1x16xi32> to vector<16xi32>
      %and3A_573 = arith.constant 16383 : i32
      %and3A_574 = vector.broadcast %and3A_573 : i32 to vector<16xi32>
      %and3A_575 = arith.andi %get3A_572, %and3A_574 : vector<16xi32>
      %swap3A_576 = arith.constant 32 : index
      %swap3A_577 = tpu.vector_load %arg6[%swap3A_576] {strides = array<i32>} : memref<128xi32, #tpu.memory_space<vmem>>, vector<16xi32>,
      %swap3A_578 = vector.shape_cast %swap3A_577 : vector<16xi32> to vector<16xi32>
      %swap3A_579 = vector.shape_cast %and3A_575 : vector<16xi32> to vector<16xi32>
      tpu.vector_store %arg6[%swap3A_576], %swap3A_579 {strides = array<i32>} : memref<128xi32, #tpu.memory_space<vmem>>, vector<16xi32>,
      %get3A_580 = arith.index_cast %rem3A_546 : i32 to index
      %get3A_581 = arith.constant 48 : index
      %get3A_582 = tpu.vector_load %arg5[%get3A_580, %get3A_581] {strides = array<i32>} : memref<79x128xi32, #tpu.memory_space<vmem>>, vector<1x16xi32>,
      %get3A_583 = vector.shape_cast %get3A_582 : vector<1x16xi32> to vector<16xi32>
      %and3A_584 = arith.constant 16383 : i32
      %and3A_585 = vector.broadcast %and3A_584 : i32 to vector<16xi32>
      %and3A_586 = arith.andi %get3A_583, %and3A_585 : vector<16xi32>
      %swap3A_587 = arith.constant 48 : index
      %swap3A_588 = tpu.vector_load %arg6[%swap3A_587] {strides = array<i32>} : memref<128xi32, #tpu.memory_space<vmem>>, vector<16xi32>,
      %swap3A_589 = vector.shape_cast %swap3A_588 : vector<16xi32> to vector<16xi32>
      %swap3A_590 = vector.shape_cast %and3A_586 : vector<16xi32> to vector<16xi32>
      tpu.vector_store %arg6[%swap3A_587], %swap3A_590 {strides = array<i32>} : memref<128xi32, #tpu.memory_space<vmem>>, vector<16xi32>,
      %get3A_591 = arith.index_cast %rem3A_546 : i32 to index
      %get3A_592 = arith.constant 64 : index
      %get3A_593 = tpu.vector_load %arg5[%get3A_591, %get3A_592] {strides = array<i32>} : memref<79x128xi32, #tpu.memory_space<vmem>>, vector<1x16xi32>,
      %get3A_594 = vector.shape_cast %get3A_593 : vector<1x16xi32> to vector<16xi32>
      %and3A_595 = arith.constant 16383 : i32
      %and3A_596 = vector.broadcast %and3A_595 : i32 to vector<16xi32>
      %and3A_597 = arith.andi %get3A_594, %and3A_596 : vector<16xi32>
      %swap3A_598 = arith.constant 64 : index
      %swap3A_599 = tpu.vector_load %arg6[%swap3A_598] {strides = array<i32>} : memref<128xi32, #tpu.memory_space<vmem>>, vector<16xi32>,
      %swap3A_600 = vector.shape_cast %swap3A_599 : vector<16xi32> to vector<16xi32>
      %swap3A_601 = vector.shape_cast %and3A_597 : vector<16xi32> to vector<16xi32>
      tpu.vector_store %arg6[%swap3A_598], %swap3A_601 {strides = array<i32>} : memref<128xi32, #tpu.memory_space<vmem>>, vector<16xi32>,
      %get3A_602 = arith.index_cast %rem3A_546 : i32 to index
      %get3A_603 = arith.constant 80 : index
      %get3A_604 = tpu.vector_load %arg5[%get3A_602, %get3A_603] {strides = array<i32>} : memref<79x128xi32, #tpu.memory_space<vmem>>, vector<1x16xi32>,
      %get3A_605 = vector.shape_cast %get3A_604 : vector<1x16xi32> to vector<16xi32>
      %and3A_606 = arith.constant 16383 : i32
      %and3A_607 = vector.broadcast %and3A_606 : i32 to vector<16xi32>
      %and3A_608 = arith.andi %get3A_605, %and3A_607 : vector<16xi32>
      %swap3A_609 = arith.constant 80 : index
      %swap3A_610 = tpu.vector_load %arg6[%swap3A_609] {strides = array<i32>} : memref<128xi32, #tpu.memory_space<vmem>>, vector<16xi32>,
      %swap3A_611 = vector.shape_cast %swap3A_610 : vector<16xi32> to vector<16xi32>
      %swap3A_612 = vector.shape_cast %and3A_608 : vector<16xi32> to vector<16xi32>
      tpu.vector_store %arg6[%swap3A_609], %swap3A_612 {strides = array<i32>} : memref<128xi32, #tpu.memory_space<vmem>>, vector<16xi32>,
      %get3A_613 = arith.index_cast %rem3A_546 : i32 to index
      %get3A_614 = arith.constant 96 : index
      %get3A_615 = tpu.vector_load %arg5[%get3A_613, %get3A_614] {strides = array<i32>} : memref<79x128xi32, #tpu.memory_space<vmem>>, vector<1x16xi32>,
      %get3A_616 = vector.shape_cast %get3A_615 : vector<1x16xi32> to vector<16xi32>
      %and3A_617 = arith.constant 16383 : i32
      %and3A_618 = vector.broadcast %and3A_617 : i32 to vector<16xi32>
      %and3A_619 = arith.andi %get3A_616, %and3A_618 : vector<16xi32>
      %swap3A_620 = arith.constant 96 : index
      %swap3A_621 = tpu.vector_load %arg6[%swap3A_620] {strides = array<i32>} : memref<128xi32, #tpu.memory_space<vmem>>, vector<16xi32>,
      %swap3A_622 = vector.shape_cast %swap3A_621 : vector<16xi32> to vector<16xi32>
      %swap3A_623 = vector.shape_cast %and3A_619 : vector<16xi32> to vector<16xi32>
      tpu.vector_store %arg6[%swap3A_620], %swap3A_623 {strides = array<i32>} : memref<128xi32, #tpu.memory_space<vmem>>, vector<16xi32>,
      %get3A_624 = arith.index_cast %rem3A_546 : i32 to index
      %get3A_625 = arith.constant 112 : index
      %get3A_626 = tpu.vector_load %arg5[%get3A_624, %get3A_625] {strides = array<i32>} : memref<79x128xi32, #tpu.memory_space<vmem>>, vector<1x16xi32>,
      %get3A_627 = vector.shape_cast %get3A_626 : vector<1x16xi32> to vector<16xi32>
      %and3A_628 = arith.constant 16383 : i32
      %and3A_629 = vector.broadcast %and3A_628 : i32 to vector<16xi32>
      %and3A_630 = arith.andi %get3A_627, %and3A_629 : vector<16xi32>
      %swap3A_631 = arith.constant 112 : index
      %swap3A_632 = tpu.vector_load %arg6[%swap3A_631] {strides = array<i32>} : memref<128xi32, #tpu.memory_space<vmem>>, vector<16xi32>,
      %swap3A_633 = vector.shape_cast %swap3A_632 : vector<16xi32> to vector<16xi32>
      %swap3A_634 = vector.shape_cast %and3A_630 : vector<16xi32> to vector<16xi32>
      tpu.vector_store %arg6[%swap3A_631], %swap3A_634 {strides = array<i32>} : memref<128xi32, #tpu.memory_space<vmem>>, vector<16xi32>,
      %dma_start3A_635 = arith.constant 0 : i32
      %dma_start3A_636 = arith.constant 0 : i32
      %dma_start3A_637 = tpu.memref_slice %arg12[%dma_start3A_635, %dma_start3A_636] : memref<10000x16xf32, #tpu.memory_space<vmem_shared>> -> memref<10000x16xf32, #tpu.memory_space<vmem_shared>>
      tpu.enqueue_indirect_dma source(%dma_start3A_637 : memref<10000x16xf32, #tpu.memory_space<vmem_shared>>) target(%arg9 : memref<128x16xf32, #tpu.memory_space<vmem>>) offsets(%arg6 : memref<128xi32, #tpu.memory_space<vmem>>) semaphore(%arg14 : memref<!tpu.dma_semaphore, #tpu.memory_space<semaphore_mem>>)
      %mul3A_638 = arith.constant 2 : i32
      %mul3A_639 = arith.muli %mul3A_638, %scan3A_448 : i32
      %add3A_640 = arith.constant 1 : i32
      %add3A_641 = arith.addi %mul3A_639, %add3A_640 : i32
      %dma_wait3A_642 = arith.constant 0 : i32
      %dma_wait3A_643 = arith.constant 0 : i32
      %dma_wait3A_644 = tpu.memref_slice %arg12[%dma_wait3A_642, %dma_wait3A_643] : memref<10000x16xf32, #tpu.memory_space<vmem_shared>> -> memref<10000x16xf32, #tpu.memory_space<vmem_shared>>
      tpu.wait_indirect_dma semaphore(%arg15 : memref<!tpu.dma_semaphore, #tpu.memory_space<semaphore_mem>>) src(%dma_wait3A_644 : memref<10000x16xf32, #tpu.memory_space<vmem_shared>>) dst(%arg10 : memref<128x16xf32, #tpu.memory_space<vmem>>)
      %get3A_645 = arith.index_cast %add3A_641 : i32 to index
      %get3A_646 = arith.constant 0 : index
      %get3A_647 = tpu.vector_load %arg5[%get3A_645, %get3A_646] {strides = array<i32>} : memref<79x128xi32, #tpu.memory_space<vmem>>, vector<1x16xi32>,
      %get3A_648 = vector.shape_cast %get3A_647 : vector<1x16xi32> to vector<16xi32>
      %shift_right_logical3A_649 = arith.constant 14 : i32
      %shift_right_logical3A_650 = vector.broadcast %shift_right_logical3A_649 : i32 to vector<16xi32>
      %shift_right_logical3A_651 = arith.shrui %get3A_648, %shift_right_logical3A_650 : vector<16xi32>
      %swap3A_652 = arith.constant 0 : index
      %swap3A_653 = tpu.vector_load %arg8[%swap3A_652] {strides = array<i32>} : memref<128xi32, #tpu.memory_space<vmem>>, vector<16xi32>,
      %swap3A_654 = vector.shape_cast %swap3A_653 : vector<16xi32> to vector<16xi32>
      %swap3A_655 = vector.shape_cast %shift_right_logical3A_651 : vector<16xi32> to vector<16xi32>
      tpu.vector_store %arg8[%swap3A_652], %swap3A_655 {strides = array<i32>} : memref<128xi32, #tpu.memory_space<vmem>>, vector<16xi32>,
      %get3A_656 = arith.index_cast %add3A_641 : i32 to index
      %get3A_657 = arith.constant 16 : index
      %get3A_658 = tpu.vector_load %arg5[%get3A_656, %get3A_657] {strides = array<i32>} : memref<79x128xi32, #tpu.memory_space<vmem>>, vector<1x16xi32>,
      %get3A_659 = vector.shape_cast %get3A_658 : vector<1x16xi32> to vector<16xi32>
      %shift_right_logical3A_660 = arith.constant 14 : i32
      %shift_right_logical3A_661 = vector.broadcast %shift_right_logical3A_660 : i32 to vector<16xi32>
      %shift_right_logical3A_662 = arith.shrui %get3A_659, %shift_right_logical3A_661 : vector<16xi32>
      %swap3A_663 = arith.constant 16 : index
      %swap3A_664 = tpu.vector_load %arg8[%swap3A_663] {strides = array<i32>} : memref<128xi32, #tpu.memory_space<vmem>>, vector<16xi32>,
      %swap3A_665 = vector.shape_cast %swap3A_664 : vector<16xi32> to vector<16xi32>
      %swap3A_666 = vector.shape_cast %shift_right_logical3A_662 : vector<16xi32> to vector<16xi32>
      tpu.vector_store %arg8[%swap3A_663], %swap3A_666 {strides = array<i32>} : memref<128xi32, #tpu.memory_space<vmem>>, vector<16xi32>,
      %get3A_667 = arith.index_cast %add3A_641 : i32 to index
      %get3A_668 = arith.constant 32 : index
      %get3A_669 = tpu.vector_load %arg5[%get3A_667, %get3A_668] {strides = array<i32>} : memref<79x128xi32, #tpu.memory_space<vmem>>, vector<1x16xi32>,
      %get3A_670 = vector.shape_cast %get3A_669 : vector<1x16xi32> to vector<16xi32>
      %shift_right_logical3A_671 = arith.constant 14 : i32
      %shift_right_logical3A_672 = vector.broadcast %shift_right_logical3A_671 : i32 to vector<16xi32>
      %shift_right_logical3A_673 = arith.shrui %get3A_670, %shift_right_logical3A_672 : vector<16xi32>
      %swap3A_674 = arith.constant 32 : index
      %swap3A_675 = tpu.vector_load %arg8[%swap3A_674] {strides = array<i32>} : memref<128xi32, #tpu.memory_space<vmem>>, vector<16xi32>,
      %swap3A_676 = vector.shape_cast %swap3A_675 : vector<16xi32> to vector<16xi32>
      %swap3A_677 = vector.shape_cast %shift_right_logical3A_673 : vector<16xi32> to vector<16xi32>
      tpu.vector_store %arg8[%swap3A_674], %swap3A_677 {strides = array<i32>} : memref<128xi32, #tpu.memory_space<vmem>>, vector<16xi32>,
      %get3A_678 = arith.index_cast %add3A_641 : i32 to index
      %get3A_679 = arith.constant 48 : index
      %get3A_680 = tpu.vector_load %arg5[%get3A_678, %get3A_679] {strides = array<i32>} : memref<79x128xi32, #tpu.memory_space<vmem>>, vector<1x16xi32>,
      %get3A_681 = vector.shape_cast %get3A_680 : vector<1x16xi32> to vector<16xi32>
      %shift_right_logical3A_682 = arith.constant 14 : i32
      %shift_right_logical3A_683 = vector.broadcast %shift_right_logical3A_682 : i32 to vector<16xi32>
      %shift_right_logical3A_684 = arith.shrui %get3A_681, %shift_right_logical3A_683 : vector<16xi32>
      %swap3A_685 = arith.constant 48 : index
      %swap3A_686 = tpu.vector_load %arg8[%swap3A_685] {strides = array<i32>} : memref<128xi32, #tpu.memory_space<vmem>>, vector<16xi32>,
      %swap3A_687 = vector.shape_cast %swap3A_686 : vector<16xi32> to vector<16xi32>
      %swap3A_688 = vector.shape_cast %shift_right_logical3A_684 : vector<16xi32> to vector<16xi32>
      tpu.vector_store %arg8[%swap3A_685], %swap3A_688 {strides = array<i32>} : memref<128xi32, #tpu.memory_space<vmem>>, vector<16xi32>,
      %get3A_689 = arith.index_cast %add3A_641 : i32 to index
      %get3A_690 = arith.constant 64 : index
      %get3A_691 = tpu.vector_load %arg5[%get3A_689, %get3A_690] {strides = array<i32>} : memref<79x128xi32, #tpu.memory_space<vmem>>, vector<1x16xi32>,
      %get3A_692 = vector.shape_cast %get3A_691 : vector<1x16xi32> to vector<16xi32>
      %shift_right_logical3A_693 = arith.constant 14 : i32
      %shift_right_logical3A_694 = vector.broadcast %shift_right_logical3A_693 : i32 to vector<16xi32>
      %shift_right_logical3A_695 = arith.shrui %get3A_692, %shift_right_logical3A_694 : vector<16xi32>
      %swap3A_696 = arith.constant 64 : index
      %swap3A_697 = tpu.vector_load %arg8[%swap3A_696] {strides = array<i32>} : memref<128xi32, #tpu.memory_space<vmem>>, vector<16xi32>,
      %swap3A_698 = vector.shape_cast %swap3A_697 : vector<16xi32> to vector<16xi32>
      %swap3A_699 = vector.shape_cast %shift_right_logical3A_695 : vector<16xi32> to vector<16xi32>
      tpu.vector_store %arg8[%swap3A_696], %swap3A_699 {strides = array<i32>} : memref<128xi32, #tpu.memory_space<vmem>>, vector<16xi32>,
      %get3A_700 = arith.index_cast %add3A_641 : i32 to index
      %get3A_701 = arith.constant 80 : index
      %get3A_702 = tpu.vector_load %arg5[%get3A_700, %get3A_701] {strides = array<i32>} : memref<79x128xi32, #tpu.memory_space<vmem>>, vector<1x16xi32>,
      %get3A_703 = vector.shape_cast %get3A_702 : vector<1x16xi32> to vector<16xi32>
      %shift_right_logical3A_704 = arith.constant 14 : i32
      %shift_right_logical3A_705 = vector.broadcast %shift_right_logical3A_704 : i32 to vector<16xi32>
      %shift_right_logical3A_706 = arith.shrui %get3A_703, %shift_right_logical3A_705 : vector<16xi32>
      %swap3A_707 = arith.constant 80 : index
      %swap3A_708 = tpu.vector_load %arg8[%swap3A_707] {strides = array<i32>} : memref<128xi32, #tpu.memory_space<vmem>>, vector<16xi32>,
      %swap3A_709 = vector.shape_cast %swap3A_708 : vector<16xi32> to vector<16xi32>
      %swap3A_710 = vector.shape_cast %shift_right_logical3A_706 : vector<16xi32> to vector<16xi32>
      tpu.vector_store %arg8[%swap3A_707], %swap3A_710 {strides = array<i32>} : memref<128xi32, #tpu.memory_space<vmem>>, vector<16xi32>,
      %get3A_711 = arith.index_cast %add3A_641 : i32 to index
      %get3A_712 = arith.constant 96 : index
      %get3A_713 = tpu.vector_load %arg5[%get3A_711, %get3A_712] {strides = array<i32>} : memref<79x128xi32, #tpu.memory_space<vmem>>, vector<1x16xi32>,
      %get3A_714 = vector.shape_cast %get3A_713 : vector<1x16xi32> to vector<16xi32>
      %shift_right_logical3A_715 = arith.constant 14 : i32
      %shift_right_logical3A_716 = vector.broadcast %shift_right_logical3A_715 : i32 to vector<16xi32>
      %shift_right_logical3A_717 = arith.shrui %get3A_714, %shift_right_logical3A_716 : vector<16xi32>
      %swap3A_718 = arith.constant 96 : index
      %swap3A_719 = tpu.vector_load %arg8[%swap3A_718] {strides = array<i32>} : memref<128xi32, #tpu.memory_space<vmem>>, vector<16xi32>,
      %swap3A_720 = vector.shape_cast %swap3A_719 : vector<16xi32> to vector<16xi32>
      %swap3A_721 = vector.shape_cast %shift_right_logical3A_717 : vector<16xi32> to vector<16xi32>
      tpu.vector_store %arg8[%swap3A_718], %swap3A_721 {strides = array<i32>} : memref<128xi32, #tpu.memory_space<vmem>>, vector<16xi32>,
      %get3A_722 = arith.index_cast %add3A_641 : i32 to index
      %get3A_723 = arith.constant 112 : index
      %get3A_724 = tpu.vector_load %arg5[%get3A_722, %get3A_723] {strides = array<i32>} : memref<79x128xi32, #tpu.memory_space<vmem>>, vector<1x16xi32>,
      %get3A_725 = vector.shape_cast %get3A_724 : vector<1x16xi32> to vector<16xi32>
      %shift_right_logical3A_726 = arith.constant 14 : i32
      %shift_right_logical3A_727 = vector.broadcast %shift_right_logical3A_726 : i32 to vector<16xi32>
      %shift_right_logical3A_728 = arith.shrui %get3A_725, %shift_right_logical3A_727 : vector<16xi32>
      %swap3A_729 = arith.constant 112 : index
      %swap3A_730 = tpu.vector_load %arg8[%swap3A_729] {strides = array<i32>} : memref<128xi32, #tpu.memory_space<vmem>>, vector<16xi32>,
      %swap3A_731 = vector.shape_cast %swap3A_730 : vector<16xi32> to vector<16xi32>
      %swap3A_732 = vector.shape_cast %shift_right_logical3A_728 : vector<16xi32> to vector<16xi32>
      tpu.vector_store %arg8[%swap3A_729], %swap3A_732 {strides = array<i32>} : memref<128xi32, #tpu.memory_space<vmem>>, vector<16xi32>,
      "tpu.region"() ({
        %run_scoped3A = tpu.sem_alloc : memref<!tpu.dma_semaphore, #tpu.memory_space<semaphore_mem>>
        %dma_start3A_828 = arith.constant 0 : i32
        %dma_start3A_829 = arith.constant 0 : i32
        %dma_start3A_830 = tpu.memref_slice %arg13[%dma_start3A_828, %dma_start3A_829] : memref<10240x16xf32, #tpu.memory_space<vmem_shared>> -> memref<10240x16xf32, #tpu.memory_space<vmem_shared>>
        tpu.enqueue_indirect_dma source(%arg10 : memref<128x16xf32, #tpu.memory_space<vmem>>) target(%dma_start3A_830 : memref<10240x16xf32, #tpu.memory_space<vmem_shared>>) offsets(%arg8 : memref<128xi32, #tpu.memory_space<vmem>>) semaphore(%run_scoped3A : memref<!tpu.dma_semaphore, #tpu.memory_space<semaphore_mem>>) {add = true}
        %dma_wait3A_831 = arith.constant 0 : i32
        %dma_wait3A_832 = arith.constant 0 : i32
        %dma_wait3A_833 = tpu.memref_slice %arg13[%dma_wait3A_831, %dma_wait3A_832] : memref<10240x16xf32, #tpu.memory_space<vmem_shared>> -> memref<10240x16xf32, #tpu.memory_space<vmem_shared>>
        tpu.wait_indirect_dma semaphore(%run_scoped3A : memref<!tpu.dma_semaphore, #tpu.memory_space<semaphore_mem>>) src(%arg10 : memref<128x16xf32, #tpu.memory_space<vmem>>) dst(%dma_wait3A_833 : memref<10240x16xf32, #tpu.memory_space<vmem_shared>>)
        tpu.yield
      }) : () -> ()
      %add3A_733 = arith.constant 2 : i32
      %add3A_734 = arith.addi %add3A_641, %add3A_733 : i32
      %rem3A_735 = arith.constant 79 : i32
      %rem3A_736 = arith.remsi %add3A_734, %rem3A_735 : i32
      %get3A_737 = arith.index_cast %rem3A_736 : i32 to index
      %get3A_738 = arith.constant 0 : index
      %get3A_739 = tpu.vector_load %arg5[%get3A_737, %get3A_738] {strides = array<i32>} : memref<79x128xi32, #tpu.memory_space<vmem>>, vector<1x16xi32>,
      %get3A_740 = vector.shape_cast %get3A_739 : vector<1x16xi32> to vector<16xi32>
      %and3A_741 = arith.constant 16383 : i32
      %and3A_742 = vector.broadcast %and3A_741 : i32 to vector<16xi32>
      %and3A_743 = arith.andi %get3A_740, %and3A_742 : vector<16xi32>
      %swap3A_744 = arith.constant 0 : index
      %swap3A_745 = tpu.vector_load %arg7[%swap3A_744] {strides = array<i32>} : memref<128xi32, #tpu.memory_space<vmem>>, vector<16xi32>,
      %swap3A_746 = vector.shape_cast %swap3A_745 : vector<16xi32> to vector<16xi32>
      %swap3A_747 = vector.shape_cast %and3A_743 : vector<16xi32> to vector<16xi32>
      tpu.vector_store %arg7[%swap3A_744], %swap3A_747 {strides = array<i32>} : memref<128xi32, #tpu.memory_space<vmem>>, vector<16xi32>,
      %get3A_748 = arith.index_cast %rem3A_736 : i32 to index
      %get3A_749 = arith.constant 16 : index
      %get3A_750 = tpu.vector_load %arg5[%get3A_748, %get3A_749] {strides = array<i32>} : memref<79x128xi32, #tpu.memory_space<vmem>>, vector<1x16xi32>,
      %get3A_751 = vector.shape_cast %get3A_750 : vector<1x16xi32> to vector<16xi32>
      %and3A_752 = arith.constant 16383 : i32
      %and3A_753 = vector.broadcast %and3A_752 : i32 to vector<16xi32>
      %and3A_754 = arith.andi %get3A_751, %and3A_753 : vector<16xi32>
      %swap3A_755 = arith.constant 16 : index
      %swap3A_756 = tpu.vector_load %arg7[%swap3A_755] {strides = array<i32>} : memref<128xi32, #tpu.memory_space<vmem>>, vector<16xi32>,
      %swap3A_757 = vector.shape_cast %swap3A_756 : vector<16xi32> to vector<16xi32>
      %swap3A_758 = vector.shape_cast %and3A_754 : vector<16xi32> to vector<16xi32>
      tpu.vector_store %arg7[%swap3A_755], %swap3A_758 {strides = array<i32>} : memref<128xi32, #tpu.memory_space<vmem>>, vector<16xi32>,
      %get3A_759 = arith.index_cast %rem3A_736 : i32 to index
      %get3A_760 = arith.constant 32 : index
      %get3A_761 = tpu.vector_load %arg5[%get3A_759, %get3A_760] {strides = array<i32>} : memref<79x128xi32, #tpu.memory_space<vmem>>, vector<1x16xi32>,
      %get3A_762 = vector.shape_cast %get3A_761 : vector<1x16xi32> to vector<16xi32>
      %and3A_763 = arith.constant 16383 : i32
      %and3A_764 = vector.broadcast %and3A_763 : i32 to vector<16xi32>
      %and3A_765 = arith.andi %get3A_762, %and3A_764 : vector<16xi32>
      %swap3A_766 = arith.constant 32 : index
      %swap3A_767 = tpu.vector_load %arg7[%swap3A_766] {strides = array<i32>} : memref<128xi32, #tpu.memory_space<vmem>>, vector<16xi32>,
      %swap3A_768 = vector.shape_cast %swap3A_767 : vector<16xi32> to vector<16xi32>
      %swap3A_769 = vector.shape_cast %and3A_765 : vector<16xi32> to vector<16xi32>
      tpu.vector_store %arg7[%swap3A_766], %swap3A_769 {strides = array<i32>} : memref<128xi32, #tpu.memory_space<vmem>>, vector<16xi32>,
      %get3A_770 = arith.index_cast %rem3A_736 : i32 to index
      %get3A_771 = arith.constant 48 : index
      %get3A_772 = tpu.vector_load %arg5[%get3A_770, %get3A_771] {strides = array<i32>} : memref<79x128xi32, #tpu.memory_space<vmem>>, vector<1x16xi32>,
      %get3A_773 = vector.shape_cast %get3A_772 : vector<1x16xi32> to vector<16xi32>
      %and3A_774 = arith.constant 16383 : i32
      %and3A_775 = vector.broadcast %and3A_774 : i32 to vector<16xi32>
      %and3A_776 = arith.andi %get3A_773, %and3A_775 : vector<16xi32>
      %swap3A_777 = arith.constant 48 : index
      %swap3A_778 = tpu.vector_load %arg7[%swap3A_777] {strides = array<i32>} : memref<128xi32, #tpu.memory_space<vmem>>, vector<16xi32>,
      %swap3A_779 = vector.shape_cast %swap3A_778 : vector<16xi32> to vector<16xi32>
      %swap3A_780 = vector.shape_cast %and3A_776 : vector<16xi32> to vector<16xi32>
      tpu.vector_store %arg7[%swap3A_777], %swap3A_780 {strides = array<i32>} : memref<128xi32, #tpu.memory_space<vmem>>, vector<16xi32>,
      %get3A_781 = arith.index_cast %rem3A_736 : i32 to index
      %get3A_782 = arith.constant 64 : index
      %get3A_783 = tpu.vector_load %arg5[%get3A_781, %get3A_782] {strides = array<i32>} : memref<79x128xi32, #tpu.memory_space<vmem>>, vector<1x16xi32>,
      %get3A_784 = vector.shape_cast %get3A_783 : vector<1x16xi32> to vector<16xi32>
      %and3A_785 = arith.constant 16383 : i32
      %and3A_786 = vector.broadcast %and3A_785 : i32 to vector<16xi32>
      %and3A_787 = arith.andi %get3A_784, %and3A_786 : vector<16xi32>
      %swap3A_788 = arith.constant 64 : index
      %swap3A_789 = tpu.vector_load %arg7[%swap3A_788] {strides = array<i32>} : memref<128xi32, #tpu.memory_space<vmem>>, vector<16xi32>,
      %swap3A_790 = vector.shape_cast %swap3A_789 : vector<16xi32> to vector<16xi32>
      %swap3A_791 = vector.shape_cast %and3A_787 : vector<16xi32> to vector<16xi32>
      tpu.vector_store %arg7[%swap3A_788], %swap3A_791 {strides = array<i32>} : memref<128xi32, #tpu.memory_space<vmem>>, vector<16xi32>,
      %get3A_792 = arith.index_cast %rem3A_736 : i32 to index
      %get3A_793 = arith.constant 80 : index
      %get3A_794 = tpu.vector_load %arg5[%get3A_792, %get3A_793] {strides = array<i32>} : memref<79x128xi32, #tpu.memory_space<vmem>>, vector<1x16xi32>,
      %get3A_795 = vector.shape_cast %get3A_794 : vector<1x16xi32> to vector<16xi32>
      %and3A_796 = arith.constant 16383 : i32
      %and3A_797 = vector.broadcast %and3A_796 : i32 to vector<16xi32>
      %and3A_798 = arith.andi %get3A_795, %and3A_797 : vector<16xi32>
      %swap3A_799 = arith.constant 80 : index
      %swap3A_800 = tpu.vector_load %arg7[%swap3A_799] {strides = array<i32>} : memref<128xi32, #tpu.memory_space<vmem>>, vector<16xi32>,
      %swap3A_801 = vector.shape_cast %swap3A_800 : vector<16xi32> to vector<16xi32>
      %swap3A_802 = vector.shape_cast %and3A_798 : vector<16xi32> to vector<16xi32>
      tpu.vector_store %arg7[%swap3A_799], %swap3A_802 {strides = array<i32>} : memref<128xi32, #tpu.memory_space<vmem>>, vector<16xi32>,
      %get3A_803 = arith.index_cast %rem3A_736 : i32 to index
      %get3A_804 = arith.constant 96 : index
      %get3A_805 = tpu.vector_load %arg5[%get3A_803, %get3A_804] {strides = array<i32>} : memref<79x128xi32, #tpu.memory_space<vmem>>, vector<1x16xi32>,
      %get3A_806 = vector.shape_cast %get3A_805 : vector<1x16xi32> to vector<16xi32>
      %and3A_807 = arith.constant 16383 : i32
      %and3A_808 = vector.broadcast %and3A_807 : i32 to vector<16xi32>
      %and3A_809 = arith.andi %get3A_806, %and3A_808 : vector<16xi32>
      %swap3A_810 = arith.constant 96 : index
      %swap3A_811 = tpu.vector_load %arg7[%swap3A_810] {strides = array<i32>} : memref<128xi32, #tpu.memory_space<vmem>>, vector<16xi32>,
      %swap3A_812 = vector.shape_cast %swap3A_811 : vector<16xi32> to vector<16xi32>
      %swap3A_813 = vector.shape_cast %and3A_809 : vector<16xi32> to vector<16xi32>
      tpu.vector_store %arg7[%swap3A_810], %swap3A_813 {strides = array<i32>} : memref<128xi32, #tpu.memory_space<vmem>>, vector<16xi32>,
      %get3A_814 = arith.index_cast %rem3A_736 : i32 to index
      %get3A_815 = arith.constant 112 : index
      %get3A_816 = tpu.vector_load %arg5[%get3A_814, %get3A_815] {strides = array<i32>} : memref<79x128xi32, #tpu.memory_space<vmem>>, vector<1x16xi32>,
      %get3A_817 = vector.shape_cast %get3A_816 : vector<1x16xi32> to vector<16xi32>
      %and3A_818 = arith.constant 16383 : i32
      %and3A_819 = vector.broadcast %and3A_818 : i32 to vector<16xi32>
      %and3A_820 = arith.andi %get3A_817, %and3A_819 : vector<16xi32>
      %swap3A_821 = arith.constant 112 : index
      %swap3A_822 = tpu.vector_load %arg7[%swap3A_821] {strides = array<i32>} : memref<128xi32, #tpu.memory_space<vmem>>, vector<16xi32>,
      %swap3A_823 = vector.shape_cast %swap3A_822 : vector<16xi32> to vector<16xi32>
      %swap3A_824 = vector.shape_cast %and3A_820 : vector<16xi32> to vector<16xi32>
      tpu.vector_store %arg7[%swap3A_821], %swap3A_824 {strides = array<i32>} : memref<128xi32, #tpu.memory_space<vmem>>, vector<16xi32>,
      %dma_start3A_825 = arith.constant 0 : i32
      %dma_start3A_826 = arith.constant 0 : i32
      %dma_start3A_827 = tpu.memref_slice %arg12[%dma_start3A_825, %dma_start3A_826] : memref<10000x16xf32, #tpu.memory_space<vmem_shared>> -> memref<10000x16xf32, #tpu.memory_space<vmem_shared>>
      tpu.enqueue_indirect_dma source(%dma_start3A_827 : memref<10000x16xf32, #tpu.memory_space<vmem_shared>>) target(%arg10 : memref<128x16xf32, #tpu.memory_space<vmem>>) offsets(%arg7 : memref<128xi32, #tpu.memory_space<vmem>>) semaphore(%arg15 : memref<!tpu.dma_semaphore, #tpu.memory_space<semaphore_mem>>)
    }
    %scan3A_336 = arith.constant 39 : i32
    %dma_wait3A = arith.constant 0 : i32
    %dma_wait3A_337 = arith.constant 0 : i32
    %dma_wait3A_338 = tpu.memref_slice %arg12[%dma_wait3A, %dma_wait3A_337] : memref<10000x16xf32, #tpu.memory_space<vmem_shared>> -> memref<10000x16xf32, #tpu.memory_space<vmem_shared>>
    tpu.wait_indirect_dma semaphore(%arg14 : memref<!tpu.dma_semaphore, #tpu.memory_space<semaphore_mem>>) src(%dma_wait3A_338 : memref<10000x16xf32, #tpu.memory_space<vmem_shared>>) dst(%arg9 : memref<128x16xf32, #tpu.memory_space<vmem>>)
    %get3A_339 = arith.constant 78 : i32
    %get3A_340 = arith.index_cast %get3A_339 : i32 to index
    %get3A_341 = arith.constant 0 : index
    %get3A_342 = tpu.vector_load %arg5[%get3A_340, %get3A_341] {strides = array<i32>} : memref<79x128xi32, #tpu.memory_space<vmem>>, vector<1x16xi32>,
    %get3A_343 = vector.shape_cast %get3A_342 : vector<1x16xi32> to vector<16xi32>
    %shift_right_logical3A = arith.constant 14 : i32
    %shift_right_logical3A_344 = vector.broadcast %shift_right_logical3A : i32 to vector<16xi32>
    %shift_right_logical3A_345 = arith.shrui %get3A_343, %shift_right_logical3A_344 : vector<16xi32>
    %swap3A_346 = arith.constant 0 : index
    %swap3A_347 = tpu.vector_load %arg8[%swap3A_346] {strides = array<i32>} : memref<128xi32, #tpu.memory_space<vmem>>, vector<16xi32>,
    %swap3A_348 = vector.shape_cast %swap3A_347 : vector<16xi32> to vector<16xi32>
    %swap3A_349 = vector.shape_cast %shift_right_logical3A_345 : vector<16xi32> to vector<16xi32>
    tpu.vector_store %arg8[%swap3A_346], %swap3A_349 {strides = array<i32>} : memref<128xi32, #tpu.memory_space<vmem>>, vector<16xi32>,
    %get3A_350 = arith.constant 78 : i32
    %get3A_351 = arith.index_cast %get3A_350 : i32 to index
    %get3A_352 = arith.constant 16 : index
    %get3A_353 = tpu.vector_load %arg5[%get3A_351, %get3A_352] {strides = array<i32>} : memref<79x128xi32, #tpu.memory_space<vmem>>, vector<1x16xi32>,
    %get3A_354 = vector.shape_cast %get3A_353 : vector<1x16xi32> to vector<16xi32>
    %shift_right_logical3A_355 = arith.constant 14 : i32
    %shift_right_logical3A_356 = vector.broadcast %shift_right_logical3A_355 : i32 to vector<16xi32>
    %shift_right_logical3A_357 = arith.shrui %get3A_354, %shift_right_logical3A_356 : vector<16xi32>
    %swap3A_358 = arith.constant 16 : index
    %swap3A_359 = tpu.vector_load %arg8[%swap3A_358] {strides = array<i32>} : memref<128xi32, #tpu.memory_space<vmem>>, vector<16xi32>,
    %swap3A_360 = vector.shape_cast %swap3A_359 : vector<16xi32> to vector<16xi32>
    %swap3A_361 = vector.shape_cast %shift_right_logical3A_357 : vector<16xi32> to vector<16xi32>
    tpu.vector_store %arg8[%swap3A_358], %swap3A_361 {strides = array<i32>} : memref<128xi32, #tpu.memory_space<vmem>>, vector<16xi32>,
    %get3A_362 = arith.constant 78 : i32
    %get3A_363 = arith.index_cast %get3A_362 : i32 to index
    %get3A_364 = arith.constant 32 : index
    %get3A_365 = tpu.vector_load %arg5[%get3A_363, %get3A_364] {strides = array<i32>} : memref<79x128xi32, #tpu.memory_space<vmem>>, vector<1x16xi32>,
    %get3A_366 = vector.shape_cast %get3A_365 : vector<1x16xi32> to vector<16xi32>
    %shift_right_logical3A_367 = arith.constant 14 : i32
    %shift_right_logical3A_368 = vector.broadcast %shift_right_logical3A_367 : i32 to vector<16xi32>
    %shift_right_logical3A_369 = arith.shrui %get3A_366, %shift_right_logical3A_368 : vector<16xi32>
    %swap3A_370 = arith.constant 32 : index
    %swap3A_371 = tpu.vector_load %arg8[%swap3A_370] {strides = array<i32>} : memref<128xi32, #tpu.memory_space<vmem>>, vector<16xi32>,
    %swap3A_372 = vector.shape_cast %swap3A_371 : vector<16xi32> to vector<16xi32>
    %swap3A_373 = vector.shape_cast %shift_right_logical3A_369 : vector<16xi32> to vector<16xi32>
    tpu.vector_store %arg8[%swap3A_370], %swap3A_373 {strides = array<i32>} : memref<128xi32, #tpu.memory_space<vmem>>, vector<16xi32>,
    %get3A_374 = arith.constant 78 : i32
    %get3A_375 = arith.index_cast %get3A_374 : i32 to index
    %get3A_376 = arith.constant 48 : index
    %get3A_377 = tpu.vector_load %arg5[%get3A_375, %get3A_376] {strides = array<i32>} : memref<79x128xi32, #tpu.memory_space<vmem>>, vector<1x16xi32>,
    %get3A_378 = vector.shape_cast %get3A_377 : vector<1x16xi32> to vector<16xi32>
    %shift_right_logical3A_379 = arith.constant 14 : i32
    %shift_right_logical3A_380 = vector.broadcast %shift_right_logical3A_379 : i32 to vector<16xi32>
    %shift_right_logical3A_381 = arith.shrui %get3A_378, %shift_right_logical3A_380 : vector<16xi32>
    %swap3A_382 = arith.constant 48 : index
    %swap3A_383 = tpu.vector_load %arg8[%swap3A_382] {strides = array<i32>} : memref<128xi32, #tpu.memory_space<vmem>>, vector<16xi32>,
    %swap3A_384 = vector.shape_cast %swap3A_383 : vector<16xi32> to vector<16xi32>
    %swap3A_385 = vector.shape_cast %shift_right_logical3A_381 : vector<16xi32> to vector<16xi32>
    tpu.vector_store %arg8[%swap3A_382], %swap3A_385 {strides = array<i32>} : memref<128xi32, #tpu.memory_space<vmem>>, vector<16xi32>,
    %get3A_386 = arith.constant 78 : i32
    %get3A_387 = arith.index_cast %get3A_386 : i32 to index
    %get3A_388 = arith.constant 64 : index
    %get3A_389 = tpu.vector_load %arg5[%get3A_387, %get3A_388] {strides = array<i32>} : memref<79x128xi32, #tpu.memory_space<vmem>>, vector<1x16xi32>,
    %get3A_390 = vector.shape_cast %get3A_389 : vector<1x16xi32> to vector<16xi32>
    %shift_right_logical3A_391 = arith.constant 14 : i32
    %shift_right_logical3A_392 = vector.broadcast %shift_right_logical3A_391 : i32 to vector<16xi32>
    %shift_right_logical3A_393 = arith.shrui %get3A_390, %shift_right_logical3A_392 : vector<16xi32>
    %swap3A_394 = arith.constant 64 : index
    %swap3A_395 = tpu.vector_load %arg8[%swap3A_394] {strides = array<i32>} : memref<128xi32, #tpu.memory_space<vmem>>, vector<16xi32>,
    %swap3A_396 = vector.shape_cast %swap3A_395 : vector<16xi32> to vector<16xi32>
    %swap3A_397 = vector.shape_cast %shift_right_logical3A_393 : vector<16xi32> to vector<16xi32>
    tpu.vector_store %arg8[%swap3A_394], %swap3A_397 {strides = array<i32>} : memref<128xi32, #tpu.memory_space<vmem>>, vector<16xi32>,
    %get3A_398 = arith.constant 78 : i32
    %get3A_399 = arith.index_cast %get3A_398 : i32 to index
    %get3A_400 = arith.constant 80 : index
    %get3A_401 = tpu.vector_load %arg5[%get3A_399, %get3A_400] {strides = array<i32>} : memref<79x128xi32, #tpu.memory_space<vmem>>, vector<1x16xi32>,
    %get3A_402 = vector.shape_cast %get3A_401 : vector<1x16xi32> to vector<16xi32>
    %shift_right_logical3A_403 = arith.constant 14 : i32
    %shift_right_logical3A_404 = vector.broadcast %shift_right_logical3A_403 : i32 to vector<16xi32>
    %shift_right_logical3A_405 = arith.shrui %get3A_402, %shift_right_logical3A_404 : vector<16xi32>
    %swap3A_406 = arith.constant 80 : index
    %swap3A_407 = tpu.vector_load %arg8[%swap3A_406] {strides = array<i32>} : memref<128xi32, #tpu.memory_space<vmem>>, vector<16xi32>,
    %swap3A_408 = vector.shape_cast %swap3A_407 : vector<16xi32> to vector<16xi32>
    %swap3A_409 = vector.shape_cast %shift_right_logical3A_405 : vector<16xi32> to vector<16xi32>
    tpu.vector_store %arg8[%swap3A_406], %swap3A_409 {strides = array<i32>} : memref<128xi32, #tpu.memory_space<vmem>>, vector<16xi32>,
    %get3A_410 = arith.constant 78 : i32
    %get3A_411 = arith.index_cast %get3A_410 : i32 to index
    %get3A_412 = arith.constant 96 : index
    %get3A_413 = tpu.vector_load %arg5[%get3A_411, %get3A_412] {strides = array<i32>} : memref<79x128xi32, #tpu.memory_space<vmem>>, vector<1x16xi32>,
    %get3A_414 = vector.shape_cast %get3A_413 : vector<1x16xi32> to vector<16xi32>
    %shift_right_logical3A_415 = arith.constant 14 : i32
    %shift_right_logical3A_416 = vector.broadcast %shift_right_logical3A_415 : i32 to vector<16xi32>
    %shift_right_logical3A_417 = arith.shrui %get3A_414, %shift_right_logical3A_416 : vector<16xi32>
    %swap3A_418 = arith.constant 96 : index
    %swap3A_419 = tpu.vector_load %arg8[%swap3A_418] {strides = array<i32>} : memref<128xi32, #tpu.memory_space<vmem>>, vector<16xi32>,
    %swap3A_420 = vector.shape_cast %swap3A_419 : vector<16xi32> to vector<16xi32>
    %swap3A_421 = vector.shape_cast %shift_right_logical3A_417 : vector<16xi32> to vector<16xi32>
    tpu.vector_store %arg8[%swap3A_418], %swap3A_421 {strides = array<i32>} : memref<128xi32, #tpu.memory_space<vmem>>, vector<16xi32>,
    %get3A_422 = arith.constant 78 : i32
    %get3A_423 = arith.index_cast %get3A_422 : i32 to index
    %get3A_424 = arith.constant 112 : index
    %get3A_425 = tpu.vector_load %arg5[%get3A_423, %get3A_424] {strides = array<i32>} : memref<79x128xi32, #tpu.memory_space<vmem>>, vector<1x16xi32>,
    %get3A_426 = vector.shape_cast %get3A_425 : vector<1x16xi32> to vector<16xi32>
    %shift_right_logical3A_427 = arith.constant 14 : i32
    %shift_right_logical3A_428 = vector.broadcast %shift_right_logical3A_427 : i32 to vector<16xi32>
    %shift_right_logical3A_429 = arith.shrui %get3A_426, %shift_right_logical3A_428 : vector<16xi32>
    %swap3A_430 = arith.constant 112 : index
    %swap3A_431 = tpu.vector_load %arg8[%swap3A_430] {strides = array<i32>} : memref<128xi32, #tpu.memory_space<vmem>>, vector<16xi32>,
    %swap3A_432 = vector.shape_cast %swap3A_431 : vector<16xi32> to vector<16xi32>
    %swap3A_433 = vector.shape_cast %shift_right_logical3A_429 : vector<16xi32> to vector<16xi32>
    tpu.vector_store %arg8[%swap3A_430], %swap3A_433 {strides = array<i32>} : memref<128xi32, #tpu.memory_space<vmem>>, vector<16xi32>,
    "tpu.region"() ({
      %run_scoped3A = tpu.sem_alloc : memref<!tpu.dma_semaphore, #tpu.memory_space<semaphore_mem>>
      %dma_start3A_448 = arith.constant 0 : i32
      %dma_start3A_449 = arith.constant 0 : i32
      %dma_start3A_450 = tpu.memref_slice %arg13[%dma_start3A_448, %dma_start3A_449] : memref<10240x16xf32, #tpu.memory_space<vmem_shared>> -> memref<10240x16xf32, #tpu.memory_space<vmem_shared>>
      tpu.enqueue_indirect_dma source(%arg9 : memref<128x16xf32, #tpu.memory_space<vmem>>) target(%dma_start3A_450 : memref<10240x16xf32, #tpu.memory_space<vmem_shared>>) offsets(%arg8 : memref<128xi32, #tpu.memory_space<vmem>>) semaphore(%run_scoped3A : memref<!tpu.dma_semaphore, #tpu.memory_space<semaphore_mem>>) {add = true}
      %dma_wait3A_451 = arith.constant 0 : i32
      %dma_wait3A_452 = arith.constant 0 : i32
      %dma_wait3A_453 = tpu.memref_slice %arg13[%dma_wait3A_451, %dma_wait3A_452] : memref<10240x16xf32, #tpu.memory_space<vmem_shared>> -> memref<10240x16xf32, #tpu.memory_space<vmem_shared>>
      tpu.wait_indirect_dma semaphore(%run_scoped3A : memref<!tpu.dma_semaphore, #tpu.memory_space<semaphore_mem>>) src(%arg9 : memref<128x16xf32, #tpu.memory_space<vmem>>) dst(%dma_wait3A_453 : memref<10240x16xf32, #tpu.memory_space<vmem_shared>>)
      tpu.yield
    }) : () -> ()
    %dma_start3A_434 = arith.constant 0 : i32
    %dma_start3A_435 = arith.constant 0 : i32
    %dma_start3A_436 = tpu.memref_slice %arg12[%dma_start3A_434, %dma_start3A_435] : memref<10000x16xf32, #tpu.memory_space<vmem_shared>> -> memref<10000x16xf32, #tpu.memory_space<vmem_shared>>
    tpu.enqueue_indirect_dma source(%dma_start3A_436 : memref<10000x16xf32, #tpu.memory_space<vmem_shared>>) target(%arg9 : memref<128x16xf32, #tpu.memory_space<vmem>>) offsets(%arg6 : memref<128xi32, #tpu.memory_space<vmem>>) semaphore(%arg14 : memref<!tpu.dma_semaphore, #tpu.memory_space<semaphore_mem>>)
    %dma_wait3A_437 = arith.constant 0 : i32
    %dma_wait3A_438 = arith.constant 0 : i32
    %dma_wait3A_439 = tpu.memref_slice %arg12[%dma_wait3A_437, %dma_wait3A_438] : memref<10000x16xf32, #tpu.memory_space<vmem_shared>> -> memref<10000x16xf32, #tpu.memory_space<vmem_shared>>
    tpu.wait_indirect_dma semaphore(%arg14 : memref<!tpu.dma_semaphore, #tpu.memory_space<semaphore_mem>>) src(%dma_wait3A_439 : memref<10000x16xf32, #tpu.memory_space<vmem_shared>>) dst(%arg9 : memref<128x16xf32, #tpu.memory_space<vmem>>)
    %dma_wait3A_440 = arith.constant 0 : i32
    %dma_wait3A_441 = arith.constant 0 : i32
    %dma_wait3A_442 = tpu.memref_slice %arg12[%dma_wait3A_440, %dma_wait3A_441] : memref<10000x16xf32, #tpu.memory_space<vmem_shared>> -> memref<10000x16xf32, #tpu.memory_space<vmem_shared>>
    tpu.wait_indirect_dma semaphore(%arg15 : memref<!tpu.dma_semaphore, #tpu.memory_space<semaphore_mem>>) src(%dma_wait3A_442 : memref<10000x16xf32, #tpu.memory_space<vmem_shared>>) dst(%arg10 : memref<128x16xf32, #tpu.memory_space<vmem>>)
    %barrier3A_443 = arith.constant 0 : index
    tpu.barrier barrier_id(%barrier3A_443)
    %mul3A_444 = arith.constant 640 : i32
    %mul3A_445 = arith.muli %arg1, %mul3A_444 : i32
    %mul3A_446 = arith.constant 640 : i32
    %mul3A_447 = arith.muli %arg1, %mul3A_446 : i32
    "tpu.region"() ({
      %run_scoped3A = tpu.sem_alloc : memref<!tpu.dma_semaphore, #tpu.memory_space<semaphore_mem>>
      %dma_start3A_448 = arith.constant 0 : i32
      %dma_start3A_449 = arith.constant 0 : i32
      %dma_start3A_450 = tpu.memref_slice %arg4[%arg0, %dma_start3A_448, %dma_start3A_449] : memref<2x10240x16xf32, #tpu.memory_space<hbm>> -> memref<1x10240x16xf32, #tpu.memory_space<hbm>>
      %dma_start3A_451 = tpu.memref_squeeze %dma_start3A_450 : memref<1x10240x16xf32, #tpu.memory_space<hbm>> -> memref<10240x16xf32, #tpu.memory_space<hbm>>
      %dma_start3A_452 = arith.constant 0 : i32
      %dma_start3A_453 = tpu.memref_slice %dma_start3A_451[%mul3A_447, %dma_start3A_452] : memref<10240x16xf32, #tpu.memory_space<hbm>> -> memref<640x16xf32, #tpu.memory_space<hbm>>
      %dma_start3A_454 = arith.constant 0 : i32
      %dma_start3A_455 = tpu.memref_slice %arg13[%mul3A_445, %dma_start3A_454] : memref<10240x16xf32, #tpu.memory_space<vmem_shared>> -> memref<640x16xf32, #tpu.memory_space<vmem_shared>>
      tpu.enqueue_dma source(%dma_start3A_455 : memref<640x16xf32, #tpu.memory_space<vmem_shared>>) target(%dma_start3A_453 : memref<640x16xf32, #tpu.memory_space<hbm>>) target_semaphore(%run_scoped3A : memref<!tpu.dma_semaphore, #tpu.memory_space<semaphore_mem>>)
      %dma_wait3A_456 = arith.constant 0 : i32
      %dma_wait3A_457 = arith.constant 0 : i32
      %dma_wait3A_458 = tpu.memref_slice %arg4[%arg0, %dma_wait3A_456, %dma_wait3A_457] : memref<2x10240x16xf32, #tpu.memory_space<hbm>> -> memref<1x10240x16xf32, #tpu.memory_space<hbm>>
      %dma_wait3A_459 = tpu.memref_squeeze %dma_wait3A_458 : memref<1x10240x16xf32, #tpu.memory_space<hbm>> -> memref<10240x16xf32, #tpu.memory_space<hbm>>
      %dma_wait3A_460 = arith.constant 0 : i32
      %dma_wait3A_461 = tpu.memref_slice %dma_wait3A_459[%mul3A_447, %dma_wait3A_460] : memref<10240x16xf32, #tpu.memory_space<hbm>> -> memref<640x16xf32, #tpu.memory_space<hbm>>
      %dma_wait3A_462 = arith.constant 0 : i32
      %dma_wait3A_463 = tpu.memref_slice %arg13[%mul3A_445, %dma_wait3A_462] : memref<10240x16xf32, #tpu.memory_space<vmem_shared>> -> memref<640x16xf32, #tpu.memory_space<vmem_shared>>
      tpu.wait_dma2 semaphore(%run_scoped3A : memref<!tpu.dma_semaphore, #tpu.memory_space<semaphore_mem>>) src(%dma_wait3A_463 : memref<640x16xf32, #tpu.memory_space<vmem_shared>>) dst(%dma_wait3A_461 : memref<640x16xf32, #tpu.memory_space<hbm>>)
      tpu.yield
    }) : () -> ()
    return
  }
}

module attributes {stable_mosaic.version = 14 : i64} {
  func.func @_tc1_body(%arg0: memref<2x10240xf32, #tpu.memory_space<vmem>>, %arg1: memref<10000x16xf32, #tpu.memory_space<vmem>>, %arg2: memref<10000x1xf32, #tpu.memory_space<vmem>>, %arg3: memref<10000x16xf32, #tpu.memory_space<vmem>>) attributes {dimension_semantics = [], scalar_prefetch = 0 : i64, scratch_operands = 0 : i64, tpu.core_type = #tpu.core_type<tc>} {
    %get3A = arith.constant 0 : index
    %get3A_0 = arith.constant 0 : index
    %get3A_1 = vector.load %arg0[%get3A, %get3A_0] : memref<2x10240xf32, #tpu.memory_space<vmem>>, vector<1x10000xf32>
    %get3A_2 = vector.shape_cast %get3A_1 : vector<1x10000xf32> to vector<10000xf32>
    %get3A_3 = arith.constant 1 : index
    %get3A_4 = arith.constant 0 : index
    %get3A_5 = vector.load %arg0[%get3A_3, %get3A_4] : memref<2x10240xf32, #tpu.memory_space<vmem>>, vector<1x10000xf32>
    %get3A_6 = vector.shape_cast %get3A_5 : vector<1x10000xf32> to vector<10000xf32>
    %add3A = arith.addf %get3A_2, %get3A_6 : vector<10000xf32>
    %add3A_7 = arith.constant 1.000000e+00 : f32
    %add3A_8 = vector.broadcast %add3A_7 : f32 to vector<10000xf32>
    %add3A_9 = arith.addf %add3A, %add3A_8 : vector<10000xf32>
    %sqrt3A = math.sqrt %add3A_9 : vector<10000xf32>
    %div3A = arith.constant 1.000000e+00 : f32
    %div3A_10 = vector.broadcast %div3A : f32 to vector<10000xf32>
    %div3A_11 = arith.divf %div3A_10, %sqrt3A : vector<10000xf32>
    %broadcast_in_dim3A = vector.shape_cast %div3A_11 : vector<10000xf32> to vector<10000x1xf32>
    %swap3A = arith.constant 0 : index
    %swap3A_12 = arith.constant 0 : index
    %swap3A_13 = vector.load %arg2[%swap3A, %swap3A_12] : memref<10000x1xf32, #tpu.memory_space<vmem>>, vector<10000x1xf32>
    tpu.vector_store %arg2[%swap3A, %swap3A_12], %broadcast_in_dim3A {strides = array<i32>} : memref<10000x1xf32, #tpu.memory_space<vmem>>, vector<10000x1xf32>,
    %broadcast_in_dim3A_14 = vector.shape_cast %div3A_11 : vector<10000xf32> to vector<10000x1xf32>
    %get3A_15 = arith.constant 0 : index
    %get3A_16 = arith.constant 0 : index
    %get3A_17 = vector.load %arg1[%get3A_15, %get3A_16] : memref<10000x16xf32, #tpu.memory_space<vmem>>, vector<10000x16xf32>
    %mul3A = vector.broadcast %broadcast_in_dim3A_14 : vector<10000x1xf32> to vector<10000x16xf32>
    %mul3A_18 = arith.mulf %mul3A, %get3A_17 : vector<10000x16xf32>
    %swap3A_19 = arith.constant 0 : index
    %swap3A_20 = arith.constant 0 : index
    %swap3A_21 = vector.load %arg3[%swap3A_19, %swap3A_20] : memref<10000x16xf32, #tpu.memory_space<vmem>>, vector<10000x16xf32>
    tpu.vector_store %arg3[%swap3A_19, %swap3A_20], %mul3A_18 {strides = array<i32>} : memref<10000x16xf32, #tpu.memory_space<vmem>>, vector<10000x16xf32>,
    return
  }
}

module attributes {stable_mosaic.version = 14 : i64} {
  func.func @_tc2_body(%arg0: memref<2x10240x16xf32, #tpu.memory_space<vmem>>, %arg1: memref<10000x16xf32, #tpu.memory_space<vmem>>, %arg2: memref<10000x1xf32, #tpu.memory_space<vmem>>, %arg3: memref<16x128xf32, #tpu.memory_space<vmem>>, %arg4: memref<1x128xf32, #tpu.memory_space<vmem>>, %arg5: memref<128x128xf32, #tpu.memory_space<vmem>>, %arg6: memref<2x10000x64xf32, #tpu.memory_space<vmem>>) attributes {dimension_semantics = [], scalar_prefetch = 0 : i64, scratch_operands = 0 : i64, tpu.core_type = #tpu.core_type<tc>} {
    %get3A = arith.constant 0 : index
    %get3A_0 = arith.constant 0 : index
    %get3A_1 = arith.constant 0 : index
    %get3A_2 = vector.load %arg0[%get3A, %get3A_0, %get3A_1] : memref<2x10240x16xf32, #tpu.memory_space<vmem>>, vector<1x10000x16xf32>
    %get3A_3 = vector.shape_cast %get3A_2 : vector<1x10000x16xf32> to vector<10000x16xf32>
    %get3A_4 = arith.constant 1 : index
    %get3A_5 = arith.constant 0 : index
    %get3A_6 = arith.constant 0 : index
    %get3A_7 = vector.load %arg0[%get3A_4, %get3A_5, %get3A_6] : memref<2x10240x16xf32, #tpu.memory_space<vmem>>, vector<1x10000x16xf32>
    %get3A_8 = vector.shape_cast %get3A_7 : vector<1x10000x16xf32> to vector<10000x16xf32>
    %add3A = arith.addf %get3A_3, %get3A_8 : vector<10000x16xf32>
    %get3A_9 = arith.constant 0 : index
    %get3A_10 = arith.constant 0 : index
    %get3A_11 = vector.load %arg1[%get3A_9, %get3A_10] : memref<10000x16xf32, #tpu.memory_space<vmem>>, vector<10000x16xf32>
    %add3A_12 = arith.addf %add3A, %get3A_11 : vector<10000x16xf32>
    %get3A_13 = arith.constant 0 : index
    %get3A_14 = arith.constant 0 : index
    %get3A_15 = vector.load %arg2[%get3A_13, %get3A_14] : memref<10000x1xf32, #tpu.memory_space<vmem>>, vector<10000x1xf32>
    %mul3A = vector.broadcast %get3A_15 : vector<10000x1xf32> to vector<10000x16xf32>
    %mul3A_16 = arith.mulf %mul3A, %add3A_12 : vector<10000x16xf32>
    %get3A_17 = arith.constant 0 : index
    %get3A_18 = arith.constant 0 : index
    %get3A_19 = vector.load %arg3[%get3A_17, %get3A_18] : memref<16x128xf32, #tpu.memory_space<vmem>>, vector<16x128xf32>
    %dot_general3A = arith.constant dense<0.000000e+00> : vector<10000x128xf32>
    %dot_general3A_20 = tpu.matmul %mul3A_16, %get3A_19, %dot_general3A {dimension_numbers = #tpu.dot_dimension_numbers<[1], [0], [0], [1], [0, 0, 1, 1], [], []>, precision = #tpu.contract_precision<fp32>, transpose_lhs_hint = false} : vector<10000x16xf32>, vector<16x128xf32>, vector<10000x128xf32> -> vector<10000x128xf32>
    %get3A_21 = arith.constant 0 : index
    %get3A_22 = arith.constant 0 : index
    %get3A_23 = vector.load %arg4[%get3A_21, %get3A_22] : memref<1x128xf32, #tpu.memory_space<vmem>>, vector<1x128xf32>
    %add3A_24 = vector.broadcast %get3A_23 : vector<1x128xf32> to vector<10000x128xf32>
    %add3A_25 = arith.addf %dot_general3A_20, %add3A_24 : vector<10000x128xf32>
    %max3A = arith.constant 0.000000e+00 : f32
    %max3A_26 = vector.broadcast %max3A : f32 to vector<10000x128xf32>
    %max3A_27 = arith.maximumf %add3A_25, %max3A_26 : vector<10000x128xf32>
    %get3A_28 = arith.constant 0 : index
    %get3A_29 = arith.constant 0 : index
    %get3A_30 = vector.load %arg5[%get3A_28, %get3A_29] : memref<128x128xf32, #tpu.memory_space<vmem>>, vector<128x128xf32>
    %dot_general3A_31 = arith.constant dense<0.000000e+00> : vector<10000x128xf32>
    %dot_general3A_32 = tpu.matmul %max3A_27, %get3A_30, %dot_general3A_31 {dimension_numbers = #tpu.dot_dimension_numbers<[1], [0], [0], [1], [0, 0, 1, 1], [], []>, precision = #tpu.contract_precision<fp32>, transpose_lhs_hint = false} : vector<10000x128xf32>, vector<128x128xf32>, vector<10000x128xf32> -> vector<10000x128xf32>
    %get3A_33 = arith.constant 0 : index
    %get3A_34 = arith.constant 0 : index
    %get3A_35 = vector.load %arg2[%get3A_33, %get3A_34] : memref<10000x1xf32, #tpu.memory_space<vmem>>, vector<10000x1xf32>
    %mul3A_36 = vector.broadcast %get3A_35 : vector<10000x1xf32> to vector<10000x128xf32>
    %mul3A_37 = arith.mulf %mul3A_36, %dot_general3A_32 : vector<10000x128xf32>
    %slice3A = vector.extract_strided_slice %mul3A_37 {offsets = [0, 0], sizes = [10000, 64], strides = [1, 1]} : vector<10000x128xf32> to vector<10000x64xf32>
    %swap3A = arith.constant 0 : index
    %swap3A_38 = arith.constant 0 : index
    %swap3A_39 = arith.constant 0 : index
    %swap3A_40 = vector.load %arg6[%swap3A, %swap3A_38, %swap3A_39] : memref<2x10000x64xf32, #tpu.memory_space<vmem>>, vector<1x10000x64xf32>
    %swap3A_41 = vector.shape_cast %swap3A_40 : vector<1x10000x64xf32> to vector<10000x64xf32>
    %swap3A_42 = vector.shape_cast %slice3A : vector<10000x64xf32> to vector<1x10000x64xf32>
    tpu.vector_store %arg6[%swap3A, %swap3A_38, %swap3A_39], %swap3A_42 {strides = array<i32>} : memref<2x10000x64xf32, #tpu.memory_space<vmem>>, vector<1x10000x64xf32>,
    %slice3A_43 = vector.extract_strided_slice %mul3A_37 {offsets = [0, 64], sizes = [10000, 64], strides = [1, 1]} : vector<10000x128xf32> to vector<10000x64xf32>
    %swap3A_44 = arith.constant 1 : index
    %swap3A_45 = arith.constant 0 : index
    %swap3A_46 = arith.constant 0 : index
    %swap3A_47 = vector.load %arg6[%swap3A_44, %swap3A_45, %swap3A_46] : memref<2x10000x64xf32, #tpu.memory_space<vmem>>, vector<1x10000x64xf32>
    %swap3A_48 = vector.shape_cast %swap3A_47 : vector<1x10000x64xf32> to vector<10000x64xf32>
    %swap3A_49 = vector.shape_cast %slice3A_43 : vector<10000x64xf32> to vector<1x10000x64xf32>
    tpu.vector_store %arg6[%swap3A_44, %swap3A_45, %swap3A_46], %swap3A_49 {strides = array<i32>} : memref<2x10000x64xf32, #tpu.memory_space<vmem>>, vector<1x10000x64xf32>,
    return
  }
}

module attributes {stable_mosaic.version = 14 : i64} {
  func.func @_tc3_body(%arg0: memref<2x10240x64xf32, #tpu.memory_space<vmem>>, %arg1: memref<2x10000x64xf32, #tpu.memory_space<vmem>>, %arg2: memref<10000x1xf32, #tpu.memory_space<vmem>>, %arg3: memref<1x128xf32, #tpu.memory_space<vmem>>, %arg4: memref<128x128xf32, #tpu.memory_space<vmem>>, %arg5: memref<1x128xf32, #tpu.memory_space<vmem>>, %arg6: memref<128x2xf32, #tpu.memory_space<vmem>>, %arg7: memref<1x2xf32, #tpu.memory_space<vmem>>, %arg8: memref<1x2xf32, #tpu.memory_space<vmem>>) attributes {dimension_semantics = [], scalar_prefetch = 0 : i64, scratch_operands = 0 : i64, tpu.core_type = #tpu.core_type<tc>} {
    %get3A = arith.constant 0 : index
    %get3A_0 = arith.constant 0 : index
    %get3A_1 = arith.constant 0 : index
    %get3A_2 = vector.load %arg0[%get3A, %get3A_0, %get3A_1] : memref<2x10240x64xf32, #tpu.memory_space<vmem>>, vector<1x10000x64xf32>
    %get3A_3 = vector.shape_cast %get3A_2 : vector<1x10000x64xf32> to vector<10000x64xf32>
    %get3A_4 = arith.constant 0 : index
    %get3A_5 = arith.constant 0 : index
    %get3A_6 = arith.constant 0 : index
    %get3A_7 = vector.load %arg1[%get3A_4, %get3A_5, %get3A_6] : memref<2x10000x64xf32, #tpu.memory_space<vmem>>, vector<1x10000x64xf32>
    %get3A_8 = vector.shape_cast %get3A_7 : vector<1x10000x64xf32> to vector<10000x64xf32>
    %add3A = arith.addf %get3A_3, %get3A_8 : vector<10000x64xf32>
    %get3A_9 = arith.constant 1 : index
    %get3A_10 = arith.constant 0 : index
    %get3A_11 = arith.constant 0 : index
    %get3A_12 = vector.load %arg0[%get3A_9, %get3A_10, %get3A_11] : memref<2x10240x64xf32, #tpu.memory_space<vmem>>, vector<1x10000x64xf32>
    %get3A_13 = vector.shape_cast %get3A_12 : vector<1x10000x64xf32> to vector<10000x64xf32>
    %get3A_14 = arith.constant 1 : index
    %get3A_15 = arith.constant 0 : index
    %get3A_16 = arith.constant 0 : index
    %get3A_17 = vector.load %arg1[%get3A_14, %get3A_15, %get3A_16] : memref<2x10000x64xf32, #tpu.memory_space<vmem>>, vector<1x10000x64xf32>
    %get3A_18 = vector.shape_cast %get3A_17 : vector<1x10000x64xf32> to vector<10000x64xf32>
    %add3A_19 = arith.addf %get3A_13, %get3A_18 : vector<10000x64xf32>
    %concatenate3A = tpu.concatenate %add3A, %add3A_19 in 1 : vector<10000x64xf32>, vector<10000x64xf32> -> vector<10000x128xf32>
    %get3A_20 = arith.constant 0 : index
    %get3A_21 = arith.constant 0 : index
    %get3A_22 = vector.load %arg2[%get3A_20, %get3A_21] : memref<10000x1xf32, #tpu.memory_space<vmem>>, vector<10000x1xf32>
    %mul3A = vector.broadcast %get3A_22 : vector<10000x1xf32> to vector<10000x128xf32>
    %mul3A_23 = arith.mulf %mul3A, %concatenate3A : vector<10000x128xf32>
    %get3A_24 = arith.constant 0 : index
    %get3A_25 = arith.constant 0 : index
    %get3A_26 = vector.load %arg3[%get3A_24, %get3A_25] : memref<1x128xf32, #tpu.memory_space<vmem>>, vector<1x128xf32>
    %add3A_27 = vector.broadcast %get3A_26 : vector<1x128xf32> to vector<10000x128xf32>
    %add3A_28 = arith.addf %mul3A_23, %add3A_27 : vector<10000x128xf32>
    %max3A = arith.constant 0.000000e+00 : f32
    %max3A_29 = vector.broadcast %max3A : f32 to vector<10000x128xf32>
    %max3A_30 = arith.maximumf %add3A_28, %max3A_29 : vector<10000x128xf32>
    %reduce_sum3A = arith.constant dense<0.000000e+00> : vector<128xf32>
    %reduce_sum3A_31 = vector.multi_reduction <add>, %max3A_30, %reduce_sum3A [0] : vector<10000x128xf32> to vector<128xf32>
    %broadcast_in_dim3A = vector.shape_cast %reduce_sum3A_31 : vector<128xf32> to vector<1x128xf32>
    %mul3A_32 = arith.constant 9.99999974E-5 : f32
    %mul3A_33 = vector.broadcast %mul3A_32 : f32 to vector<1x128xf32>
    %mul3A_34 = arith.mulf %broadcast_in_dim3A, %mul3A_33 : vector<1x128xf32>
    %get3A_35 = arith.constant 0 : index
    %get3A_36 = arith.constant 0 : index
    %get3A_37 = vector.load %arg4[%get3A_35, %get3A_36] : memref<128x128xf32, #tpu.memory_space<vmem>>, vector<128x128xf32>
    %dot_general3A = arith.constant dense<0.000000e+00> : vector<1x128xf32>
    %dot_general3A_38 = tpu.matmul %mul3A_34, %get3A_37, %dot_general3A {dimension_numbers = #tpu.dot_dimension_numbers<[1], [0], [0], [1], [0, 0, 1, 1], [], []>, precision = #tpu.contract_precision<fp32>, transpose_lhs_hint = false} : vector<1x128xf32>, vector<128x128xf32>, vector<1x128xf32> -> vector<1x128xf32>
    %get3A_39 = arith.constant 0 : index
    %get3A_40 = arith.constant 0 : index
    %get3A_41 = vector.load %arg5[%get3A_39, %get3A_40] : memref<1x128xf32, #tpu.memory_space<vmem>>, vector<1x128xf32>
    %add3A_42 = arith.addf %dot_general3A_38, %get3A_41 : vector<1x128xf32>
    %max3A_43 = arith.constant 0.000000e+00 : f32
    %max3A_44 = vector.broadcast %max3A_43 : f32 to vector<1x128xf32>
    %max3A_45 = arith.maximumf %add3A_42, %max3A_44 : vector<1x128xf32>
    %get3A_46 = arith.constant 0 : index
    %get3A_47 = arith.constant 0 : index
    %get3A_48 = vector.load %arg6[%get3A_46, %get3A_47] : memref<128x2xf32, #tpu.memory_space<vmem>>, vector<128x2xf32>
    %dot_general3A_49 = arith.constant dense<0.000000e+00> : vector<1x2xf32>
    %dot_general3A_50 = tpu.matmul %max3A_45, %get3A_48, %dot_general3A_49 {dimension_numbers = #tpu.dot_dimension_numbers<[1], [0], [0], [1], [0, 0, 1, 1], [], []>, precision = #tpu.contract_precision<fp32>, transpose_lhs_hint = false} : vector<1x128xf32>, vector<128x2xf32>, vector<1x2xf32> -> vector<1x2xf32>
    %get3A_51 = arith.constant 0 : index
    %get3A_52 = arith.constant 0 : index
    %get3A_53 = vector.load %arg7[%get3A_51, %get3A_52] : memref<1x2xf32, #tpu.memory_space<vmem>>, vector<1x2xf32>
    %add3A_54 = arith.addf %dot_general3A_50, %get3A_53 : vector<1x2xf32>
    %swap3A = arith.constant 0 : index
    %swap3A_55 = arith.constant 0 : index
    %swap3A_56 = vector.load %arg8[%swap3A, %swap3A_55] : memref<1x2xf32, #tpu.memory_space<vmem>>, vector<1x2xf32>
    tpu.vector_store %arg8[%swap3A, %swap3A_55], %add3A_54 {strides = array<i32>} : memref<1x2xf32, #tpu.memory_space<vmem>>, vector<1x2xf32>,
    return
  }
}

</mosaic_0001>

<sc_bundles>
// kernel: kernel.11.cloned.1.call-start
scs
__scs_entry_jumppad:
0x0: {  	(pc) =	sbr.rel $0x88, $3  }
0x1: {  	(tag) =	ssettag $0x0;
	lr =	simm.s32 $0x1  }
0x2: {  	[smem:$0x3F97] =	sst lr;
	_ =	strace $0xD0000000  }
0x3: {  	_ = 	snop  }
0x4: {  	_ = 	snop  }
0x5: {  	_ = 	snop  }
0x6: {  	_ = 	snop  }
0x7: {  	_ = 	snop  }
__scs_overlays_trampoline_lowered:
0x8: {  	[smem:$0x3FA6] =	sst s0  }
0x9: {  	[smem:$0x3FA7] =	sst s1  }
0xa: {  	[smem:$0x3FA8] =	sst s2  }
0xb: {  	[smem:$0x3FA9] =	sst s3  }
0xc: {  	[smem:$0x3FAA] =	sst s4  }
0xd: {  	[smem:$0x3FAB] =	sst s5  }
0xe: {  	[smem:$0x3FAC] =	sst s6  }
0xf: {  	[smem:$0x3FAD] =	sst s7  }
0x10: {  	[smem:$0x3FAE] =	sst s8  }
0x11: {  	[smem:$0x3FAF] =	sst s9;
	s0 =	simm.s32 @!p0 $0x0  }
0x12: {  	s1 =	sld [smem:$0x3F95];
	s0 =	simm.s32 @p0 $0x1  }
0x13: {  	[smem:$0x3FB0] =	sst s0;
	s0 =	simm.s32 @!p1 $0x0  }
0x14: {  	s2 =	sld [smem:$0x3F94];
	s0 =	simm.s32 @p1 $0x1  }
0x15: {  	[smem:$0x3FB1] =	sst s0;
	s0 =	simm.s32 @!p2 $0x0  }
0x16: {  	s3 =	sld [smem:$0x3FDB];
	s0 =	simm.s32 @p2 $0x1  }
0x17: {  	s4 =	simm.s32 $0x1BF5;
	[smem:$0x3FB3] =	sst s0  }
0x18: {  	s0 =	sld [smem:$0x3F96];
	_ =	swait.ge [sflag:s4], $0x0  }
0x19: {  	s7 =	sld [smem:$0x3F97]  }
0x1a: {  	s8 =	sadd.s32 $0xFFFFE003, lr  }
0x1b: {  	s9 =	sadd.s32 $0xFFFFFEF7, lr;
	s5 =	simm.s32 $0xFFFFFFFF;
	p2 =	slt.u32 s8, $0xFFFFF086  }
0x1c: {  	p1 =	slt.u32 s9, $0xF7A;
	s5 =	simm.s32 @!p2 $0x0  }
0x1d: {  	s5 =	simm.s32 @p1 $0x1;
	p0 =	seq.s32 s7, s2  }
0x1e: {  	s7 =	smul.u32 @!p0 $0xF7A, s2;
	p2 =	seq.s32 @!p0 s5, $0x0  }
0x1f: {  	s9 =	smul.u32 $0xF7A, s1;
	s8 =	simm.s32 @!p0 $0x1BF5;
	p2 =	por !p2, p0  }
0x20: {  	[sflag:s8] =	ssyncset.s32 @!p0 $0xFFFFF086;
	s6 =	sadd.s32 @!p0 s3, s7;
	s7 =	simm.s32 @!p0 $0x108  }
0x21: {  	s3 =	sadd.s32 s3, s9;
	s6 =	sadd.s32 @!p0 $0x88, s6;
	s7 =	simm.s32 @p2 $0x1082  }
0x22: {  	[simem:s7], [sflag:s8] =	dma.local @!p0 [hbm:s6], $0xF7A  }
0x23: {  	s9 =	sor.u32 $0xD0000000, s2;
	s6 =	simm.s32 $0x108;
	_ =	swait.ge @!p0 [sflag:s8], $0x0  }
0x24: {  	s3 =	sadd.s32 $0x88, s3;
	s6 =	simm.s32 @!p1 $0x1082;
	[sflag:s4] =	ssyncset.s32 $0xFFFFF086  }
0x25: {  	[simem:s6], [sflag:s4] =	dma.local [hbm:s3], $0xF7A  }
0x26: {  	[smem:$0x3F97] =	sst s1;
	(tag) =	ssettag s2;
	_ =	strace s9  }
0x27: {  	s1 =	sld [smem:$0x3FA7]  }
0x28: {  	s2 =	sld [smem:$0x3FA8]  }
0x29: {  	s4 =	sld [smem:$0x3FAA]  }
0x2a: {  	p0 =	seq.s32 s5, $0x0;
	s5 =	sld [smem:$0x3FAB]  }
0x2b: {  	s6 =	sld [smem:$0x3FAC]  }
0x2c: {  	s7 =	sld [smem:$0x3FAD]  }
0x2d: {  	s3 =	simm.s32 $0x108;
	s8 =	sld [smem:$0x3FAE]  }
0x2e: {  	s3 =	simm.s32 @!p0 $0x1082;
	s9 =	sld [smem:$0x3FAF]  }
0x2f: {  	lr =	sadd.s32 s0, s3;
	s0 =	sld [smem:$0x3FA6]  }
0x30: {  	s3 =	sld [smem:$0x3FA9]  }
0x31: {  	[smem:$0x3FB2] =	sst s10  }
0x32: {  	s10 =	sld [smem:$0x3FB0];
	_ =	sdelay $0x3  }
0x33: {  	p0 =	seq.s32 s10, $0x1;
	s10 =	sld [smem:$0x3FB2];
	_ =	sdelay $0x3  }
0x34: {  	[smem:$0x3FB2] =	sst s10  }
0x35: {  	s10 =	sld [smem:$0x3FB1];
	_ =	sdelay $0x3  }
0x36: {  	p1 =	seq.s32 s10, $0x1;
	s10 =	sld [smem:$0x3FB2];
	_ =	sdelay $0x3  }
0x37: {  	[smem:$0x3FB2] =	sst s10  }
0x38: {  	s10 =	sld [smem:$0x3FB3]  }
0x39: {  	_ = 	snop;
	(pc) =	sbr.ind lr, $3  }
0x3a: {  	_ = 	snop  }
0x3b: {  	_ = 	snop  }
0x3c: {  	p2 =	seq.s32 s10, $0x1;
	s10 =	sld [smem:$0x3FB2]  }
0x3d: {  	_ =	shalt  }
0x3e: {  	_ =	shalt  }
0x3f: {  	_ =	shalt  }
0x40: {  	_ =	shalt  }
0x41: {  	_ =	shalt  }
0x42: {  	_ =	shalt  }
0x43: {  	_ =	shalt  }
0x44: {  	_ =	shalt  }
0x45: {  	_ =	shalt  }
0x46: {  	_ =	shalt  }
0x47: {  	_ =	shalt  }
0x48: {  	_ =	shalt  }
0x49: {  	_ =	shalt  }
0x4a: {  	_ =	shalt  }
0x4b: {  	_ =	shalt  }
0x4c: {  	_ =	shalt  }
0x4d: {  	_ =	shalt  }
0x4e: {  	_ =	shalt  }
0x4f: {  	_ =	shalt  }
0x50: {  	_ =	shalt  }
0x51: {  	_ =	shalt  }
0x52: {  	_ =	shalt  }
0x53: {  	_ =	shalt  }
0x54: {  	_ =	shalt  }
0x55: {  	_ =	shalt  }
0x56: {  	_ =	shalt  }
0x57: {  	_ =	shalt  }
0x58: {  	_ =	shalt  }
0x59: {  	_ =	shalt  }
0x5a: {  	_ =	shalt  }
0x5b: {  	_ =	shalt  }
0x5c: {  	_ =	shalt  }
0x5d: {  	_ =	shalt  }
0x5e: {  	_ =	shalt  }
0x5f: {  	_ =	shalt  }
0x60: {  	_ =	shalt  }
0x61: {  	_ =	shalt  }
0x62: {  	_ =	shalt  }
0x63: {  	_ =	shalt  }
0x64: {  	_ =	shalt  }
0x65: {  	_ =	shalt  }
0x66: {  	_ =	shalt  }
0x67: {  	_ =	shalt  }
0x68: {  	_ =	shalt  }
0x69: {  	_ =	shalt  }
0x6a: {  	_ =	shalt  }
0x6b: {  	_ =	shalt  }
0x6c: {  	_ =	shalt  }
0x6d: {  	_ =	shalt  }
0x6e: {  	_ =	shalt  }
0x6f: {  	_ =	shalt  }
0x70: {  	_ =	shalt  }
0x71: {  	_ =	shalt  }
0x72: {  	_ =	shalt  }
0x73: {  	_ =	shalt  }
0x74: {  	_ =	shalt  }
0x75: {  	_ =	shalt  }
0x76: {  	_ =	shalt  }
0x77: {  	_ =	shalt  }
0x78: {  	_ =	shalt  }
0x79: {  	_ =	shalt  }
0x7a: {  	_ =	shalt  }
0x7b: {  	_ =	shalt  }
0x7c: {  	_ =	shalt  }
0x7d: {  	_ =	shalt  }
0x7e: {  	_ =	shalt  }
0x7f: {  	_ =	shalt  }
0x80: {  	_ =	shalt  }
0x81: {  	_ =	shalt  }
0x82: {  	_ =	shalt  }
0x83: {  	_ =	shalt  }
0x84: {  	_ =	shalt  }
0x85: {  	_ =	shalt  }
0x86: {  	_ =	shalt  }
0x87: {  	_ =	shalt  }
.Lfunc_end0:
.L_simem_size_0:
called_computation.1_lowered:
.L_overlay_start_0:
0x88: {  	s2 =	sld [smem:$0x3FD9]  }
0x89: {  	s3 =	sld [smem:$0x3FFE];
	_ =	sdelay $0x1  }
0x8a: {  	s1 =	srdreg.scid  }
0x8b: {  	s0 =	sand.u32 $0x1, s1  }
0x8c: {  	s16 =	sshll.u32 s0, $0xA;
	s2 =	sadd.s32 s3, s2  }
0x8d: {  	s2 =	sadd.s32 s2, s16  }
0x8e: {  	[smem:$0x3FBE] =	sst s2  }
0x8f: {  	_ = 	snop  }
0x90: {  	(tm) =	ssettm $0x1  }
0x91: {  	s17 =	sld [smem:$0x3FFB];
	_ =	sdelay $0x3  }
0x92: {  	_ =	strace s17  }
0x93: {  	s2 =	sld [smem:$0x3FFC];
	_ =	sdelay $0x3  }
0x94: {  	_ =	strace s2  }
0x95: {  	s2 =	sld [smem:$0x3FFD];
	_ =	sdelay $0x3  }
0x96: {  	_ =	strace s2  }
0x97: {  	_ =	strace $0x8FFFFFFF  }
0x98: {  	s18 =	sld [smem:$0x3FDB];
	_ =	sdelay $0x1  }
0x99: {  	s19 =	simm.s32 $_scs_section_size  }
0x9a: {  	s4 =	simm.s32 $_size__tile_overlayer_lowered;
	s5 =	simm.s32 $_tile_overlayer_lowered  }
0x9b: {  	s22 =	simm.s32 $0x1BFF;
	s21 =	sshll.u32 s5, $0x1;
	s2 =	sadd.s32 s19, s18  }
0x9c: {  	s6 =	simm.s32 $0x0;
	s20 =	sshll.u32 s4, $0x1;
	s4 =	sadd.s32 s21, s2  }
0x9d: {  	[timem:s6], [sflag:s22] =	dma.local [hbm:s4], s20  }
0x9e: {  	_ =	swait.ge [sflag:s22], s20  }
0x9f: {  	s3 =	ssub.s32 $0x0, s20;
	[sflag:s22] =	ssyncset.done $0x0  }
0xa0: {  	[sflag:s22] =	ssyncadd.s32 s3;
	_ =	sdelay $0x1  }
0xa1: {  	s23 =	simm.s32 $0x1B8B  }
0xa2: {  	_ =	swait.ge [sflag:s23], $0x1  }
0xa3: {  	[sflag:s23] =	ssyncset.done $0x0  }
0xa4: {  	s25 =	simm.s32 $0x1B8E;
	s24 =	sld [smem:$0x3FFE];
	[sflag:s23] =	ssyncadd.s32 $0xFFFFFFFF  }
0xa5: {  	s26 =	simm.s32 $execute0_lowered;
	[smem:$0x3FD2] =	sst s25  }
0xa6: {  	s4 =	sshll.u32 s26, $0x1;
	_ =	strace $0x80000049;
	[dreg:$0x1] =	wrdreg $0xFFFFFFFF  }
0xa7: {  	s28 =	simm.s32 $_size_execute0_lowered;
	s2 =	sadd.s32 s2, s4;
	[dreg:$0x0] =	wrdreg $0x0  }
0xa8: {  	s4 =	sshll.u32 s28, $0x1;
	[dreg:$0x2] =	wrdreg s2  }
0xa9: {  	[dreg:$0x3] =	wrdreg s4  }
0xaa: {  	[dreg:$0x4] =	wrdreg $0xC0  }
0xab: {  	_ =	task [dreg:s6], $0x5FFFF  }
0xac: {  	[dreg:$0x1] =	wrdreg $0xFFFFFFFF  }
0xad: {  	[dreg:$0x0] =	wrdreg $0x60  }
0xae: {  	[dreg:$0x2] =	wrdreg s24  }
0xaf: {  	[dreg:$0x3] =	wrdreg $0x61100  }
0xb0: {  	[dreg:$0x4] =	wrdreg $0x3A000  }
0xb1: {  	[dreg:$0x5] =	wrdreg $0x9  }
0xb2: {  	_ =	task.clear_ibuf [dreg:s6], $0x6FFFF;
	_ =	strace $0x90000049  }
0xb3: {  	s29 =	simm.s32 $0x9;
	_ =	strace $0x8000004B  }
0xb4: {  	_ =	swait.ge [sflag:s29], $0x1  }
0xb5: {  	[sflag:s29] =	ssyncadd.s32 $0xFFFFFFFF  }
0xb6: {  	_ =	strace $0x9000004B  }
0xb7: {  	_ =	sfence  }
0xb8: {  	s30 =	sld [smem:$0x0];
	_ =	sdelay $0x2  }
0xb9: {  	s31 =	sshll.u32 s1, $0xD;
	s1 =	sshrl.u32 s1, $0x2  }
0xba: {  	s3 =	sand.u32 $0x4000, s31;
	s1 =	sadd.s32 s1, s30  }
0xbb: {  	s0 =	sor.u32 s3, s0;
	s1 =	sshll.u32 s1, $0x11  }
0xbc: {  	s0 =	sor.u32 s1, s0  }
0xbd: {  	s0 =	sadd.s32 $0x8F2B, s0  }
0xbe: {  	[sflag:s0] =	ssyncadd.remote.s32 $0x1  }
0xbf: {  	_ =	sfence.sel $0xFFFF  }
0xc0: {  	[dreg:$0x0] =	wrdreg $0xFFFFFFFF;
	(pc) =	sbr.abs _section_cstart, $3  }
0xc1: {  	[dreg:$0x1] =	wrdreg $0xFFFFFFFF  }
0xc2: {  	_ =	task.clear_ibuf [dreg:s6], $0x2FFFF;
	_ =	strace $0x9FFFFFFF  }
0xc3: {  	(tm) =	ssettm $0x7FFFFFFF  }
tec
execute0_lowered:
.L_overlay_start_1:
0x0: {  	(tag) =	ssettag $0x1  }
0x1: {  	s5 =	rddreg [dreg:$0x0]  }
0x2: {  	s1 =	rddreg [dreg:$0x1]  }
0x3: {  	s0 =	srdreg.scid;
	s3 =	rddreg [dreg:$0x2]  }
0x4: {  	s2 =	stileid.u32;
	s4 =	simm.s32 $0x0;
	s14 =	simm.s32 $0x2780  }
0x5: {  	s15 =	simm.s32 $0x2900;
	s16 =	simm.s32 $0x2800;
	s17 =	simm.s32 $0x3100  }
0x6: {  	s18 =	simm.s32 $0x1;
	s19 =	simm.s32 $0x2880;
	s8 =	smul.u32 $0x2710, s2  }
0x7: {  	s6 =	sand.u32 $0x1, s0;
	s0 =	rddreg [dreg:$0x3];
	s11 =	smul.u32 $0xA000, s2  }
0x8: {  	s20 =	simm.s32 $0x2;
	[smem:$0x7FF] =	sst s4;
	s30 =	smul.u32 $0x2800, s2  }
0x9: {  	s31 =	sshll.u32 s2, $0x6;
	s7 =	sshll.u32 s6, $0x4;
	_ =	strace $0x8000004A  }
0xa: {  	s10 =	smul.u32 $0x5000, s6;
	s6 =	ssub.s32 $0x2, s6;
	s7 =	sor.u32 s2, s7  }
0xb: {  	s9 =	sshrl.u32 s8, $0x3;
	s28 =	sshrl.u32 s6, $0x1;
	s29 =	sshrl.u32 s11, $0x2  }
0xc: {  	s13 =	sadd.s32 s8, s3;
	s22 =	sshrl.u32 s30, $0x3;
	s23 =	sadd.s32 s30, s1  }
0xd: {  	s11 =	sor.u32 $0x1C03, s31;
	s7 =	smul.u32 $0x4F0, s7;
	s9 =	sadd.s32 s9, s5  }
0xe: {  	s10 =	sadd.s32 s10, s5;
	s12 =	ssub.s32 s6, s28;
	s6 =	sadd.s32 $0xBC00, s9  }
0xf: {  	s21 =	sadd.s32 $0x10C00, s10;
	s8 =	smax.u32 s12, $0x1;
	s9 =	simm.s32 $0x3900  }
0x10: {  	s10 =	simm.s32 $0x3;
	s12 =	sshrl.u32 s13, $0x3;
	s13 =	simm.s32 $0x80  }
0x11: {  	s7 =	sadd.s32 s7, s5;
	s5 =	sadd.s32 s29, s1;
	s21 =	sadd.s32 s22, s21  }
0x12: {  	v0 =	vimm.f32 $0.0e+00;
	s22 =	sshrl.u32 s23, $0x3;
	s23 =	simm.s32 $0x0;
	s7 =	sadd.s32 $0x1E00, s7  }
.LBB2_1:
0x13: {  	[tilespmem:$0x3900] =	vst v0  }
0x14: {  	[tilespmem:$0x3910] =	vst v0  }
0x15: {  	[tilespmem:$0x3920] =	vst v0  }
0x16: {  	[tilespmem:$0x3930] =	vst v0  }
0x17: {  	[tilespmem:$0x3940] =	vst v0  }
0x18: {  	[tilespmem:$0x3950] =	vst v0  }
0x19: {  	[tilespmem:$0x3960] =	vst v0  }
0x1a: {  	[tilespmem:$0x3970] =	vst v0  }
0x1b: {  	[tilespmem:$0x3980] =	vst v0  }
0x1c: {  	[tilespmem:$0x3990] =	vst v0  }
0x1d: {  	[tilespmem:$0x39A0] =	vst v0  }
0x1e: {  	[tilespmem:$0x39B0] =	vst v0  }
0x1f: {  	[tilespmem:$0x39C0] =	vst v0  }
0x20: {  	[tilespmem:$0x39D0] =	vst v0  }
0x21: {  	[tilespmem:$0x39E0] =	vst v0  }
0x22: {  	[tilespmem:$0x39F0] =	vst v0;
	s24 =	sadd.s32 $0x0, s5  }
0x23: {  	[spmem:s24] =	stream.linear.scatter [tilespmem:s9], [sflag:$0x3], $0x100, $0x38;
	[tilespmem:$0x8910] =	vst v63  }
0x24: {  	s24 =	simm.s32 $0x400;
	_ =	swait.ge [sflag:s10], $0x100  }
.LBB2_2:
0x25: {  	s25 =	sshra.s32 s24, $0x2;
	[sflag:s10] =	ssyncset.done $0x0;
	p0 =	sne.s32 s24, $0x9C00  }
.Ltmp0:
0x26: {  	s25 =	sadd.s32 s25, s5;
	[sflag:s10] =	ssyncadd.s32 $0xFFFFFF00;
	(pc) =	sbr.rel @p0 .LBB2_2-.Ltmp0, $3  }
0x27: {  	[spmem:s25] =	stream.linear.scatter [tilespmem:s9], [sflag:$0x3], $0x100, $0x38;
	[tilespmem:$0x8910] =	vst v63  }
0x28: {  	s24 =	sadd.s32 $0x400, s24;
	_ =	sdelay $0x1  }
0x29: {  	_ =	swait.ge [sflag:s10], $0x100  }
0x2a: {  	[sflag:s10] =	ssyncset.done $0x0  }
0x2b: {  	[sflag:s10] =	ssyncadd.s32 $0xFFFFFF00  }
0x2c: {  	[spmem:s12], [sflag:s11] =	dma.local [hbm:s6], $0x4E2  }
0x2d: {  	_ =	swait.ge [sflag:s10], $0x4E2  }
0x2e: {  	[sflag:s10] =	ssyncset.done $0x0  }
0x2f: {  	[sflag:s10] =	ssyncadd.s32 $0xFFFFFB1E  }
0x30: {  	[bflag:$0x0] =	sbarrier.arrive $0xFFFF  }
0x31: {  	[tilespmem:s4], [sflag:$0x3] =	stream.linear.gather [hbm4b:s7+s4], $0x2780, $0x38;
	[tilespmem:$0x8910] =	vst v63  }
0x32: {  	_ =	swait.ge [sflag:s10], $0x2780  }
0x33: {  	[sflag:s10] =	ssyncset.done $0x0  }
0x34: {  	[sflag:s10] =	ssyncadd.s32 $0xFFFFD880  }
0x35: {  	v1 =	vld [tilespmem:$0x0]  }
0x36: {  	v2 =	vld [tilespmem:$0x10]  }
0x37: {  	v3 =	vld [tilespmem:$0x20]  }
0x38: {  	v4 =	vld [tilespmem:$0x30]  }
0x39: {  	v5 =	vld [tilespmem:$0x40]  }
0x3a: {  	v6 =	vld [tilespmem:$0x50];
	v1 =	vand.u32 $0x3FFF, v1  }
0x3b: {  	[tilespmem:$0x2780] =	vst v1;
	v1 =	vand.u32 $0x3FFF, v2;
	v2 =	vld [tilespmem:$0x60]  }
0x3c: {  	[tilespmem:$0x2790] =	vst v1;
	v1 =	vand.u32 $0x3FFF, v3;
	v3 =	vld [tilespmem:$0x70]  }
0x3d: {  	[tilespmem:$0x27A0] =	vst v1;
	v1 =	vand.u32 $0x3FFF, v4  }
0x3e: {  	[tilespmem:$0x27B0] =	vst v1;
	v1 =	vand.u32 $0x3FFF, v5  }
0x3f: {  	[tilespmem:$0x27C0] =	vst v1;
	v1 =	vand.u32 $0x3FFF, v6  }
0x40: {  	[tilespmem:$0x27D0] =	vst v1;
	v1 =	vand.u32 $0x3FFF, v2  }
0x41: {  	[tilespmem:$0x27E0] =	vst v1;
	v1 =	vand.u32 $0x3FFF, v3  }
0x42: {  	[tilespmem:$0x27F0] =	vst v1  }
0x43: {  	[tilespmem:s15], [sflag:$0x1] =	stream.indirect.gather [spmem:s3], $0x10, s14, s13, $0xb8;
	[tilespmem:$0x8910] =	vst v63  }
0x44: {  	v1 =	vld [tilespmem:$0x80]  }
0x45: {  	v2 =	vld [tilespmem:$0x90]  }
0x46: {  	v3 =	vld [tilespmem:$0xA0]  }
0x47: {  	v61 =	vld [tilespmem:$0xB0]  }
0x48: {  	v62 =	vld [tilespmem:$0xC0]  }
0x49: {  	v63 =	vld [tilespmem:$0xD0];
	v1 =	vand.u32 $0x3FFF, v1  }
0x4a: {  	[tilespmem:$0x2800] =	vst v1;
	v1 =	vand.u32 $0x3FFF, v2;
	v2 =	vld [tilespmem:$0xE0]  }
0x4b: {  	[tilespmem:$0x2810] =	vst v1;
	v1 =	vand.u32 $0x3FFF, v3;
	v3 =	vld [tilespmem:$0xF0]  }
0x4c: {  	[tilespmem:$0x2820] =	vst v1;
	v1 =	vand.u32 $0x3FFF, v61  }
0x4d: {  	[tilespmem:$0x2830] =	vst v1;
	v1 =	vand.u32 $0x3FFF, v62  }
0x4e: {  	[tilespmem:$0x2840] =	vst v1;
	v1 =	vand.u32 $0x3FFF, v63  }
0x4f: {  	[tilespmem:$0x2850] =	vst v1;
	v1 =	vand.u32 $0x3FFF, v2  }
0x50: {  	[tilespmem:$0x2860] =	vst v1;
	v1 =	vand.u32 $0x3FFF, v3  }
0x51: {  	[tilespmem:$0x2870] =	vst v1  }
0x52: {  	[tilespmem:s17], [sflag:$0x2] =	stream.indirect.gather [spmem:s3], $0x10, s16, s13, $0xb8;
	[tilespmem:$0x8910] =	vst v63  }
0x53: {  	_ =	swait.ge [sflag:s18], $0x800  }
0x54: {  	[sflag:s18] =	ssyncset.done $0x0  }
0x55: {  	s24 =	simm.s32 $0xC0;
	[sflag:s18] =	ssyncadd.s32 $0xFFFFF800  }
0x56: {  	v1 =	vld [tilespmem:s24+$0xFFFFFF40];
	_ =	sdelay $0x4  }
0x57: {  	v1 =	vshrl.u32 v1, $0xE  }
0x58: {  	[tilespmem:$0x2880] =	vst v1  }
0x59: {  	v1 =	vld [tilespmem:s24+$0xFFFFFF50];
	_ =	sdelay $0x4  }
0x5a: {  	v1 =	vshrl.u32 v1, $0xE  }
0x5b: {  	[tilespmem:$0x2890] =	vst v1  }
0x5c: {  	v1 =	vld [tilespmem:s24+$0xFFFFFF60];
	_ =	sdelay $0x4  }
0x5d: {  	v1 =	vshrl.u32 v1, $0xE  }
0x5e: {  	[tilespmem:$0x28A0] =	vst v1  }
0x5f: {  	v1 =	vld [tilespmem:s24+$0xFFFFFF70];
	_ =	sdelay $0x4  }
0x60: {  	v1 =	vshrl.u32 v1, $0xE  }
0x61: {  	[tilespmem:$0x28B0] =	vst v1  }
0x62: {  	v1 =	vld [tilespmem:s24+$0xFFFFFF80];
	_ =	sdelay $0x4  }
0x63: {  	v1 =	vshrl.u32 v1, $0xE  }
0x64: {  	[tilespmem:$0x28C0] =	vst v1  }
0x65: {  	v1 =	vld [tilespmem:s24+$0xFFFFFF90];
	_ =	sdelay $0x4  }
0x66: {  	v1 =	vshrl.u32 v1, $0xE  }
0x67: {  	[tilespmem:$0x28D0] =	vst v1  }
0x68: {  	v1 =	vld [tilespmem:s24+$0xFFFFFFA0];
	_ =	sdelay $0x4  }
0x69: {  	v1 =	vshrl.u32 v1, $0xE  }
0x6a: {  	[tilespmem:$0x28E0] =	vst v1  }
0x6b: {  	v1 =	vld [tilespmem:s24+$0xFFFFFFB0];
	_ =	sdelay $0x4  }
0x6c: {  	v1 =	vshrl.u32 v1, $0xE  }
0x6d: {  	[tilespmem:$0x28F0] =	vst v1  }
0x6e: {  	[spmem:s1] =	stream.indirect.scatter.add.f32 [tilespmem:s15], [sflag:$0x3], $0x10, s19, s13, $0xb8;
	[tilespmem:$0x8910] =	vst v63  }
0x6f: {  	_ =	swait.ge [sflag:s10], $0x800  }
0x70: {  	[sflag:s10] =	ssyncset.done $0x0  }
0x71: {  	[sflag:s10] =	ssyncadd.s32 $0xFFFFF800  }
0x72: {  	v1 =	vld [tilespmem:s24+$0x40];
	_ =	sdelay $0x4  }
0x73: {  	v1 =	vand.u32 $0x3FFF, v1  }
0x74: {  	[tilespmem:$0x2780] =	vst v1  }
0x75: {  	v1 =	vld [tilespmem:s24+$0x50];
	_ =	sdelay $0x4  }
0x76: {  	v1 =	vand.u32 $0x3FFF, v1  }
0x77: {  	[tilespmem:$0x2790] =	vst v1  }
0x78: {  	v1 =	vld [tilespmem:s24+$0x60];
	_ =	sdelay $0x4  }
0x79: {  	v1 =	vand.u32 $0x3FFF, v1  }
0x7a: {  	[tilespmem:$0x27A0] =	vst v1  }
0x7b: {  	v1 =	vld [tilespmem:s24+$0x70];
	_ =	sdelay $0x4  }
0x7c: {  	v1 =	vand.u32 $0x3FFF, v1  }
0x7d: {  	[tilespmem:$0x27B0] =	vst v1  }
0x7e: {  	v1 =	vld [tilespmem:s24+$0x80];
	_ =	sdelay $0x4  }
0x7f: {  	v1 =	vand.u32 $0x3FFF, v1  }
0x80: {  	[tilespmem:$0x27C0] =	vst v1  }
0x81: {  	v1 =	vld [tilespmem:s24+$0x90];
	_ =	sdelay $0x4  }
0x82: {  	v1 =	vand.u32 $0x3FFF, v1  }
0x83: {  	[tilespmem:$0x27D0] =	vst v1  }
0x84: {  	v1 =	vld [tilespmem:s24+$0xA0];
	_ =	sdelay $0x4  }
0x85: {  	v1 =	vand.u32 $0x3FFF, v1  }
0x86: {  	[tilespmem:$0x27E0] =	vst v1  }
0x87: {  	v1 =	vld [tilespmem:s24+$0xB0];
	_ =	sdelay $0x4  }
0x88: {  	v1 =	vand.u32 $0x3FFF, v1  }
0x89: {  	[tilespmem:$0x27F0] =	vst v1  }
0x8a: {  	[tilespmem:s15], [sflag:$0x1] =	stream.indirect.gather [spmem:s3], $0x10, s14, s13, $0xb8;
	[tilespmem:$0x8910] =	vst v63  }
0x8b: {  	_ =	swait.ge [sflag:s20], $0x800  }
0x8c: {  	[sflag:s20] =	ssyncset.done $0x0  }
0x8d: {  	[sflag:s20] =	ssyncadd.s32 $0xFFFFF800  }
0x8e: {  	v1 =	vld [tilespmem:s24+$0xFFFFFFC0];
	_ =	sdelay $0x4  }
0x8f: {  	v1 =	vshrl.u32 v1, $0xE  }
0x90: {  	[tilespmem:$0x2880] =	vst v1  }
0x91: {  	v1 =	vld [tilespmem:s24+$0xFFFFFFD0];
	_ =	sdelay $0x4  }
0x92: {  	v1 =	vshrl.u32 v1, $0xE  }
0x93: {  	[tilespmem:$0x2890] =	vst v1  }
0x94: {  	v1 =	vld [tilespmem:s24+$0xFFFFFFE0];
	_ =	sdelay $0x4  }
0x95: {  	v1 =	vshrl.u32 v1, $0xE  }
0x96: {  	[tilespmem:$0x28A0] =	vst v1  }
0x97: {  	v1 =	vld [tilespmem:s24+$0xFFFFFFF0];
	_ =	sdelay $0x4  }
0x98: {  	v1 =	vshrl.u32 v1, $0xE  }
0x99: {  	[tilespmem:$0x28B0] =	vst v1  }
0x9a: {  	v1 =	vld [tilespmem:s24+$0x0];
	_ =	sdelay $0x4  }
0x9b: {  	v1 =	vshrl.u32 v1, $0xE  }
0x9c: {  	[tilespmem:$0x28C0] =	vst v1  }
0x9d: {  	v1 =	vld [tilespmem:s24+$0x10];
	_ =	sdelay $0x4  }
0x9e: {  	v1 =	vshrl.u32 v1, $0xE  }
0x9f: {  	[tilespmem:$0x28D0] =	vst v1  }
0xa0: {  	v1 =	vld [tilespmem:s24+$0x20];
	_ =	sdelay $0x4  }
0xa1: {  	v1 =	vshrl.u32 v1, $0xE  }
0xa2: {  	[tilespmem:$0x28E0] =	vst v1  }
0xa3: {  	v1 =	vld [tilespmem:s24+$0x30];
	_ =	sdelay $0x4  }
0xa4: {  	v1 =	vshrl.u32 v1, $0xE  }
0xa5: {  	[tilespmem:$0x28F0] =	vst v1  }
0xa6: {  	[spmem:s1] =	stream.indirect.scatter.add.f32 [tilespmem:s17], [sflag:$0x3], $0x10, s19, s13, $0xb8;
	[tilespmem:$0x8910] =	vst v63  }
0xa7: {  	_ =	swait.ge [sflag:s10], $0x800  }
0xa8: {  	p0 =	por $0x0, $0x0;
	s24 =	simm.s32 $0x180;
	[sflag:s10] =	ssyncset.done $0x0  }
0xa9: {  	s24 =	simm.s32 @p0 $0x0;
	[sflag:s10] =	ssyncadd.s32 $0xFFFFF800  }
0xaa: {  	v1 =	vld [tilespmem:s24+$0x0];
	_ =	sdelay $0x4  }
0xab: {  	v1 =	vand.u32 $0x3FFF, v1  }
0xac: {  	[tilespmem:$0x2800] =	vst v1  }
0xad: {  	v1 =	vld [tilespmem:s24+$0x10];
	_ =	sdelay $0x4  }
0xae: {  	v1 =	vand.u32 $0x3FFF, v1  }
0xaf: {  	[tilespmem:$0x2810] =	vst v1  }
0xb0: {  	v1 =	vld [tilespmem:s24+$0x20];
	_ =	sdelay $0x4  }
0xb1: {  	v1 =	vand.u32 $0x3FFF, v1  }
0xb2: {  	[tilespmem:$0x2820] =	vst v1  }
0xb3: {  	v1 =	vld [tilespmem:s24+$0x30];
	_ =	sdelay $0x4  }
0xb4: {  	v1 =	vand.u32 $0x3FFF, v1  }
0xb5: {  	[tilespmem:$0x2830] =	vst v1  }
0xb6: {  	v1 =	vld [tilespmem:s24+$0x40];
	_ =	sdelay $0x4  }
0xb7: {  	v1 =	vand.u32 $0x3FFF, v1  }
0xb8: {  	[tilespmem:$0x2840] =	vst v1  }
0xb9: {  	v1 =	vld [tilespmem:s24+$0x50];
	_ =	sdelay $0x4  }
0xba: {  	v1 =	vand.u32 $0x3FFF, v1  }
0xbb: {  	[tilespmem:$0x2850] =	vst v1  }
0xbc: {  	v1 =	vld [tilespmem:s24+$0x60];
	_ =	sdelay $0x4  }
0xbd: {  	v1 =	vand.u32 $0x3FFF, v1  }
0xbe: {  	[tilespmem:$0x2860] =	vst v1  }
0xbf: {  	v1 =	vld [tilespmem:s24+$0x70];
	_ =	sdelay $0x4  }
0xc0: {  	v1 =	vand.u32 $0x3FFF, v1  }
0xc1: {  	s25 =	simm.s32 $0x1C0;
	s24 =	simm.s32 $0x280;
	[tilespmem:$0x2870] =	vst v1  }
.LBB2_4:
0xc2: {  	[tilespmem:s17], [sflag:$0x2] =	stream.indirect.gather [spmem:s3], $0x10, s16, s13, $0xb8;
	[tilespmem:$0x8910] =	vst v63  }
0xc3: {  	s26 =	smov.u32 s24  }
0xc4: {  	p0 =	sne.s32 s24, $0x2780;
	s24 =	sadd.s32 $0x100, s24;
	_ =	swait.ge [sflag:s18], $0x800  }
0xc5: {  	[sflag:s18] =	ssyncset.done $0x0  }
0xc6: {  	[sflag:s18] =	ssyncadd.s32 $0xFFFFF800  }
0xc7: {  	v1 =	vld [tilespmem:s25+$0xFFFFFF40];
	_ =	sdelay $0x4  }
0xc8: {  	v1 =	vshrl.u32 v1, $0xE  }
0xc9: {  	[tilespmem:$0x2880] =	vst v1  }
0xca: {  	v1 =	vld [tilespmem:s25+$0xFFFFFF50];
	_ =	sdelay $0x4  }
0xcb: {  	v1 =	vshrl.u32 v1, $0xE  }
0xcc: {  	[tilespmem:$0x2890] =	vst v1  }
0xcd: {  	v1 =	vld [tilespmem:s25+$0xFFFFFF60];
	_ =	sdelay $0x4  }
0xce: {  	v1 =	vshrl.u32 v1, $0xE  }
0xcf: {  	[tilespmem:$0x28A0] =	vst v1  }
0xd0: {  	v1 =	vld [tilespmem:s25+$0xFFFFFF70];
	_ =	sdelay $0x4  }
0xd1: {  	v1 =	vshrl.u32 v1, $0xE  }
0xd2: {  	[tilespmem:$0x28B0] =	vst v1  }
0xd3: {  	v1 =	vld [tilespmem:s25+$0xFFFFFF80];
	_ =	sdelay $0x4  }
0xd4: {  	v1 =	vshrl.u32 v1, $0xE  }
0xd5: {  	[tilespmem:$0x28C0] =	vst v1  }
0xd6: {  	v1 =	vld [tilespmem:s25+$0xFFFFFF90];
	_ =	sdelay $0x4  }
0xd7: {  	v1 =	vshrl.u32 v1, $0xE  }
0xd8: {  	[tilespmem:$0x28D0] =	vst v1  }
0xd9: {  	v1 =	vld [tilespmem:s25+$0xFFFFFFA0];
	_ =	sdelay $0x4  }
0xda: {  	v1 =	vshrl.u32 v1, $0xE  }
0xdb: {  	[tilespmem:$0x28E0] =	vst v1  }
0xdc: {  	v1 =	vld [tilespmem:s25+$0xFFFFFFB0];
	_ =	sdelay $0x4  }
0xdd: {  	v1 =	vshrl.u32 v1, $0xE  }
0xde: {  	[tilespmem:$0x28F0] =	vst v1  }
0xdf: {  	[spmem:s1] =	stream.indirect.scatter.add.f32 [tilespmem:s15], [sflag:$0x3], $0x10, s19, s13, $0xb8;
	[tilespmem:$0x8910] =	vst v63  }
0xe0: {  	_ =	swait.ge [sflag:s10], $0x800  }
0xe1: {  	[sflag:s10] =	ssyncset.done $0x0  }
0xe2: {  	[sflag:s10] =	ssyncadd.s32 $0xFFFFF800  }
0xe3: {  	v1 =	vld [tilespmem:s25+$0x40];
	_ =	sdelay $0x4  }
0xe4: {  	v1 =	vand.u32 $0x3FFF, v1  }
0xe5: {  	[tilespmem:$0x2780] =	vst v1  }
0xe6: {  	v1 =	vld [tilespmem:s25+$0x50];
	_ =	sdelay $0x4  }
0xe7: {  	v1 =	vand.u32 $0x3FFF, v1  }
0xe8: {  	[tilespmem:$0x2790] =	vst v1  }
0xe9: {  	v1 =	vld [tilespmem:s25+$0x60];
	_ =	sdelay $0x4  }
0xea: {  	v1 =	vand.u32 $0x3FFF, v1  }
0xeb: {  	[tilespmem:$0x27A0] =	vst v1  }
0xec: {  	v1 =	vld [tilespmem:s25+$0x70];
	_ =	sdelay $0x4  }
0xed: {  	v1 =	vand.u32 $0x3FFF, v1  }
0xee: {  	[tilespmem:$0x27B0] =	vst v1  }
0xef: {  	v1 =	vld [tilespmem:s25+$0x80];
	_ =	sdelay $0x4  }
0xf0: {  	v1 =	vand.u32 $0x3FFF, v1  }
0xf1: {  	[tilespmem:$0x27C0] =	vst v1  }
0xf2: {  	v1 =	vld [tilespmem:s25+$0x90];
	_ =	sdelay $0x4  }
0xf3: {  	v1 =	vand.u32 $0x3FFF, v1  }
0xf4: {  	[tilespmem:$0x27D0] =	vst v1  }
0xf5: {  	v1 =	vld [tilespmem:s25+$0xA0];
	_ =	sdelay $0x4  }
0xf6: {  	v1 =	vand.u32 $0x3FFF, v1  }
0xf7: {  	[tilespmem:$0x27E0] =	vst v1  }
0xf8: {  	v1 =	vld [tilespmem:s25+$0xB0];
	_ =	sdelay $0x4  }
0xf9: {  	v1 =	vand.u32 $0x3FFF, v1  }
0xfa: {  	[tilespmem:$0x27F0] =	vst v1  }
0xfb: {  	[tilespmem:s15], [sflag:$0x1] =	stream.indirect.gather [spmem:s3], $0x10, s14, s13, $0xb8;
	[tilespmem:$0x8910] =	vst v63  }
0xfc: {  	_ =	swait.ge [sflag:s20], $0x800  }
0xfd: {  	[sflag:s20] =	ssyncset.done $0x0  }
0xfe: {  	[sflag:s20] =	ssyncadd.s32 $0xFFFFF800  }
0xff: {  	v1 =	vld [tilespmem:s25+$0xFFFFFFC0];
	_ =	sdelay $0x4  }
0x100: {  	v1 =	vshrl.u32 v1, $0xE  }
0x101: {  	[tilespmem:$0x2880] =	vst v1  }
0x102: {  	v1 =	vld [tilespmem:s25+$0xFFFFFFD0];
	_ =	sdelay $0x4  }
0x103: {  	v1 =	vshrl.u32 v1, $0xE  }
0x104: {  	[tilespmem:$0x2890] =	vst v1  }
0x105: {  	v1 =	vld [tilespmem:s25+$0xFFFFFFE0];
	_ =	sdelay $0x4  }
0x106: {  	v1 =	vshrl.u32 v1, $0xE  }
0x107: {  	[tilespmem:$0x28A0] =	vst v1  }
0x108: {  	v1 =	vld [tilespmem:s25+$0xFFFFFFF0];
	_ =	sdelay $0x4  }
0x109: {  	v1 =	vshrl.u32 v1, $0xE  }
0x10a: {  	[tilespmem:$0x28B0] =	vst v1  }
0x10b: {  	v1 =	vld [tilespmem:s25+$0x0];
	_ =	sdelay $0x4  }
0x10c: {  	v1 =	vshrl.u32 v1, $0xE  }
0x10d: {  	[tilespmem:$0x28C0] =	vst v1  }
0x10e: {  	v1 =	vld [tilespmem:s25+$0x10];
	_ =	sdelay $0x4  }
0x10f: {  	v1 =	vshrl.u32 v1, $0xE  }
0x110: {  	[tilespmem:$0x28D0] =	vst v1  }
0x111: {  	v1 =	vld [tilespmem:s25+$0x20];
	_ =	sdelay $0x4  }
0x112: {  	v1 =	vshrl.u32 v1, $0xE  }
0x113: {  	[tilespmem:$0x28E0] =	vst v1  }
0x114: {  	v1 =	vld [tilespmem:s25+$0x30];
	_ =	sdelay $0x4  }
0x115: {  	v1 =	vshrl.u32 v1, $0xE  }
0x116: {  	[tilespmem:$0x28F0] =	vst v1  }
0x117: {  	[spmem:s1] =	stream.indirect.scatter.add.f32 [tilespmem:s17], [sflag:$0x3], $0x10, s19, s13, $0xb8;
	[tilespmem:$0x8910] =	vst v63  }
0x118: {  	_ =	swait.ge [sflag:s10], $0x800  }
0x119: {  	p1 =	seq.s32 s26, $0x2780;
	[sflag:s10] =	ssyncset.done $0x0  }
0x11a: {  	s26 =	simm.s32 @p1 $0x0;
	[sflag:s10] =	ssyncadd.s32 $0xFFFFF800  }
0x11b: {  	v1 =	vld [tilespmem:s26+$0x0];
	_ =	sdelay $0x4  }
0x11c: {  	v1 =	vand.u32 $0x3FFF, v1  }
0x11d: {  	[tilespmem:$0x2800] =	vst v1  }
0x11e: {  	v1 =	vld [tilespmem:s26+$0x10];
	_ =	sdelay $0x4  }
0x11f: {  	v1 =	vand.u32 $0x3FFF, v1  }
0x120: {  	[tilespmem:$0x2810] =	vst v1  }
0x121: {  	v1 =	vld [tilespmem:s26+$0x20];
	_ =	sdelay $0x4  }
0x122: {  	v1 =	vand.u32 $0x3FFF, v1  }
0x123: {  	[tilespmem:$0x2820] =	vst v1  }
0x124: {  	v1 =	vld [tilespmem:s26+$0x30];
	_ =	sdelay $0x4  }
0x125: {  	v1 =	vand.u32 $0x3FFF, v1  }
0x126: {  	[tilespmem:$0x2830] =	vst v1  }
0x127: {  	v1 =	vld [tilespmem:s26+$0x40];
	_ =	sdelay $0x4  }
0x128: {  	v1 =	vand.u32 $0x3FFF, v1  }
0x129: {  	[tilespmem:$0x2840] =	vst v1  }
0x12a: {  	v1 =	vld [tilespmem:s26+$0x50];
	_ =	sdelay $0x4  }
0x12b: {  	v1 =	vand.u32 $0x3FFF, v1  }
0x12c: {  	[tilespmem:$0x2850] =	vst v1  }
0x12d: {  	v1 =	vld [tilespmem:s26+$0x60];
	_ =	sdelay $0x4  }
0x12e: {  	v1 =	vand.u32 $0x3FFF, v1  }
0x12f: {  	[tilespmem:$0x2860] =	vst v1  }
0x130: {  	v1 =	vld [tilespmem:s26+$0x70];
	_ =	sdelay $0x1  }
.Ltmp1:
0x131: {  	(pc) =	sbr.rel @p0 .LBB2_4-.Ltmp1, $3  }
0x132: {  	_ =	sdelay $0x1  }
0x133: {  	v1 =	vand.u32 $0x3FFF, v1  }
0x134: {  	s25 =	sadd.s32 $0x100, s25;
	[tilespmem:$0x2870] =	vst v1  }
0x135: {  	[tilespmem:s17], [sflag:$0x2] =	stream.indirect.gather [spmem:s3], $0x10, s16, s13, $0xb8;
	[tilespmem:$0x8910] =	vst v63  }
0x136: {  	_ =	swait.ge [sflag:s18], $0x800  }
0x137: {  	[sflag:s18] =	ssyncset.done $0x0  }
0x138: {  	[sflag:s18] =	ssyncadd.s32 $0xFFFFF800  }
0x139: {  	v1 =	vld [tilespmem:$0x2700]  }
0x13a: {  	v2 =	vld [tilespmem:$0x2710]  }
0x13b: {  	v3 =	vld [tilespmem:$0x2720]  }
0x13c: {  	v4 =	vld [tilespmem:$0x2730]  }
0x13d: {  	v5 =	vld [tilespmem:$0x2740]  }
0x13e: {  	v6 =	vld [tilespmem:$0x2750];
	v1 =	vshrl.u32 v1, $0xE  }
0x13f: {  	[tilespmem:$0x2880] =	vst v1;
	v1 =	vshrl.u32 v2, $0xE;
	v2 =	vld [tilespmem:$0x2760]  }
0x140: {  	[tilespmem:$0x2890] =	vst v1;
	v1 =	vshrl.u32 v3, $0xE;
	v3 =	vld [tilespmem:$0x2770]  }
0x141: {  	[tilespmem:$0x28A0] =	vst v1;
	v1 =	vshrl.u32 v4, $0xE  }
0x142: {  	[tilespmem:$0x28B0] =	vst v1;
	v1 =	vshrl.u32 v5, $0xE  }
0x143: {  	[tilespmem:$0x28C0] =	vst v1;
	v1 =	vshrl.u32 v6, $0xE  }
0x144: {  	[tilespmem:$0x28D0] =	vst v1;
	v1 =	vshrl.u32 v2, $0xE  }
0x145: {  	[tilespmem:$0x28E0] =	vst v1;
	v1 =	vshrl.u32 v3, $0xE  }
0x146: {  	[tilespmem:$0x28F0] =	vst v1  }
0x147: {  	[spmem:s1] =	stream.indirect.scatter.add.f32 [tilespmem:s15], [sflag:$0x3], $0x10, s19, s13, $0xb8;
	[tilespmem:$0x8910] =	vst v63  }
0x148: {  	_ =	swait.ge [sflag:s10], $0x800  }
0x149: {  	[sflag:s10] =	ssyncset.done $0x0  }
0x14a: {  	[sflag:s10] =	ssyncadd.s32 $0xFFFFF800  }
0x14b: {  	[tilespmem:s15], [sflag:$0x1] =	stream.indirect.gather [spmem:s3], $0x10, s14, s13, $0xb8;
	[tilespmem:$0x8910] =	vst v63  }
0x14c: {  	_ =	swait.ge [sflag:s18], $0x800  }
0x14d: {  	[sflag:s18] =	ssyncset.done $0x0  }
0x14e: {  	[sflag:s18] =	ssyncadd.s32 $0xFFFFF800  }
0x14f: {  	_ =	swait.ge [sflag:s20], $0x800  }
0x150: {  	s23 =	sadd.s32 $0x1, s23;
	[sflag:s20] =	ssyncset.done $0x0  }
0x151: {  	p0 =	sne.s32 s23, s8;
	[sflag:s20] =	ssyncadd.s32 $0xFFFFF800  }
.Ltmp2:
0x152: {  	[bflag:$0x0] =	sbarrier.arrive $0xFFFF;
	(pc) =	sbr.rel @p0 .LBB2_1-.Ltmp2, $4  }
0x153: {  	[hbm:s21], [sflag:s11] =	dma.local [spmem:s22], $0x500  }
0x154: {  	_ =	swait.ge [sflag:s10], $0x500  }
0x155: {  	[sflag:s10] =	ssyncset.done $0x0  }
0x156: {  	[sflag:s10] =	ssyncadd.s32 $0xFFFFFB00  }
0x157: {  	_ =	sfence.sel $0x180000  }
0x158: {  	[bflag:$0x0] =	sbarrier.arrive $0xFFFF  }
0x159: {  	p0 =	sne.s32 s2, $0x0;
	_ =	strace $0x9000004A  }
0x15a: {  	s0 =	sadd.s32 @!p0 $0x100000, s0;
	[bflag:$0x2] =	sbarrier.arrive $0xFFFF  }
0x15b: {  	[sflag:s0] =	ssyncadd.tile.s32 @!p0 $0x1;
	_ =	shalt  }
.Lfunc_end2:
_tile_overlayer_lowered:
.L_overlay_start_2:
0x15c: {  	(tag) =	ssettag $0x2  }
0x15d: {  	s0 =	rddreg [dreg:$0x0];
	s2 =	stileid.u32  }
0x15e: {  	s1 =	rddreg [dreg:$0x1];
	p0 =	sne.s32 s2, $0x0  }
0x15f: {  	s3 =	rddreg [dreg:$0x2];
	[bflag:$0x3] =	sbarrier.arrive $0xFFFF;
	s2 =	simm.s32 @!p0 $0x1C03  }
0x160: {  	[timem:s3], [sflag:s2] =	dma.local @!p0 [hbm:s0], s1  }
0x161: {  	s0 =	simm.s32 @!p0 $0x3  }
0x162: {  	_ =	swait.ge @!p0 [sflag:s0], s1  }
0x163: {  	s1 =	ssub.s32 @!p0 $0x0, s1;
	[sflag:s0] =	ssyncset.done @!p0 $0x0  }
0x164: {  	[sflag:s0] =	ssyncadd.s32 @!p0 s1  }
0x165: {  	[bflag:$0x3] =	sbarrier.arrive $0xFFFF  }
0x166: {  	_ =	shalt  }

// kernel: kernel.14.cloned.1.call-start
scs
__scs_entry_jumppad:
0x0: {  	(pc) =	sbr.rel $0x88, $3  }
0x1: {  	(tag) =	ssettag $0x0;
	lr =	simm.s32 $0x1  }
0x2: {  	[smem:$0x3F97] =	sst lr;
	_ =	strace $0xD0000000  }
0x3: {  	_ = 	snop  }
0x4: {  	_ = 	snop  }
0x5: {  	_ = 	snop  }
0x6: {  	_ = 	snop  }
0x7: {  	_ = 	snop  }
__scs_overlays_trampoline_lowered:
0x8: {  	[smem:$0x3FA6] =	sst s0  }
0x9: {  	[smem:$0x3FA7] =	sst s1  }
0xa: {  	[smem:$0x3FA8] =	sst s2  }
0xb: {  	[smem:$0x3FA9] =	sst s3  }
0xc: {  	[smem:$0x3FAA] =	sst s4  }
0xd: {  	[smem:$0x3FAB] =	sst s5  }
0xe: {  	[smem:$0x3FAC] =	sst s6  }
0xf: {  	[smem:$0x3FAD] =	sst s7  }
0x10: {  	[smem:$0x3FAE] =	sst s8  }
0x11: {  	[smem:$0x3FAF] =	sst s9;
	s0 =	simm.s32 @!p0 $0x0  }
0x12: {  	s1 =	sld [smem:$0x3F95];
	s0 =	simm.s32 @p0 $0x1  }
0x13: {  	[smem:$0x3FB0] =	sst s0;
	s0 =	simm.s32 @!p1 $0x0  }
0x14: {  	s2 =	sld [smem:$0x3F94];
	s0 =	simm.s32 @p1 $0x1  }
0x15: {  	[smem:$0x3FB1] =	sst s0;
	s0 =	simm.s32 @!p2 $0x0  }
0x16: {  	s3 =	sld [smem:$0x3FDB];
	s0 =	simm.s32 @p2 $0x1  }
0x17: {  	s4 =	simm.s32 $0x1BF5;
	[smem:$0x3FB3] =	sst s0  }
0x18: {  	s0 =	sld [smem:$0x3F96];
	_ =	swait.ge [sflag:s4], $0x0  }
0x19: {  	s7 =	sld [smem:$0x3F97]  }
0x1a: {  	s8 =	sadd.s32 $0xFFFFE003, lr  }
0x1b: {  	s9 =	sadd.s32 $0xFFFFFEF7, lr;
	s5 =	simm.s32 $0xFFFFFFFF;
	p2 =	slt.u32 s8, $0xFFFFF086  }
0x1c: {  	p1 =	slt.u32 s9, $0xF7A;
	s5 =	simm.s32 @!p2 $0x0  }
0x1d: {  	s5 =	simm.s32 @p1 $0x1;
	p0 =	seq.s32 s7, s2  }
0x1e: {  	s7 =	smul.u32 @!p0 $0xF7A, s2;
	p2 =	seq.s32 @!p0 s5, $0x0  }
0x1f: {  	s9 =	smul.u32 $0xF7A, s1;
	s8 =	simm.s32 @!p0 $0x1BF5;
	p2 =	por !p2, p0  }
0x20: {  	[sflag:s8] =	ssyncset.s32 @!p0 $0xFFFFF086;
	s6 =	sadd.s32 @!p0 s3, s7;
	s7 =	simm.s32 @!p0 $0x108  }
0x21: {  	s3 =	sadd.s32 s3, s9;
	s6 =	sadd.s32 @!p0 $0x88, s6;
	s7 =	simm.s32 @p2 $0x1082  }
0x22: {  	[simem:s7], [sflag:s8] =	dma.local @!p0 [hbm:s6], $0xF7A  }
0x23: {  	s9 =	sor.u32 $0xD0000000, s2;
	s6 =	simm.s32 $0x108;
	_ =	swait.ge @!p0 [sflag:s8], $0x0  }
0x24: {  	s3 =	sadd.s32 $0x88, s3;
	s6 =	simm.s32 @!p1 $0x1082;
	[sflag:s4] =	ssyncset.s32 $0xFFFFF086  }
0x25: {  	[simem:s6], [sflag:s4] =	dma.local [hbm:s3], $0xF7A  }
0x26: {  	[smem:$0x3F97] =	sst s1;
	(tag) =	ssettag s2;
	_ =	strace s9  }
0x27: {  	s1 =	sld [smem:$0x3FA7]  }
0x28: {  	s2 =	sld [smem:$0x3FA8]  }
0x29: {  	s4 =	sld [smem:$0x3FAA]  }
0x2a: {  	p0 =	seq.s32 s5, $0x0;
	s5 =	sld [smem:$0x3FAB]  }
0x2b: {  	s6 =	sld [smem:$0x3FAC]  }
0x2c: {  	s7 =	sld [smem:$0x3FAD]  }
0x2d: {  	s3 =	simm.s32 $0x108;
	s8 =	sld [smem:$0x3FAE]  }
0x2e: {  	s3 =	simm.s32 @!p0 $0x1082;
	s9 =	sld [smem:$0x3FAF]  }
0x2f: {  	lr =	sadd.s32 s0, s3;
	s0 =	sld [smem:$0x3FA6]  }
0x30: {  	s3 =	sld [smem:$0x3FA9]  }
0x31: {  	[smem:$0x3FB2] =	sst s10  }
0x32: {  	s10 =	sld [smem:$0x3FB0];
	_ =	sdelay $0x3  }
0x33: {  	p0 =	seq.s32 s10, $0x1;
	s10 =	sld [smem:$0x3FB2];
	_ =	sdelay $0x3  }
0x34: {  	[smem:$0x3FB2] =	sst s10  }
0x35: {  	s10 =	sld [smem:$0x3FB1];
	_ =	sdelay $0x3  }
0x36: {  	p1 =	seq.s32 s10, $0x1;
	s10 =	sld [smem:$0x3FB2];
	_ =	sdelay $0x3  }
0x37: {  	[smem:$0x3FB2] =	sst s10  }
0x38: {  	s10 =	sld [smem:$0x3FB3]  }
0x39: {  	_ = 	snop;
	(pc) =	sbr.ind lr, $3  }
0x3a: {  	_ = 	snop  }
0x3b: {  	_ = 	snop  }
0x3c: {  	p2 =	seq.s32 s10, $0x1;
	s10 =	sld [smem:$0x3FB2]  }
0x3d: {  	_ =	shalt  }
0x3e: {  	_ =	shalt  }
0x3f: {  	_ =	shalt  }
0x40: {  	_ =	shalt  }
0x41: {  	_ =	shalt  }
0x42: {  	_ =	shalt  }
0x43: {  	_ =	shalt  }
0x44: {  	_ =	shalt  }
0x45: {  	_ =	shalt  }
0x46: {  	_ =	shalt  }
0x47: {  	_ =	shalt  }
0x48: {  	_ =	shalt  }
0x49: {  	_ =	shalt  }
0x4a: {  	_ =	shalt  }
0x4b: {  	_ =	shalt  }
0x4c: {  	_ =	shalt  }
0x4d: {  	_ =	shalt  }
0x4e: {  	_ =	shalt  }
0x4f: {  	_ =	shalt  }
0x50: {  	_ =	shalt  }
0x51: {  	_ =	shalt  }
0x52: {  	_ =	shalt  }
0x53: {  	_ =	shalt  }
0x54: {  	_ =	shalt  }
0x55: {  	_ =	shalt  }
0x56: {  	_ =	shalt  }
0x57: {  	_ =	shalt  }
0x58: {  	_ =	shalt  }
0x59: {  	_ =	shalt  }
0x5a: {  	_ =	shalt  }
0x5b: {  	_ =	shalt  }
0x5c: {  	_ =	shalt  }
0x5d: {  	_ =	shalt  }
0x5e: {  	_ =	shalt  }
0x5f: {  	_ =	shalt  }
0x60: {  	_ =	shalt  }
0x61: {  	_ =	shalt  }
0x62: {  	_ =	shalt  }
0x63: {  	_ =	shalt  }
0x64: {  	_ =	shalt  }
0x65: {  	_ =	shalt  }
0x66: {  	_ =	shalt  }
0x67: {  	_ =	shalt  }
0x68: {  	_ =	shalt  }
0x69: {  	_ =	shalt  }
0x6a: {  	_ =	shalt  }
0x6b: {  	_ =	shalt  }
0x6c: {  	_ =	shalt  }
0x6d: {  	_ =	shalt  }
0x6e: {  	_ =	shalt  }
0x6f: {  	_ =	shalt  }
0x70: {  	_ =	shalt  }
0x71: {  	_ =	shalt  }
0x72: {  	_ =	shalt  }
0x73: {  	_ =	shalt  }
0x74: {  	_ =	shalt  }
0x75: {  	_ =	shalt  }
0x76: {  	_ =	shalt  }
0x77: {  	_ =	shalt  }
0x78: {  	_ =	shalt  }
0x79: {  	_ =	shalt  }
0x7a: {  	_ =	shalt  }
0x7b: {  	_ =	shalt  }
0x7c: {  	_ =	shalt  }
0x7d: {  	_ =	shalt  }
0x7e: {  	_ =	shalt  }
0x7f: {  	_ =	shalt  }
0x80: {  	_ =	shalt  }
0x81: {  	_ =	shalt  }
0x82: {  	_ =	shalt  }
0x83: {  	_ =	shalt  }
0x84: {  	_ =	shalt  }
0x85: {  	_ =	shalt  }
0x86: {  	_ =	shalt  }
0x87: {  	_ =	shalt  }
.Lfunc_end0:
.L_simem_size_0:
called_computation.2_lowered:
.L_overlay_start_0:
0x88: {  	s2 =	sld [smem:$0x3FD9]  }
0x89: {  	s3 =	sld [smem:$0x3FFE];
	_ =	sdelay $0x1  }
0x8a: {  	s1 =	srdreg.scid  }
0x8b: {  	s0 =	sand.u32 $0x1, s1  }
0x8c: {  	s16 =	sshll.u32 s0, $0xA;
	s2 =	sadd.s32 s3, s2  }
0x8d: {  	s2 =	sadd.s32 s2, s16  }
0x8e: {  	[smem:$0x3FBE] =	sst s2  }
0x8f: {  	_ = 	snop  }
0x90: {  	(tm) =	ssettm $0x1  }
0x91: {  	s17 =	sld [smem:$0x3FFB];
	_ =	sdelay $0x3  }
0x92: {  	_ =	strace s17  }
0x93: {  	s2 =	sld [smem:$0x3FFC];
	_ =	sdelay $0x3  }
0x94: {  	_ =	strace s2  }
0x95: {  	s2 =	sld [smem:$0x3FFD];
	_ =	sdelay $0x3  }
0x96: {  	_ =	strace s2  }
0x97: {  	_ =	strace $0x8FFFFFFF  }
0x98: {  	s18 =	sld [smem:$0x3FDB];
	_ =	sdelay $0x1  }
0x99: {  	s19 =	simm.s32 $_scs_section_size  }
0x9a: {  	s4 =	simm.s32 $_size__tile_overlayer_lowered;
	s5 =	simm.s32 $_tile_overlayer_lowered  }
0x9b: {  	s22 =	simm.s32 $0x1BFF;
	s21 =	sshll.u32 s5, $0x1;
	s2 =	sadd.s32 s19, s18  }
0x9c: {  	s6 =	simm.s32 $0x0;
	s20 =	sshll.u32 s4, $0x1;
	s4 =	sadd.s32 s21, s2  }
0x9d: {  	[timem:s6], [sflag:s22] =	dma.local [hbm:s4], s20  }
0x9e: {  	_ =	swait.ge [sflag:s22], s20  }
0x9f: {  	s3 =	ssub.s32 $0x0, s20;
	[sflag:s22] =	ssyncset.done $0x0  }
0xa0: {  	[sflag:s22] =	ssyncadd.s32 s3;
	_ =	sdelay $0x1  }
0xa1: {  	s23 =	simm.s32 $0x1B8B  }
0xa2: {  	_ =	swait.ge [sflag:s23], $0x1  }
0xa3: {  	[sflag:s23] =	ssyncset.done $0x0  }
0xa4: {  	s25 =	simm.s32 $0x1B8E;
	s24 =	sld [smem:$0x3FFE];
	[sflag:s23] =	ssyncadd.s32 $0xFFFFFFFF  }
0xa5: {  	s26 =	simm.s32 $execute0_lowered;
	[smem:$0x3FD2] =	sst s25  }
0xa6: {  	s4 =	sshll.u32 s26, $0x1;
	_ =	strace $0x8000004C;
	[dreg:$0x1] =	wrdreg $0xFFFFFFFF  }
0xa7: {  	s28 =	simm.s32 $_size_execute0_lowered;
	s2 =	sadd.s32 s2, s4;
	[dreg:$0x0] =	wrdreg $0x0  }
0xa8: {  	s4 =	sshll.u32 s28, $0x1;
	[dreg:$0x2] =	wrdreg s2  }
0xa9: {  	[dreg:$0x3] =	wrdreg s4  }
0xaa: {  	[dreg:$0x4] =	wrdreg $0xC0  }
0xab: {  	_ =	task [dreg:s6], $0x5FFFF  }
0xac: {  	[dreg:$0x1] =	wrdreg $0xFFFFFFFF  }
0xad: {  	[dreg:$0x0] =	wrdreg $0x60  }
0xae: {  	[dreg:$0x2] =	wrdreg s24  }
0xaf: {  	[dreg:$0x3] =	wrdreg $0x130C00  }
0xb0: {  	[dreg:$0x4] =	wrdreg $0x94800  }
0xb1: {  	[dreg:$0x5] =	wrdreg $0x9  }
0xb2: {  	_ =	task.clear_ibuf [dreg:s6], $0x6FFFF;
	_ =	strace $0x9000004C  }
0xb3: {  	s29 =	simm.s32 $0x9;
	_ =	strace $0x8000004E  }
0xb4: {  	_ =	swait.ge [sflag:s29], $0x1  }
0xb5: {  	[sflag:s29] =	ssyncadd.s32 $0xFFFFFFFF  }
0xb6: {  	_ =	strace $0x9000004E  }
0xb7: {  	_ =	sfence  }
0xb8: {  	s30 =	sld [smem:$0x0];
	_ =	sdelay $0x2  }
0xb9: {  	s31 =	sshll.u32 s1, $0xD;
	s1 =	sshrl.u32 s1, $0x2  }
0xba: {  	s3 =	sand.u32 $0x4000, s31;
	s1 =	sadd.s32 s1, s30  }
0xbb: {  	s0 =	sor.u32 s3, s0;
	s1 =	sshll.u32 s1, $0x11  }
0xbc: {  	s0 =	sor.u32 s1, s0  }
0xbd: {  	s0 =	sadd.s32 $0x8F2B, s0  }
0xbe: {  	[sflag:s0] =	ssyncadd.remote.s32 $0x1  }
0xbf: {  	_ =	sfence.sel $0xFFFF  }
0xc0: {  	[dreg:$0x0] =	wrdreg $0xFFFFFFFF;
	(pc) =	sbr.abs _section_cstart, $3  }
0xc1: {  	[dreg:$0x1] =	wrdreg $0xFFFFFFFF  }
0xc2: {  	_ =	task.clear_ibuf [dreg:s6], $0x2FFFF;
	_ =	strace $0x9FFFFFFF  }
0xc3: {  	(tm) =	ssettm $0x7FFFFFFF  }
tec
execute0_lowered:
.L_overlay_start_1:
0x0: {  	(tag) =	ssettag $0x1  }
0x1: {  	s5 =	rddreg [dreg:$0x0]  }
0x2: {  	s1 =	rddreg [dreg:$0x1]  }
0x3: {  	s2 =	rddreg [dreg:$0x2];
	s3 =	srdreg.scid  }
0x4: {  	s0 =	rddreg [dreg:$0x3];
	s4 =	simm.s32 $0x0;
	s6 =	sand.u32 $0x1, s3  }
0x5: {  	s15 =	simm.s32 $0x4F80;
	s3 =	stileid.u32;
	s7 =	smul.u32 $0x13880, s6  }
0x6: {  	s16 =	simm.s32 $0x7080;
	s17 =	simm.s32 $0x1;
	s8 =	smul.u32 $0x9E0, s3  }
0x7: {  	s18 =	simm.s32 $0x80;
	s19 =	simm.s32 $0x5000;
	s9 =	smul.u32 $0x14000, s6  }
0x8: {  	s20 =	simm.s32 $0x2;
	[smem:$0x7FF] =	sst s4;
	s10 =	smul.u32 $0x28000, s3  }
0x9: {  	_ =	strace $0x8000004D;
	s6 =	ssub.s32 $0x2, s6;
	s12 =	smul.u32 $0x9C40, s3  }
0xa: {  	s30 =	smul.u32 $0xA000, s3;
	s31 =	sshll.u32 s3, $0x6;
	s11 =	sshrl.u32 s6, $0x1  }
0xb: {  	s7 =	sadd.s32 s7, s5;
	s8 =	sadd.s32 s8, s5;
	s9 =	sadd.s32 s9, s5  }
0xc: {  	s11 =	ssub.s32 s6, s11;
	s29 =	sshrl.u32 s10, $0x2;
	s13 =	sadd.s32 s12, s2  }
0xd: {  	s12 =	sshrl.u32 s12, $0x3;
	s22 =	sshrl.u32 s30, $0x3;
	s23 =	sadd.s32 s30, s1  }
0xe: {  	s5 =	sadd.s32 s29, s1;
	s14 =	sadd.s32 $0xBC00, s7;
	s6 =	sadd.s32 $0x1E00, s8  }
0xf: {  	s21 =	sadd.s32 $0x32E00, s9;
	s7 =	smax.u32 s11, $0x1;
	s8 =	simm.s32 $0x9080  }
0x10: {  	s9 =	simm.s32 $0x3;
	s11 =	sor.u32 $0x1C03, s31;
	s10 =	sadd.s32 s12, s14  }
0x11: {  	s12 =	sshrl.u32 s13, $0x3;
	s13 =	simm.s32 $0x4F00;
	s14 =	simm.s32 $0x5080  }
0x12: {  	v0 =	vimm.f32 $0.0e+00;
	s21 =	sadd.s32 s22, s21;
	s22 =	sshrl.u32 s23, $0x3;
	s23 =	simm.s32 $0x0  }
.LBB2_1:
0x13: {  	[tilespmem:$0x9080] =	vst v0  }
0x14: {  	[tilespmem:$0x9090] =	vst v0  }
0x15: {  	[tilespmem:$0x90A0] =	vst v0  }
0x16: {  	[tilespmem:$0x90B0] =	vst v0  }
0x17: {  	[tilespmem:$0x90C0] =	vst v0  }
0x18: {  	[tilespmem:$0x90D0] =	vst v0  }
0x19: {  	[tilespmem:$0x90E0] =	vst v0  }
0x1a: {  	[tilespmem:$0x90F0] =	vst v0  }
0x1b: {  	[tilespmem:$0x9100] =	vst v0  }
0x1c: {  	[tilespmem:$0x9110] =	vst v0  }
0x1d: {  	[tilespmem:$0x9120] =	vst v0  }
0x1e: {  	[tilespmem:$0x9130] =	vst v0  }
0x1f: {  	[tilespmem:$0x9140] =	vst v0  }
0x20: {  	[tilespmem:$0x9150] =	vst v0  }
0x21: {  	[tilespmem:$0x9160] =	vst v0  }
0x22: {  	[tilespmem:$0x9170] =	vst v0  }
0x23: {  	[tilespmem:$0x9180] =	vst v0  }
0x24: {  	[tilespmem:$0x9190] =	vst v0  }
0x25: {  	[tilespmem:$0x91A0] =	vst v0  }
0x26: {  	[tilespmem:$0x91B0] =	vst v0  }
0x27: {  	[tilespmem:$0x91C0] =	vst v0  }
0x28: {  	[tilespmem:$0x91D0] =	vst v0  }
0x29: {  	[tilespmem:$0x91E0] =	vst v0  }
0x2a: {  	[tilespmem:$0x91F0] =	vst v0  }
0x2b: {  	[tilespmem:$0x9200] =	vst v0  }
0x2c: {  	[tilespmem:$0x9210] =	vst v0  }
0x2d: {  	[tilespmem:$0x9220] =	vst v0  }
0x2e: {  	[tilespmem:$0x9230] =	vst v0  }
0x2f: {  	[tilespmem:$0x9240] =	vst v0  }
0x30: {  	[tilespmem:$0x9250] =	vst v0  }
0x31: {  	[tilespmem:$0x9260] =	vst v0  }
0x32: {  	[tilespmem:$0x9270] =	vst v0  }
0x33: {  	[tilespmem:$0x9280] =	vst v0  }
0x34: {  	[tilespmem:$0x9290] =	vst v0  }
0x35: {  	[tilespmem:$0x92A0] =	vst v0  }
0x36: {  	[tilespmem:$0x92B0] =	vst v0  }
0x37: {  	[tilespmem:$0x92C0] =	vst v0  }
0x38: {  	[tilespmem:$0x92D0] =	vst v0  }
0x39: {  	[tilespmem:$0x92E0] =	vst v0  }
0x3a: {  	[tilespmem:$0x92F0] =	vst v0  }
0x3b: {  	[tilespmem:$0x9300] =	vst v0  }
0x3c: {  	[tilespmem:$0x9310] =	vst v0  }
0x3d: {  	[tilespmem:$0x9320] =	vst v0  }
0x3e: {  	[tilespmem:$0x9330] =	vst v0  }
0x3f: {  	[tilespmem:$0x9340] =	vst v0  }
0x40: {  	[tilespmem:$0x9350] =	vst v0  }
0x41: {  	[tilespmem:$0x9360] =	vst v0  }
0x42: {  	[tilespmem:$0x9370] =	vst v0  }
0x43: {  	[tilespmem:$0x9380] =	vst v0  }
0x44: {  	[tilespmem:$0x9390] =	vst v0  }
0x45: {  	[tilespmem:$0x93A0] =	vst v0  }
0x46: {  	[tilespmem:$0x93B0] =	vst v0  }
0x47: {  	[tilespmem:$0x93C0] =	vst v0  }
0x48: {  	[tilespmem:$0x93D0] =	vst v0  }
0x49: {  	[tilespmem:$0x93E0] =	vst v0  }
0x4a: {  	[tilespmem:$0x93F0] =	vst v0  }
0x4b: {  	[tilespmem:$0x9400] =	vst v0  }
0x4c: {  	[tilespmem:$0x9410] =	vst v0  }
0x4d: {  	[tilespmem:$0x9420] =	vst v0  }
0x4e: {  	[tilespmem:$0x9430] =	vst v0  }
0x4f: {  	[tilespmem:$0x9440] =	vst v0  }
0x50: {  	[tilespmem:$0x9450] =	vst v0  }
0x51: {  	[tilespmem:$0x9460] =	vst v0  }
0x52: {  	[tilespmem:$0x9470] =	vst v0;
	s24 =	sadd.s32 $0x0, s5  }
0x53: {  	[spmem:s24] =	stream.linear.scatter [tilespmem:s8], [sflag:$0x3], $0x400, $0x38;
	[tilespmem:$0x1D0C0] =	vst v63  }
0x54: {  	s24 =	simm.s32 $0x1000;
	_ =	swait.ge [sflag:s9], $0x400  }
.LBB2_2:
0x55: {  	s25 =	sshra.s32 s24, $0x2;
	[sflag:s9] =	ssyncset.done $0x0;
	p0 =	sne.s32 s24, $0x27000  }
.Ltmp0:
0x56: {  	s25 =	sadd.s32 s25, s5;
	[sflag:s9] =	ssyncadd.s32 $0xFFFFFC00;
	(pc) =	sbr.rel @p0 .LBB2_2-.Ltmp0, $3  }
0x57: {  	[spmem:s25] =	stream.linear.scatter [tilespmem:s8], [sflag:$0x3], $0x400, $0x38;
	[tilespmem:$0x1D0C0] =	vst v63  }
0x58: {  	s24 =	sadd.s32 $0x1000, s24;
	_ =	sdelay $0x1  }
0x59: {  	_ =	swait.ge [sflag:s9], $0x400  }
0x5a: {  	[sflag:s9] =	ssyncset.done $0x0  }
0x5b: {  	[sflag:s9] =	ssyncadd.s32 $0xFFFFFC00  }
0x5c: {  	[spmem:s12], [sflag:s11] =	dma.local [hbm:s10], $0x1388  }
0x5d: {  	_ =	swait.ge [sflag:s9], $0x1388  }
0x5e: {  	[sflag:s9] =	ssyncset.done $0x0  }
0x5f: {  	[sflag:s9] =	ssyncadd.s32 $0xFFFFEC78  }
0x60: {  	[bflag:$0x0] =	sbarrier.arrive $0xFFFF  }
0x61: {  	[tilespmem:s4], [sflag:$0x3] =	stream.linear.gather [hbm4b:s6+s4], $0x4F00, $0x38;
	[tilespmem:$0x1D0C0] =	vst v63  }
0x62: {  	_ =	swait.ge [sflag:s9], $0x4F00  }
0x63: {  	[sflag:s9] =	ssyncset.done $0x0  }
0x64: {  	[sflag:s9] =	ssyncadd.s32 $0xFFFFB100  }
0x65: {  	v1 =	vld [tilespmem:$0x0]  }
0x66: {  	v2 =	vld [tilespmem:$0x10]  }
0x67: {  	v3 =	vld [tilespmem:$0x20]  }
0x68: {  	v4 =	vld [tilespmem:$0x30]  }
0x69: {  	v5 =	vld [tilespmem:$0x40]  }
0x6a: {  	v6 =	vld [tilespmem:$0x50];
	v1 =	vand.u32 $0x3FFF, v1  }
0x6b: {  	[tilespmem:$0x4F00] =	vst v1;
	v1 =	vand.u32 $0x3FFF, v2;
	v2 =	vld [tilespmem:$0x60]  }
0x6c: {  	[tilespmem:$0x4F10] =	vst v1;
	v1 =	vand.u32 $0x3FFF, v3;
	v3 =	vld [tilespmem:$0x70]  }
0x6d: {  	[tilespmem:$0x4F20] =	vst v1;
	v1 =	vand.u32 $0x3FFF, v4  }
0x6e: {  	[tilespmem:$0x4F30] =	vst v1;
	v1 =	vand.u32 $0x3FFF, v5  }
0x6f: {  	[tilespmem:$0x4F40] =	vst v1;
	v1 =	vand.u32 $0x3FFF, v6  }
0x70: {  	[tilespmem:$0x4F50] =	vst v1;
	v1 =	vand.u32 $0x3FFF, v2  }
0x71: {  	[tilespmem:$0x4F60] =	vst v1;
	v1 =	vand.u32 $0x3FFF, v3  }
0x72: {  	s24 =	simm.s32 $0x80;
	[tilespmem:$0x4F70] =	vst v1  }
0x73: {  	[tilespmem:s14], [sflag:$0x1] =	stream.indirect.gather [spmem:s2], $0x40, s13, s24, $0xb8;
	[tilespmem:$0x1D0C0] =	vst v63  }
0x74: {  	v1 =	vld [tilespmem:$0x80]  }
0x75: {  	v2 =	vld [tilespmem:$0x90]  }
0x76: {  	v3 =	vld [tilespmem:$0xA0]  }
0x77: {  	v61 =	vld [tilespmem:$0xB0]  }
0x78: {  	v62 =	vld [tilespmem:$0xC0]  }
0x79: {  	v63 =	vld [tilespmem:$0xD0];
	v1 =	vand.u32 $0x3FFF, v1  }
0x7a: {  	[tilespmem:$0x4F80] =	vst v1;
	v1 =	vand.u32 $0x3FFF, v2;
	v2 =	vld [tilespmem:$0xE0]  }
0x7b: {  	[tilespmem:$0x4F90] =	vst v1;
	v1 =	vand.u32 $0x3FFF, v3;
	v3 =	vld [tilespmem:$0xF0]  }
0x7c: {  	[tilespmem:$0x4FA0] =	vst v1;
	v1 =	vand.u32 $0x3FFF, v61  }
0x7d: {  	[tilespmem:$0x4FB0] =	vst v1;
	v1 =	vand.u32 $0x3FFF, v62  }
0x7e: {  	[tilespmem:$0x4FC0] =	vst v1;
	v1 =	vand.u32 $0x3FFF, v63  }
0x7f: {  	[tilespmem:$0x4FD0] =	vst v1;
	v1 =	vand.u32 $0x3FFF, v2  }
0x80: {  	[tilespmem:$0x4FE0] =	vst v1;
	v1 =	vand.u32 $0x3FFF, v3  }
0x81: {  	[tilespmem:$0x4FF0] =	vst v1  }
0x82: {  	[tilespmem:s16], [sflag:$0x2] =	stream.indirect.gather [spmem:s2], $0x40, s15, s24, $0xb8;
	[tilespmem:$0x1D0C0] =	vst v63  }
0x83: {  	_ =	swait.ge [sflag:s17], $0x2000  }
0x84: {  	[sflag:s17] =	ssyncset.done $0x0  }
0x85: {  	[sflag:s17] =	ssyncadd.s32 $0xFFFFE000  }
0x86: {  	v1 =	vld [tilespmem:s24+$0xFFFFFF80];
	_ =	sdelay $0x4  }
0x87: {  	v1 =	vshrl.u32 v1, $0xE  }
0x88: {  	[tilespmem:$0x5000] =	vst v1  }
0x89: {  	v1 =	vld [tilespmem:s24+$0xFFFFFF90];
	_ =	sdelay $0x4  }
0x8a: {  	v1 =	vshrl.u32 v1, $0xE  }
0x8b: {  	[tilespmem:$0x5010] =	vst v1  }
0x8c: {  	v1 =	vld [tilespmem:s24+$0xFFFFFFA0];
	_ =	sdelay $0x4  }
0x8d: {  	v1 =	vshrl.u32 v1, $0xE  }
0x8e: {  	[tilespmem:$0x5020] =	vst v1  }
0x8f: {  	v1 =	vld [tilespmem:s24+$0xFFFFFFB0];
	_ =	sdelay $0x4  }
0x90: {  	v1 =	vshrl.u32 v1, $0xE  }
0x91: {  	[tilespmem:$0x5030] =	vst v1  }
0x92: {  	v1 =	vld [tilespmem:s24+$0xFFFFFFC0];
	_ =	sdelay $0x4  }
0x93: {  	v1 =	vshrl.u32 v1, $0xE  }
0x94: {  	[tilespmem:$0x5040] =	vst v1  }
0x95: {  	v1 =	vld [tilespmem:s24+$0xFFFFFFD0];
	_ =	sdelay $0x4  }
0x96: {  	v1 =	vshrl.u32 v1, $0xE  }
0x97: {  	[tilespmem:$0x5050] =	vst v1  }
0x98: {  	v1 =	vld [tilespmem:s24+$0xFFFFFFE0];
	_ =	sdelay $0x4  }
0x99: {  	v1 =	vshrl.u32 v1, $0xE  }
0x9a: {  	[tilespmem:$0x5060] =	vst v1  }
0x9b: {  	v1 =	vld [tilespmem:s24+$0xFFFFFFF0];
	_ =	sdelay $0x4  }
0x9c: {  	v1 =	vshrl.u32 v1, $0xE  }
0x9d: {  	[tilespmem:$0x5070] =	vst v1  }
0x9e: {  	[spmem:s1] =	stream.indirect.scatter.add.f32 [tilespmem:s14], [sflag:$0x3], $0x40, s19, s18, $0xb8;
	[tilespmem:$0x1D0C0] =	vst v63  }
0x9f: {  	_ =	swait.ge [sflag:s9], $0x2000  }
0xa0: {  	p0 =	por $0x0, $0x0;
	s25 =	simm.s32 $0x100;
	[sflag:s9] =	ssyncset.done $0x0  }
0xa1: {  	s25 =	simm.s32 @p0 $0x0;
	[sflag:s9] =	ssyncadd.s32 $0xFFFFE000  }
0xa2: {  	v1 =	vld [tilespmem:s25+$0x0];
	_ =	sdelay $0x4  }
0xa3: {  	v1 =	vand.u32 $0x3FFF, v1  }
0xa4: {  	[tilespmem:$0x4F00] =	vst v1  }
0xa5: {  	v1 =	vld [tilespmem:s25+$0x10];
	_ =	sdelay $0x4  }
0xa6: {  	v1 =	vand.u32 $0x3FFF, v1  }
0xa7: {  	[tilespmem:$0x4F10] =	vst v1  }
0xa8: {  	v1 =	vld [tilespmem:s25+$0x20];
	_ =	sdelay $0x4  }
0xa9: {  	v1 =	vand.u32 $0x3FFF, v1  }
0xaa: {  	[tilespmem:$0x4F20] =	vst v1  }
0xab: {  	v1 =	vld [tilespmem:s25+$0x30];
	_ =	sdelay $0x4  }
0xac: {  	v1 =	vand.u32 $0x3FFF, v1  }
0xad: {  	[tilespmem:$0x4F30] =	vst v1  }
0xae: {  	v1 =	vld [tilespmem:s25+$0x40];
	_ =	sdelay $0x4  }
0xaf: {  	v1 =	vand.u32 $0x3FFF, v1  }
0xb0: {  	[tilespmem:$0x4F40] =	vst v1  }
0xb1: {  	v1 =	vld [tilespmem:s25+$0x50];
	_ =	sdelay $0x4  }
0xb2: {  	v1 =	vand.u32 $0x3FFF, v1  }
0xb3: {  	[tilespmem:$0x4F50] =	vst v1  }
0xb4: {  	v1 =	vld [tilespmem:s25+$0x60];
	_ =	sdelay $0x4  }
0xb5: {  	v1 =	vand.u32 $0x3FFF, v1  }
0xb6: {  	[tilespmem:$0x4F60] =	vst v1  }
0xb7: {  	v1 =	vld [tilespmem:s25+$0x70];
	_ =	sdelay $0x4  }
0xb8: {  	v1 =	vand.u32 $0x3FFF, v1  }
0xb9: {  	[tilespmem:$0x4F70] =	vst v1  }
0xba: {  	[tilespmem:s14], [sflag:$0x1] =	stream.indirect.gather [spmem:s2], $0x40, s13, s18, $0xb8;
	[tilespmem:$0x1D0C0] =	vst v63  }
0xbb: {  	_ =	swait.ge [sflag:s20], $0x2000  }
0xbc: {  	[sflag:s20] =	ssyncset.done $0x0  }
0xbd: {  	[sflag:s20] =	ssyncadd.s32 $0xFFFFE000  }
0xbe: {  	v1 =	vld [tilespmem:s24+$0x0];
	_ =	sdelay $0x4  }
0xbf: {  	v1 =	vshrl.u32 v1, $0xE  }
0xc0: {  	[tilespmem:$0x5000] =	vst v1  }
0xc1: {  	v1 =	vld [tilespmem:s24+$0x10];
	_ =	sdelay $0x4  }
0xc2: {  	v1 =	vshrl.u32 v1, $0xE  }
0xc3: {  	[tilespmem:$0x5010] =	vst v1  }
0xc4: {  	v1 =	vld [tilespmem:s24+$0x20];
	_ =	sdelay $0x4  }
0xc5: {  	v1 =	vshrl.u32 v1, $0xE  }
0xc6: {  	[tilespmem:$0x5020] =	vst v1  }
0xc7: {  	v1 =	vld [tilespmem:s24+$0x30];
	_ =	sdelay $0x4  }
0xc8: {  	v1 =	vshrl.u32 v1, $0xE  }
0xc9: {  	[tilespmem:$0x5030] =	vst v1  }
0xca: {  	v1 =	vld [tilespmem:s24+$0x40];
	_ =	sdelay $0x4  }
0xcb: {  	v1 =	vshrl.u32 v1, $0xE  }
0xcc: {  	[tilespmem:$0x5040] =	vst v1  }
0xcd: {  	v1 =	vld [tilespmem:s24+$0x50];
	_ =	sdelay $0x4  }
0xce: {  	v1 =	vshrl.u32 v1, $0xE  }
0xcf: {  	[tilespmem:$0x5050] =	vst v1  }
0xd0: {  	v1 =	vld [tilespmem:s24+$0x60];
	_ =	sdelay $0x4  }
0xd1: {  	v1 =	vshrl.u32 v1, $0xE  }
0xd2: {  	[tilespmem:$0x5060] =	vst v1  }
0xd3: {  	v1 =	vld [tilespmem:s24+$0x70];
	_ =	sdelay $0x4  }
0xd4: {  	v1 =	vshrl.u32 v1, $0xE  }
0xd5: {  	[tilespmem:$0x5070] =	vst v1  }
0xd6: {  	[spmem:s1] =	stream.indirect.scatter.add.f32 [tilespmem:s16], [sflag:$0x3], $0x40, s19, s18, $0xb8;
	[tilespmem:$0x1D0C0] =	vst v63  }
0xd7: {  	_ =	swait.ge [sflag:s9], $0x2000  }
0xd8: {  	s24 =	simm.s32 $0x180;
	[sflag:s9] =	ssyncset.done $0x0  }
0xd9: {  	s24 =	simm.s32 @p0 $0x80;
	[sflag:s9] =	ssyncadd.s32 $0xFFFFE000  }
0xda: {  	v1 =	vld [tilespmem:s24+$0x0];
	_ =	sdelay $0x4  }
0xdb: {  	v1 =	vand.u32 $0x3FFF, v1  }
0xdc: {  	[tilespmem:$0x4F80] =	vst v1  }
0xdd: {  	v1 =	vld [tilespmem:s24+$0x10];
	_ =	sdelay $0x4  }
0xde: {  	v1 =	vand.u32 $0x3FFF, v1  }
0xdf: {  	[tilespmem:$0x4F90] =	vst v1  }
0xe0: {  	v1 =	vld [tilespmem:s24+$0x20];
	_ =	sdelay $0x4  }
0xe1: {  	v1 =	vand.u32 $0x3FFF, v1  }
0xe2: {  	[tilespmem:$0x4FA0] =	vst v1  }
0xe3: {  	v1 =	vld [tilespmem:s24+$0x30];
	_ =	sdelay $0x4  }
0xe4: {  	v1 =	vand.u32 $0x3FFF, v1  }
0xe5: {  	[tilespmem:$0x4FB0] =	vst v1  }
0xe6: {  	v1 =	vld [tilespmem:s24+$0x40];
	_ =	sdelay $0x4  }
0xe7: {  	v1 =	vand.u32 $0x3FFF, v1  }
0xe8: {  	[tilespmem:$0x4FC0] =	vst v1  }
0xe9: {  	v1 =	vld [tilespmem:s24+$0x50];
	_ =	sdelay $0x4  }
0xea: {  	v1 =	vand.u32 $0x3FFF, v1  }
0xeb: {  	[tilespmem:$0x4FD0] =	vst v1  }
0xec: {  	v1 =	vld [tilespmem:s24+$0x60];
	_ =	sdelay $0x4  }
0xed: {  	v1 =	vand.u32 $0x3FFF, v1  }
0xee: {  	[tilespmem:$0x4FE0] =	vst v1  }
0xef: {  	v1 =	vld [tilespmem:s24+$0x70];
	_ =	sdelay $0x4  }
0xf0: {  	v1 =	vand.u32 $0x3FFF, v1  }
0xf1: {  	s25 =	simm.s32 $0x180;
	s24 =	simm.s32 $0x280;
	[tilespmem:$0x4FF0] =	vst v1  }
.LBB2_4:
0xf2: {  	[tilespmem:s16], [sflag:$0x2] =	stream.indirect.gather [spmem:s2], $0x40, s15, s18, $0xb8;
	[tilespmem:$0x1D0C0] =	vst v63  }
0xf3: {  	s26 =	smov.u32 s24  }
0xf4: {  	p0 =	sne.s32 s24, $0x4F80;
	s24 =	sadd.s32 $0x100, s24;
	_ =	swait.ge [sflag:s17], $0x2000  }
0xf5: {  	[sflag:s17] =	ssyncset.done $0x0  }
0xf6: {  	[sflag:s17] =	ssyncadd.s32 $0xFFFFE000  }
0xf7: {  	v1 =	vld [tilespmem:s25+$0xFFFFFF80];
	_ =	sdelay $0x4  }
0xf8: {  	v1 =	vshrl.u32 v1, $0xE  }
0xf9: {  	[tilespmem:$0x5000] =	vst v1  }
0xfa: {  	v1 =	vld [tilespmem:s25+$0xFFFFFF90];
	_ =	sdelay $0x4  }
0xfb: {  	v1 =	vshrl.u32 v1, $0xE  }
0xfc: {  	[tilespmem:$0x5010] =	vst v1  }
0xfd: {  	v1 =	vld [tilespmem:s25+$0xFFFFFFA0];
	_ =	sdelay $0x4  }
0xfe: {  	v1 =	vshrl.u32 v1, $0xE  }
0xff: {  	[tilespmem:$0x5020] =	vst v1  }
0x100: {  	v1 =	vld [tilespmem:s25+$0xFFFFFFB0];
	_ =	sdelay $0x4  }
0x101: {  	v1 =	vshrl.u32 v1, $0xE  }
0x102: {  	[tilespmem:$0x5030] =	vst v1  }
0x103: {  	v1 =	vld [tilespmem:s25+$0xFFFFFFC0];
	_ =	sdelay $0x4  }
0x104: {  	v1 =	vshrl.u32 v1, $0xE  }
0x105: {  	[tilespmem:$0x5040] =	vst v1  }
0x106: {  	v1 =	vld [tilespmem:s25+$0xFFFFFFD0];
	_ =	sdelay $0x4  }
0x107: {  	v1 =	vshrl.u32 v1, $0xE  }
0x108: {  	[tilespmem:$0x5050] =	vst v1  }
0x109: {  	v1 =	vld [tilespmem:s25+$0xFFFFFFE0];
	_ =	sdelay $0x4  }
0x10a: {  	v1 =	vshrl.u32 v1, $0xE  }
0x10b: {  	[tilespmem:$0x5060] =	vst v1  }
0x10c: {  	v1 =	vld [tilespmem:s25+$0xFFFFFFF0];
	_ =	sdelay $0x4  }
0x10d: {  	v1 =	vshrl.u32 v1, $0xE  }
0x10e: {  	[tilespmem:$0x5070] =	vst v1  }
0x10f: {  	[spmem:s1] =	stream.indirect.scatter.add.f32 [tilespmem:s14], [sflag:$0x3], $0x40, s19, s18, $0xb8;
	[tilespmem:$0x1D0C0] =	vst v63  }
0x110: {  	_ =	swait.ge [sflag:s9], $0x2000  }
0x111: {  	p1 =	seq.s32 s26, $0x4F80;
	s28 =	sadd.s32 $0xFFFFFF80, s26;
	[sflag:s9] =	ssyncset.done $0x0  }
0x112: {  	s28 =	simm.s32 @p1 $0x0;
	[sflag:s9] =	ssyncadd.s32 $0xFFFFE000  }
0x113: {  	v1 =	vld [tilespmem:s28+$0x0];
	_ =	sdelay $0x4  }
0x114: {  	v1 =	vand.u32 $0x3FFF, v1  }
0x115: {  	[tilespmem:$0x4F00] =	vst v1  }
0x116: {  	v1 =	vld [tilespmem:s28+$0x10];
	_ =	sdelay $0x4  }
0x117: {  	v1 =	vand.u32 $0x3FFF, v1  }
0x118: {  	[tilespmem:$0x4F10] =	vst v1  }
0x119: {  	v1 =	vld [tilespmem:s28+$0x20];
	_ =	sdelay $0x4  }
0x11a: {  	v1 =	vand.u32 $0x3FFF, v1  }
0x11b: {  	[tilespmem:$0x4F20] =	vst v1  }
0x11c: {  	v1 =	vld [tilespmem:s28+$0x30];
	_ =	sdelay $0x4  }
0x11d: {  	v1 =	vand.u32 $0x3FFF, v1  }
0x11e: {  	[tilespmem:$0x4F30] =	vst v1  }
0x11f: {  	v1 =	vld [tilespmem:s28+$0x40];
	_ =	sdelay $0x4  }
0x120: {  	v1 =	vand.u32 $0x3FFF, v1  }
0x121: {  	[tilespmem:$0x4F40] =	vst v1  }
0x122: {  	v1 =	vld [tilespmem:s28+$0x50];
	_ =	sdelay $0x4  }
0x123: {  	v1 =	vand.u32 $0x3FFF, v1  }
0x124: {  	[tilespmem:$0x4F50] =	vst v1  }
0x125: {  	v1 =	vld [tilespmem:s28+$0x60];
	_ =	sdelay $0x4  }
0x126: {  	v1 =	vand.u32 $0x3FFF, v1  }
0x127: {  	[tilespmem:$0x4F60] =	vst v1  }
0x128: {  	v1 =	vld [tilespmem:s28+$0x70];
	_ =	sdelay $0x4  }
0x129: {  	v1 =	vand.u32 $0x3FFF, v1  }
0x12a: {  	[tilespmem:$0x4F70] =	vst v1  }
0x12b: {  	[tilespmem:s14], [sflag:$0x1] =	stream.indirect.gather [spmem:s2], $0x40, s13, s18, $0xb8;
	[tilespmem:$0x1D0C0] =	vst v63  }
0x12c: {  	_ =	swait.ge [sflag:s20], $0x2000  }
0x12d: {  	[sflag:s20] =	ssyncset.done $0x0  }
0x12e: {  	[sflag:s20] =	ssyncadd.s32 $0xFFFFE000  }
0x12f: {  	v1 =	vld [tilespmem:s25+$0x0];
	_ =	sdelay $0x4  }
0x130: {  	v1 =	vshrl.u32 v1, $0xE  }
0x131: {  	[tilespmem:$0x5000] =	vst v1  }
0x132: {  	v1 =	vld [tilespmem:s25+$0x10];
	_ =	sdelay $0x4  }
0x133: {  	v1 =	vshrl.u32 v1, $0xE  }
0x134: {  	[tilespmem:$0x5010] =	vst v1  }
0x135: {  	v1 =	vld [tilespmem:s25+$0x20];
	_ =	sdelay $0x4  }
0x136: {  	v1 =	vshrl.u32 v1, $0xE  }
0x137: {  	[tilespmem:$0x5020] =	vst v1  }
0x138: {  	v1 =	vld [tilespmem:s25+$0x30];
	_ =	sdelay $0x4  }
0x139: {  	v1 =	vshrl.u32 v1, $0xE  }
0x13a: {  	[tilespmem:$0x5030] =	vst v1  }
0x13b: {  	v1 =	vld [tilespmem:s25+$0x40];
	_ =	sdelay $0x4  }
0x13c: {  	v1 =	vshrl.u32 v1, $0xE  }
0x13d: {  	[tilespmem:$0x5040] =	vst v1  }
0x13e: {  	v1 =	vld [tilespmem:s25+$0x50];
	_ =	sdelay $0x4  }
0x13f: {  	v1 =	vshrl.u32 v1, $0xE  }
0x140: {  	[tilespmem:$0x5050] =	vst v1  }
0x141: {  	v1 =	vld [tilespmem:s25+$0x60];
	_ =	sdelay $0x4  }
0x142: {  	v1 =	vshrl.u32 v1, $0xE  }
0x143: {  	[tilespmem:$0x5060] =	vst v1  }
0x144: {  	v1 =	vld [tilespmem:s25+$0x70];
	_ =	sdelay $0x4  }
0x145: {  	v1 =	vshrl.u32 v1, $0xE  }
0x146: {  	[tilespmem:$0x5070] =	vst v1  }
0x147: {  	[spmem:s1] =	stream.indirect.scatter.add.f32 [tilespmem:s16], [sflag:$0x3], $0x40, s19, s18, $0xb8;
	[tilespmem:$0x1D0C0] =	vst v63  }
0x148: {  	_ =	swait.ge [sflag:s9], $0x2000  }
0x149: {  	[sflag:s9] =	ssyncset.done $0x0  }
0x14a: {  	s26 =	simm.s32 @p1 $0x80;
	[sflag:s9] =	ssyncadd.s32 $0xFFFFE000  }
0x14b: {  	v1 =	vld [tilespmem:s26+$0x0];
	_ =	sdelay $0x4  }
0x14c: {  	v1 =	vand.u32 $0x3FFF, v1  }
0x14d: {  	[tilespmem:$0x4F80] =	vst v1  }
0x14e: {  	v1 =	vld [tilespmem:s26+$0x10];
	_ =	sdelay $0x4  }
0x14f: {  	v1 =	vand.u32 $0x3FFF, v1  }
0x150: {  	[tilespmem:$0x4F90] =	vst v1  }
0x151: {  	v1 =	vld [tilespmem:s26+$0x20];
	_ =	sdelay $0x4  }
0x152: {  	v1 =	vand.u32 $0x3FFF, v1  }
0x153: {  	[tilespmem:$0x4FA0] =	vst v1  }
0x154: {  	v1 =	vld [tilespmem:s26+$0x30];
	_ =	sdelay $0x4  }
0x155: {  	v1 =	vand.u32 $0x3FFF, v1  }
0x156: {  	[tilespmem:$0x4FB0] =	vst v1  }
0x157: {  	v1 =	vld [tilespmem:s26+$0x40];
	_ =	sdelay $0x4  }
0x158: {  	v1 =	vand.u32 $0x3FFF, v1  }
0x159: {  	[tilespmem:$0x4FC0] =	vst v1  }
0x15a: {  	v1 =	vld [tilespmem:s26+$0x50];
	_ =	sdelay $0x4  }
0x15b: {  	v1 =	vand.u32 $0x3FFF, v1  }
0x15c: {  	[tilespmem:$0x4FD0] =	vst v1  }
0x15d: {  	v1 =	vld [tilespmem:s26+$0x60];
	_ =	sdelay $0x4  }
0x15e: {  	v1 =	vand.u32 $0x3FFF, v1  }
0x15f: {  	[tilespmem:$0x4FE0] =	vst v1  }
0x160: {  	v1 =	vld [tilespmem:s26+$0x70];
	_ =	sdelay $0x1  }
.Ltmp1:
0x161: {  	(pc) =	sbr.rel @p0 .LBB2_4-.Ltmp1, $3  }
0x162: {  	_ =	sdelay $0x1  }
0x163: {  	v1 =	vand.u32 $0x3FFF, v1  }
0x164: {  	s25 =	sadd.s32 $0x100, s25;
	[tilespmem:$0x4FF0] =	vst v1  }
0x165: {  	[tilespmem:s16], [sflag:$0x2] =	stream.indirect.gather [spmem:s2], $0x40, s15, s18, $0xb8;
	[tilespmem:$0x1D0C0] =	vst v63  }
0x166: {  	_ =	swait.ge [sflag:s17], $0x2000  }
0x167: {  	[sflag:s17] =	ssyncset.done $0x0  }
0x168: {  	[sflag:s17] =	ssyncadd.s32 $0xFFFFE000  }
0x169: {  	_ =	swait.ge [sflag:s20], $0x2000  }
0x16a: {  	s23 =	sadd.s32 $0x1, s23;
	[sflag:s20] =	ssyncset.done $0x0  }
0x16b: {  	p0 =	sne.s32 s23, s7;
	[sflag:s20] =	ssyncadd.s32 $0xFFFFE000  }
.Ltmp2:
0x16c: {  	[bflag:$0x0] =	sbarrier.arrive $0xFFFF;
	(pc) =	sbr.rel @p0 .LBB2_1-.Ltmp2, $4  }
0x16d: {  	[hbm:s21], [sflag:s11] =	dma.local [spmem:s22], $0x1400  }
0x16e: {  	_ =	swait.ge [sflag:s9], $0x1400  }
0x16f: {  	[sflag:s9] =	ssyncset.done $0x0  }
0x170: {  	[sflag:s9] =	ssyncadd.s32 $0xFFFFEC00  }
0x171: {  	_ =	sfence.sel $0x180000  }
0x172: {  	[bflag:$0x0] =	sbarrier.arrive $0xFFFF  }
0x173: {  	p0 =	sne.s32 s3, $0x0;
	_ =	strace $0x9000004D  }
0x174: {  	s0 =	sadd.s32 @!p0 $0x100000, s0;
	[bflag:$0x2] =	sbarrier.arrive $0xFFFF  }
0x175: {  	[sflag:s0] =	ssyncadd.tile.s32 @!p0 $0x1;
	_ =	shalt  }
.Lfunc_end2:
_tile_overlayer_lowered:
.L_overlay_start_2:
0x176: {  	(tag) =	ssettag $0x2  }
0x177: {  	s0 =	rddreg [dreg:$0x0];
	s2 =	stileid.u32  }
0x178: {  	s1 =	rddreg [dreg:$0x1];
	p0 =	sne.s32 s2, $0x0  }
0x179: {  	s3 =	rddreg [dreg:$0x2];
	[bflag:$0x3] =	sbarrier.arrive $0xFFFF;
	s2 =	simm.s32 @!p0 $0x1C03  }
0x17a: {  	[timem:s3], [sflag:s2] =	dma.local @!p0 [hbm:s0], s1  }
0x17b: {  	s0 =	simm.s32 @!p0 $0x3  }
0x17c: {  	_ =	swait.ge @!p0 [sflag:s0], s1  }
0x17d: {  	s1 =	ssub.s32 @!p0 $0x0, s1;
	[sflag:s0] =	ssyncset.done @!p0 $0x0  }
0x17e: {  	[sflag:s0] =	ssyncadd.s32 @!p0 s1  }
0x17f: {  	[bflag:$0x3] =	sbarrier.arrive $0xFFFF  }
0x180: {  	_ =	shalt  }

// kernel: kernel.8.cloned.1.call-start
scs
__scs_entry_jumppad:
0x0: {  	(pc) =	sbr.rel $0x88, $3  }
0x1: {  	(tag) =	ssettag $0x0;
	lr =	simm.s32 $0x1  }
0x2: {  	[smem:$0x3F97] =	sst lr;
	_ =	strace $0xD0000000  }
0x3: {  	_ = 	snop  }
0x4: {  	_ = 	snop  }
0x5: {  	_ = 	snop  }
0x6: {  	_ = 	snop  }
0x7: {  	_ = 	snop  }
__scs_overlays_trampoline_lowered:
0x8: {  	[smem:$0x3FA6] =	sst s0  }
0x9: {  	[smem:$0x3FA7] =	sst s1  }
0xa: {  	[smem:$0x3FA8] =	sst s2  }
0xb: {  	[smem:$0x3FA9] =	sst s3  }
0xc: {  	[smem:$0x3FAA] =	sst s4  }
0xd: {  	[smem:$0x3FAB] =	sst s5  }
0xe: {  	[smem:$0x3FAC] =	sst s6  }
0xf: {  	[smem:$0x3FAD] =	sst s7  }
0x10: {  	[smem:$0x3FAE] =	sst s8  }
0x11: {  	[smem:$0x3FAF] =	sst s9;
	s0 =	simm.s32 @!p0 $0x0  }
0x12: {  	s1 =	sld [smem:$0x3F95];
	s0 =	simm.s32 @p0 $0x1  }
0x13: {  	[smem:$0x3FB0] =	sst s0;
	s0 =	simm.s32 @!p1 $0x0  }
0x14: {  	s2 =	sld [smem:$0x3F94];
	s0 =	simm.s32 @p1 $0x1  }
0x15: {  	[smem:$0x3FB1] =	sst s0;
	s0 =	simm.s32 @!p2 $0x0  }
0x16: {  	s3 =	sld [smem:$0x3FDB];
	s0 =	simm.s32 @p2 $0x1  }
0x17: {  	s4 =	simm.s32 $0x1BF5;
	[smem:$0x3FB3] =	sst s0  }
0x18: {  	s0 =	sld [smem:$0x3F96];
	_ =	swait.ge [sflag:s4], $0x0  }
0x19: {  	s7 =	sld [smem:$0x3F97]  }
0x1a: {  	s8 =	sadd.s32 $0xFFFFE003, lr  }
0x1b: {  	s9 =	sadd.s32 $0xFFFFFEF7, lr;
	s5 =	simm.s32 $0xFFFFFFFF;
	p2 =	slt.u32 s8, $0xFFFFF086  }
0x1c: {  	p1 =	slt.u32 s9, $0xF7A;
	s5 =	simm.s32 @!p2 $0x0  }
0x1d: {  	s5 =	simm.s32 @p1 $0x1;
	p0 =	seq.s32 s7, s2  }
0x1e: {  	s7 =	smul.u32 @!p0 $0xF7A, s2;
	p2 =	seq.s32 @!p0 s5, $0x0  }
0x1f: {  	s9 =	smul.u32 $0xF7A, s1;
	s8 =	simm.s32 @!p0 $0x1BF5;
	p2 =	por !p2, p0  }
0x20: {  	[sflag:s8] =	ssyncset.s32 @!p0 $0xFFFFF086;
	s6 =	sadd.s32 @!p0 s3, s7;
	s7 =	simm.s32 @!p0 $0x108  }
0x21: {  	s3 =	sadd.s32 s3, s9;
	s6 =	sadd.s32 @!p0 $0x88, s6;
	s7 =	simm.s32 @p2 $0x1082  }
0x22: {  	[simem:s7], [sflag:s8] =	dma.local @!p0 [hbm:s6], $0xF7A  }
0x23: {  	s9 =	sor.u32 $0xD0000000, s2;
	s6 =	simm.s32 $0x108;
	_ =	swait.ge @!p0 [sflag:s8], $0x0  }
0x24: {  	s3 =	sadd.s32 $0x88, s3;
	s6 =	simm.s32 @!p1 $0x1082;
	[sflag:s4] =	ssyncset.s32 $0xFFFFF086  }
0x25: {  	[simem:s6], [sflag:s4] =	dma.local [hbm:s3], $0xF7A  }
0x26: {  	[smem:$0x3F97] =	sst s1;
	(tag) =	ssettag s2;
	_ =	strace s9  }
0x27: {  	s1 =	sld [smem:$0x3FA7]  }
0x28: {  	s2 =	sld [smem:$0x3FA8]  }
0x29: {  	s4 =	sld [smem:$0x3FAA]  }
0x2a: {  	p0 =	seq.s32 s5, $0x0;
	s5 =	sld [smem:$0x3FAB]  }
0x2b: {  	s6 =	sld [smem:$0x3FAC]  }
0x2c: {  	s7 =	sld [smem:$0x3FAD]  }
0x2d: {  	s3 =	simm.s32 $0x108;
	s8 =	sld [smem:$0x3FAE]  }
0x2e: {  	s3 =	simm.s32 @!p0 $0x1082;
	s9 =	sld [smem:$0x3FAF]  }
0x2f: {  	lr =	sadd.s32 s0, s3;
	s0 =	sld [smem:$0x3FA6]  }
0x30: {  	s3 =	sld [smem:$0x3FA9]  }
0x31: {  	[smem:$0x3FB2] =	sst s10  }
0x32: {  	s10 =	sld [smem:$0x3FB0];
	_ =	sdelay $0x3  }
0x33: {  	p0 =	seq.s32 s10, $0x1;
	s10 =	sld [smem:$0x3FB2];
	_ =	sdelay $0x3  }
0x34: {  	[smem:$0x3FB2] =	sst s10  }
0x35: {  	s10 =	sld [smem:$0x3FB1];
	_ =	sdelay $0x3  }
0x36: {  	p1 =	seq.s32 s10, $0x1;
	s10 =	sld [smem:$0x3FB2];
	_ =	sdelay $0x3  }
0x37: {  	[smem:$0x3FB2] =	sst s10  }
0x38: {  	s10 =	sld [smem:$0x3FB3]  }
0x39: {  	_ = 	snop;
	(pc) =	sbr.ind lr, $3  }
0x3a: {  	_ = 	snop  }
0x3b: {  	_ = 	snop  }
0x3c: {  	p2 =	seq.s32 s10, $0x1;
	s10 =	sld [smem:$0x3FB2]  }
0x3d: {  	_ =	shalt  }
0x3e: {  	_ =	shalt  }
0x3f: {  	_ =	shalt  }
0x40: {  	_ =	shalt  }
0x41: {  	_ =	shalt  }
0x42: {  	_ =	shalt  }
0x43: {  	_ =	shalt  }
0x44: {  	_ =	shalt  }
0x45: {  	_ =	shalt  }
0x46: {  	_ =	shalt  }
0x47: {  	_ =	shalt  }
0x48: {  	_ =	shalt  }
0x49: {  	_ =	shalt  }
0x4a: {  	_ =	shalt  }
0x4b: {  	_ =	shalt  }
0x4c: {  	_ =	shalt  }
0x4d: {  	_ =	shalt  }
0x4e: {  	_ =	shalt  }
0x4f: {  	_ =	shalt  }
0x50: {  	_ =	shalt  }
0x51: {  	_ =	shalt  }
0x52: {  	_ =	shalt  }
0x53: {  	_ =	shalt  }
0x54: {  	_ =	shalt  }
0x55: {  	_ =	shalt  }
0x56: {  	_ =	shalt  }
0x57: {  	_ =	shalt  }
0x58: {  	_ =	shalt  }
0x59: {  	_ =	shalt  }
0x5a: {  	_ =	shalt  }
0x5b: {  	_ =	shalt  }
0x5c: {  	_ =	shalt  }
0x5d: {  	_ =	shalt  }
0x5e: {  	_ =	shalt  }
0x5f: {  	_ =	shalt  }
0x60: {  	_ =	shalt  }
0x61: {  	_ =	shalt  }
0x62: {  	_ =	shalt  }
0x63: {  	_ =	shalt  }
0x64: {  	_ =	shalt  }
0x65: {  	_ =	shalt  }
0x66: {  	_ =	shalt  }
0x67: {  	_ =	shalt  }
0x68: {  	_ =	shalt  }
0x69: {  	_ =	shalt  }
0x6a: {  	_ =	shalt  }
0x6b: {  	_ =	shalt  }
0x6c: {  	_ =	shalt  }
0x6d: {  	_ =	shalt  }
0x6e: {  	_ =	shalt  }
0x6f: {  	_ =	shalt  }
0x70: {  	_ =	shalt  }
0x71: {  	_ =	shalt  }
0x72: {  	_ =	shalt  }
0x73: {  	_ =	shalt  }
0x74: {  	_ =	shalt  }
0x75: {  	_ =	shalt  }
0x76: {  	_ =	shalt  }
0x77: {  	_ =	shalt  }
0x78: {  	_ =	shalt  }
0x79: {  	_ =	shalt  }
0x7a: {  	_ =	shalt  }
0x7b: {  	_ =	shalt  }
0x7c: {  	_ =	shalt  }
0x7d: {  	_ =	shalt  }
0x7e: {  	_ =	shalt  }
0x7f: {  	_ =	shalt  }
0x80: {  	_ =	shalt  }
0x81: {  	_ =	shalt  }
0x82: {  	_ =	shalt  }
0x83: {  	_ =	shalt  }
0x84: {  	_ =	shalt  }
0x85: {  	_ =	shalt  }
0x86: {  	_ =	shalt  }
0x87: {  	_ =	shalt  }
.Lfunc_end0:
.L_simem_size_0:
called_computation_lowered:
.L_overlay_start_0:
0x88: {  	s2 =	sld [smem:$0x3FD9]  }
0x89: {  	s3 =	sld [smem:$0x3FFE];
	_ =	sdelay $0x1  }
0x8a: {  	s1 =	srdreg.scid  }
0x8b: {  	s0 =	sand.u32 $0x1, s1  }
0x8c: {  	s16 =	sshll.u32 s0, $0xA;
	s2 =	sadd.s32 s3, s2  }
0x8d: {  	s2 =	sadd.s32 s2, s16  }
0x8e: {  	[smem:$0x3FBE] =	sst s2  }
0x8f: {  	_ = 	snop  }
0x90: {  	(tm) =	ssettm $0x1  }
0x91: {  	s17 =	sld [smem:$0x3FFB];
	_ =	sdelay $0x3  }
0x92: {  	_ =	strace s17  }
0x93: {  	s2 =	sld [smem:$0x3FFC];
	_ =	sdelay $0x3  }
0x94: {  	_ =	strace s2  }
0x95: {  	s2 =	sld [smem:$0x3FFD];
	_ =	sdelay $0x3  }
0x96: {  	_ =	strace s2  }
0x97: {  	_ =	strace $0x8FFFFFFF  }
0x98: {  	s18 =	sld [smem:$0x3FDB];
	_ =	sdelay $0x1  }
0x99: {  	s19 =	simm.s32 $_scs_section_size  }
0x9a: {  	s4 =	simm.s32 $_size__tile_overlayer_lowered;
	s5 =	simm.s32 $_tile_overlayer_lowered  }
0x9b: {  	s22 =	simm.s32 $0x1BFF;
	s21 =	sshll.u32 s5, $0x1;
	s2 =	sadd.s32 s19, s18  }
0x9c: {  	s6 =	simm.s32 $0x0;
	s20 =	sshll.u32 s4, $0x1;
	s4 =	sadd.s32 s21, s2  }
0x9d: {  	[timem:s6], [sflag:s22] =	dma.local [hbm:s4], s20  }
0x9e: {  	_ =	swait.ge [sflag:s22], s20  }
0x9f: {  	s3 =	ssub.s32 $0x0, s20;
	[sflag:s22] =	ssyncset.done $0x0  }
0xa0: {  	[sflag:s22] =	ssyncadd.s32 s3;
	_ =	sdelay $0x1  }
0xa1: {  	s23 =	simm.s32 $0x1B8B  }
0xa2: {  	_ =	swait.ge [sflag:s23], $0x1  }
0xa3: {  	[sflag:s23] =	ssyncset.done $0x0  }
0xa4: {  	s25 =	simm.s32 $0x1B8E;
	s24 =	sld [smem:$0x3FFE];
	[sflag:s23] =	ssyncadd.s32 $0xFFFFFFFF  }
0xa5: {  	s26 =	simm.s32 $execute0_lowered;
	[smem:$0x3FD2] =	sst s25  }
0xa6: {  	s4 =	sshll.u32 s26, $0x1;
	_ =	strace $0x80000046;
	[dreg:$0x1] =	wrdreg $0xFFFFFFFF  }
0xa7: {  	s28 =	simm.s32 $_size_execute0_lowered;
	s2 =	sadd.s32 s2, s4;
	[dreg:$0x0] =	wrdreg $0x0  }
0xa8: {  	s4 =	sshll.u32 s28, $0x1;
	[dreg:$0x2] =	wrdreg s2  }
0xa9: {  	[dreg:$0x3] =	wrdreg s4  }
0xaa: {  	[dreg:$0x4] =	wrdreg $0xC0  }
0xab: {  	_ =	task [dreg:s6], $0x5FFFF  }
0xac: {  	[dreg:$0x1] =	wrdreg $0xFFFFFFFF  }
0xad: {  	[dreg:$0x0] =	wrdreg $0x60  }
0xae: {  	[dreg:$0x2] =	wrdreg s24  }
0xaf: {  	[dreg:$0x3] =	wrdreg $0x2B000  }
0xb0: {  	[dreg:$0x4] =	wrdreg $0x9  }
0xb1: {  	_ =	task.clear_ibuf [dreg:s6], $0x5FFFF;
	_ =	strace $0x90000046  }
0xb2: {  	s29 =	simm.s32 $0x9;
	_ =	strace $0x80000048  }
0xb3: {  	_ =	swait.ge [sflag:s29], $0x1  }
0xb4: {  	[sflag:s29] =	ssyncadd.s32 $0xFFFFFFFF  }
0xb5: {  	_ =	strace $0x90000048  }
0xb6: {  	_ =	sfence  }
0xb7: {  	s30 =	sld [smem:$0x0];
	_ =	sdelay $0x2  }
0xb8: {  	s31 =	sshll.u32 s1, $0xD;
	s1 =	sshrl.u32 s1, $0x2  }
0xb9: {  	s3 =	sand.u32 $0x4000, s31;
	s1 =	sadd.s32 s1, s30  }
0xba: {  	s0 =	sor.u32 s3, s0;
	s1 =	sshll.u32 s1, $0x11  }
0xbb: {  	s0 =	sor.u32 s1, s0  }
0xbc: {  	s0 =	sadd.s32 $0x8F2B, s0  }
0xbd: {  	[sflag:s0] =	ssyncadd.remote.s32 $0x1  }
0xbe: {  	_ =	sfence.sel $0xFFFF  }
0xbf: {  	[dreg:$0x0] =	wrdreg $0xFFFFFFFF;
	(pc) =	sbr.abs _section_cstart, $3  }
0xc0: {  	[dreg:$0x1] =	wrdreg $0xFFFFFFFF  }
0xc1: {  	_ =	task.clear_ibuf [dreg:s6], $0x2FFFF;
	_ =	strace $0x9FFFFFFF  }
0xc2: {  	(tm) =	ssettm $0x7FFFFFFF  }
0xc3: {  	_ =	shalt  }
tec
execute0_lowered:
.L_overlay_start_1:
0x0: {  	(tag) =	ssettag $0x1  }
0x1: {  	s5 =	rddreg [dreg:$0x0]  }
0x2: {  	s0 =	srdreg.scid;
	s2 =	rddreg [dreg:$0x1];
	s3 =	simm.s32 $0x0  }
0x3: {  	s10 =	simm.s32 $0x2780;
	s11 =	simm.s32 $0x2800;
	s15 =	simm.s32 $0x0  }
0x4: {  	s4 =	sand.u32 $0x1, s0;
	s0 =	stileid.u32;
	[smem:$0x7FF] =	sst s3  }
0x5: {  	s1 =	sshll.u32 s4, $0x4;
	s7 =	smul.u32 $0x500, s4;
	s4 =	ssub.s32 $0x2, s4  }
0x6: {  	s9 =	smul.u32 $0x280, s0;
	s31 =	sshll.u32 s0, $0x6;
	s6 =	sor.u32 s0, s1  }
0x7: {  	s1 =	rddreg [dreg:$0x2];
	_ =	strace $0x80000047;
	s8 =	sshrl.u32 s4, $0x1  }
0x8: {  	s6 =	smul.u32 $0x4F0, s6;
	s7 =	sadd.s32 s7, s5;
	s8 =	ssub.s32 s4, s8  }
0x9: {  	s4 =	sadd.s32 s9, s2;
	s13 =	sshrl.u32 s9, $0x3;
	s9 =	simm.s32 $0x80  }
0xa: {  	s12 =	sadd.s32 $0xBC00, s7;
	s7 =	simm.s32 $0x2880;
	s14 =	sshrl.u32 s4, $0x3  }
0xb: {  	s6 =	sadd.s32 s6, s5;
	s12 =	sadd.s32 s13, s12;
	s13 =	sor.u32 $0x1C01, s31  }
0xc: {  	v0 =	vimm.f32 $1.000000000e+00;
	v1 =	vimm.f32 $0.0e+00;
	s5 =	sadd.s32 $0x1E00, s6;
	s6 =	smax.u32 s8, $0x1;
	s8 =	simm.s32 $0x1  }
.LBB2_1:
0xd: {  	[tilespmem:$0x2800] =	vst v0  }
0xe: {  	[tilespmem:$0x2810] =	vst v0  }
0xf: {  	[tilespmem:$0x2820] =	vst v0  }
0x10: {  	[tilespmem:$0x2830] =	vst v0  }
0x11: {  	[tilespmem:$0x2840] =	vst v0  }
0x12: {  	[tilespmem:$0x2850] =	vst v0  }
0x13: {  	[tilespmem:$0x2860] =	vst v0  }
0x14: {  	[tilespmem:$0x2870] =	vst v0  }
0x15: {  	[tilespmem:$0x2880] =	vst v1  }
0x16: {  	[tilespmem:$0x2890] =	vst v1  }
0x17: {  	[tilespmem:$0x28A0] =	vst v1  }
0x18: {  	[tilespmem:$0x28B0] =	vst v1  }
0x19: {  	[tilespmem:$0x28C0] =	vst v1  }
0x1a: {  	[tilespmem:$0x28D0] =	vst v1  }
0x1b: {  	[tilespmem:$0x28E0] =	vst v1  }
0x1c: {  	[tilespmem:$0x28F0] =	vst v1  }
0x1d: {  	[tilespmem:$0x2900] =	vst v1  }
0x1e: {  	[tilespmem:$0x2910] =	vst v1  }
0x1f: {  	[tilespmem:$0x2920] =	vst v1  }
0x20: {  	[tilespmem:$0x2930] =	vst v1  }
0x21: {  	[tilespmem:$0x2940] =	vst v1  }
0x22: {  	[tilespmem:$0x2950] =	vst v1  }
0x23: {  	[tilespmem:$0x2960] =	vst v1  }
0x24: {  	[tilespmem:$0x2970] =	vst v1  }
0x25: {  	[tilespmem:$0x2980] =	vst v1  }
0x26: {  	[tilespmem:$0x2990] =	vst v1  }
0x27: {  	[tilespmem:$0x29A0] =	vst v1  }
0x28: {  	[tilespmem:$0x29B0] =	vst v1  }
0x29: {  	[tilespmem:$0x29C0] =	vst v1  }
0x2a: {  	[tilespmem:$0x29D0] =	vst v1  }
0x2b: {  	[tilespmem:$0x29E0] =	vst v1  }
0x2c: {  	[tilespmem:$0x29F0] =	vst v1  }
0x2d: {  	[tilespmem:$0x2A00] =	vst v1  }
0x2e: {  	[tilespmem:$0x2A10] =	vst v1  }
0x2f: {  	[tilespmem:$0x2A20] =	vst v1  }
0x30: {  	[tilespmem:$0x2A30] =	vst v1  }
0x31: {  	[tilespmem:$0x2A40] =	vst v1  }
0x32: {  	[tilespmem:$0x2A50] =	vst v1  }
0x33: {  	[tilespmem:$0x2A60] =	vst v1  }
0x34: {  	[tilespmem:$0x2A70] =	vst v1  }
0x35: {  	[tilespmem:$0x2A80] =	vst v1  }
0x36: {  	[tilespmem:$0x2A90] =	vst v1  }
0x37: {  	[tilespmem:$0x2AA0] =	vst v1  }
0x38: {  	[tilespmem:$0x2AB0] =	vst v1  }
0x39: {  	[tilespmem:$0x2AC0] =	vst v1  }
0x3a: {  	[tilespmem:$0x2AD0] =	vst v1  }
0x3b: {  	[tilespmem:$0x2AE0] =	vst v1  }
0x3c: {  	[tilespmem:$0x2AF0] =	vst v1  }
0x3d: {  	[spmem:s4] =	stream.linear.scatter [tilespmem:s7], [sflag:$0x1], $0x280, $0x38;
	[tilespmem:$0x2D80] =	vst v63  }
0x3e: {  	_ =	swait.ge [sflag:s8], $0x280  }
0x3f: {  	[sflag:s8] =	ssyncset.done $0x0  }
0x40: {  	[sflag:s8] =	ssyncadd.s32 $0xFFFFFD80  }
0x41: {  	[bflag:$0x0] =	sbarrier.arrive $0xFFFF  }
0x42: {  	[tilespmem:s3], [sflag:$0x1] =	stream.linear.gather [hbm4b:s5+s3], $0x2780, $0x38;
	[tilespmem:$0x2D80] =	vst v63  }
0x43: {  	_ =	swait.ge [sflag:s8], $0x2780  }
0x44: {  	[sflag:s8] =	ssyncset.done $0x0  }
0x45: {  	s16 =	simm.s32 $0x0;
	[sflag:s8] =	ssyncadd.s32 $0xFFFFD880  }
0x46: {  	v2 =	vld [tilespmem:s16+$0x0];
	_ =	sdelay $0x4  }
0x47: {  	v2 =	vshrl.u32 v2, $0xE  }
0x48: {  	[tilespmem:$0x2780] =	vst v2  }
0x49: {  	v2 =	vld [tilespmem:s16+$0x10];
	_ =	sdelay $0x4  }
0x4a: {  	v2 =	vshrl.u32 v2, $0xE  }
0x4b: {  	[tilespmem:$0x2790] =	vst v2  }
0x4c: {  	v2 =	vld [tilespmem:s16+$0x20];
	_ =	sdelay $0x4  }
0x4d: {  	v2 =	vshrl.u32 v2, $0xE  }
0x4e: {  	[tilespmem:$0x27A0] =	vst v2  }
0x4f: {  	v2 =	vld [tilespmem:s16+$0x30];
	_ =	sdelay $0x4  }
0x50: {  	v2 =	vshrl.u32 v2, $0xE  }
0x51: {  	[tilespmem:$0x27B0] =	vst v2  }
0x52: {  	v2 =	vld [tilespmem:s16+$0x40];
	_ =	sdelay $0x4  }
0x53: {  	v2 =	vshrl.u32 v2, $0xE  }
0x54: {  	[tilespmem:$0x27C0] =	vst v2  }
0x55: {  	v2 =	vld [tilespmem:s16+$0x50];
	_ =	sdelay $0x4  }
0x56: {  	v2 =	vshrl.u32 v2, $0xE  }
0x57: {  	[tilespmem:$0x27D0] =	vst v2  }
0x58: {  	v2 =	vld [tilespmem:s16+$0x60];
	_ =	sdelay $0x4  }
0x59: {  	v2 =	vshrl.u32 v2, $0xE  }
0x5a: {  	[tilespmem:$0x27E0] =	vst v2  }
0x5b: {  	v2 =	vld [tilespmem:s16+$0x70];
	_ =	sdelay $0x4  }
0x5c: {  	v2 =	vshrl.u32 v2, $0xE  }
0x5d: {  	[tilespmem:$0x27F0] =	vst v2  }
0x5e: {  	[spmem:s2] =	stream.indirect.scatter.add.f32 [tilespmem:s11], [sflag:$0x1], $0x1, s10, s9, $0xb8;
	[tilespmem:$0x2D80] =	vst v63  }
0x5f: {  	_ =	swait.ge [sflag:s8], $0x80  }
0x60: {  	s19 =	simm.s32 $0x400;
	s16 =	simm.s32 $0x200;
	[sflag:s8] =	ssyncset.done $0x0  }
.LBB2_2:
0x61: {  	s18 =	sshra.s32 s16, $0x2  }
0x62: {  	[sflag:s8] =	ssyncadd.s32 $0xFFFFFF80;
	s16 =	smov.u32 s19;
	s17 =	sadd.s32 $0x200, s19  }
0x63: {  	p0 =	sne.s32 s19, $0x9C00;
	v2 =	vld [tilespmem:s18+$0x0];
	_ =	sdelay $0x4  }
0x64: {  	v2 =	vshrl.u32 v2, $0xE  }
0x65: {  	[tilespmem:$0x2780] =	vst v2  }
0x66: {  	v2 =	vld [tilespmem:s18+$0x10];
	_ =	sdelay $0x4  }
0x67: {  	v2 =	vshrl.u32 v2, $0xE  }
0x68: {  	[tilespmem:$0x2790] =	vst v2  }
0x69: {  	v2 =	vld [tilespmem:s18+$0x20];
	_ =	sdelay $0x4  }
0x6a: {  	v2 =	vshrl.u32 v2, $0xE  }
0x6b: {  	[tilespmem:$0x27A0] =	vst v2  }
0x6c: {  	v2 =	vld [tilespmem:s18+$0x30];
	_ =	sdelay $0x4  }
0x6d: {  	v2 =	vshrl.u32 v2, $0xE  }
0x6e: {  	[tilespmem:$0x27B0] =	vst v2  }
0x6f: {  	v2 =	vld [tilespmem:s18+$0x40];
	_ =	sdelay $0x4  }
0x70: {  	v2 =	vshrl.u32 v2, $0xE  }
0x71: {  	[tilespmem:$0x27C0] =	vst v2  }
0x72: {  	v2 =	vld [tilespmem:s18+$0x50];
	_ =	sdelay $0x4  }
0x73: {  	v2 =	vshrl.u32 v2, $0xE  }
0x74: {  	[tilespmem:$0x27D0] =	vst v2  }
0x75: {  	v2 =	vld [tilespmem:s18+$0x60];
	_ =	sdelay $0x4  }
0x76: {  	v2 =	vshrl.u32 v2, $0xE  }
0x77: {  	[tilespmem:$0x27E0] =	vst v2  }
0x78: {  	v2 =	vld [tilespmem:s18+$0x70];
	_ =	sdelay $0x4  }
.Ltmp0:
0x79: {  	v2 =	vshrl.u32 v2, $0xE;
	(pc) =	sbr.rel @p0 .LBB2_2-.Ltmp0, $4  }
0x7a: {  	[tilespmem:$0x27F0] =	vst v2  }
0x7b: {  	[spmem:s2] =	stream.indirect.scatter.add.f32 [tilespmem:s11], [sflag:$0x1], $0x1, s10, s9, $0xb8;
	[tilespmem:$0x2D80] =	vst v63  }
0x7c: {  	_ =	swait.ge [sflag:s8], $0x80  }
0x7d: {  	s19 =	smov.u32 s17;
	[sflag:s8] =	ssyncset.done $0x0  }
0x7e: {  	s16 =	sshra.s32 s16, $0x2;
	[sflag:s8] =	ssyncadd.s32 $0xFFFFFF80  }
0x7f: {  	v2 =	vld [tilespmem:s16+$0x0];
	_ =	sdelay $0x4  }
0x80: {  	v2 =	vshrl.u32 v2, $0xE  }
0x81: {  	[tilespmem:$0x2780] =	vst v2  }
0x82: {  	v2 =	vld [tilespmem:s16+$0x10];
	_ =	sdelay $0x4  }
0x83: {  	v2 =	vshrl.u32 v2, $0xE  }
0x84: {  	[tilespmem:$0x2790] =	vst v2  }
0x85: {  	v2 =	vld [tilespmem:s16+$0x20];
	_ =	sdelay $0x4  }
0x86: {  	v2 =	vshrl.u32 v2, $0xE  }
0x87: {  	[tilespmem:$0x27A0] =	vst v2  }
0x88: {  	v2 =	vld [tilespmem:s16+$0x30];
	_ =	sdelay $0x4  }
0x89: {  	v2 =	vshrl.u32 v2, $0xE  }
0x8a: {  	[tilespmem:$0x27B0] =	vst v2  }
0x8b: {  	v2 =	vld [tilespmem:s16+$0x40];
	_ =	sdelay $0x4  }
0x8c: {  	v2 =	vshrl.u32 v2, $0xE  }
0x8d: {  	[tilespmem:$0x27C0] =	vst v2  }
0x8e: {  	v2 =	vld [tilespmem:s16+$0x50];
	_ =	sdelay $0x4  }
0x8f: {  	v2 =	vshrl.u32 v2, $0xE  }
0x90: {  	[tilespmem:$0x27D0] =	vst v2  }
0x91: {  	v2 =	vld [tilespmem:s16+$0x60];
	_ =	sdelay $0x4  }
0x92: {  	v2 =	vshrl.u32 v2, $0xE  }
0x93: {  	[tilespmem:$0x27E0] =	vst v2  }
0x94: {  	v2 =	vld [tilespmem:s16+$0x70];
	_ =	sdelay $0x4  }
0x95: {  	v2 =	vshrl.u32 v2, $0xE  }
0x96: {  	[tilespmem:$0x27F0] =	vst v2  }
0x97: {  	[spmem:s2] =	stream.indirect.scatter.add.f32 [tilespmem:s11], [sflag:$0x1], $0x1, s10, s9, $0xb8;
	[tilespmem:$0x2D80] =	vst v63  }
0x98: {  	_ =	swait.ge [sflag:s8], $0x80  }
0x99: {  	s15 =	sadd.s32 $0x1, s15;
	[sflag:s8] =	ssyncset.done $0x0  }
0x9a: {  	p0 =	sne.s32 s15, s6;
	[sflag:s8] =	ssyncadd.s32 $0xFFFFFF80  }
.Ltmp1:
0x9b: {  	[bflag:$0x0] =	sbarrier.arrive $0xFFFF;
	(pc) =	sbr.rel @p0 .LBB2_1-.Ltmp1, $4  }
0x9c: {  	[hbm:s12], [sflag:s13] =	dma.local [spmem:s14], $0x50  }
0x9d: {  	_ =	swait.ge [sflag:s8], $0x50  }
0x9e: {  	[sflag:s8] =	ssyncset.done $0x0  }
0x9f: {  	[sflag:s8] =	ssyncadd.s32 $0xFFFFFFB0  }
0xa0: {  	_ =	sfence.sel $0x180000  }
0xa1: {  	[bflag:$0x0] =	sbarrier.arrive $0xFFFF  }
0xa2: {  	p0 =	sne.s32 s0, $0x0;
	_ =	strace $0x90000047  }
0xa3: {  	s0 =	sadd.s32 @!p0 $0x100000, s1;
	[bflag:$0x2] =	sbarrier.arrive $0xFFFF  }
0xa4: {  	[sflag:s0] =	ssyncadd.tile.s32 @!p0 $0x1;
	_ =	shalt  }
.Lfunc_end2:
_tile_overlayer_lowered:
.L_overlay_start_2:
0xa5: {  	(tag) =	ssettag $0x2  }
0xa6: {  	s0 =	rddreg [dreg:$0x0];
	s2 =	stileid.u32  }
0xa7: {  	s1 =	rddreg [dreg:$0x1];
	p0 =	sne.s32 s2, $0x0  }
0xa8: {  	s3 =	rddreg [dreg:$0x2];
	[bflag:$0x3] =	sbarrier.arrive $0xFFFF;
	s2 =	simm.s32 @!p0 $0x1C01  }
0xa9: {  	[timem:s3], [sflag:s2] =	dma.local @!p0 [hbm:s0], s1  }
0xaa: {  	s0 =	simm.s32 @!p0 $0x1  }
0xab: {  	_ =	swait.ge @!p0 [sflag:s0], s1  }
0xac: {  	s1 =	ssub.s32 @!p0 $0x0, s1;
	[sflag:s0] =	ssyncset.done @!p0 $0x0  }
0xad: {  	[sflag:s0] =	ssyncadd.s32 @!p0 s1  }
0xae: {  	[bflag:$0x3] =	sbarrier.arrive $0xFFFF  }
0xaf: {  	_ =	shalt  }

</sc_bundles>
